<compile_context>
chip_gen: v7x
topology: tpu7x:2x2x1
jax: 0.10.2.dev20260603
libtpu: 0.0.44.dev20260713+nightly
codegen_flags: <defaults>
</compile_context>

<pallas_src>
import functools

import jax
import jax.numpy as jnp
from jax import lax
from jax.experimental import pallas as pl
from jax.experimental.pallas import tpu as pltpu
from jax.experimental.pallas import tpu_sc as plsc

NW = 32
CHUNK = 256
NBUF = 6
NGATHER = 3


def _build_gather(n_total: int, d: int):
    b_per_w = n_total // NW
    n_chunk = b_per_w // CHUNK

    mesh = plsc.VectorSubcoreMesh(core_axis_name="c", subcore_axis_name="s")

    @functools.partial(
        pl.kernel,
        out_type=jax.ShapeDtypeStruct((n_total, d), jnp.float32),
        mesh=mesh,
        scratch_types=[
            pltpu.VMEM((n_chunk, CHUNK), jnp.int32),
            pltpu.VMEM((NBUF, CHUNK, d), jnp.float32),
            pltpu.SemaphoreType.DMA,
        ] + [pltpu.SemaphoreType.DMA] * NBUF,
        compiler_params=pltpu.CompilerParams(use_tc_tiling_on_sc=False),
    )
    def gather_kernel(idx_hbm, table_hbm, out_hbm, idx_v, rows_v, gsem,
                      *osems):
        wid = lax.axis_index("s") * 2 + lax.axis_index("c")
        base = wid * b_per_w
        pltpu.sync_copy(idx_hbm.at[wid], idx_v)

        def wait_gather(j, b):
            pltpu.make_async_copy(
                table_hbm.at[idx_v.at[j]], rows_v.at[b], gsem
            ).wait()

        def fire_gather(j, b):
            pltpu.async_copy(table_hbm.at[idx_v.at[j]], rows_v.at[b], gsem)

        def fire_out(j, b):
            pltpu.async_copy(
                rows_v.at[b], out_hbm.at[pl.ds(base + j * CHUNK, CHUNK)],
                osems[b],
            )

        def wait_out(j, b):
            pltpu.make_async_copy(
                rows_v.at[b], out_hbm.at[pl.ds(base + j * CHUNK, CHUNK)],
                osems[b],
            ).wait()

        for b in range(NGATHER):
            fire_gather(b, b)

        for j in range(NBUF - NGATHER):
            wait_gather(j, j % NBUF)
            fire_out(j, j % NBUF)
            fire_gather(j + NGATHER, (j + NGATHER) % NBUF)
        for j in range(NBUF - NGATHER, NBUF):
            wait_gather(j, j % NBUF)
            fire_out(j, j % NBUF)
            wait_out(j - NGATHER, (j + NGATHER) % NBUF)
            fire_gather(j + NGATHER, (j + NGATHER) % NBUF)

        @pl.loop(1, (n_chunk - NGATHER) // NBUF)
        def _grp(g):
            for b in range(NBUF):
                j = g * NBUF + b
                wait_gather(j, b)
                fire_out(j, b)
                b2 = (b + NGATHER) % NBUF
                wait_out(j - NGATHER, b2)
                fire_gather(j + NGATHER, b2)

        tail0 = ((n_chunk - NGATHER) // NBUF) * NBUF
        for j in range(tail0, n_chunk - NGATHER):
            b = j % NBUF
            wait_gather(j, b)
            fire_out(j, b)
            b2 = (b + NGATHER) % NBUF
            wait_out(j - NGATHER, b2)
            fire_gather(j + NGATHER, b2)
        for j in range(n_chunk - NGATHER, n_chunk):
            b = j % NBUF
            wait_gather(j, b)
            fire_out(j, b)
        for j in range(n_chunk - NBUF, n_chunk):
            wait_out(j, j % NBUF)

    return gather_kernel


def kernel(x, table):
    b, l = x.shape
    v, d = table.shape
    half = (b // 2) * l
    gather = _build_gather(half, d)
    idx = x.reshape(2, NW, half // (NW * CHUNK), CHUNK)
    o1 = gather(idx[0], table)
    o2 = gather(idx[1], table)
    return jnp.concatenate([o1, o2], axis=0).reshape(b, l, d)

# --- scband reference (transcript-rebuilt; emitter-appended) ---
"""Pipeline reference for scband-token-embedding-46316927320228 (READ-ONLY COPY).

The authoritative reference and input builder live on the scoring server;
editing this copy changes nothing except your own understanding.
"""

import jax, jax.numpy as jnp
import numpy as np

VOCAB = 1000000
EMB = 64
B = 16384
L = 50

def setup_inputs(seed: int = 0) -> dict:
    key = jax.random.key(seed)
    k1, k2 = jax.random.split(key)
    x = jax.random.randint(k1, (B, L), 0, VOCAB, dtype=jnp.int64) if jax.config.jax_enable_x64 else jax.random.randint(k1, (B, L), 0, VOCAB, dtype=jnp.int32)
    table = jax.random.normal(k2, (VOCAB, EMB), dtype=jnp.float32)
    return {"x": x, "table": table}

def reference(x, table):
    # nn.Embedding forward: row gather from the embedding table
    return jnp.take(table, x, axis=0)

if __name__ == "__main__":
    import jax
    _d = setup_inputs()
    print(jax.jit(kernel)(*tuple(_d.values())))

</pallas_src>

<mosaic_0001>
#map = affine_map<(d0, d1) -> (0, 0, 0)>
#map1 = affine_map<(d0, d1) -> (0, 0)>
module attributes {stable_mosaic.version = 14 : i64} {
  func.func @gather_kernel(%arg0: i32, %arg1: i32, %arg2: memref<32x50x256xi32, #tpu.memory_space<hbm>>, %arg3: memref<1000000x64xf32, #tpu.memory_space<hbm>>, %arg4: memref<409600x64xf32, #tpu.memory_space<hbm>>, %arg5: memref<50x256xi32, #tpu.memory_space<vmem>>, %arg6: memref<6x256x64xf32, #tpu.memory_space<vmem>>, %arg7: memref<!tpu.dma_semaphore, #tpu.memory_space<semaphore_mem>>, %arg8: memref<!tpu.dma_semaphore, #tpu.memory_space<semaphore_mem>>, %arg9: memref<!tpu.dma_semaphore, #tpu.memory_space<semaphore_mem>>, %arg10: memref<!tpu.dma_semaphore, #tpu.memory_space<semaphore_mem>>, %arg11: memref<!tpu.dma_semaphore, #tpu.memory_space<semaphore_mem>>, %arg12: memref<!tpu.dma_semaphore, #tpu.memory_space<semaphore_mem>>, %arg13: memref<!tpu.dma_semaphore, #tpu.memory_space<semaphore_mem>>) attributes {dimension_semantics = [#tpu.dimension_semantics<core_parallel>, #tpu.dimension_semantics<subcore_parallel>], iteration_bounds = array<i64: 2, 16>, scalar_prefetch = 0 : i64, scratch_operands = 9 : i64, tpu.core_type = #tpu.core_type<sc_vector_subcore>, window_params = [{transform_indices = #map}, {transform_indices = #map1}, {transform_indices = #map1}]} {
    %mul3A = arith.constant 2 : i32
    %mul3A_0 = arith.muli %arg1, %mul3A : i32
    %add3A = arith.addi %mul3A_0, %arg0 : i32
    %mul3A_1 = arith.constant 12800 : i32
    %mul3A_2 = arith.muli %add3A, %mul3A_1 : i32
    "tpu.region"() ({
      %run_scoped3A = tpu.sem_alloc : memref<!tpu.dma_semaphore, #tpu.memory_space<semaphore_mem>>
      %dma_start3A_761 = arith.constant 0 : i32
      %dma_start3A_762 = arith.constant 0 : i32
      %dma_start3A_763 = tpu.memref_slice %arg2[%add3A, %dma_start3A_761, %dma_start3A_762] : memref<32x50x256xi32, #tpu.memory_space<hbm>> -> memref<1x50x256xi32, #tpu.memory_space<hbm>>
      %dma_start3A_764 = tpu.memref_squeeze %dma_start3A_763 : memref<1x50x256xi32, #tpu.memory_space<hbm>> -> memref<50x256xi32, #tpu.memory_space<hbm>>
      %dma_start3A_765 = arith.constant 0 : i32
      %dma_start3A_766 = arith.constant 0 : i32
      %dma_start3A_767 = tpu.memref_slice %arg2[%add3A, %dma_start3A_765, %dma_start3A_766] : memref<32x50x256xi32, #tpu.memory_space<hbm>> -> memref<1x50x256xi32, #tpu.memory_space<hbm>>
      %dma_start3A_768 = tpu.memref_squeeze %dma_start3A_767 : memref<1x50x256xi32, #tpu.memory_space<hbm>> -> memref<50x256xi32, #tpu.memory_space<hbm>>
      tpu.enqueue_dma source(%dma_start3A_768 : memref<50x256xi32, #tpu.memory_space<hbm>>) target(%arg5 : memref<50x256xi32, #tpu.memory_space<vmem>>) target_semaphore(%run_scoped3A : memref<!tpu.dma_semaphore, #tpu.memory_space<semaphore_mem>>)
      %dma_wait3A_769 = arith.constant 0 : i32
      %dma_wait3A_770 = arith.constant 0 : i32
      %dma_wait3A_771 = tpu.memref_slice %arg2[%add3A, %dma_wait3A_769, %dma_wait3A_770] : memref<32x50x256xi32, #tpu.memory_space<hbm>> -> memref<1x50x256xi32, #tpu.memory_space<hbm>>
      %dma_wait3A_772 = tpu.memref_squeeze %dma_wait3A_771 : memref<1x50x256xi32, #tpu.memory_space<hbm>> -> memref<50x256xi32, #tpu.memory_space<hbm>>
      %dma_wait3A_773 = arith.constant 0 : i32
      %dma_wait3A_774 = arith.constant 0 : i32
      %dma_wait3A_775 = tpu.memref_slice %arg2[%add3A, %dma_wait3A_773, %dma_wait3A_774] : memref<32x50x256xi32, #tpu.memory_space<hbm>> -> memref<1x50x256xi32, #tpu.memory_space<hbm>>
      %dma_wait3A_776 = tpu.memref_squeeze %dma_wait3A_775 : memref<1x50x256xi32, #tpu.memory_space<hbm>> -> memref<50x256xi32, #tpu.memory_space<hbm>>
      tpu.wait_dma2 semaphore(%run_scoped3A : memref<!tpu.dma_semaphore, #tpu.memory_space<semaphore_mem>>) src(%dma_wait3A_776 : memref<50x256xi32, #tpu.memory_space<hbm>>) dst(%arg5 : memref<50x256xi32, #tpu.memory_space<vmem>>)
      tpu.yield
    }) : () -> ()
    %dma_start3A = arith.constant 0 : i32
    %dma_start3A_3 = arith.constant 0 : i32
    %dma_start3A_4 = arith.constant 0 : i32
    %dma_start3A_5 = arith.constant 0 : i32
    %dma_start3A_6 = tpu.memref_slice %arg6[%dma_start3A_3, %dma_start3A_4, %dma_start3A_5] : memref<6x256x64xf32, #tpu.memory_space<vmem>> -> memref<1x256x64xf32, #tpu.memory_space<vmem>>
    %dma_start3A_7 = tpu.memref_squeeze %dma_start3A_6 : memref<1x256x64xf32, #tpu.memory_space<vmem>> -> memref<256x64xf32, #tpu.memory_space<vmem>>
    %dma_start3A_8 = arith.constant 0 : i32
    %dma_start3A_9 = tpu.memref_slice %arg5[%dma_start3A, %dma_start3A_8] : memref<50x256xi32, #tpu.memory_space<vmem>> -> memref<1x256xi32, #tpu.memory_space<vmem>>
    %dma_start3A_10 = tpu.memref_squeeze %dma_start3A_9 : memref<1x256xi32, #tpu.memory_space<vmem>> -> memref<256xi32, #tpu.memory_space<vmem>>
    %dma_start3A_11 = arith.constant 0 : i32
    %dma_start3A_12 = arith.constant 0 : i32
    %dma_start3A_13 = tpu.memref_slice %arg3[%dma_start3A_11, %dma_start3A_12] : memref<1000000x64xf32, #tpu.memory_space<hbm>> -> memref<1000000x64xf32, #tpu.memory_space<hbm>>
    tpu.enqueue_indirect_dma source(%dma_start3A_13 : memref<1000000x64xf32, #tpu.memory_space<hbm>>) target(%dma_start3A_7 : memref<256x64xf32, #tpu.memory_space<vmem>>) offsets(%dma_start3A_10 : memref<256xi32, #tpu.memory_space<vmem>>) semaphore(%arg7 : memref<!tpu.dma_semaphore, #tpu.memory_space<semaphore_mem>>)
    %dma_start3A_14 = arith.constant 1 : i32
    %dma_start3A_15 = arith.constant 1 : i32
    %dma_start3A_16 = arith.constant 0 : i32
    %dma_start3A_17 = arith.constant 0 : i32
    %dma_start3A_18 = tpu.memref_slice %arg6[%dma_start3A_15, %dma_start3A_16, %dma_start3A_17] : memref<6x256x64xf32, #tpu.memory_space<vmem>> -> memref<1x256x64xf32, #tpu.memory_space<vmem>>
    %dma_start3A_19 = tpu.memref_squeeze %dma_start3A_18 : memref<1x256x64xf32, #tpu.memory_space<vmem>> -> memref<256x64xf32, #tpu.memory_space<vmem>>
    %dma_start3A_20 = arith.constant 0 : i32
    %dma_start3A_21 = tpu.memref_slice %arg5[%dma_start3A_14, %dma_start3A_20] : memref<50x256xi32, #tpu.memory_space<vmem>> -> memref<1x256xi32, #tpu.memory_space<vmem>>
    %dma_start3A_22 = tpu.memref_squeeze %dma_start3A_21 : memref<1x256xi32, #tpu.memory_space<vmem>> -> memref<256xi32, #tpu.memory_space<vmem>>
    %dma_start3A_23 = arith.constant 0 : i32
    %dma_start3A_24 = arith.constant 0 : i32
    %dma_start3A_25 = tpu.memref_slice %arg3[%dma_start3A_23, %dma_start3A_24] : memref<1000000x64xf32, #tpu.memory_space<hbm>> -> memref<1000000x64xf32, #tpu.memory_space<hbm>>
    tpu.enqueue_indirect_dma source(%dma_start3A_25 : memref<1000000x64xf32, #tpu.memory_space<hbm>>) target(%dma_start3A_19 : memref<256x64xf32, #tpu.memory_space<vmem>>) offsets(%dma_start3A_22 : memref<256xi32, #tpu.memory_space<vmem>>) semaphore(%arg7 : memref<!tpu.dma_semaphore, #tpu.memory_space<semaphore_mem>>)
    %dma_start3A_26 = arith.constant 2 : i32
    %dma_start3A_27 = arith.constant 2 : i32
    %dma_start3A_28 = arith.constant 0 : i32
    %dma_start3A_29 = arith.constant 0 : i32
    %dma_start3A_30 = tpu.memref_slice %arg6[%dma_start3A_27, %dma_start3A_28, %dma_start3A_29] : memref<6x256x64xf32, #tpu.memory_space<vmem>> -> memref<1x256x64xf32, #tpu.memory_space<vmem>>
    %dma_start3A_31 = tpu.memref_squeeze %dma_start3A_30 : memref<1x256x64xf32, #tpu.memory_space<vmem>> -> memref<256x64xf32, #tpu.memory_space<vmem>>
    %dma_start3A_32 = arith.constant 0 : i32
    %dma_start3A_33 = tpu.memref_slice %arg5[%dma_start3A_26, %dma_start3A_32] : memref<50x256xi32, #tpu.memory_space<vmem>> -> memref<1x256xi32, #tpu.memory_space<vmem>>
    %dma_start3A_34 = tpu.memref_squeeze %dma_start3A_33 : memref<1x256xi32, #tpu.memory_space<vmem>> -> memref<256xi32, #tpu.memory_space<vmem>>
    %dma_start3A_35 = arith.constant 0 : i32
    %dma_start3A_36 = arith.constant 0 : i32
    %dma_start3A_37 = tpu.memref_slice %arg3[%dma_start3A_35, %dma_start3A_36] : memref<1000000x64xf32, #tpu.memory_space<hbm>> -> memref<1000000x64xf32, #tpu.memory_space<hbm>>
    tpu.enqueue_indirect_dma source(%dma_start3A_37 : memref<1000000x64xf32, #tpu.memory_space<hbm>>) target(%dma_start3A_31 : memref<256x64xf32, #tpu.memory_space<vmem>>) offsets(%dma_start3A_34 : memref<256xi32, #tpu.memory_space<vmem>>) semaphore(%arg7 : memref<!tpu.dma_semaphore, #tpu.memory_space<semaphore_mem>>)
    %dma_wait3A = arith.constant 0 : i32
    %dma_wait3A_38 = arith.constant 0 : i32
    %dma_wait3A_39 = arith.constant 0 : i32
    %dma_wait3A_40 = arith.constant 0 : i32
    %dma_wait3A_41 = tpu.memref_slice %arg6[%dma_wait3A_38, %dma_wait3A_39, %dma_wait3A_40] : memref<6x256x64xf32, #tpu.memory_space<vmem>> -> memref<1x256x64xf32, #tpu.memory_space<vmem>>
    %dma_wait3A_42 = tpu.memref_squeeze %dma_wait3A_41 : memref<1x256x64xf32, #tpu.memory_space<vmem>> -> memref<256x64xf32, #tpu.memory_space<vmem>>
    %dma_wait3A_43 = arith.constant 0 : i32
    %dma_wait3A_44 = tpu.memref_slice %arg5[%dma_wait3A, %dma_wait3A_43] : memref<50x256xi32, #tpu.memory_space<vmem>> -> memref<1x256xi32, #tpu.memory_space<vmem>>
    %dma_wait3A_45 = tpu.memref_squeeze %dma_wait3A_44 : memref<1x256xi32, #tpu.memory_space<vmem>> -> memref<256xi32, #tpu.memory_space<vmem>>
    %dma_wait3A_46 = arith.constant 0 : i32
    %dma_wait3A_47 = arith.constant 0 : i32
    %dma_wait3A_48 = tpu.memref_slice %arg3[%dma_wait3A_46, %dma_wait3A_47] : memref<1000000x64xf32, #tpu.memory_space<hbm>> -> memref<1000000x64xf32, #tpu.memory_space<hbm>>
    tpu.wait_indirect_dma semaphore(%arg7 : memref<!tpu.dma_semaphore, #tpu.memory_space<semaphore_mem>>) src(%dma_wait3A_48 : memref<1000000x64xf32, #tpu.memory_space<hbm>>) dst(%dma_wait3A_42 : memref<256x64xf32, #tpu.memory_space<vmem>>)
    %add3A_49 = arith.constant 0 : i32
    %add3A_50 = arith.addi %mul3A_2, %add3A_49 : i32
    %dma_start3A_51 = arith.constant 0 : i32
    %dma_start3A_52 = arith.constant 0 : i32
    %dma_start3A_53 = arith.constant 0 : i32
    %dma_start3A_54 = tpu.memref_slice %arg6[%dma_start3A_51, %dma_start3A_52, %dma_start3A_53] : memref<6x256x64xf32, #tpu.memory_space<vmem>> -> memref<1x256x64xf32, #tpu.memory_space<vmem>>
    %dma_start3A_55 = tpu.memref_squeeze %dma_start3A_54 : memref<1x256x64xf32, #tpu.memory_space<vmem>> -> memref<256x64xf32, #tpu.memory_space<vmem>>
    %dma_start3A_56 = arith.constant 0 : i32
    %dma_start3A_57 = tpu.memref_slice %arg4[%add3A_50, %dma_start3A_56] : memref<409600x64xf32, #tpu.memory_space<hbm>> -> memref<256x64xf32, #tpu.memory_space<hbm>>
    %dma_start3A_58 = arith.constant 0 : i32
    %dma_start3A_59 = tpu.memref_slice %arg4[%add3A_50, %dma_start3A_58] : memref<409600x64xf32, #tpu.memory_space<hbm>> -> memref<256x64xf32, #tpu.memory_space<hbm>>
    %dma_start3A_60 = arith.constant 0 : i32
    %dma_start3A_61 = arith.constant 0 : i32
    %dma_start3A_62 = tpu.memref_slice %arg6[%dma_start3A_51, %dma_start3A_60, %dma_start3A_61] : memref<6x256x64xf32, #tpu.memory_space<vmem>> -> memref<1x256x64xf32, #tpu.memory_space<vmem>>
    %dma_start3A_63 = tpu.memref_squeeze %dma_start3A_62 : memref<1x256x64xf32, #tpu.memory_space<vmem>> -> memref<256x64xf32, #tpu.memory_space<vmem>>
    tpu.enqueue_dma source(%dma_start3A_63 : memref<256x64xf32, #tpu.memory_space<vmem>>) target(%dma_start3A_59 : memref<256x64xf32, #tpu.memory_space<hbm>>) target_semaphore(%arg8 : memref<!tpu.dma_semaphore, #tpu.memory_space<semaphore_mem>>)
    %dma_start3A_64 = arith.constant 3 : i32
    %dma_start3A_65 = arith.constant 3 : i32
    %dma_start3A_66 = arith.constant 0 : i32
    %dma_start3A_67 = arith.constant 0 : i32
    %dma_start3A_68 = tpu.memref_slice %arg6[%dma_start3A_65, %dma_start3A_66, %dma_start3A_67] : memref<6x256x64xf32, #tpu.memory_space<vmem>> -> memref<1x256x64xf32, #tpu.memory_space<vmem>>
    %dma_start3A_69 = tpu.memref_squeeze %dma_start3A_68 : memref<1x256x64xf32, #tpu.memory_space<vmem>> -> memref<256x64xf32, #tpu.memory_space<vmem>>
    %dma_start3A_70 = arith.constant 0 : i32
    %dma_start3A_71 = tpu.memref_slice %arg5[%dma_start3A_64, %dma_start3A_70] : memref<50x256xi32, #tpu.memory_space<vmem>> -> memref<1x256xi32, #tpu.memory_space<vmem>>
    %dma_start3A_72 = tpu.memref_squeeze %dma_start3A_71 : memref<1x256xi32, #tpu.memory_space<vmem>> -> memref<256xi32, #tpu.memory_space<vmem>>
    %dma_start3A_73 = arith.constant 0 : i32
    %dma_start3A_74 = arith.constant 0 : i32
    %dma_start3A_75 = tpu.memref_slice %arg3[%dma_start3A_73, %dma_start3A_74] : memref<1000000x64xf32, #tpu.memory_space<hbm>> -> memref<1000000x64xf32, #tpu.memory_space<hbm>>
    tpu.enqueue_indirect_dma source(%dma_start3A_75 : memref<1000000x64xf32, #tpu.memory_space<hbm>>) target(%dma_start3A_69 : memref<256x64xf32, #tpu.memory_space<vmem>>) offsets(%dma_start3A_72 : memref<256xi32, #tpu.memory_space<vmem>>) semaphore(%arg7 : memref<!tpu.dma_semaphore, #tpu.memory_space<semaphore_mem>>)
    %dma_wait3A_76 = arith.constant 1 : i32
    %dma_wait3A_77 = arith.constant 1 : i32
    %dma_wait3A_78 = arith.constant 0 : i32
    %dma_wait3A_79 = arith.constant 0 : i32
    %dma_wait3A_80 = tpu.memref_slice %arg6[%dma_wait3A_77, %dma_wait3A_78, %dma_wait3A_79] : memref<6x256x64xf32, #tpu.memory_space<vmem>> -> memref<1x256x64xf32, #tpu.memory_space<vmem>>
    %dma_wait3A_81 = tpu.memref_squeeze %dma_wait3A_80 : memref<1x256x64xf32, #tpu.memory_space<vmem>> -> memref<256x64xf32, #tpu.memory_space<vmem>>
    %dma_wait3A_82 = arith.constant 0 : i32
    %dma_wait3A_83 = tpu.memref_slice %arg5[%dma_wait3A_76, %dma_wait3A_82] : memref<50x256xi32, #tpu.memory_space<vmem>> -> memref<1x256xi32, #tpu.memory_space<vmem>>
    %dma_wait3A_84 = tpu.memref_squeeze %dma_wait3A_83 : memref<1x256xi32, #tpu.memory_space<vmem>> -> memref<256xi32, #tpu.memory_space<vmem>>
    %dma_wait3A_85 = arith.constant 0 : i32
    %dma_wait3A_86 = arith.constant 0 : i32
    %dma_wait3A_87 = tpu.memref_slice %arg3[%dma_wait3A_85, %dma_wait3A_86] : memref<1000000x64xf32, #tpu.memory_space<hbm>> -> memref<1000000x64xf32, #tpu.memory_space<hbm>>
    tpu.wait_indirect_dma semaphore(%arg7 : memref<!tpu.dma_semaphore, #tpu.memory_space<semaphore_mem>>) src(%dma_wait3A_87 : memref<1000000x64xf32, #tpu.memory_space<hbm>>) dst(%dma_wait3A_81 : memref<256x64xf32, #tpu.memory_space<vmem>>)
    %add3A_88 = arith.constant 256 : i32
    %add3A_89 = arith.addi %mul3A_2, %add3A_88 : i32
    %dma_start3A_90 = arith.constant 1 : i32
    %dma_start3A_91 = arith.constant 0 : i32
    %dma_start3A_92 = arith.constant 0 : i32
    %dma_start3A_93 = tpu.memref_slice %arg6[%dma_start3A_90, %dma_start3A_91, %dma_start3A_92] : memref<6x256x64xf32, #tpu.memory_space<vmem>> -> memref<1x256x64xf32, #tpu.memory_space<vmem>>
    %dma_start3A_94 = tpu.memref_squeeze %dma_start3A_93 : memref<1x256x64xf32, #tpu.memory_space<vmem>> -> memref<256x64xf32, #tpu.memory_space<vmem>>
    %dma_start3A_95 = arith.constant 0 : i32
    %dma_start3A_96 = tpu.memref_slice %arg4[%add3A_89, %dma_start3A_95] : memref<409600x64xf32, #tpu.memory_space<hbm>> -> memref<256x64xf32, #tpu.memory_space<hbm>>
    %dma_start3A_97 = arith.constant 0 : i32
    %dma_start3A_98 = tpu.memref_slice %arg4[%add3A_89, %dma_start3A_97] : memref<409600x64xf32, #tpu.memory_space<hbm>> -> memref<256x64xf32, #tpu.memory_space<hbm>>
    %dma_start3A_99 = arith.constant 0 : i32
    %dma_start3A_100 = arith.constant 0 : i32
    %dma_start3A_101 = tpu.memref_slice %arg6[%dma_start3A_90, %dma_start3A_99, %dma_start3A_100] : memref<6x256x64xf32, #tpu.memory_space<vmem>> -> memref<1x256x64xf32, #tpu.memory_space<vmem>>
    %dma_start3A_102 = tpu.memref_squeeze %dma_start3A_101 : memref<1x256x64xf32, #tpu.memory_space<vmem>> -> memref<256x64xf32, #tpu.memory_space<vmem>>
    tpu.enqueue_dma source(%dma_start3A_102 : memref<256x64xf32, #tpu.memory_space<vmem>>) target(%dma_start3A_98 : memref<256x64xf32, #tpu.memory_space<hbm>>) target_semaphore(%arg9 : memref<!tpu.dma_semaphore, #tpu.memory_space<semaphore_mem>>)
    %dma_start3A_103 = arith.constant 4 : i32
    %dma_start3A_104 = arith.constant 4 : i32
    %dma_start3A_105 = arith.constant 0 : i32
    %dma_start3A_106 = arith.constant 0 : i32
    %dma_start3A_107 = tpu.memref_slice %arg6[%dma_start3A_104, %dma_start3A_105, %dma_start3A_106] : memref<6x256x64xf32, #tpu.memory_space<vmem>> -> memref<1x256x64xf32, #tpu.memory_space<vmem>>
    %dma_start3A_108 = tpu.memref_squeeze %dma_start3A_107 : memref<1x256x64xf32, #tpu.memory_space<vmem>> -> memref<256x64xf32, #tpu.memory_space<vmem>>
    %dma_start3A_109 = arith.constant 0 : i32
    %dma_start3A_110 = tpu.memref_slice %arg5[%dma_start3A_103, %dma_start3A_109] : memref<50x256xi32, #tpu.memory_space<vmem>> -> memref<1x256xi32, #tpu.memory_space<vmem>>
    %dma_start3A_111 = tpu.memref_squeeze %dma_start3A_110 : memref<1x256xi32, #tpu.memory_space<vmem>> -> memref<256xi32, #tpu.memory_space<vmem>>
    %dma_start3A_112 = arith.constant 0 : i32
    %dma_start3A_113 = arith.constant 0 : i32
    %dma_start3A_114 = tpu.memref_slice %arg3[%dma_start3A_112, %dma_start3A_113] : memref<1000000x64xf32, #tpu.memory_space<hbm>> -> memref<1000000x64xf32, #tpu.memory_space<hbm>>
    tpu.enqueue_indirect_dma source(%dma_start3A_114 : memref<1000000x64xf32, #tpu.memory_space<hbm>>) target(%dma_start3A_108 : memref<256x64xf32, #tpu.memory_space<vmem>>) offsets(%dma_start3A_111 : memref<256xi32, #tpu.memory_space<vmem>>) semaphore(%arg7 : memref<!tpu.dma_semaphore, #tpu.memory_space<semaphore_mem>>)
    %dma_wait3A_115 = arith.constant 2 : i32
    %dma_wait3A_116 = arith.constant 2 : i32
    %dma_wait3A_117 = arith.constant 0 : i32
    %dma_wait3A_118 = arith.constant 0 : i32
    %dma_wait3A_119 = tpu.memref_slice %arg6[%dma_wait3A_116, %dma_wait3A_117, %dma_wait3A_118] : memref<6x256x64xf32, #tpu.memory_space<vmem>> -> memref<1x256x64xf32, #tpu.memory_space<vmem>>
    %dma_wait3A_120 = tpu.memref_squeeze %dma_wait3A_119 : memref<1x256x64xf32, #tpu.memory_space<vmem>> -> memref<256x64xf32, #tpu.memory_space<vmem>>
    %dma_wait3A_121 = arith.constant 0 : i32
    %dma_wait3A_122 = tpu.memref_slice %arg5[%dma_wait3A_115, %dma_wait3A_121] : memref<50x256xi32, #tpu.memory_space<vmem>> -> memref<1x256xi32, #tpu.memory_space<vmem>>
    %dma_wait3A_123 = tpu.memref_squeeze %dma_wait3A_122 : memref<1x256xi32, #tpu.memory_space<vmem>> -> memref<256xi32, #tpu.memory_space<vmem>>
    %dma_wait3A_124 = arith.constant 0 : i32
    %dma_wait3A_125 = arith.constant 0 : i32
    %dma_wait3A_126 = tpu.memref_slice %arg3[%dma_wait3A_124, %dma_wait3A_125] : memref<1000000x64xf32, #tpu.memory_space<hbm>> -> memref<1000000x64xf32, #tpu.memory_space<hbm>>
    tpu.wait_indirect_dma semaphore(%arg7 : memref<!tpu.dma_semaphore, #tpu.memory_space<semaphore_mem>>) src(%dma_wait3A_126 : memref<1000000x64xf32, #tpu.memory_space<hbm>>) dst(%dma_wait3A_120 : memref<256x64xf32, #tpu.memory_space<vmem>>)
    %add3A_127 = arith.constant 512 : i32
    %add3A_128 = arith.addi %mul3A_2, %add3A_127 : i32
    %dma_start3A_129 = arith.constant 2 : i32
    %dma_start3A_130 = arith.constant 0 : i32
    %dma_start3A_131 = arith.constant 0 : i32
    %dma_start3A_132 = tpu.memref_slice %arg6[%dma_start3A_129, %dma_start3A_130, %dma_start3A_131] : memref<6x256x64xf32, #tpu.memory_space<vmem>> -> memref<1x256x64xf32, #tpu.memory_space<vmem>>
    %dma_start3A_133 = tpu.memref_squeeze %dma_start3A_132 : memref<1x256x64xf32, #tpu.memory_space<vmem>> -> memref<256x64xf32, #tpu.memory_space<vmem>>
    %dma_start3A_134 = arith.constant 0 : i32
    %dma_start3A_135 = tpu.memref_slice %arg4[%add3A_128, %dma_start3A_134] : memref<409600x64xf32, #tpu.memory_space<hbm>> -> memref<256x64xf32, #tpu.memory_space<hbm>>
    %dma_start3A_136 = arith.constant 0 : i32
    %dma_start3A_137 = tpu.memref_slice %arg4[%add3A_128, %dma_start3A_136] : memref<409600x64xf32, #tpu.memory_space<hbm>> -> memref<256x64xf32, #tpu.memory_space<hbm>>
    %dma_start3A_138 = arith.constant 0 : i32
    %dma_start3A_139 = arith.constant 0 : i32
    %dma_start3A_140 = tpu.memref_slice %arg6[%dma_start3A_129, %dma_start3A_138, %dma_start3A_139] : memref<6x256x64xf32, #tpu.memory_space<vmem>> -> memref<1x256x64xf32, #tpu.memory_space<vmem>>
    %dma_start3A_141 = tpu.memref_squeeze %dma_start3A_140 : memref<1x256x64xf32, #tpu.memory_space<vmem>> -> memref<256x64xf32, #tpu.memory_space<vmem>>
    tpu.enqueue_dma source(%dma_start3A_141 : memref<256x64xf32, #tpu.memory_space<vmem>>) target(%dma_start3A_137 : memref<256x64xf32, #tpu.memory_space<hbm>>) target_semaphore(%arg10 : memref<!tpu.dma_semaphore, #tpu.memory_space<semaphore_mem>>)
    %dma_start3A_142 = arith.constant 5 : i32
    %dma_start3A_143 = arith.constant 5 : i32
    %dma_start3A_144 = arith.constant 0 : i32
    %dma_start3A_145 = arith.constant 0 : i32
    %dma_start3A_146 = tpu.memref_slice %arg6[%dma_start3A_143, %dma_start3A_144, %dma_start3A_145] : memref<6x256x64xf32, #tpu.memory_space<vmem>> -> memref<1x256x64xf32, #tpu.memory_space<vmem>>
    %dma_start3A_147 = tpu.memref_squeeze %dma_start3A_146 : memref<1x256x64xf32, #tpu.memory_space<vmem>> -> memref<256x64xf32, #tpu.memory_space<vmem>>
    %dma_start3A_148 = arith.constant 0 : i32
    %dma_start3A_149 = tpu.memref_slice %arg5[%dma_start3A_142, %dma_start3A_148] : memref<50x256xi32, #tpu.memory_space<vmem>> -> memref<1x256xi32, #tpu.memory_space<vmem>>
    %dma_start3A_150 = tpu.memref_squeeze %dma_start3A_149 : memref<1x256xi32, #tpu.memory_space<vmem>> -> memref<256xi32, #tpu.memory_space<vmem>>
    %dma_start3A_151 = arith.constant 0 : i32
    %dma_start3A_152 = arith.constant 0 : i32
    %dma_start3A_153 = tpu.memref_slice %arg3[%dma_start3A_151, %dma_start3A_152] : memref<1000000x64xf32, #tpu.memory_space<hbm>> -> memref<1000000x64xf32, #tpu.memory_space<hbm>>
    tpu.enqueue_indirect_dma source(%dma_start3A_153 : memref<1000000x64xf32, #tpu.memory_space<hbm>>) target(%dma_start3A_147 : memref<256x64xf32, #tpu.memory_space<vmem>>) offsets(%dma_start3A_150 : memref<256xi32, #tpu.memory_space<vmem>>) semaphore(%arg7 : memref<!tpu.dma_semaphore, #tpu.memory_space<semaphore_mem>>)
    %dma_wait3A_154 = arith.constant 3 : i32
    %dma_wait3A_155 = arith.constant 3 : i32
    %dma_wait3A_156 = arith.constant 0 : i32
    %dma_wait3A_157 = arith.constant 0 : i32
    %dma_wait3A_158 = tpu.memref_slice %arg6[%dma_wait3A_155, %dma_wait3A_156, %dma_wait3A_157] : memref<6x256x64xf32, #tpu.memory_space<vmem>> -> memref<1x256x64xf32, #tpu.memory_space<vmem>>
    %dma_wait3A_159 = tpu.memref_squeeze %dma_wait3A_158 : memref<1x256x64xf32, #tpu.memory_space<vmem>> -> memref<256x64xf32, #tpu.memory_space<vmem>>
    %dma_wait3A_160 = arith.constant 0 : i32
    %dma_wait3A_161 = tpu.memref_slice %arg5[%dma_wait3A_154, %dma_wait3A_160] : memref<50x256xi32, #tpu.memory_space<vmem>> -> memref<1x256xi32, #tpu.memory_space<vmem>>
    %dma_wait3A_162 = tpu.memref_squeeze %dma_wait3A_161 : memref<1x256xi32, #tpu.memory_space<vmem>> -> memref<256xi32, #tpu.memory_space<vmem>>
    %dma_wait3A_163 = arith.constant 0 : i32
    %dma_wait3A_164 = arith.constant 0 : i32
    %dma_wait3A_165 = tpu.memref_slice %arg3[%dma_wait3A_163, %dma_wait3A_164] : memref<1000000x64xf32, #tpu.memory_space<hbm>> -> memref<1000000x64xf32, #tpu.memory_space<hbm>>
    tpu.wait_indirect_dma semaphore(%arg7 : memref<!tpu.dma_semaphore, #tpu.memory_space<semaphore_mem>>) src(%dma_wait3A_165 : memref<1000000x64xf32, #tpu.memory_space<hbm>>) dst(%dma_wait3A_159 : memref<256x64xf32, #tpu.memory_space<vmem>>)
    %add3A_166 = arith.constant 768 : i32
    %add3A_167 = arith.addi %mul3A_2, %add3A_166 : i32
    %dma_start3A_168 = arith.constant 3 : i32
    %dma_start3A_169 = arith.constant 0 : i32
    %dma_start3A_170 = arith.constant 0 : i32
    %dma_start3A_171 = tpu.memref_slice %arg6[%dma_start3A_168, %dma_start3A_169, %dma_start3A_170] : memref<6x256x64xf32, #tpu.memory_space<vmem>> -> memref<1x256x64xf32, #tpu.memory_space<vmem>>
    %dma_start3A_172 = tpu.memref_squeeze %dma_start3A_171 : memref<1x256x64xf32, #tpu.memory_space<vmem>> -> memref<256x64xf32, #tpu.memory_space<vmem>>
    %dma_start3A_173 = arith.constant 0 : i32
    %dma_start3A_174 = tpu.memref_slice %arg4[%add3A_167, %dma_start3A_173] : memref<409600x64xf32, #tpu.memory_space<hbm>> -> memref<256x64xf32, #tpu.memory_space<hbm>>
    %dma_start3A_175 = arith.constant 0 : i32
    %dma_start3A_176 = tpu.memref_slice %arg4[%add3A_167, %dma_start3A_175] : memref<409600x64xf32, #tpu.memory_space<hbm>> -> memref<256x64xf32, #tpu.memory_space<hbm>>
    %dma_start3A_177 = arith.constant 0 : i32
    %dma_start3A_178 = arith.constant 0 : i32
    %dma_start3A_179 = tpu.memref_slice %arg6[%dma_start3A_168, %dma_start3A_177, %dma_start3A_178] : memref<6x256x64xf32, #tpu.memory_space<vmem>> -> memref<1x256x64xf32, #tpu.memory_space<vmem>>
    %dma_start3A_180 = tpu.memref_squeeze %dma_start3A_179 : memref<1x256x64xf32, #tpu.memory_space<vmem>> -> memref<256x64xf32, #tpu.memory_space<vmem>>
    tpu.enqueue_dma source(%dma_start3A_180 : memref<256x64xf32, #tpu.memory_space<vmem>>) target(%dma_start3A_176 : memref<256x64xf32, #tpu.memory_space<hbm>>) target_semaphore(%arg11 : memref<!tpu.dma_semaphore, #tpu.memory_space<semaphore_mem>>)
    %add3A_181 = arith.constant 0 : i32
    %add3A_182 = arith.addi %mul3A_2, %add3A_181 : i32
    %dma_wait3A_183 = arith.constant 0 : i32
    %dma_wait3A_184 = arith.constant 0 : i32
    %dma_wait3A_185 = arith.constant 0 : i32
    %dma_wait3A_186 = tpu.memref_slice %arg6[%dma_wait3A_183, %dma_wait3A_184, %dma_wait3A_185] : memref<6x256x64xf32, #tpu.memory_space<vmem>> -> memref<1x256x64xf32, #tpu.memory_space<vmem>>
    %dma_wait3A_187 = tpu.memref_squeeze %dma_wait3A_186 : memref<1x256x64xf32, #tpu.memory_space<vmem>> -> memref<256x64xf32, #tpu.memory_space<vmem>>
    %dma_wait3A_188 = arith.constant 0 : i32
    %dma_wait3A_189 = tpu.memref_slice %arg4[%add3A_182, %dma_wait3A_188] : memref<409600x64xf32, #tpu.memory_space<hbm>> -> memref<256x64xf32, #tpu.memory_space<hbm>>
    %dma_wait3A_190 = arith.constant 0 : i32
    %dma_wait3A_191 = tpu.memref_slice %arg4[%add3A_182, %dma_wait3A_190] : memref<409600x64xf32, #tpu.memory_space<hbm>> -> memref<256x64xf32, #tpu.memory_space<hbm>>
    %dma_wait3A_192 = arith.constant 0 : i32
    %dma_wait3A_193 = arith.constant 0 : i32
    %dma_wait3A_194 = tpu.memref_slice %arg6[%dma_wait3A_183, %dma_wait3A_192, %dma_wait3A_193] : memref<6x256x64xf32, #tpu.memory_space<vmem>> -> memref<1x256x64xf32, #tpu.memory_space<vmem>>
    %dma_wait3A_195 = tpu.memref_squeeze %dma_wait3A_194 : memref<1x256x64xf32, #tpu.memory_space<vmem>> -> memref<256x64xf32, #tpu.memory_space<vmem>>
    tpu.wait_dma2 semaphore(%arg8 : memref<!tpu.dma_semaphore, #tpu.memory_space<semaphore_mem>>) src(%dma_wait3A_195 : memref<256x64xf32, #tpu.memory_space<vmem>>) dst(%dma_wait3A_191 : memref<256x64xf32, #tpu.memory_space<hbm>>)
    %dma_start3A_196 = arith.constant 6 : i32
    %dma_start3A_197 = arith.constant 0 : i32
    %dma_start3A_198 = arith.constant 0 : i32
    %dma_start3A_199 = arith.constant 0 : i32
    %dma_start3A_200 = tpu.memref_slice %arg6[%dma_start3A_197, %dma_start3A_198, %dma_start3A_199] : memref<6x256x64xf32, #tpu.memory_space<vmem>> -> memref<1x256x64xf32, #tpu.memory_space<vmem>>
    %dma_start3A_201 = tpu.memref_squeeze %dma_start3A_200 : memref<1x256x64xf32, #tpu.memory_space<vmem>> -> memref<256x64xf32, #tpu.memory_space<vmem>>
    %dma_start3A_202 = arith.constant 0 : i32
    %dma_start3A_203 = tpu.memref_slice %arg5[%dma_start3A_196, %dma_start3A_202] : memref<50x256xi32, #tpu.memory_space<vmem>> -> memref<1x256xi32, #tpu.memory_space<vmem>>
    %dma_start3A_204 = tpu.memref_squeeze %dma_start3A_203 : memref<1x256xi32, #tpu.memory_space<vmem>> -> memref<256xi32, #tpu.memory_space<vmem>>
    %dma_start3A_205 = arith.constant 0 : i32
    %dma_start3A_206 = arith.constant 0 : i32
    %dma_start3A_207 = tpu.memref_slice %arg3[%dma_start3A_205, %dma_start3A_206] : memref<1000000x64xf32, #tpu.memory_space<hbm>> -> memref<1000000x64xf32, #tpu.memory_space<hbm>>
    tpu.enqueue_indirect_dma source(%dma_start3A_207 : memref<1000000x64xf32, #tpu.memory_space<hbm>>) target(%dma_start3A_201 : memref<256x64xf32, #tpu.memory_space<vmem>>) offsets(%dma_start3A_204 : memref<256xi32, #tpu.memory_space<vmem>>) semaphore(%arg7 : memref<!tpu.dma_semaphore, #tpu.memory_space<semaphore_mem>>)
    %dma_wait3A_208 = arith.constant 4 : i32
    %dma_wait3A_209 = arith.constant 4 : i32
    %dma_wait3A_210 = arith.constant 0 : i32
    %dma_wait3A_211 = arith.constant 0 : i32
    %dma_wait3A_212 = tpu.memref_slice %arg6[%dma_wait3A_209, %dma_wait3A_210, %dma_wait3A_211] : memref<6x256x64xf32, #tpu.memory_space<vmem>> -> memref<1x256x64xf32, #tpu.memory_space<vmem>>
    %dma_wait3A_213 = tpu.memref_squeeze %dma_wait3A_212 : memref<1x256x64xf32, #tpu.memory_space<vmem>> -> memref<256x64xf32, #tpu.memory_space<vmem>>
    %dma_wait3A_214 = arith.constant 0 : i32
    %dma_wait3A_215 = tpu.memref_slice %arg5[%dma_wait3A_208, %dma_wait3A_214] : memref<50x256xi32, #tpu.memory_space<vmem>> -> memref<1x256xi32, #tpu.memory_space<vmem>>
    %dma_wait3A_216 = tpu.memref_squeeze %dma_wait3A_215 : memref<1x256xi32, #tpu.memory_space<vmem>> -> memref<256xi32, #tpu.memory_space<vmem>>
    %dma_wait3A_217 = arith.constant 0 : i32
    %dma_wait3A_218 = arith.constant 0 : i32
    %dma_wait3A_219 = tpu.memref_slice %arg3[%dma_wait3A_217, %dma_wait3A_218] : memref<1000000x64xf32, #tpu.memory_space<hbm>> -> memref<1000000x64xf32, #tpu.memory_space<hbm>>
    tpu.wait_indirect_dma semaphore(%arg7 : memref<!tpu.dma_semaphore, #tpu.memory_space<semaphore_mem>>) src(%dma_wait3A_219 : memref<1000000x64xf32, #tpu.memory_space<hbm>>) dst(%dma_wait3A_213 : memref<256x64xf32, #tpu.memory_space<vmem>>)
    %add3A_220 = arith.constant 1024 : i32
    %add3A_221 = arith.addi %mul3A_2, %add3A_220 : i32
    %dma_start3A_222 = arith.constant 4 : i32
    %dma_start3A_223 = arith.constant 0 : i32
    %dma_start3A_224 = arith.constant 0 : i32
    %dma_start3A_225 = tpu.memref_slice %arg6[%dma_start3A_222, %dma_start3A_223, %dma_start3A_224] : memref<6x256x64xf32, #tpu.memory_space<vmem>> -> memref<1x256x64xf32, #tpu.memory_space<vmem>>
    %dma_start3A_226 = tpu.memref_squeeze %dma_start3A_225 : memref<1x256x64xf32, #tpu.memory_space<vmem>> -> memref<256x64xf32, #tpu.memory_space<vmem>>
    %dma_start3A_227 = arith.constant 0 : i32
    %dma_start3A_228 = tpu.memref_slice %arg4[%add3A_221, %dma_start3A_227] : memref<409600x64xf32, #tpu.memory_space<hbm>> -> memref<256x64xf32, #tpu.memory_space<hbm>>
    %dma_start3A_229 = arith.constant 0 : i32
    %dma_start3A_230 = tpu.memref_slice %arg4[%add3A_221, %dma_start3A_229] : memref<409600x64xf32, #tpu.memory_space<hbm>> -> memref<256x64xf32, #tpu.memory_space<hbm>>
    %dma_start3A_231 = arith.constant 0 : i32
    %dma_start3A_232 = arith.constant 0 : i32
    %dma_start3A_233 = tpu.memref_slice %arg6[%dma_start3A_222, %dma_start3A_231, %dma_start3A_232] : memref<6x256x64xf32, #tpu.memory_space<vmem>> -> memref<1x256x64xf32, #tpu.memory_space<vmem>>
    %dma_start3A_234 = tpu.memref_squeeze %dma_start3A_233 : memref<1x256x64xf32, #tpu.memory_space<vmem>> -> memref<256x64xf32, #tpu.memory_space<vmem>>
    tpu.enqueue_dma source(%dma_start3A_234 : memref<256x64xf32, #tpu.memory_space<vmem>>) target(%dma_start3A_230 : memref<256x64xf32, #tpu.memory_space<hbm>>) target_semaphore(%arg12 : memref<!tpu.dma_semaphore, #tpu.memory_space<semaphore_mem>>)
    %add3A_235 = arith.constant 256 : i32
    %add3A_236 = arith.addi %mul3A_2, %add3A_235 : i32
    %dma_wait3A_237 = arith.constant 1 : i32
    %dma_wait3A_238 = arith.constant 0 : i32
    %dma_wait3A_239 = arith.constant 0 : i32
    %dma_wait3A_240 = tpu.memref_slice %arg6[%dma_wait3A_237, %dma_wait3A_238, %dma_wait3A_239] : memref<6x256x64xf32, #tpu.memory_space<vmem>> -> memref<1x256x64xf32, #tpu.memory_space<vmem>>
    %dma_wait3A_241 = tpu.memref_squeeze %dma_wait3A_240 : memref<1x256x64xf32, #tpu.memory_space<vmem>> -> memref<256x64xf32, #tpu.memory_space<vmem>>
    %dma_wait3A_242 = arith.constant 0 : i32
    %dma_wait3A_243 = tpu.memref_slice %arg4[%add3A_236, %dma_wait3A_242] : memref<409600x64xf32, #tpu.memory_space<hbm>> -> memref<256x64xf32, #tpu.memory_space<hbm>>
    %dma_wait3A_244 = arith.constant 0 : i32
    %dma_wait3A_245 = tpu.memref_slice %arg4[%add3A_236, %dma_wait3A_244] : memref<409600x64xf32, #tpu.memory_space<hbm>> -> memref<256x64xf32, #tpu.memory_space<hbm>>
    %dma_wait3A_246 = arith.constant 0 : i32
    %dma_wait3A_247 = arith.constant 0 : i32
    %dma_wait3A_248 = tpu.memref_slice %arg6[%dma_wait3A_237, %dma_wait3A_246, %dma_wait3A_247] : memref<6x256x64xf32, #tpu.memory_space<vmem>> -> memref<1x256x64xf32, #tpu.memory_space<vmem>>
    %dma_wait3A_249 = tpu.memref_squeeze %dma_wait3A_248 : memref<1x256x64xf32, #tpu.memory_space<vmem>> -> memref<256x64xf32, #tpu.memory_space<vmem>>
    tpu.wait_dma2 semaphore(%arg9 : memref<!tpu.dma_semaphore, #tpu.memory_space<semaphore_mem>>) src(%dma_wait3A_249 : memref<256x64xf32, #tpu.memory_space<vmem>>) dst(%dma_wait3A_245 : memref<256x64xf32, #tpu.memory_space<hbm>>)
    %dma_start3A_250 = arith.constant 7 : i32
    %dma_start3A_251 = arith.constant 1 : i32
    %dma_start3A_252 = arith.constant 0 : i32
    %dma_start3A_253 = arith.constant 0 : i32
    %dma_start3A_254 = tpu.memref_slice %arg6[%dma_start3A_251, %dma_start3A_252, %dma_start3A_253] : memref<6x256x64xf32, #tpu.memory_space<vmem>> -> memref<1x256x64xf32, #tpu.memory_space<vmem>>
    %dma_start3A_255 = tpu.memref_squeeze %dma_start3A_254 : memref<1x256x64xf32, #tpu.memory_space<vmem>> -> memref<256x64xf32, #tpu.memory_space<vmem>>
    %dma_start3A_256 = arith.constant 0 : i32
    %dma_start3A_257 = tpu.memref_slice %arg5[%dma_start3A_250, %dma_start3A_256] : memref<50x256xi32, #tpu.memory_space<vmem>> -> memref<1x256xi32, #tpu.memory_space<vmem>>
    %dma_start3A_258 = tpu.memref_squeeze %dma_start3A_257 : memref<1x256xi32, #tpu.memory_space<vmem>> -> memref<256xi32, #tpu.memory_space<vmem>>
    %dma_start3A_259 = arith.constant 0 : i32
    %dma_start3A_260 = arith.constant 0 : i32
    %dma_start3A_261 = tpu.memref_slice %arg3[%dma_start3A_259, %dma_start3A_260] : memref<1000000x64xf32, #tpu.memory_space<hbm>> -> memref<1000000x64xf32, #tpu.memory_space<hbm>>
    tpu.enqueue_indirect_dma source(%dma_start3A_261 : memref<1000000x64xf32, #tpu.memory_space<hbm>>) target(%dma_start3A_255 : memref<256x64xf32, #tpu.memory_space<vmem>>) offsets(%dma_start3A_258 : memref<256xi32, #tpu.memory_space<vmem>>) semaphore(%arg7 : memref<!tpu.dma_semaphore, #tpu.memory_space<semaphore_mem>>)
    %dma_wait3A_262 = arith.constant 5 : i32
    %dma_wait3A_263 = arith.constant 5 : i32
    %dma_wait3A_264 = arith.constant 0 : i32
    %dma_wait3A_265 = arith.constant 0 : i32
    %dma_wait3A_266 = tpu.memref_slice %arg6[%dma_wait3A_263, %dma_wait3A_264, %dma_wait3A_265] : memref<6x256x64xf32, #tpu.memory_space<vmem>> -> memref<1x256x64xf32, #tpu.memory_space<vmem>>
    %dma_wait3A_267 = tpu.memref_squeeze %dma_wait3A_266 : memref<1x256x64xf32, #tpu.memory_space<vmem>> -> memref<256x64xf32, #tpu.memory_space<vmem>>
    %dma_wait3A_268 = arith.constant 0 : i32
    %dma_wait3A_269 = tpu.memref_slice %arg5[%dma_wait3A_262, %dma_wait3A_268] : memref<50x256xi32, #tpu.memory_space<vmem>> -> memref<1x256xi32, #tpu.memory_space<vmem>>
    %dma_wait3A_270 = tpu.memref_squeeze %dma_wait3A_269 : memref<1x256xi32, #tpu.memory_space<vmem>> -> memref<256xi32, #tpu.memory_space<vmem>>
    %dma_wait3A_271 = arith.constant 0 : i32
    %dma_wait3A_272 = arith.constant 0 : i32
    %dma_wait3A_273 = tpu.memref_slice %arg3[%dma_wait3A_271, %dma_wait3A_272] : memref<1000000x64xf32, #tpu.memory_space<hbm>> -> memref<1000000x64xf32, #tpu.memory_space<hbm>>
    tpu.wait_indirect_dma semaphore(%arg7 : memref<!tpu.dma_semaphore, #tpu.memory_space<semaphore_mem>>) src(%dma_wait3A_273 : memref<1000000x64xf32, #tpu.memory_space<hbm>>) dst(%dma_wait3A_267 : memref<256x64xf32, #tpu.memory_space<vmem>>)
    %add3A_274 = arith.constant 1280 : i32
    %add3A_275 = arith.addi %mul3A_2, %add3A_274 : i32
    %dma_start3A_276 = arith.constant 5 : i32
    %dma_start3A_277 = arith.constant 0 : i32
    %dma_start3A_278 = arith.constant 0 : i32
    %dma_start3A_279 = tpu.memref_slice %arg6[%dma_start3A_276, %dma_start3A_277, %dma_start3A_278] : memref<6x256x64xf32, #tpu.memory_space<vmem>> -> memref<1x256x64xf32, #tpu.memory_space<vmem>>
    %dma_start3A_280 = tpu.memref_squeeze %dma_start3A_279 : memref<1x256x64xf32, #tpu.memory_space<vmem>> -> memref<256x64xf32, #tpu.memory_space<vmem>>
    %dma_start3A_281 = arith.constant 0 : i32
    %dma_start3A_282 = tpu.memref_slice %arg4[%add3A_275, %dma_start3A_281] : memref<409600x64xf32, #tpu.memory_space<hbm>> -> memref<256x64xf32, #tpu.memory_space<hbm>>
    %dma_start3A_283 = arith.constant 0 : i32
    %dma_start3A_284 = tpu.memref_slice %arg4[%add3A_275, %dma_start3A_283] : memref<409600x64xf32, #tpu.memory_space<hbm>> -> memref<256x64xf32, #tpu.memory_space<hbm>>
    %dma_start3A_285 = arith.constant 0 : i32
    %dma_start3A_286 = arith.constant 0 : i32
    %dma_start3A_287 = tpu.memref_slice %arg6[%dma_start3A_276, %dma_start3A_285, %dma_start3A_286] : memref<6x256x64xf32, #tpu.memory_space<vmem>> -> memref<1x256x64xf32, #tpu.memory_space<vmem>>
    %dma_start3A_288 = tpu.memref_squeeze %dma_start3A_287 : memref<1x256x64xf32, #tpu.memory_space<vmem>> -> memref<256x64xf32, #tpu.memory_space<vmem>>
    tpu.enqueue_dma source(%dma_start3A_288 : memref<256x64xf32, #tpu.memory_space<vmem>>) target(%dma_start3A_284 : memref<256x64xf32, #tpu.memory_space<hbm>>) target_semaphore(%arg13 : memref<!tpu.dma_semaphore, #tpu.memory_space<semaphore_mem>>)
    %add3A_289 = arith.constant 512 : i32
    %add3A_290 = arith.addi %mul3A_2, %add3A_289 : i32
    %dma_wait3A_291 = arith.constant 2 : i32
    %dma_wait3A_292 = arith.constant 0 : i32
    %dma_wait3A_293 = arith.constant 0 : i32
    %dma_wait3A_294 = tpu.memref_slice %arg6[%dma_wait3A_291, %dma_wait3A_292, %dma_wait3A_293] : memref<6x256x64xf32, #tpu.memory_space<vmem>> -> memref<1x256x64xf32, #tpu.memory_space<vmem>>
    %dma_wait3A_295 = tpu.memref_squeeze %dma_wait3A_294 : memref<1x256x64xf32, #tpu.memory_space<vmem>> -> memref<256x64xf32, #tpu.memory_space<vmem>>
    %dma_wait3A_296 = arith.constant 0 : i32
    %dma_wait3A_297 = tpu.memref_slice %arg4[%add3A_290, %dma_wait3A_296] : memref<409600x64xf32, #tpu.memory_space<hbm>> -> memref<256x64xf32, #tpu.memory_space<hbm>>
    %dma_wait3A_298 = arith.constant 0 : i32
    %dma_wait3A_299 = tpu.memref_slice %arg4[%add3A_290, %dma_wait3A_298] : memref<409600x64xf32, #tpu.memory_space<hbm>> -> memref<256x64xf32, #tpu.memory_space<hbm>>
    %dma_wait3A_300 = arith.constant 0 : i32
    %dma_wait3A_301 = arith.constant 0 : i32
    %dma_wait3A_302 = tpu.memref_slice %arg6[%dma_wait3A_291, %dma_wait3A_300, %dma_wait3A_301] : memref<6x256x64xf32, #tpu.memory_space<vmem>> -> memref<1x256x64xf32, #tpu.memory_space<vmem>>
    %dma_wait3A_303 = tpu.memref_squeeze %dma_wait3A_302 : memref<1x256x64xf32, #tpu.memory_space<vmem>> -> memref<256x64xf32, #tpu.memory_space<vmem>>
    tpu.wait_dma2 semaphore(%arg10 : memref<!tpu.dma_semaphore, #tpu.memory_space<semaphore_mem>>) src(%dma_wait3A_303 : memref<256x64xf32, #tpu.memory_space<vmem>>) dst(%dma_wait3A_299 : memref<256x64xf32, #tpu.memory_space<hbm>>)
    %dma_start3A_304 = arith.constant 8 : i32
    %dma_start3A_305 = arith.constant 2 : i32
    %dma_start3A_306 = arith.constant 0 : i32
    %dma_start3A_307 = arith.constant 0 : i32
    %dma_start3A_308 = tpu.memref_slice %arg6[%dma_start3A_305, %dma_start3A_306, %dma_start3A_307] : memref<6x256x64xf32, #tpu.memory_space<vmem>> -> memref<1x256x64xf32, #tpu.memory_space<vmem>>
    %dma_start3A_309 = tpu.memref_squeeze %dma_start3A_308 : memref<1x256x64xf32, #tpu.memory_space<vmem>> -> memref<256x64xf32, #tpu.memory_space<vmem>>
    %dma_start3A_310 = arith.constant 0 : i32
    %dma_start3A_311 = tpu.memref_slice %arg5[%dma_start3A_304, %dma_start3A_310] : memref<50x256xi32, #tpu.memory_space<vmem>> -> memref<1x256xi32, #tpu.memory_space<vmem>>
    %dma_start3A_312 = tpu.memref_squeeze %dma_start3A_311 : memref<1x256xi32, #tpu.memory_space<vmem>> -> memref<256xi32, #tpu.memory_space<vmem>>
    %dma_start3A_313 = arith.constant 0 : i32
    %dma_start3A_314 = arith.constant 0 : i32
    %dma_start3A_315 = tpu.memref_slice %arg3[%dma_start3A_313, %dma_start3A_314] : memref<1000000x64xf32, #tpu.memory_space<hbm>> -> memref<1000000x64xf32, #tpu.memory_space<hbm>>
    tpu.enqueue_indirect_dma source(%dma_start3A_315 : memref<1000000x64xf32, #tpu.memory_space<hbm>>) target(%dma_start3A_309 : memref<256x64xf32, #tpu.memory_space<vmem>>) offsets(%dma_start3A_312 : memref<256xi32, #tpu.memory_space<vmem>>) semaphore(%arg7 : memref<!tpu.dma_semaphore, #tpu.memory_space<semaphore_mem>>)
    %scan3A = arith.constant 0 : i32
    %scan3A_316 = arith.constant 6 : i32
    %scan3A_317 = arith.addi %scan3A, %scan3A_316 : i32
    %scan3A_318 = arith.constant 1 : i32
    scf.for %scan3A_761 = %scan3A to %scan3A_317 step %scan3A_318  : i32 {
      %mul3A_762 = arith.constant 1 : i32
      %mul3A_763 = arith.muli %scan3A_761, %mul3A_762 : i32
      %add3A_764 = arith.constant 1 : i32
      %add3A_765 = arith.addi %add3A_764, %mul3A_763 : i32
      %mul3A_766 = arith.constant 6 : i32
      %mul3A_767 = arith.muli %add3A_765, %mul3A_766 : i32
      %add3A_768 = arith.constant 0 : i32
      %add3A_769 = arith.addi %mul3A_767, %add3A_768 : i32
      %dma_wait3A_770 = arith.constant 0 : i32
      %dma_wait3A_771 = arith.constant 0 : i32
      %dma_wait3A_772 = arith.constant 0 : i32
      %dma_wait3A_773 = tpu.memref_slice %arg6[%dma_wait3A_770, %dma_wait3A_771, %dma_wait3A_772] : memref<6x256x64xf32, #tpu.memory_space<vmem>> -> memref<1x256x64xf32, #tpu.memory_space<vmem>>
      %dma_wait3A_774 = tpu.memref_squeeze %dma_wait3A_773 : memref<1x256x64xf32, #tpu.memory_space<vmem>> -> memref<256x64xf32, #tpu.memory_space<vmem>>
      %dma_wait3A_775 = arith.constant 0 : i32
      %dma_wait3A_776 = tpu.memref_slice %arg5[%add3A_769, %dma_wait3A_775] : memref<50x256xi32, #tpu.memory_space<vmem>> -> memref<1x256xi32, #tpu.memory_space<vmem>>
      %dma_wait3A_777 = tpu.memref_squeeze %dma_wait3A_776 : memref<1x256xi32, #tpu.memory_space<vmem>> -> memref<256xi32, #tpu.memory_space<vmem>>
      %dma_wait3A_778 = arith.constant 0 : i32
      %dma_wait3A_779 = arith.constant 0 : i32
      %dma_wait3A_780 = tpu.memref_slice %arg3[%dma_wait3A_778, %dma_wait3A_779] : memref<1000000x64xf32, #tpu.memory_space<hbm>> -> memref<1000000x64xf32, #tpu.memory_space<hbm>>
      tpu.wait_indirect_dma semaphore(%arg7 : memref<!tpu.dma_semaphore, #tpu.memory_space<semaphore_mem>>) src(%dma_wait3A_780 : memref<1000000x64xf32, #tpu.memory_space<hbm>>) dst(%dma_wait3A_774 : memref<256x64xf32, #tpu.memory_space<vmem>>)
      %mul3A_781 = arith.constant 256 : i32
      %mul3A_782 = arith.muli %add3A_769, %mul3A_781 : i32
      %add3A_783 = arith.addi %mul3A_2, %mul3A_782 : i32
      %dma_start3A_784 = arith.constant 0 : i32
      %dma_start3A_785 = arith.constant 0 : i32
      %dma_start3A_786 = arith.constant 0 : i32
      %dma_start3A_787 = tpu.memref_slice %arg6[%dma_start3A_784, %dma_start3A_785, %dma_start3A_786] : memref<6x256x64xf32, #tpu.memory_space<vmem>> -> memref<1x256x64xf32, #tpu.memory_space<vmem>>
      %dma_start3A_788 = tpu.memref_squeeze %dma_start3A_787 : memref<1x256x64xf32, #tpu.memory_space<vmem>> -> memref<256x64xf32, #tpu.memory_space<vmem>>
      %dma_start3A_789 = arith.constant 0 : i32
      %dma_start3A_790 = tpu.memref_slice %arg4[%add3A_783, %dma_start3A_789] : memref<409600x64xf32, #tpu.memory_space<hbm>> -> memref<256x64xf32, #tpu.memory_space<hbm>>
      %dma_start3A_791 = arith.constant 0 : i32
      %dma_start3A_792 = tpu.memref_slice %arg4[%add3A_783, %dma_start3A_791] : memref<409600x64xf32, #tpu.memory_space<hbm>> -> memref<256x64xf32, #tpu.memory_space<hbm>>
      %dma_start3A_793 = arith.constant 0 : i32
      %dma_start3A_794 = arith.constant 0 : i32
      %dma_start3A_795 = tpu.memref_slice %arg6[%dma_start3A_784, %dma_start3A_793, %dma_start3A_794] : memref<6x256x64xf32, #tpu.memory_space<vmem>> -> memref<1x256x64xf32, #tpu.memory_space<vmem>>
      %dma_start3A_796 = tpu.memref_squeeze %dma_start3A_795 : memref<1x256x64xf32, #tpu.memory_space<vmem>> -> memref<256x64xf32, #tpu.memory_space<vmem>>
      tpu.enqueue_dma source(%dma_start3A_796 : memref<256x64xf32, #tpu.memory_space<vmem>>) target(%dma_start3A_792 : memref<256x64xf32, #tpu.memory_space<hbm>>) target_semaphore(%arg8 : memref<!tpu.dma_semaphore, #tpu.memory_space<semaphore_mem>>)
      %sub3A = arith.constant 3 : i32
      %sub3A_797 = arith.subi %add3A_769, %sub3A : i32
      %mul3A_798 = arith.constant 256 : i32
      %mul3A_799 = arith.muli %sub3A_797, %mul3A_798 : i32
      %add3A_800 = arith.addi %mul3A_2, %mul3A_799 : i32
      %dma_wait3A_801 = arith.constant 3 : i32
      %dma_wait3A_802 = arith.constant 0 : i32
      %dma_wait3A_803 = arith.constant 0 : i32
      %dma_wait3A_804 = tpu.memref_slice %arg6[%dma_wait3A_801, %dma_wait3A_802, %dma_wait3A_803] : memref<6x256x64xf32, #tpu.memory_space<vmem>> -> memref<1x256x64xf32, #tpu.memory_space<vmem>>
      %dma_wait3A_805 = tpu.memref_squeeze %dma_wait3A_804 : memref<1x256x64xf32, #tpu.memory_space<vmem>> -> memref<256x64xf32, #tpu.memory_space<vmem>>
      %dma_wait3A_806 = arith.constant 0 : i32
      %dma_wait3A_807 = tpu.memref_slice %arg4[%add3A_800, %dma_wait3A_806] : memref<409600x64xf32, #tpu.memory_space<hbm>> -> memref<256x64xf32, #tpu.memory_space<hbm>>
      %dma_wait3A_808 = arith.constant 0 : i32
      %dma_wait3A_809 = tpu.memref_slice %arg4[%add3A_800, %dma_wait3A_808] : memref<409600x64xf32, #tpu.memory_space<hbm>> -> memref<256x64xf32, #tpu.memory_space<hbm>>
      %dma_wait3A_810 = arith.constant 0 : i32
      %dma_wait3A_811 = arith.constant 0 : i32
      %dma_wait3A_812 = tpu.memref_slice %arg6[%dma_wait3A_801, %dma_wait3A_810, %dma_wait3A_811] : memref<6x256x64xf32, #tpu.memory_space<vmem>> -> memref<1x256x64xf32, #tpu.memory_space<vmem>>
      %dma_wait3A_813 = tpu.memref_squeeze %dma_wait3A_812 : memref<1x256x64xf32, #tpu.memory_space<vmem>> -> memref<256x64xf32, #tpu.memory_space<vmem>>
      tpu.wait_dma2 semaphore(%arg11 : memref<!tpu.dma_semaphore, #tpu.memory_space<semaphore_mem>>) src(%dma_wait3A_813 : memref<256x64xf32, #tpu.memory_space<vmem>>) dst(%dma_wait3A_809 : memref<256x64xf32, #tpu.memory_space<hbm>>)
      %add3A_814 = arith.constant 3 : i32
      %add3A_815 = arith.addi %add3A_769, %add3A_814 : i32
      %dma_start3A_816 = arith.constant 3 : i32
      %dma_start3A_817 = arith.constant 0 : i32
      %dma_start3A_818 = arith.constant 0 : i32
      %dma_start3A_819 = tpu.memref_slice %arg6[%dma_start3A_816, %dma_start3A_817, %dma_start3A_818] : memref<6x256x64xf32, #tpu.memory_space<vmem>> -> memref<1x256x64xf32, #tpu.memory_space<vmem>>
      %dma_start3A_820 = tpu.memref_squeeze %dma_start3A_819 : memref<1x256x64xf32, #tpu.memory_space<vmem>> -> memref<256x64xf32, #tpu.memory_space<vmem>>
      %dma_start3A_821 = arith.constant 0 : i32
      %dma_start3A_822 = tpu.memref_slice %arg5[%add3A_815, %dma_start3A_821] : memref<50x256xi32, #tpu.memory_space<vmem>> -> memref<1x256xi32, #tpu.memory_space<vmem>>
      %dma_start3A_823 = tpu.memref_squeeze %dma_start3A_822 : memref<1x256xi32, #tpu.memory_space<vmem>> -> memref<256xi32, #tpu.memory_space<vmem>>
      %dma_start3A_824 = arith.constant 0 : i32
      %dma_start3A_825 = arith.constant 0 : i32
      %dma_start3A_826 = tpu.memref_slice %arg3[%dma_start3A_824, %dma_start3A_825] : memref<1000000x64xf32, #tpu.memory_space<hbm>> -> memref<1000000x64xf32, #tpu.memory_space<hbm>>
      tpu.enqueue_indirect_dma source(%dma_start3A_826 : memref<1000000x64xf32, #tpu.memory_space<hbm>>) target(%dma_start3A_820 : memref<256x64xf32, #tpu.memory_space<vmem>>) offsets(%dma_start3A_823 : memref<256xi32, #tpu.memory_space<vmem>>) semaphore(%arg7 : memref<!tpu.dma_semaphore, #tpu.memory_space<semaphore_mem>>)
      %mul3A_827 = arith.constant 6 : i32
      %mul3A_828 = arith.muli %add3A_765, %mul3A_827 : i32
      %add3A_829 = arith.constant 1 : i32
      %add3A_830 = arith.addi %mul3A_828, %add3A_829 : i32
      %dma_wait3A_831 = arith.constant 1 : i32
      %dma_wait3A_832 = arith.constant 0 : i32
      %dma_wait3A_833 = arith.constant 0 : i32
      %dma_wait3A_834 = tpu.memref_slice %arg6[%dma_wait3A_831, %dma_wait3A_832, %dma_wait3A_833] : memref<6x256x64xf32, #tpu.memory_space<vmem>> -> memref<1x256x64xf32, #tpu.memory_space<vmem>>
      %dma_wait3A_835 = tpu.memref_squeeze %dma_wait3A_834 : memref<1x256x64xf32, #tpu.memory_space<vmem>> -> memref<256x64xf32, #tpu.memory_space<vmem>>
      %dma_wait3A_836 = arith.constant 0 : i32
      %dma_wait3A_837 = tpu.memref_slice %arg5[%add3A_830, %dma_wait3A_836] : memref<50x256xi32, #tpu.memory_space<vmem>> -> memref<1x256xi32, #tpu.memory_space<vmem>>
      %dma_wait3A_838 = tpu.memref_squeeze %dma_wait3A_837 : memref<1x256xi32, #tpu.memory_space<vmem>> -> memref<256xi32, #tpu.memory_space<vmem>>
      %dma_wait3A_839 = arith.constant 0 : i32
      %dma_wait3A_840 = arith.constant 0 : i32
      %dma_wait3A_841 = tpu.memref_slice %arg3[%dma_wait3A_839, %dma_wait3A_840] : memref<1000000x64xf32, #tpu.memory_space<hbm>> -> memref<1000000x64xf32, #tpu.memory_space<hbm>>
      tpu.wait_indirect_dma semaphore(%arg7 : memref<!tpu.dma_semaphore, #tpu.memory_space<semaphore_mem>>) src(%dma_wait3A_841 : memref<1000000x64xf32, #tpu.memory_space<hbm>>) dst(%dma_wait3A_835 : memref<256x64xf32, #tpu.memory_space<vmem>>)
      %mul3A_842 = arith.constant 256 : i32
      %mul3A_843 = arith.muli %add3A_830, %mul3A_842 : i32
      %add3A_844 = arith.addi %mul3A_2, %mul3A_843 : i32
      %dma_start3A_845 = arith.constant 1 : i32
      %dma_start3A_846 = arith.constant 0 : i32
      %dma_start3A_847 = arith.constant 0 : i32
      %dma_start3A_848 = tpu.memref_slice %arg6[%dma_start3A_845, %dma_start3A_846, %dma_start3A_847] : memref<6x256x64xf32, #tpu.memory_space<vmem>> -> memref<1x256x64xf32, #tpu.memory_space<vmem>>
      %dma_start3A_849 = tpu.memref_squeeze %dma_start3A_848 : memref<1x256x64xf32, #tpu.memory_space<vmem>> -> memref<256x64xf32, #tpu.memory_space<vmem>>
      %dma_start3A_850 = arith.constant 0 : i32
      %dma_start3A_851 = tpu.memref_slice %arg4[%add3A_844, %dma_start3A_850] : memref<409600x64xf32, #tpu.memory_space<hbm>> -> memref<256x64xf32, #tpu.memory_space<hbm>>
      %dma_start3A_852 = arith.constant 0 : i32
      %dma_start3A_853 = tpu.memref_slice %arg4[%add3A_844, %dma_start3A_852] : memref<409600x64xf32, #tpu.memory_space<hbm>> -> memref<256x64xf32, #tpu.memory_space<hbm>>
      %dma_start3A_854 = arith.constant 0 : i32
      %dma_start3A_855 = arith.constant 0 : i32
      %dma_start3A_856 = tpu.memref_slice %arg6[%dma_start3A_845, %dma_start3A_854, %dma_start3A_855] : memref<6x256x64xf32, #tpu.memory_space<vmem>> -> memref<1x256x64xf32, #tpu.memory_space<vmem>>
      %dma_start3A_857 = tpu.memref_squeeze %dma_start3A_856 : memref<1x256x64xf32, #tpu.memory_space<vmem>> -> memref<256x64xf32, #tpu.memory_space<vmem>>
      tpu.enqueue_dma source(%dma_start3A_857 : memref<256x64xf32, #tpu.memory_space<vmem>>) target(%dma_start3A_853 : memref<256x64xf32, #tpu.memory_space<hbm>>) target_semaphore(%arg9 : memref<!tpu.dma_semaphore, #tpu.memory_space<semaphore_mem>>)
      %sub3A_858 = arith.constant 3 : i32
      %sub3A_859 = arith.subi %add3A_830, %sub3A_858 : i32
      %mul3A_860 = arith.constant 256 : i32
      %mul3A_861 = arith.muli %sub3A_859, %mul3A_860 : i32
      %add3A_862 = arith.addi %mul3A_2, %mul3A_861 : i32
      %dma_wait3A_863 = arith.constant 4 : i32
      %dma_wait3A_864 = arith.constant 0 : i32
      %dma_wait3A_865 = arith.constant 0 : i32
      %dma_wait3A_866 = tpu.memref_slice %arg6[%dma_wait3A_863, %dma_wait3A_864, %dma_wait3A_865] : memref<6x256x64xf32, #tpu.memory_space<vmem>> -> memref<1x256x64xf32, #tpu.memory_space<vmem>>
      %dma_wait3A_867 = tpu.memref_squeeze %dma_wait3A_866 : memref<1x256x64xf32, #tpu.memory_space<vmem>> -> memref<256x64xf32, #tpu.memory_space<vmem>>
      %dma_wait3A_868 = arith.constant 0 : i32
      %dma_wait3A_869 = tpu.memref_slice %arg4[%add3A_862, %dma_wait3A_868] : memref<409600x64xf32, #tpu.memory_space<hbm>> -> memref<256x64xf32, #tpu.memory_space<hbm>>
      %dma_wait3A_870 = arith.constant 0 : i32
      %dma_wait3A_871 = tpu.memref_slice %arg4[%add3A_862, %dma_wait3A_870] : memref<409600x64xf32, #tpu.memory_space<hbm>> -> memref<256x64xf32, #tpu.memory_space<hbm>>
      %dma_wait3A_872 = arith.constant 0 : i32
      %dma_wait3A_873 = arith.constant 0 : i32
      %dma_wait3A_874 = tpu.memref_slice %arg6[%dma_wait3A_863, %dma_wait3A_872, %dma_wait3A_873] : memref<6x256x64xf32, #tpu.memory_space<vmem>> -> memref<1x256x64xf32, #tpu.memory_space<vmem>>
      %dma_wait3A_875 = tpu.memref_squeeze %dma_wait3A_874 : memref<1x256x64xf32, #tpu.memory_space<vmem>> -> memref<256x64xf32, #tpu.memory_space<vmem>>
      tpu.wait_dma2 semaphore(%arg12 : memref<!tpu.dma_semaphore, #tpu.memory_space<semaphore_mem>>) src(%dma_wait3A_875 : memref<256x64xf32, #tpu.memory_space<vmem>>) dst(%dma_wait3A_871 : memref<256x64xf32, #tpu.memory_space<hbm>>)
      %add3A_876 = arith.constant 3 : i32
      %add3A_877 = arith.addi %add3A_830, %add3A_876 : i32
      %dma_start3A_878 = arith.constant 4 : i32
      %dma_start3A_879 = arith.constant 0 : i32
      %dma_start3A_880 = arith.constant 0 : i32
      %dma_start3A_881 = tpu.memref_slice %arg6[%dma_start3A_878, %dma_start3A_879, %dma_start3A_880] : memref<6x256x64xf32, #tpu.memory_space<vmem>> -> memref<1x256x64xf32, #tpu.memory_space<vmem>>
      %dma_start3A_882 = tpu.memref_squeeze %dma_start3A_881 : memref<1x256x64xf32, #tpu.memory_space<vmem>> -> memref<256x64xf32, #tpu.memory_space<vmem>>
      %dma_start3A_883 = arith.constant 0 : i32
      %dma_start3A_884 = tpu.memref_slice %arg5[%add3A_877, %dma_start3A_883] : memref<50x256xi32, #tpu.memory_space<vmem>> -> memref<1x256xi32, #tpu.memory_space<vmem>>
      %dma_start3A_885 = tpu.memref_squeeze %dma_start3A_884 : memref<1x256xi32, #tpu.memory_space<vmem>> -> memref<256xi32, #tpu.memory_space<vmem>>
      %dma_start3A_886 = arith.constant 0 : i32
      %dma_start3A_887 = arith.constant 0 : i32
      %dma_start3A_888 = tpu.memref_slice %arg3[%dma_start3A_886, %dma_start3A_887] : memref<1000000x64xf32, #tpu.memory_space<hbm>> -> memref<1000000x64xf32, #tpu.memory_space<hbm>>
      tpu.enqueue_indirect_dma source(%dma_start3A_888 : memref<1000000x64xf32, #tpu.memory_space<hbm>>) target(%dma_start3A_882 : memref<256x64xf32, #tpu.memory_space<vmem>>) offsets(%dma_start3A_885 : memref<256xi32, #tpu.memory_space<vmem>>) semaphore(%arg7 : memref<!tpu.dma_semaphore, #tpu.memory_space<semaphore_mem>>)
      %mul3A_889 = arith.constant 6 : i32
      %mul3A_890 = arith.muli %add3A_765, %mul3A_889 : i32
      %add3A_891 = arith.constant 2 : i32
      %add3A_892 = arith.addi %mul3A_890, %add3A_891 : i32
      %dma_wait3A_893 = arith.constant 2 : i32
      %dma_wait3A_894 = arith.constant 0 : i32
      %dma_wait3A_895 = arith.constant 0 : i32
      %dma_wait3A_896 = tpu.memref_slice %arg6[%dma_wait3A_893, %dma_wait3A_894, %dma_wait3A_895] : memref<6x256x64xf32, #tpu.memory_space<vmem>> -> memref<1x256x64xf32, #tpu.memory_space<vmem>>
      %dma_wait3A_897 = tpu.memref_squeeze %dma_wait3A_896 : memref<1x256x64xf32, #tpu.memory_space<vmem>> -> memref<256x64xf32, #tpu.memory_space<vmem>>
      %dma_wait3A_898 = arith.constant 0 : i32
      %dma_wait3A_899 = tpu.memref_slice %arg5[%add3A_892, %dma_wait3A_898] : memref<50x256xi32, #tpu.memory_space<vmem>> -> memref<1x256xi32, #tpu.memory_space<vmem>>
      %dma_wait3A_900 = tpu.memref_squeeze %dma_wait3A_899 : memref<1x256xi32, #tpu.memory_space<vmem>> -> memref<256xi32, #tpu.memory_space<vmem>>
      %dma_wait3A_901 = arith.constant 0 : i32
      %dma_wait3A_902 = arith.constant 0 : i32
      %dma_wait3A_903 = tpu.memref_slice %arg3[%dma_wait3A_901, %dma_wait3A_902] : memref<1000000x64xf32, #tpu.memory_space<hbm>> -> memref<1000000x64xf32, #tpu.memory_space<hbm>>
      tpu.wait_indirect_dma semaphore(%arg7 : memref<!tpu.dma_semaphore, #tpu.memory_space<semaphore_mem>>) src(%dma_wait3A_903 : memref<1000000x64xf32, #tpu.memory_space<hbm>>) dst(%dma_wait3A_897 : memref<256x64xf32, #tpu.memory_space<vmem>>)
      %mul3A_904 = arith.constant 256 : i32
      %mul3A_905 = arith.muli %add3A_892, %mul3A_904 : i32
      %add3A_906 = arith.addi %mul3A_2, %mul3A_905 : i32
      %dma_start3A_907 = arith.constant 2 : i32
      %dma_start3A_908 = arith.constant 0 : i32
      %dma_start3A_909 = arith.constant 0 : i32
      %dma_start3A_910 = tpu.memref_slice %arg6[%dma_start3A_907, %dma_start3A_908, %dma_start3A_909] : memref<6x256x64xf32, #tpu.memory_space<vmem>> -> memref<1x256x64xf32, #tpu.memory_space<vmem>>
      %dma_start3A_911 = tpu.memref_squeeze %dma_start3A_910 : memref<1x256x64xf32, #tpu.memory_space<vmem>> -> memref<256x64xf32, #tpu.memory_space<vmem>>
      %dma_start3A_912 = arith.constant 0 : i32
      %dma_start3A_913 = tpu.memref_slice %arg4[%add3A_906, %dma_start3A_912] : memref<409600x64xf32, #tpu.memory_space<hbm>> -> memref<256x64xf32, #tpu.memory_space<hbm>>
      %dma_start3A_914 = arith.constant 0 : i32
      %dma_start3A_915 = tpu.memref_slice %arg4[%add3A_906, %dma_start3A_914] : memref<409600x64xf32, #tpu.memory_space<hbm>> -> memref<256x64xf32, #tpu.memory_space<hbm>>
      %dma_start3A_916 = arith.constant 0 : i32
      %dma_start3A_917 = arith.constant 0 : i32
      %dma_start3A_918 = tpu.memref_slice %arg6[%dma_start3A_907, %dma_start3A_916, %dma_start3A_917] : memref<6x256x64xf32, #tpu.memory_space<vmem>> -> memref<1x256x64xf32, #tpu.memory_space<vmem>>
      %dma_start3A_919 = tpu.memref_squeeze %dma_start3A_918 : memref<1x256x64xf32, #tpu.memory_space<vmem>> -> memref<256x64xf32, #tpu.memory_space<vmem>>
      tpu.enqueue_dma source(%dma_start3A_919 : memref<256x64xf32, #tpu.memory_space<vmem>>) target(%dma_start3A_915 : memref<256x64xf32, #tpu.memory_space<hbm>>) target_semaphore(%arg10 : memref<!tpu.dma_semaphore, #tpu.memory_space<semaphore_mem>>)
      %sub3A_920 = arith.constant 3 : i32
      %sub3A_921 = arith.subi %add3A_892, %sub3A_920 : i32
      %mul3A_922 = arith.constant 256 : i32
      %mul3A_923 = arith.muli %sub3A_921, %mul3A_922 : i32
      %add3A_924 = arith.addi %mul3A_2, %mul3A_923 : i32
      %dma_wait3A_925 = arith.constant 5 : i32
      %dma_wait3A_926 = arith.constant 0 : i32
      %dma_wait3A_927 = arith.constant 0 : i32
      %dma_wait3A_928 = tpu.memref_slice %arg6[%dma_wait3A_925, %dma_wait3A_926, %dma_wait3A_927] : memref<6x256x64xf32, #tpu.memory_space<vmem>> -> memref<1x256x64xf32, #tpu.memory_space<vmem>>
      %dma_wait3A_929 = tpu.memref_squeeze %dma_wait3A_928 : memref<1x256x64xf32, #tpu.memory_space<vmem>> -> memref<256x64xf32, #tpu.memory_space<vmem>>
      %dma_wait3A_930 = arith.constant 0 : i32
      %dma_wait3A_931 = tpu.memref_slice %arg4[%add3A_924, %dma_wait3A_930] : memref<409600x64xf32, #tpu.memory_space<hbm>> -> memref<256x64xf32, #tpu.memory_space<hbm>>
      %dma_wait3A_932 = arith.constant 0 : i32
      %dma_wait3A_933 = tpu.memref_slice %arg4[%add3A_924, %dma_wait3A_932] : memref<409600x64xf32, #tpu.memory_space<hbm>> -> memref<256x64xf32, #tpu.memory_space<hbm>>
      %dma_wait3A_934 = arith.constant 0 : i32
      %dma_wait3A_935 = arith.constant 0 : i32
      %dma_wait3A_936 = tpu.memref_slice %arg6[%dma_wait3A_925, %dma_wait3A_934, %dma_wait3A_935] : memref<6x256x64xf32, #tpu.memory_space<vmem>> -> memref<1x256x64xf32, #tpu.memory_space<vmem>>
      %dma_wait3A_937 = tpu.memref_squeeze %dma_wait3A_936 : memref<1x256x64xf32, #tpu.memory_space<vmem>> -> memref<256x64xf32, #tpu.memory_space<vmem>>
      tpu.wait_dma2 semaphore(%arg13 : memref<!tpu.dma_semaphore, #tpu.memory_space<semaphore_mem>>) src(%dma_wait3A_937 : memref<256x64xf32, #tpu.memory_space<vmem>>) dst(%dma_wait3A_933 : memref<256x64xf32, #tpu.memory_space<hbm>>)
      %add3A_938 = arith.constant 3 : i32
      %add3A_939 = arith.addi %add3A_892, %add3A_938 : i32
      %dma_start3A_940 = arith.constant 5 : i32
      %dma_start3A_941 = arith.constant 0 : i32
      %dma_start3A_942 = arith.constant 0 : i32
      %dma_start3A_943 = tpu.memref_slice %arg6[%dma_start3A_940, %dma_start3A_941, %dma_start3A_942] : memref<6x256x64xf32, #tpu.memory_space<vmem>> -> memref<1x256x64xf32, #tpu.memory_space<vmem>>
      %dma_start3A_944 = tpu.memref_squeeze %dma_start3A_943 : memref<1x256x64xf32, #tpu.memory_space<vmem>> -> memref<256x64xf32, #tpu.memory_space<vmem>>
      %dma_start3A_945 = arith.constant 0 : i32
      %dma_start3A_946 = tpu.memref_slice %arg5[%add3A_939, %dma_start3A_945] : memref<50x256xi32, #tpu.memory_space<vmem>> -> memref<1x256xi32, #tpu.memory_space<vmem>>
      %dma_start3A_947 = tpu.memref_squeeze %dma_start3A_946 : memref<1x256xi32, #tpu.memory_space<vmem>> -> memref<256xi32, #tpu.memory_space<vmem>>
      %dma_start3A_948 = arith.constant 0 : i32
      %dma_start3A_949 = arith.constant 0 : i32
      %dma_start3A_950 = tpu.memref_slice %arg3[%dma_start3A_948, %dma_start3A_949] : memref<1000000x64xf32, #tpu.memory_space<hbm>> -> memref<1000000x64xf32, #tpu.memory_space<hbm>>
      tpu.enqueue_indirect_dma source(%dma_start3A_950 : memref<1000000x64xf32, #tpu.memory_space<hbm>>) target(%dma_start3A_944 : memref<256x64xf32, #tpu.memory_space<vmem>>) offsets(%dma_start3A_947 : memref<256xi32, #tpu.memory_space<vmem>>) semaphore(%arg7 : memref<!tpu.dma_semaphore, #tpu.memory_space<semaphore_mem>>)
      %mul3A_951 = arith.constant 6 : i32
      %mul3A_952 = arith.muli %add3A_765, %mul3A_951 : i32
      %add3A_953 = arith.constant 3 : i32
      %add3A_954 = arith.addi %mul3A_952, %add3A_953 : i32
      %dma_wait3A_955 = arith.constant 3 : i32
      %dma_wait3A_956 = arith.constant 0 : i32
      %dma_wait3A_957 = arith.constant 0 : i32
      %dma_wait3A_958 = tpu.memref_slice %arg6[%dma_wait3A_955, %dma_wait3A_956, %dma_wait3A_957] : memref<6x256x64xf32, #tpu.memory_space<vmem>> -> memref<1x256x64xf32, #tpu.memory_space<vmem>>
      %dma_wait3A_959 = tpu.memref_squeeze %dma_wait3A_958 : memref<1x256x64xf32, #tpu.memory_space<vmem>> -> memref<256x64xf32, #tpu.memory_space<vmem>>
      %dma_wait3A_960 = arith.constant 0 : i32
      %dma_wait3A_961 = tpu.memref_slice %arg5[%add3A_954, %dma_wait3A_960] : memref<50x256xi32, #tpu.memory_space<vmem>> -> memref<1x256xi32, #tpu.memory_space<vmem>>
      %dma_wait3A_962 = tpu.memref_squeeze %dma_wait3A_961 : memref<1x256xi32, #tpu.memory_space<vmem>> -> memref<256xi32, #tpu.memory_space<vmem>>
      %dma_wait3A_963 = arith.constant 0 : i32
      %dma_wait3A_964 = arith.constant 0 : i32
      %dma_wait3A_965 = tpu.memref_slice %arg3[%dma_wait3A_963, %dma_wait3A_964] : memref<1000000x64xf32, #tpu.memory_space<hbm>> -> memref<1000000x64xf32, #tpu.memory_space<hbm>>
      tpu.wait_indirect_dma semaphore(%arg7 : memref<!tpu.dma_semaphore, #tpu.memory_space<semaphore_mem>>) src(%dma_wait3A_965 : memref<1000000x64xf32, #tpu.memory_space<hbm>>) dst(%dma_wait3A_959 : memref<256x64xf32, #tpu.memory_space<vmem>>)
      %mul3A_966 = arith.constant 256 : i32
      %mul3A_967 = arith.muli %add3A_954, %mul3A_966 : i32
      %add3A_968 = arith.addi %mul3A_2, %mul3A_967 : i32
      %dma_start3A_969 = arith.constant 3 : i32
      %dma_start3A_970 = arith.constant 0 : i32
      %dma_start3A_971 = arith.constant 0 : i32
      %dma_start3A_972 = tpu.memref_slice %arg6[%dma_start3A_969, %dma_start3A_970, %dma_start3A_971] : memref<6x256x64xf32, #tpu.memory_space<vmem>> -> memref<1x256x64xf32, #tpu.memory_space<vmem>>
      %dma_start3A_973 = tpu.memref_squeeze %dma_start3A_972 : memref<1x256x64xf32, #tpu.memory_space<vmem>> -> memref<256x64xf32, #tpu.memory_space<vmem>>
      %dma_start3A_974 = arith.constant 0 : i32
      %dma_start3A_975 = tpu.memref_slice %arg4[%add3A_968, %dma_start3A_974] : memref<409600x64xf32, #tpu.memory_space<hbm>> -> memref<256x64xf32, #tpu.memory_space<hbm>>
      %dma_start3A_976 = arith.constant 0 : i32
      %dma_start3A_977 = tpu.memref_slice %arg4[%add3A_968, %dma_start3A_976] : memref<409600x64xf32, #tpu.memory_space<hbm>> -> memref<256x64xf32, #tpu.memory_space<hbm>>
      %dma_start3A_978 = arith.constant 0 : i32
      %dma_start3A_979 = arith.constant 0 : i32
      %dma_start3A_980 = tpu.memref_slice %arg6[%dma_start3A_969, %dma_start3A_978, %dma_start3A_979] : memref<6x256x64xf32, #tpu.memory_space<vmem>> -> memref<1x256x64xf32, #tpu.memory_space<vmem>>
      %dma_start3A_981 = tpu.memref_squeeze %dma_start3A_980 : memref<1x256x64xf32, #tpu.memory_space<vmem>> -> memref<256x64xf32, #tpu.memory_space<vmem>>
      tpu.enqueue_dma source(%dma_start3A_981 : memref<256x64xf32, #tpu.memory_space<vmem>>) target(%dma_start3A_977 : memref<256x64xf32, #tpu.memory_space<hbm>>) target_semaphore(%arg11 : memref<!tpu.dma_semaphore, #tpu.memory_space<semaphore_mem>>)
      %sub3A_982 = arith.constant 3 : i32
      %sub3A_983 = arith.subi %add3A_954, %sub3A_982 : i32
      %mul3A_984 = arith.constant 256 : i32
      %mul3A_985 = arith.muli %sub3A_983, %mul3A_984 : i32
      %add3A_986 = arith.addi %mul3A_2, %mul3A_985 : i32
      %dma_wait3A_987 = arith.constant 0 : i32
      %dma_wait3A_988 = arith.constant 0 : i32
      %dma_wait3A_989 = arith.constant 0 : i32
      %dma_wait3A_990 = tpu.memref_slice %arg6[%dma_wait3A_987, %dma_wait3A_988, %dma_wait3A_989] : memref<6x256x64xf32, #tpu.memory_space<vmem>> -> memref<1x256x64xf32, #tpu.memory_space<vmem>>
      %dma_wait3A_991 = tpu.memref_squeeze %dma_wait3A_990 : memref<1x256x64xf32, #tpu.memory_space<vmem>> -> memref<256x64xf32, #tpu.memory_space<vmem>>
      %dma_wait3A_992 = arith.constant 0 : i32
      %dma_wait3A_993 = tpu.memref_slice %arg4[%add3A_986, %dma_wait3A_992] : memref<409600x64xf32, #tpu.memory_space<hbm>> -> memref<256x64xf32, #tpu.memory_space<hbm>>
      %dma_wait3A_994 = arith.constant 0 : i32
      %dma_wait3A_995 = tpu.memref_slice %arg4[%add3A_986, %dma_wait3A_994] : memref<409600x64xf32, #tpu.memory_space<hbm>> -> memref<256x64xf32, #tpu.memory_space<hbm>>
      %dma_wait3A_996 = arith.constant 0 : i32
      %dma_wait3A_997 = arith.constant 0 : i32
      %dma_wait3A_998 = tpu.memref_slice %arg6[%dma_wait3A_987, %dma_wait3A_996, %dma_wait3A_997] : memref<6x256x64xf32, #tpu.memory_space<vmem>> -> memref<1x256x64xf32, #tpu.memory_space<vmem>>
      %dma_wait3A_999 = tpu.memref_squeeze %dma_wait3A_998 : memref<1x256x64xf32, #tpu.memory_space<vmem>> -> memref<256x64xf32, #tpu.memory_space<vmem>>
      tpu.wait_dma2 semaphore(%arg8 : memref<!tpu.dma_semaphore, #tpu.memory_space<semaphore_mem>>) src(%dma_wait3A_999 : memref<256x64xf32, #tpu.memory_space<vmem>>) dst(%dma_wait3A_995 : memref<256x64xf32, #tpu.memory_space<hbm>>)
      %add3A_1000 = arith.constant 3 : i32
      %add3A_1001 = arith.addi %add3A_954, %add3A_1000 : i32
      %dma_start3A_1002 = arith.constant 0 : i32
      %dma_start3A_1003 = arith.constant 0 : i32
      %dma_start3A_1004 = arith.constant 0 : i32
      %dma_start3A_1005 = tpu.memref_slice %arg6[%dma_start3A_1002, %dma_start3A_1003, %dma_start3A_1004] : memref<6x256x64xf32, #tpu.memory_space<vmem>> -> memref<1x256x64xf32, #tpu.memory_space<vmem>>
      %dma_start3A_1006 = tpu.memref_squeeze %dma_start3A_1005 : memref<1x256x64xf32, #tpu.memory_space<vmem>> -> memref<256x64xf32, #tpu.memory_space<vmem>>
      %dma_start3A_1007 = arith.constant 0 : i32
      %dma_start3A_1008 = tpu.memref_slice %arg5[%add3A_1001, %dma_start3A_1007] : memref<50x256xi32, #tpu.memory_space<vmem>> -> memref<1x256xi32, #tpu.memory_space<vmem>>
      %dma_start3A_1009 = tpu.memref_squeeze %dma_start3A_1008 : memref<1x256xi32, #tpu.memory_space<vmem>> -> memref<256xi32, #tpu.memory_space<vmem>>
      %dma_start3A_1010 = arith.constant 0 : i32
      %dma_start3A_1011 = arith.constant 0 : i32
      %dma_start3A_1012 = tpu.memref_slice %arg3[%dma_start3A_1010, %dma_start3A_1011] : memref<1000000x64xf32, #tpu.memory_space<hbm>> -> memref<1000000x64xf32, #tpu.memory_space<hbm>>
      tpu.enqueue_indirect_dma source(%dma_start3A_1012 : memref<1000000x64xf32, #tpu.memory_space<hbm>>) target(%dma_start3A_1006 : memref<256x64xf32, #tpu.memory_space<vmem>>) offsets(%dma_start3A_1009 : memref<256xi32, #tpu.memory_space<vmem>>) semaphore(%arg7 : memref<!tpu.dma_semaphore, #tpu.memory_space<semaphore_mem>>)
      %mul3A_1013 = arith.constant 6 : i32
      %mul3A_1014 = arith.muli %add3A_765, %mul3A_1013 : i32
      %add3A_1015 = arith.constant 4 : i32
      %add3A_1016 = arith.addi %mul3A_1014, %add3A_1015 : i32
      %dma_wait3A_1017 = arith.constant 4 : i32
      %dma_wait3A_1018 = arith.constant 0 : i32
      %dma_wait3A_1019 = arith.constant 0 : i32
      %dma_wait3A_1020 = tpu.memref_slice %arg6[%dma_wait3A_1017, %dma_wait3A_1018, %dma_wait3A_1019] : memref<6x256x64xf32, #tpu.memory_space<vmem>> -> memref<1x256x64xf32, #tpu.memory_space<vmem>>
      %dma_wait3A_1021 = tpu.memref_squeeze %dma_wait3A_1020 : memref<1x256x64xf32, #tpu.memory_space<vmem>> -> memref<256x64xf32, #tpu.memory_space<vmem>>
      %dma_wait3A_1022 = arith.constant 0 : i32
      %dma_wait3A_1023 = tpu.memref_slice %arg5[%add3A_1016, %dma_wait3A_1022] : memref<50x256xi32, #tpu.memory_space<vmem>> -> memref<1x256xi32, #tpu.memory_space<vmem>>
      %dma_wait3A_1024 = tpu.memref_squeeze %dma_wait3A_1023 : memref<1x256xi32, #tpu.memory_space<vmem>> -> memref<256xi32, #tpu.memory_space<vmem>>
      %dma_wait3A_1025 = arith.constant 0 : i32
      %dma_wait3A_1026 = arith.constant 0 : i32
      %dma_wait3A_1027 = tpu.memref_slice %arg3[%dma_wait3A_1025, %dma_wait3A_1026] : memref<1000000x64xf32, #tpu.memory_space<hbm>> -> memref<1000000x64xf32, #tpu.memory_space<hbm>>
      tpu.wait_indirect_dma semaphore(%arg7 : memref<!tpu.dma_semaphore, #tpu.memory_space<semaphore_mem>>) src(%dma_wait3A_1027 : memref<1000000x64xf32, #tpu.memory_space<hbm>>) dst(%dma_wait3A_1021 : memref<256x64xf32, #tpu.memory_space<vmem>>)
      %mul3A_1028 = arith.constant 256 : i32
      %mul3A_1029 = arith.muli %add3A_1016, %mul3A_1028 : i32
      %add3A_1030 = arith.addi %mul3A_2, %mul3A_1029 : i32
      %dma_start3A_1031 = arith.constant 4 : i32
      %dma_start3A_1032 = arith.constant 0 : i32
      %dma_start3A_1033 = arith.constant 0 : i32
      %dma_start3A_1034 = tpu.memref_slice %arg6[%dma_start3A_1031, %dma_start3A_1032, %dma_start3A_1033] : memref<6x256x64xf32, #tpu.memory_space<vmem>> -> memref<1x256x64xf32, #tpu.memory_space<vmem>>
      %dma_start3A_1035 = tpu.memref_squeeze %dma_start3A_1034 : memref<1x256x64xf32, #tpu.memory_space<vmem>> -> memref<256x64xf32, #tpu.memory_space<vmem>>
      %dma_start3A_1036 = arith.constant 0 : i32
      %dma_start3A_1037 = tpu.memref_slice %arg4[%add3A_1030, %dma_start3A_1036] : memref<409600x64xf32, #tpu.memory_space<hbm>> -> memref<256x64xf32, #tpu.memory_space<hbm>>
      %dma_start3A_1038 = arith.constant 0 : i32
      %dma_start3A_1039 = tpu.memref_slice %arg4[%add3A_1030, %dma_start3A_1038] : memref<409600x64xf32, #tpu.memory_space<hbm>> -> memref<256x64xf32, #tpu.memory_space<hbm>>
      %dma_start3A_1040 = arith.constant 0 : i32
      %dma_start3A_1041 = arith.constant 0 : i32
      %dma_start3A_1042 = tpu.memref_slice %arg6[%dma_start3A_1031, %dma_start3A_1040, %dma_start3A_1041] : memref<6x256x64xf32, #tpu.memory_space<vmem>> -> memref<1x256x64xf32, #tpu.memory_space<vmem>>
      %dma_start3A_1043 = tpu.memref_squeeze %dma_start3A_1042 : memref<1x256x64xf32, #tpu.memory_space<vmem>> -> memref<256x64xf32, #tpu.memory_space<vmem>>
      tpu.enqueue_dma source(%dma_start3A_1043 : memref<256x64xf32, #tpu.memory_space<vmem>>) target(%dma_start3A_1039 : memref<256x64xf32, #tpu.memory_space<hbm>>) target_semaphore(%arg12 : memref<!tpu.dma_semaphore, #tpu.memory_space<semaphore_mem>>)
      %sub3A_1044 = arith.constant 3 : i32
      %sub3A_1045 = arith.subi %add3A_1016, %sub3A_1044 : i32
      %mul3A_1046 = arith.constant 256 : i32
      %mul3A_1047 = arith.muli %sub3A_1045, %mul3A_1046 : i32
      %add3A_1048 = arith.addi %mul3A_2, %mul3A_1047 : i32
      %dma_wait3A_1049 = arith.constant 1 : i32
      %dma_wait3A_1050 = arith.constant 0 : i32
      %dma_wait3A_1051 = arith.constant 0 : i32
      %dma_wait3A_1052 = tpu.memref_slice %arg6[%dma_wait3A_1049, %dma_wait3A_1050, %dma_wait3A_1051] : memref<6x256x64xf32, #tpu.memory_space<vmem>> -> memref<1x256x64xf32, #tpu.memory_space<vmem>>
      %dma_wait3A_1053 = tpu.memref_squeeze %dma_wait3A_1052 : memref<1x256x64xf32, #tpu.memory_space<vmem>> -> memref<256x64xf32, #tpu.memory_space<vmem>>
      %dma_wait3A_1054 = arith.constant 0 : i32
      %dma_wait3A_1055 = tpu.memref_slice %arg4[%add3A_1048, %dma_wait3A_1054] : memref<409600x64xf32, #tpu.memory_space<hbm>> -> memref<256x64xf32, #tpu.memory_space<hbm>>
      %dma_wait3A_1056 = arith.constant 0 : i32
      %dma_wait3A_1057 = tpu.memref_slice %arg4[%add3A_1048, %dma_wait3A_1056] : memref<409600x64xf32, #tpu.memory_space<hbm>> -> memref<256x64xf32, #tpu.memory_space<hbm>>
      %dma_wait3A_1058 = arith.constant 0 : i32
      %dma_wait3A_1059 = arith.constant 0 : i32
      %dma_wait3A_1060 = tpu.memref_slice %arg6[%dma_wait3A_1049, %dma_wait3A_1058, %dma_wait3A_1059] : memref<6x256x64xf32, #tpu.memory_space<vmem>> -> memref<1x256x64xf32, #tpu.memory_space<vmem>>
      %dma_wait3A_1061 = tpu.memref_squeeze %dma_wait3A_1060 : memref<1x256x64xf32, #tpu.memory_space<vmem>> -> memref<256x64xf32, #tpu.memory_space<vmem>>
      tpu.wait_dma2 semaphore(%arg9 : memref<!tpu.dma_semaphore, #tpu.memory_space<semaphore_mem>>) src(%dma_wait3A_1061 : memref<256x64xf32, #tpu.memory_space<vmem>>) dst(%dma_wait3A_1057 : memref<256x64xf32, #tpu.memory_space<hbm>>)
      %add3A_1062 = arith.constant 3 : i32
      %add3A_1063 = arith.addi %add3A_1016, %add3A_1062 : i32
      %dma_start3A_1064 = arith.constant 1 : i32
      %dma_start3A_1065 = arith.constant 0 : i32
      %dma_start3A_1066 = arith.constant 0 : i32
      %dma_start3A_1067 = tpu.memref_slice %arg6[%dma_start3A_1064, %dma_start3A_1065, %dma_start3A_1066] : memref<6x256x64xf32, #tpu.memory_space<vmem>> -> memref<1x256x64xf32, #tpu.memory_space<vmem>>
      %dma_start3A_1068 = tpu.memref_squeeze %dma_start3A_1067 : memref<1x256x64xf32, #tpu.memory_space<vmem>> -> memref<256x64xf32, #tpu.memory_space<vmem>>
      %dma_start3A_1069 = arith.constant 0 : i32
      %dma_start3A_1070 = tpu.memref_slice %arg5[%add3A_1063, %dma_start3A_1069] : memref<50x256xi32, #tpu.memory_space<vmem>> -> memref<1x256xi32, #tpu.memory_space<vmem>>
      %dma_start3A_1071 = tpu.memref_squeeze %dma_start3A_1070 : memref<1x256xi32, #tpu.memory_space<vmem>> -> memref<256xi32, #tpu.memory_space<vmem>>
      %dma_start3A_1072 = arith.constant 0 : i32
      %dma_start3A_1073 = arith.constant 0 : i32
      %dma_start3A_1074 = tpu.memref_slice %arg3[%dma_start3A_1072, %dma_start3A_1073] : memref<1000000x64xf32, #tpu.memory_space<hbm>> -> memref<1000000x64xf32, #tpu.memory_space<hbm>>
      tpu.enqueue_indirect_dma source(%dma_start3A_1074 : memref<1000000x64xf32, #tpu.memory_space<hbm>>) target(%dma_start3A_1068 : memref<256x64xf32, #tpu.memory_space<vmem>>) offsets(%dma_start3A_1071 : memref<256xi32, #tpu.memory_space<vmem>>) semaphore(%arg7 : memref<!tpu.dma_semaphore, #tpu.memory_space<semaphore_mem>>)
      %mul3A_1075 = arith.constant 6 : i32
      %mul3A_1076 = arith.muli %add3A_765, %mul3A_1075 : i32
      %add3A_1077 = arith.constant 5 : i32
      %add3A_1078 = arith.addi %mul3A_1076, %add3A_1077 : i32
      %dma_wait3A_1079 = arith.constant 5 : i32
      %dma_wait3A_1080 = arith.constant 0 : i32
      %dma_wait3A_1081 = arith.constant 0 : i32
      %dma_wait3A_1082 = tpu.memref_slice %arg6[%dma_wait3A_1079, %dma_wait3A_1080, %dma_wait3A_1081] : memref<6x256x64xf32, #tpu.memory_space<vmem>> -> memref<1x256x64xf32, #tpu.memory_space<vmem>>
      %dma_wait3A_1083 = tpu.memref_squeeze %dma_wait3A_1082 : memref<1x256x64xf32, #tpu.memory_space<vmem>> -> memref<256x64xf32, #tpu.memory_space<vmem>>
      %dma_wait3A_1084 = arith.constant 0 : i32
      %dma_wait3A_1085 = tpu.memref_slice %arg5[%add3A_1078, %dma_wait3A_1084] : memref<50x256xi32, #tpu.memory_space<vmem>> -> memref<1x256xi32, #tpu.memory_space<vmem>>
      %dma_wait3A_1086 = tpu.memref_squeeze %dma_wait3A_1085 : memref<1x256xi32, #tpu.memory_space<vmem>> -> memref<256xi32, #tpu.memory_space<vmem>>
      %dma_wait3A_1087 = arith.constant 0 : i32
      %dma_wait3A_1088 = arith.constant 0 : i32
      %dma_wait3A_1089 = tpu.memref_slice %arg3[%dma_wait3A_1087, %dma_wait3A_1088] : memref<1000000x64xf32, #tpu.memory_space<hbm>> -> memref<1000000x64xf32, #tpu.memory_space<hbm>>
      tpu.wait_indirect_dma semaphore(%arg7 : memref<!tpu.dma_semaphore, #tpu.memory_space<semaphore_mem>>) src(%dma_wait3A_1089 : memref<1000000x64xf32, #tpu.memory_space<hbm>>) dst(%dma_wait3A_1083 : memref<256x64xf32, #tpu.memory_space<vmem>>)
      %mul3A_1090 = arith.constant 256 : i32
      %mul3A_1091 = arith.muli %add3A_1078, %mul3A_1090 : i32
      %add3A_1092 = arith.addi %mul3A_2, %mul3A_1091 : i32
      %dma_start3A_1093 = arith.constant 5 : i32
      %dma_start3A_1094 = arith.constant 0 : i32
      %dma_start3A_1095 = arith.constant 0 : i32
      %dma_start3A_1096 = tpu.memref_slice %arg6[%dma_start3A_1093, %dma_start3A_1094, %dma_start3A_1095] : memref<6x256x64xf32, #tpu.memory_space<vmem>> -> memref<1x256x64xf32, #tpu.memory_space<vmem>>
      %dma_start3A_1097 = tpu.memref_squeeze %dma_start3A_1096 : memref<1x256x64xf32, #tpu.memory_space<vmem>> -> memref<256x64xf32, #tpu.memory_space<vmem>>
      %dma_start3A_1098 = arith.constant 0 : i32
      %dma_start3A_1099 = tpu.memref_slice %arg4[%add3A_1092, %dma_start3A_1098] : memref<409600x64xf32, #tpu.memory_space<hbm>> -> memref<256x64xf32, #tpu.memory_space<hbm>>
      %dma_start3A_1100 = arith.constant 0 : i32
      %dma_start3A_1101 = tpu.memref_slice %arg4[%add3A_1092, %dma_start3A_1100] : memref<409600x64xf32, #tpu.memory_space<hbm>> -> memref<256x64xf32, #tpu.memory_space<hbm>>
      %dma_start3A_1102 = arith.constant 0 : i32
      %dma_start3A_1103 = arith.constant 0 : i32
      %dma_start3A_1104 = tpu.memref_slice %arg6[%dma_start3A_1093, %dma_start3A_1102, %dma_start3A_1103] : memref<6x256x64xf32, #tpu.memory_space<vmem>> -> memref<1x256x64xf32, #tpu.memory_space<vmem>>
      %dma_start3A_1105 = tpu.memref_squeeze %dma_start3A_1104 : memref<1x256x64xf32, #tpu.memory_space<vmem>> -> memref<256x64xf32, #tpu.memory_space<vmem>>
      tpu.enqueue_dma source(%dma_start3A_1105 : memref<256x64xf32, #tpu.memory_space<vmem>>) target(%dma_start3A_1101 : memref<256x64xf32, #tpu.memory_space<hbm>>) target_semaphore(%arg13 : memref<!tpu.dma_semaphore, #tpu.memory_space<semaphore_mem>>)
      %sub3A_1106 = arith.constant 3 : i32
      %sub3A_1107 = arith.subi %add3A_1078, %sub3A_1106 : i32
      %mul3A_1108 = arith.constant 256 : i32
      %mul3A_1109 = arith.muli %sub3A_1107, %mul3A_1108 : i32
      %add3A_1110 = arith.addi %mul3A_2, %mul3A_1109 : i32
      %dma_wait3A_1111 = arith.constant 2 : i32
      %dma_wait3A_1112 = arith.constant 0 : i32
      %dma_wait3A_1113 = arith.constant 0 : i32
      %dma_wait3A_1114 = tpu.memref_slice %arg6[%dma_wait3A_1111, %dma_wait3A_1112, %dma_wait3A_1113] : memref<6x256x64xf32, #tpu.memory_space<vmem>> -> memref<1x256x64xf32, #tpu.memory_space<vmem>>
      %dma_wait3A_1115 = tpu.memref_squeeze %dma_wait3A_1114 : memref<1x256x64xf32, #tpu.memory_space<vmem>> -> memref<256x64xf32, #tpu.memory_space<vmem>>
      %dma_wait3A_1116 = arith.constant 0 : i32
      %dma_wait3A_1117 = tpu.memref_slice %arg4[%add3A_1110, %dma_wait3A_1116] : memref<409600x64xf32, #tpu.memory_space<hbm>> -> memref<256x64xf32, #tpu.memory_space<hbm>>
      %dma_wait3A_1118 = arith.constant 0 : i32
      %dma_wait3A_1119 = tpu.memref_slice %arg4[%add3A_1110, %dma_wait3A_1118] : memref<409600x64xf32, #tpu.memory_space<hbm>> -> memref<256x64xf32, #tpu.memory_space<hbm>>
      %dma_wait3A_1120 = arith.constant 0 : i32
      %dma_wait3A_1121 = arith.constant 0 : i32
      %dma_wait3A_1122 = tpu.memref_slice %arg6[%dma_wait3A_1111, %dma_wait3A_1120, %dma_wait3A_1121] : memref<6x256x64xf32, #tpu.memory_space<vmem>> -> memref<1x256x64xf32, #tpu.memory_space<vmem>>
      %dma_wait3A_1123 = tpu.memref_squeeze %dma_wait3A_1122 : memref<1x256x64xf32, #tpu.memory_space<vmem>> -> memref<256x64xf32, #tpu.memory_space<vmem>>
      tpu.wait_dma2 semaphore(%arg10 : memref<!tpu.dma_semaphore, #tpu.memory_space<semaphore_mem>>) src(%dma_wait3A_1123 : memref<256x64xf32, #tpu.memory_space<vmem>>) dst(%dma_wait3A_1119 : memref<256x64xf32, #tpu.memory_space<hbm>>)
      %add3A_1124 = arith.constant 3 : i32
      %add3A_1125 = arith.addi %add3A_1078, %add3A_1124 : i32
      %dma_start3A_1126 = arith.constant 2 : i32
      %dma_start3A_1127 = arith.constant 0 : i32
      %dma_start3A_1128 = arith.constant 0 : i32
      %dma_start3A_1129 = tpu.memref_slice %arg6[%dma_start3A_1126, %dma_start3A_1127, %dma_start3A_1128] : memref<6x256x64xf32, #tpu.memory_space<vmem>> -> memref<1x256x64xf32, #tpu.memory_space<vmem>>
      %dma_start3A_1130 = tpu.memref_squeeze %dma_start3A_1129 : memref<1x256x64xf32, #tpu.memory_space<vmem>> -> memref<256x64xf32, #tpu.memory_space<vmem>>
      %dma_start3A_1131 = arith.constant 0 : i32
      %dma_start3A_1132 = tpu.memref_slice %arg5[%add3A_1125, %dma_start3A_1131] : memref<50x256xi32, #tpu.memory_space<vmem>> -> memref<1x256xi32, #tpu.memory_space<vmem>>
      %dma_start3A_1133 = tpu.memref_squeeze %dma_start3A_1132 : memref<1x256xi32, #tpu.memory_space<vmem>> -> memref<256xi32, #tpu.memory_space<vmem>>
      %dma_start3A_1134 = arith.constant 0 : i32
      %dma_start3A_1135 = arith.constant 0 : i32
      %dma_start3A_1136 = tpu.memref_slice %arg3[%dma_start3A_1134, %dma_start3A_1135] : memref<1000000x64xf32, #tpu.memory_space<hbm>> -> memref<1000000x64xf32, #tpu.memory_space<hbm>>
      tpu.enqueue_indirect_dma source(%dma_start3A_1136 : memref<1000000x64xf32, #tpu.memory_space<hbm>>) target(%dma_start3A_1130 : memref<256x64xf32, #tpu.memory_space<vmem>>) offsets(%dma_start3A_1133 : memref<256xi32, #tpu.memory_space<vmem>>) semaphore(%arg7 : memref<!tpu.dma_semaphore, #tpu.memory_space<semaphore_mem>>)
    }
    %scan3A_319 = arith.constant 6 : i32
    %dma_wait3A_320 = arith.constant 42 : i32
    %dma_wait3A_321 = arith.constant 0 : i32
    %dma_wait3A_322 = arith.constant 0 : i32
    %dma_wait3A_323 = arith.constant 0 : i32
    %dma_wait3A_324 = tpu.memref_slice %arg6[%dma_wait3A_321, %dma_wait3A_322, %dma_wait3A_323] : memref<6x256x64xf32, #tpu.memory_space<vmem>> -> memref<1x256x64xf32, #tpu.memory_space<vmem>>
    %dma_wait3A_325 = tpu.memref_squeeze %dma_wait3A_324 : memref<1x256x64xf32, #tpu.memory_space<vmem>> -> memref<256x64xf32, #tpu.memory_space<vmem>>
    %dma_wait3A_326 = arith.constant 0 : i32
    %dma_wait3A_327 = tpu.memref_slice %arg5[%dma_wait3A_320, %dma_wait3A_326] : memref<50x256xi32, #tpu.memory_space<vmem>> -> memref<1x256xi32, #tpu.memory_space<vmem>>
    %dma_wait3A_328 = tpu.memref_squeeze %dma_wait3A_327 : memref<1x256xi32, #tpu.memory_space<vmem>> -> memref<256xi32, #tpu.memory_space<vmem>>
    %dma_wait3A_329 = arith.constant 0 : i32
    %dma_wait3A_330 = arith.constant 0 : i32
    %dma_wait3A_331 = tpu.memref_slice %arg3[%dma_wait3A_329, %dma_wait3A_330] : memref<1000000x64xf32, #tpu.memory_space<hbm>> -> memref<1000000x64xf32, #tpu.memory_space<hbm>>
    tpu.wait_indirect_dma semaphore(%arg7 : memref<!tpu.dma_semaphore, #tpu.memory_space<semaphore_mem>>) src(%dma_wait3A_331 : memref<1000000x64xf32, #tpu.memory_space<hbm>>) dst(%dma_wait3A_325 : memref<256x64xf32, #tpu.memory_space<vmem>>)
    %add3A_332 = arith.constant 10752 : i32
    %add3A_333 = arith.addi %mul3A_2, %add3A_332 : i32
    %dma_start3A_334 = arith.constant 0 : i32
    %dma_start3A_335 = arith.constant 0 : i32
    %dma_start3A_336 = arith.constant 0 : i32
    %dma_start3A_337 = tpu.memref_slice %arg6[%dma_start3A_334, %dma_start3A_335, %dma_start3A_336] : memref<6x256x64xf32, #tpu.memory_space<vmem>> -> memref<1x256x64xf32, #tpu.memory_space<vmem>>
    %dma_start3A_338 = tpu.memref_squeeze %dma_start3A_337 : memref<1x256x64xf32, #tpu.memory_space<vmem>> -> memref<256x64xf32, #tpu.memory_space<vmem>>
    %dma_start3A_339 = arith.constant 0 : i32
    %dma_start3A_340 = tpu.memref_slice %arg4[%add3A_333, %dma_start3A_339] : memref<409600x64xf32, #tpu.memory_space<hbm>> -> memref<256x64xf32, #tpu.memory_space<hbm>>
    %dma_start3A_341 = arith.constant 0 : i32
    %dma_start3A_342 = tpu.memref_slice %arg4[%add3A_333, %dma_start3A_341] : memref<409600x64xf32, #tpu.memory_space<hbm>> -> memref<256x64xf32, #tpu.memory_space<hbm>>
    %dma_start3A_343 = arith.constant 0 : i32
    %dma_start3A_344 = arith.constant 0 : i32
    %dma_start3A_345 = tpu.memref_slice %arg6[%dma_start3A_334, %dma_start3A_343, %dma_start3A_344] : memref<6x256x64xf32, #tpu.memory_space<vmem>> -> memref<1x256x64xf32, #tpu.memory_space<vmem>>
    %dma_start3A_346 = tpu.memref_squeeze %dma_start3A_345 : memref<1x256x64xf32, #tpu.memory_space<vmem>> -> memref<256x64xf32, #tpu.memory_space<vmem>>
    tpu.enqueue_dma source(%dma_start3A_346 : memref<256x64xf32, #tpu.memory_space<vmem>>) target(%dma_start3A_342 : memref<256x64xf32, #tpu.memory_space<hbm>>) target_semaphore(%arg8 : memref<!tpu.dma_semaphore, #tpu.memory_space<semaphore_mem>>)
    %add3A_347 = arith.constant 9984 : i32
    %add3A_348 = arith.addi %mul3A_2, %add3A_347 : i32
    %dma_wait3A_349 = arith.constant 3 : i32
    %dma_wait3A_350 = arith.constant 0 : i32
    %dma_wait3A_351 = arith.constant 0 : i32
    %dma_wait3A_352 = tpu.memref_slice %arg6[%dma_wait3A_349, %dma_wait3A_350, %dma_wait3A_351] : memref<6x256x64xf32, #tpu.memory_space<vmem>> -> memref<1x256x64xf32, #tpu.memory_space<vmem>>
    %dma_wait3A_353 = tpu.memref_squeeze %dma_wait3A_352 : memref<1x256x64xf32, #tpu.memory_space<vmem>> -> memref<256x64xf32, #tpu.memory_space<vmem>>
    %dma_wait3A_354 = arith.constant 0 : i32
    %dma_wait3A_355 = tpu.memref_slice %arg4[%add3A_348, %dma_wait3A_354] : memref<409600x64xf32, #tpu.memory_space<hbm>> -> memref<256x64xf32, #tpu.memory_space<hbm>>
    %dma_wait3A_356 = arith.constant 0 : i32
    %dma_wait3A_357 = tpu.memref_slice %arg4[%add3A_348, %dma_wait3A_356] : memref<409600x64xf32, #tpu.memory_space<hbm>> -> memref<256x64xf32, #tpu.memory_space<hbm>>
    %dma_wait3A_358 = arith.constant 0 : i32
    %dma_wait3A_359 = arith.constant 0 : i32
    %dma_wait3A_360 = tpu.memref_slice %arg6[%dma_wait3A_349, %dma_wait3A_358, %dma_wait3A_359] : memref<6x256x64xf32, #tpu.memory_space<vmem>> -> memref<1x256x64xf32, #tpu.memory_space<vmem>>
    %dma_wait3A_361 = tpu.memref_squeeze %dma_wait3A_360 : memref<1x256x64xf32, #tpu.memory_space<vmem>> -> memref<256x64xf32, #tpu.memory_space<vmem>>
    tpu.wait_dma2 semaphore(%arg11 : memref<!tpu.dma_semaphore, #tpu.memory_space<semaphore_mem>>) src(%dma_wait3A_361 : memref<256x64xf32, #tpu.memory_space<vmem>>) dst(%dma_wait3A_357 : memref<256x64xf32, #tpu.memory_space<hbm>>)
    %dma_start3A_362 = arith.constant 45 : i32
    %dma_start3A_363 = arith.constant 3 : i32
    %dma_start3A_364 = arith.constant 0 : i32
    %dma_start3A_365 = arith.constant 0 : i32
    %dma_start3A_366 = tpu.memref_slice %arg6[%dma_start3A_363, %dma_start3A_364, %dma_start3A_365] : memref<6x256x64xf32, #tpu.memory_space<vmem>> -> memref<1x256x64xf32, #tpu.memory_space<vmem>>
    %dma_start3A_367 = tpu.memref_squeeze %dma_start3A_366 : memref<1x256x64xf32, #tpu.memory_space<vmem>> -> memref<256x64xf32, #tpu.memory_space<vmem>>
    %dma_start3A_368 = arith.constant 0 : i32
    %dma_start3A_369 = tpu.memref_slice %arg5[%dma_start3A_362, %dma_start3A_368] : memref<50x256xi32, #tpu.memory_space<vmem>> -> memref<1x256xi32, #tpu.memory_space<vmem>>
    %dma_start3A_370 = tpu.memref_squeeze %dma_start3A_369 : memref<1x256xi32, #tpu.memory_space<vmem>> -> memref<256xi32, #tpu.memory_space<vmem>>
    %dma_start3A_371 = arith.constant 0 : i32
    %dma_start3A_372 = arith.constant 0 : i32
    %dma_start3A_373 = tpu.memref_slice %arg3[%dma_start3A_371, %dma_start3A_372] : memref<1000000x64xf32, #tpu.memory_space<hbm>> -> memref<1000000x64xf32, #tpu.memory_space<hbm>>
    tpu.enqueue_indirect_dma source(%dma_start3A_373 : memref<1000000x64xf32, #tpu.memory_space<hbm>>) target(%dma_start3A_367 : memref<256x64xf32, #tpu.memory_space<vmem>>) offsets(%dma_start3A_370 : memref<256xi32, #tpu.memory_space<vmem>>) semaphore(%arg7 : memref<!tpu.dma_semaphore, #tpu.memory_space<semaphore_mem>>)
    %dma_wait3A_374 = arith.constant 43 : i32
    %dma_wait3A_375 = arith.constant 1 : i32
    %dma_wait3A_376 = arith.constant 0 : i32
    %dma_wait3A_377 = arith.constant 0 : i32
    %dma_wait3A_378 = tpu.memref_slice %arg6[%dma_wait3A_375, %dma_wait3A_376, %dma_wait3A_377] : memref<6x256x64xf32, #tpu.memory_space<vmem>> -> memref<1x256x64xf32, #tpu.memory_space<vmem>>
    %dma_wait3A_379 = tpu.memref_squeeze %dma_wait3A_378 : memref<1x256x64xf32, #tpu.memory_space<vmem>> -> memref<256x64xf32, #tpu.memory_space<vmem>>
    %dma_wait3A_380 = arith.constant 0 : i32
    %dma_wait3A_381 = tpu.memref_slice %arg5[%dma_wait3A_374, %dma_wait3A_380] : memref<50x256xi32, #tpu.memory_space<vmem>> -> memref<1x256xi32, #tpu.memory_space<vmem>>
    %dma_wait3A_382 = tpu.memref_squeeze %dma_wait3A_381 : memref<1x256xi32, #tpu.memory_space<vmem>> -> memref<256xi32, #tpu.memory_space<vmem>>
    %dma_wait3A_383 = arith.constant 0 : i32
    %dma_wait3A_384 = arith.constant 0 : i32
    %dma_wait3A_385 = tpu.memref_slice %arg3[%dma_wait3A_383, %dma_wait3A_384] : memref<1000000x64xf32, #tpu.memory_space<hbm>> -> memref<1000000x64xf32, #tpu.memory_space<hbm>>
    tpu.wait_indirect_dma semaphore(%arg7 : memref<!tpu.dma_semaphore, #tpu.memory_space<semaphore_mem>>) src(%dma_wait3A_385 : memref<1000000x64xf32, #tpu.memory_space<hbm>>) dst(%dma_wait3A_379 : memref<256x64xf32, #tpu.memory_space<vmem>>)
    %add3A_386 = arith.constant 11008 : i32
    %add3A_387 = arith.addi %mul3A_2, %add3A_386 : i32
    %dma_start3A_388 = arith.constant 1 : i32
    %dma_start3A_389 = arith.constant 0 : i32
    %dma_start3A_390 = arith.constant 0 : i32
    %dma_start3A_391 = tpu.memref_slice %arg6[%dma_start3A_388, %dma_start3A_389, %dma_start3A_390] : memref<6x256x64xf32, #tpu.memory_space<vmem>> -> memref<1x256x64xf32, #tpu.memory_space<vmem>>
    %dma_start3A_392 = tpu.memref_squeeze %dma_start3A_391 : memref<1x256x64xf32, #tpu.memory_space<vmem>> -> memref<256x64xf32, #tpu.memory_space<vmem>>
    %dma_start3A_393 = arith.constant 0 : i32
    %dma_start3A_394 = tpu.memref_slice %arg4[%add3A_387, %dma_start3A_393] : memref<409600x64xf32, #tpu.memory_space<hbm>> -> memref<256x64xf32, #tpu.memory_space<hbm>>
    %dma_start3A_395 = arith.constant 0 : i32
    %dma_start3A_396 = tpu.memref_slice %arg4[%add3A_387, %dma_start3A_395] : memref<409600x64xf32, #tpu.memory_space<hbm>> -> memref<256x64xf32, #tpu.memory_space<hbm>>
    %dma_start3A_397 = arith.constant 0 : i32
    %dma_start3A_398 = arith.constant 0 : i32
    %dma_start3A_399 = tpu.memref_slice %arg6[%dma_start3A_388, %dma_start3A_397, %dma_start3A_398] : memref<6x256x64xf32, #tpu.memory_space<vmem>> -> memref<1x256x64xf32, #tpu.memory_space<vmem>>
    %dma_start3A_400 = tpu.memref_squeeze %dma_start3A_399 : memref<1x256x64xf32, #tpu.memory_space<vmem>> -> memref<256x64xf32, #tpu.memory_space<vmem>>
    tpu.enqueue_dma source(%dma_start3A_400 : memref<256x64xf32, #tpu.memory_space<vmem>>) target(%dma_start3A_396 : memref<256x64xf32, #tpu.memory_space<hbm>>) target_semaphore(%arg9 : memref<!tpu.dma_semaphore, #tpu.memory_space<semaphore_mem>>)
    %add3A_401 = arith.constant 10240 : i32
    %add3A_402 = arith.addi %mul3A_2, %add3A_401 : i32
    %dma_wait3A_403 = arith.constant 4 : i32
    %dma_wait3A_404 = arith.constant 0 : i32
    %dma_wait3A_405 = arith.constant 0 : i32
    %dma_wait3A_406 = tpu.memref_slice %arg6[%dma_wait3A_403, %dma_wait3A_404, %dma_wait3A_405] : memref<6x256x64xf32, #tpu.memory_space<vmem>> -> memref<1x256x64xf32, #tpu.memory_space<vmem>>
    %dma_wait3A_407 = tpu.memref_squeeze %dma_wait3A_406 : memref<1x256x64xf32, #tpu.memory_space<vmem>> -> memref<256x64xf32, #tpu.memory_space<vmem>>
    %dma_wait3A_408 = arith.constant 0 : i32
    %dma_wait3A_409 = tpu.memref_slice %arg4[%add3A_402, %dma_wait3A_408] : memref<409600x64xf32, #tpu.memory_space<hbm>> -> memref<256x64xf32, #tpu.memory_space<hbm>>
    %dma_wait3A_410 = arith.constant 0 : i32
    %dma_wait3A_411 = tpu.memref_slice %arg4[%add3A_402, %dma_wait3A_410] : memref<409600x64xf32, #tpu.memory_space<hbm>> -> memref<256x64xf32, #tpu.memory_space<hbm>>
    %dma_wait3A_412 = arith.constant 0 : i32
    %dma_wait3A_413 = arith.constant 0 : i32
    %dma_wait3A_414 = tpu.memref_slice %arg6[%dma_wait3A_403, %dma_wait3A_412, %dma_wait3A_413] : memref<6x256x64xf32, #tpu.memory_space<vmem>> -> memref<1x256x64xf32, #tpu.memory_space<vmem>>
    %dma_wait3A_415 = tpu.memref_squeeze %dma_wait3A_414 : memref<1x256x64xf32, #tpu.memory_space<vmem>> -> memref<256x64xf32, #tpu.memory_space<vmem>>
    tpu.wait_dma2 semaphore(%arg12 : memref<!tpu.dma_semaphore, #tpu.memory_space<semaphore_mem>>) src(%dma_wait3A_415 : memref<256x64xf32, #tpu.memory_space<vmem>>) dst(%dma_wait3A_411 : memref<256x64xf32, #tpu.memory_space<hbm>>)
    %dma_start3A_416 = arith.constant 46 : i32
    %dma_start3A_417 = arith.constant 4 : i32
    %dma_start3A_418 = arith.constant 0 : i32
    %dma_start3A_419 = arith.constant 0 : i32
    %dma_start3A_420 = tpu.memref_slice %arg6[%dma_start3A_417, %dma_start3A_418, %dma_start3A_419] : memref<6x256x64xf32, #tpu.memory_space<vmem>> -> memref<1x256x64xf32, #tpu.memory_space<vmem>>
    %dma_start3A_421 = tpu.memref_squeeze %dma_start3A_420 : memref<1x256x64xf32, #tpu.memory_space<vmem>> -> memref<256x64xf32, #tpu.memory_space<vmem>>
    %dma_start3A_422 = arith.constant 0 : i32
    %dma_start3A_423 = tpu.memref_slice %arg5[%dma_start3A_416, %dma_start3A_422] : memref<50x256xi32, #tpu.memory_space<vmem>> -> memref<1x256xi32, #tpu.memory_space<vmem>>
    %dma_start3A_424 = tpu.memref_squeeze %dma_start3A_423 : memref<1x256xi32, #tpu.memory_space<vmem>> -> memref<256xi32, #tpu.memory_space<vmem>>
    %dma_start3A_425 = arith.constant 0 : i32
    %dma_start3A_426 = arith.constant 0 : i32
    %dma_start3A_427 = tpu.memref_slice %arg3[%dma_start3A_425, %dma_start3A_426] : memref<1000000x64xf32, #tpu.memory_space<hbm>> -> memref<1000000x64xf32, #tpu.memory_space<hbm>>
    tpu.enqueue_indirect_dma source(%dma_start3A_427 : memref<1000000x64xf32, #tpu.memory_space<hbm>>) target(%dma_start3A_421 : memref<256x64xf32, #tpu.memory_space<vmem>>) offsets(%dma_start3A_424 : memref<256xi32, #tpu.memory_space<vmem>>) semaphore(%arg7 : memref<!tpu.dma_semaphore, #tpu.memory_space<semaphore_mem>>)
    %dma_wait3A_428 = arith.constant 44 : i32
    %dma_wait3A_429 = arith.constant 2 : i32
    %dma_wait3A_430 = arith.constant 0 : i32
    %dma_wait3A_431 = arith.constant 0 : i32
    %dma_wait3A_432 = tpu.memref_slice %arg6[%dma_wait3A_429, %dma_wait3A_430, %dma_wait3A_431] : memref<6x256x64xf32, #tpu.memory_space<vmem>> -> memref<1x256x64xf32, #tpu.memory_space<vmem>>
    %dma_wait3A_433 = tpu.memref_squeeze %dma_wait3A_432 : memref<1x256x64xf32, #tpu.memory_space<vmem>> -> memref<256x64xf32, #tpu.memory_space<vmem>>
    %dma_wait3A_434 = arith.constant 0 : i32
    %dma_wait3A_435 = tpu.memref_slice %arg5[%dma_wait3A_428, %dma_wait3A_434] : memref<50x256xi32, #tpu.memory_space<vmem>> -> memref<1x256xi32, #tpu.memory_space<vmem>>
    %dma_wait3A_436 = tpu.memref_squeeze %dma_wait3A_435 : memref<1x256xi32, #tpu.memory_space<vmem>> -> memref<256xi32, #tpu.memory_space<vmem>>
    %dma_wait3A_437 = arith.constant 0 : i32
    %dma_wait3A_438 = arith.constant 0 : i32
    %dma_wait3A_439 = tpu.memref_slice %arg3[%dma_wait3A_437, %dma_wait3A_438] : memref<1000000x64xf32, #tpu.memory_space<hbm>> -> memref<1000000x64xf32, #tpu.memory_space<hbm>>
    tpu.wait_indirect_dma semaphore(%arg7 : memref<!tpu.dma_semaphore, #tpu.memory_space<semaphore_mem>>) src(%dma_wait3A_439 : memref<1000000x64xf32, #tpu.memory_space<hbm>>) dst(%dma_wait3A_433 : memref<256x64xf32, #tpu.memory_space<vmem>>)
    %add3A_440 = arith.constant 11264 : i32
    %add3A_441 = arith.addi %mul3A_2, %add3A_440 : i32
    %dma_start3A_442 = arith.constant 2 : i32
    %dma_start3A_443 = arith.constant 0 : i32
    %dma_start3A_444 = arith.constant 0 : i32
    %dma_start3A_445 = tpu.memref_slice %arg6[%dma_start3A_442, %dma_start3A_443, %dma_start3A_444] : memref<6x256x64xf32, #tpu.memory_space<vmem>> -> memref<1x256x64xf32, #tpu.memory_space<vmem>>
    %dma_start3A_446 = tpu.memref_squeeze %dma_start3A_445 : memref<1x256x64xf32, #tpu.memory_space<vmem>> -> memref<256x64xf32, #tpu.memory_space<vmem>>
    %dma_start3A_447 = arith.constant 0 : i32
    %dma_start3A_448 = tpu.memref_slice %arg4[%add3A_441, %dma_start3A_447] : memref<409600x64xf32, #tpu.memory_space<hbm>> -> memref<256x64xf32, #tpu.memory_space<hbm>>
    %dma_start3A_449 = arith.constant 0 : i32
    %dma_start3A_450 = tpu.memref_slice %arg4[%add3A_441, %dma_start3A_449] : memref<409600x64xf32, #tpu.memory_space<hbm>> -> memref<256x64xf32, #tpu.memory_space<hbm>>
    %dma_start3A_451 = arith.constant 0 : i32
    %dma_start3A_452 = arith.constant 0 : i32
    %dma_start3A_453 = tpu.memref_slice %arg6[%dma_start3A_442, %dma_start3A_451, %dma_start3A_452] : memref<6x256x64xf32, #tpu.memory_space<vmem>> -> memref<1x256x64xf32, #tpu.memory_space<vmem>>
    %dma_start3A_454 = tpu.memref_squeeze %dma_start3A_453 : memref<1x256x64xf32, #tpu.memory_space<vmem>> -> memref<256x64xf32, #tpu.memory_space<vmem>>
    tpu.enqueue_dma source(%dma_start3A_454 : memref<256x64xf32, #tpu.memory_space<vmem>>) target(%dma_start3A_450 : memref<256x64xf32, #tpu.memory_space<hbm>>) target_semaphore(%arg10 : memref<!tpu.dma_semaphore, #tpu.memory_space<semaphore_mem>>)
    %add3A_455 = arith.constant 10496 : i32
    %add3A_456 = arith.addi %mul3A_2, %add3A_455 : i32
    %dma_wait3A_457 = arith.constant 5 : i32
    %dma_wait3A_458 = arith.constant 0 : i32
    %dma_wait3A_459 = arith.constant 0 : i32
    %dma_wait3A_460 = tpu.memref_slice %arg6[%dma_wait3A_457, %dma_wait3A_458, %dma_wait3A_459] : memref<6x256x64xf32, #tpu.memory_space<vmem>> -> memref<1x256x64xf32, #tpu.memory_space<vmem>>
    %dma_wait3A_461 = tpu.memref_squeeze %dma_wait3A_460 : memref<1x256x64xf32, #tpu.memory_space<vmem>> -> memref<256x64xf32, #tpu.memory_space<vmem>>
    %dma_wait3A_462 = arith.constant 0 : i32
    %dma_wait3A_463 = tpu.memref_slice %arg4[%add3A_456, %dma_wait3A_462] : memref<409600x64xf32, #tpu.memory_space<hbm>> -> memref<256x64xf32, #tpu.memory_space<hbm>>
    %dma_wait3A_464 = arith.constant 0 : i32
    %dma_wait3A_465 = tpu.memref_slice %arg4[%add3A_456, %dma_wait3A_464] : memref<409600x64xf32, #tpu.memory_space<hbm>> -> memref<256x64xf32, #tpu.memory_space<hbm>>
    %dma_wait3A_466 = arith.constant 0 : i32
    %dma_wait3A_467 = arith.constant 0 : i32
    %dma_wait3A_468 = tpu.memref_slice %arg6[%dma_wait3A_457, %dma_wait3A_466, %dma_wait3A_467] : memref<6x256x64xf32, #tpu.memory_space<vmem>> -> memref<1x256x64xf32, #tpu.memory_space<vmem>>
    %dma_wait3A_469 = tpu.memref_squeeze %dma_wait3A_468 : memref<1x256x64xf32, #tpu.memory_space<vmem>> -> memref<256x64xf32, #tpu.memory_space<vmem>>
    tpu.wait_dma2 semaphore(%arg13 : memref<!tpu.dma_semaphore, #tpu.memory_space<semaphore_mem>>) src(%dma_wait3A_469 : memref<256x64xf32, #tpu.memory_space<vmem>>) dst(%dma_wait3A_465 : memref<256x64xf32, #tpu.memory_space<hbm>>)
    %dma_start3A_470 = arith.constant 47 : i32
    %dma_start3A_471 = arith.constant 5 : i32
    %dma_start3A_472 = arith.constant 0 : i32
    %dma_start3A_473 = arith.constant 0 : i32
    %dma_start3A_474 = tpu.memref_slice %arg6[%dma_start3A_471, %dma_start3A_472, %dma_start3A_473] : memref<6x256x64xf32, #tpu.memory_space<vmem>> -> memref<1x256x64xf32, #tpu.memory_space<vmem>>
    %dma_start3A_475 = tpu.memref_squeeze %dma_start3A_474 : memref<1x256x64xf32, #tpu.memory_space<vmem>> -> memref<256x64xf32, #tpu.memory_space<vmem>>
    %dma_start3A_476 = arith.constant 0 : i32
    %dma_start3A_477 = tpu.memref_slice %arg5[%dma_start3A_470, %dma_start3A_476] : memref<50x256xi32, #tpu.memory_space<vmem>> -> memref<1x256xi32, #tpu.memory_space<vmem>>
    %dma_start3A_478 = tpu.memref_squeeze %dma_start3A_477 : memref<1x256xi32, #tpu.memory_space<vmem>> -> memref<256xi32, #tpu.memory_space<vmem>>
    %dma_start3A_479 = arith.constant 0 : i32
    %dma_start3A_480 = arith.constant 0 : i32
    %dma_start3A_481 = tpu.memref_slice %arg3[%dma_start3A_479, %dma_start3A_480] : memref<1000000x64xf32, #tpu.memory_space<hbm>> -> memref<1000000x64xf32, #tpu.memory_space<hbm>>
    tpu.enqueue_indirect_dma source(%dma_start3A_481 : memref<1000000x64xf32, #tpu.memory_space<hbm>>) target(%dma_start3A_475 : memref<256x64xf32, #tpu.memory_space<vmem>>) offsets(%dma_start3A_478 : memref<256xi32, #tpu.memory_space<vmem>>) semaphore(%arg7 : memref<!tpu.dma_semaphore, #tpu.memory_space<semaphore_mem>>)
    %dma_wait3A_482 = arith.constant 45 : i32
    %dma_wait3A_483 = arith.constant 3 : i32
    %dma_wait3A_484 = arith.constant 0 : i32
    %dma_wait3A_485 = arith.constant 0 : i32
    %dma_wait3A_486 = tpu.memref_slice %arg6[%dma_wait3A_483, %dma_wait3A_484, %dma_wait3A_485] : memref<6x256x64xf32, #tpu.memory_space<vmem>> -> memref<1x256x64xf32, #tpu.memory_space<vmem>>
    %dma_wait3A_487 = tpu.memref_squeeze %dma_wait3A_486 : memref<1x256x64xf32, #tpu.memory_space<vmem>> -> memref<256x64xf32, #tpu.memory_space<vmem>>
    %dma_wait3A_488 = arith.constant 0 : i32
    %dma_wait3A_489 = tpu.memref_slice %arg5[%dma_wait3A_482, %dma_wait3A_488] : memref<50x256xi32, #tpu.memory_space<vmem>> -> memref<1x256xi32, #tpu.memory_space<vmem>>
    %dma_wait3A_490 = tpu.memref_squeeze %dma_wait3A_489 : memref<1x256xi32, #tpu.memory_space<vmem>> -> memref<256xi32, #tpu.memory_space<vmem>>
    %dma_wait3A_491 = arith.constant 0 : i32
    %dma_wait3A_492 = arith.constant 0 : i32
    %dma_wait3A_493 = tpu.memref_slice %arg3[%dma_wait3A_491, %dma_wait3A_492] : memref<1000000x64xf32, #tpu.memory_space<hbm>> -> memref<1000000x64xf32, #tpu.memory_space<hbm>>
    tpu.wait_indirect_dma semaphore(%arg7 : memref<!tpu.dma_semaphore, #tpu.memory_space<semaphore_mem>>) src(%dma_wait3A_493 : memref<1000000x64xf32, #tpu.memory_space<hbm>>) dst(%dma_wait3A_487 : memref<256x64xf32, #tpu.memory_space<vmem>>)
    %add3A_494 = arith.constant 11520 : i32
    %add3A_495 = arith.addi %mul3A_2, %add3A_494 : i32
    %dma_start3A_496 = arith.constant 3 : i32
    %dma_start3A_497 = arith.constant 0 : i32
    %dma_start3A_498 = arith.constant 0 : i32
    %dma_start3A_499 = tpu.memref_slice %arg6[%dma_start3A_496, %dma_start3A_497, %dma_start3A_498] : memref<6x256x64xf32, #tpu.memory_space<vmem>> -> memref<1x256x64xf32, #tpu.memory_space<vmem>>
    %dma_start3A_500 = tpu.memref_squeeze %dma_start3A_499 : memref<1x256x64xf32, #tpu.memory_space<vmem>> -> memref<256x64xf32, #tpu.memory_space<vmem>>
    %dma_start3A_501 = arith.constant 0 : i32
    %dma_start3A_502 = tpu.memref_slice %arg4[%add3A_495, %dma_start3A_501] : memref<409600x64xf32, #tpu.memory_space<hbm>> -> memref<256x64xf32, #tpu.memory_space<hbm>>
    %dma_start3A_503 = arith.constant 0 : i32
    %dma_start3A_504 = tpu.memref_slice %arg4[%add3A_495, %dma_start3A_503] : memref<409600x64xf32, #tpu.memory_space<hbm>> -> memref<256x64xf32, #tpu.memory_space<hbm>>
    %dma_start3A_505 = arith.constant 0 : i32
    %dma_start3A_506 = arith.constant 0 : i32
    %dma_start3A_507 = tpu.memref_slice %arg6[%dma_start3A_496, %dma_start3A_505, %dma_start3A_506] : memref<6x256x64xf32, #tpu.memory_space<vmem>> -> memref<1x256x64xf32, #tpu.memory_space<vmem>>
    %dma_start3A_508 = tpu.memref_squeeze %dma_start3A_507 : memref<1x256x64xf32, #tpu.memory_space<vmem>> -> memref<256x64xf32, #tpu.memory_space<vmem>>
    tpu.enqueue_dma source(%dma_start3A_508 : memref<256x64xf32, #tpu.memory_space<vmem>>) target(%dma_start3A_504 : memref<256x64xf32, #tpu.memory_space<hbm>>) target_semaphore(%arg11 : memref<!tpu.dma_semaphore, #tpu.memory_space<semaphore_mem>>)
    %add3A_509 = arith.constant 10752 : i32
    %add3A_510 = arith.addi %mul3A_2, %add3A_509 : i32
    %dma_wait3A_511 = arith.constant 0 : i32
    %dma_wait3A_512 = arith.constant 0 : i32
    %dma_wait3A_513 = arith.constant 0 : i32
    %dma_wait3A_514 = tpu.memref_slice %arg6[%dma_wait3A_511, %dma_wait3A_512, %dma_wait3A_513] : memref<6x256x64xf32, #tpu.memory_space<vmem>> -> memref<1x256x64xf32, #tpu.memory_space<vmem>>
    %dma_wait3A_515 = tpu.memref_squeeze %dma_wait3A_514 : memref<1x256x64xf32, #tpu.memory_space<vmem>> -> memref<256x64xf32, #tpu.memory_space<vmem>>
    %dma_wait3A_516 = arith.constant 0 : i32
    %dma_wait3A_517 = tpu.memref_slice %arg4[%add3A_510, %dma_wait3A_516] : memref<409600x64xf32, #tpu.memory_space<hbm>> -> memref<256x64xf32, #tpu.memory_space<hbm>>
    %dma_wait3A_518 = arith.constant 0 : i32
    %dma_wait3A_519 = tpu.memref_slice %arg4[%add3A_510, %dma_wait3A_518] : memref<409600x64xf32, #tpu.memory_space<hbm>> -> memref<256x64xf32, #tpu.memory_space<hbm>>
    %dma_wait3A_520 = arith.constant 0 : i32
    %dma_wait3A_521 = arith.constant 0 : i32
    %dma_wait3A_522 = tpu.memref_slice %arg6[%dma_wait3A_511, %dma_wait3A_520, %dma_wait3A_521] : memref<6x256x64xf32, #tpu.memory_space<vmem>> -> memref<1x256x64xf32, #tpu.memory_space<vmem>>
    %dma_wait3A_523 = tpu.memref_squeeze %dma_wait3A_522 : memref<1x256x64xf32, #tpu.memory_space<vmem>> -> memref<256x64xf32, #tpu.memory_space<vmem>>
    tpu.wait_dma2 semaphore(%arg8 : memref<!tpu.dma_semaphore, #tpu.memory_space<semaphore_mem>>) src(%dma_wait3A_523 : memref<256x64xf32, #tpu.memory_space<vmem>>) dst(%dma_wait3A_519 : memref<256x64xf32, #tpu.memory_space<hbm>>)
    %dma_start3A_524 = arith.constant 48 : i32
    %dma_start3A_525 = arith.constant 0 : i32
    %dma_start3A_526 = arith.constant 0 : i32
    %dma_start3A_527 = arith.constant 0 : i32
    %dma_start3A_528 = tpu.memref_slice %arg6[%dma_start3A_525, %dma_start3A_526, %dma_start3A_527] : memref<6x256x64xf32, #tpu.memory_space<vmem>> -> memref<1x256x64xf32, #tpu.memory_space<vmem>>
    %dma_start3A_529 = tpu.memref_squeeze %dma_start3A_528 : memref<1x256x64xf32, #tpu.memory_space<vmem>> -> memref<256x64xf32, #tpu.memory_space<vmem>>
    %dma_start3A_530 = arith.constant 0 : i32
    %dma_start3A_531 = tpu.memref_slice %arg5[%dma_start3A_524, %dma_start3A_530] : memref<50x256xi32, #tpu.memory_space<vmem>> -> memref<1x256xi32, #tpu.memory_space<vmem>>
    %dma_start3A_532 = tpu.memref_squeeze %dma_start3A_531 : memref<1x256xi32, #tpu.memory_space<vmem>> -> memref<256xi32, #tpu.memory_space<vmem>>
    %dma_start3A_533 = arith.constant 0 : i32
    %dma_start3A_534 = arith.constant 0 : i32
    %dma_start3A_535 = tpu.memref_slice %arg3[%dma_start3A_533, %dma_start3A_534] : memref<1000000x64xf32, #tpu.memory_space<hbm>> -> memref<1000000x64xf32, #tpu.memory_space<hbm>>
    tpu.enqueue_indirect_dma source(%dma_start3A_535 : memref<1000000x64xf32, #tpu.memory_space<hbm>>) target(%dma_start3A_529 : memref<256x64xf32, #tpu.memory_space<vmem>>) offsets(%dma_start3A_532 : memref<256xi32, #tpu.memory_space<vmem>>) semaphore(%arg7 : memref<!tpu.dma_semaphore, #tpu.memory_space<semaphore_mem>>)
    %dma_wait3A_536 = arith.constant 46 : i32
    %dma_wait3A_537 = arith.constant 4 : i32
    %dma_wait3A_538 = arith.constant 0 : i32
    %dma_wait3A_539 = arith.constant 0 : i32
    %dma_wait3A_540 = tpu.memref_slice %arg6[%dma_wait3A_537, %dma_wait3A_538, %dma_wait3A_539] : memref<6x256x64xf32, #tpu.memory_space<vmem>> -> memref<1x256x64xf32, #tpu.memory_space<vmem>>
    %dma_wait3A_541 = tpu.memref_squeeze %dma_wait3A_540 : memref<1x256x64xf32, #tpu.memory_space<vmem>> -> memref<256x64xf32, #tpu.memory_space<vmem>>
    %dma_wait3A_542 = arith.constant 0 : i32
    %dma_wait3A_543 = tpu.memref_slice %arg5[%dma_wait3A_536, %dma_wait3A_542] : memref<50x256xi32, #tpu.memory_space<vmem>> -> memref<1x256xi32, #tpu.memory_space<vmem>>
    %dma_wait3A_544 = tpu.memref_squeeze %dma_wait3A_543 : memref<1x256xi32, #tpu.memory_space<vmem>> -> memref<256xi32, #tpu.memory_space<vmem>>
    %dma_wait3A_545 = arith.constant 0 : i32
    %dma_wait3A_546 = arith.constant 0 : i32
    %dma_wait3A_547 = tpu.memref_slice %arg3[%dma_wait3A_545, %dma_wait3A_546] : memref<1000000x64xf32, #tpu.memory_space<hbm>> -> memref<1000000x64xf32, #tpu.memory_space<hbm>>
    tpu.wait_indirect_dma semaphore(%arg7 : memref<!tpu.dma_semaphore, #tpu.memory_space<semaphore_mem>>) src(%dma_wait3A_547 : memref<1000000x64xf32, #tpu.memory_space<hbm>>) dst(%dma_wait3A_541 : memref<256x64xf32, #tpu.memory_space<vmem>>)
    %add3A_548 = arith.constant 11776 : i32
    %add3A_549 = arith.addi %mul3A_2, %add3A_548 : i32
    %dma_start3A_550 = arith.constant 4 : i32
    %dma_start3A_551 = arith.constant 0 : i32
    %dma_start3A_552 = arith.constant 0 : i32
    %dma_start3A_553 = tpu.memref_slice %arg6[%dma_start3A_550, %dma_start3A_551, %dma_start3A_552] : memref<6x256x64xf32, #tpu.memory_space<vmem>> -> memref<1x256x64xf32, #tpu.memory_space<vmem>>
    %dma_start3A_554 = tpu.memref_squeeze %dma_start3A_553 : memref<1x256x64xf32, #tpu.memory_space<vmem>> -> memref<256x64xf32, #tpu.memory_space<vmem>>
    %dma_start3A_555 = arith.constant 0 : i32
    %dma_start3A_556 = tpu.memref_slice %arg4[%add3A_549, %dma_start3A_555] : memref<409600x64xf32, #tpu.memory_space<hbm>> -> memref<256x64xf32, #tpu.memory_space<hbm>>
    %dma_start3A_557 = arith.constant 0 : i32
    %dma_start3A_558 = tpu.memref_slice %arg4[%add3A_549, %dma_start3A_557] : memref<409600x64xf32, #tpu.memory_space<hbm>> -> memref<256x64xf32, #tpu.memory_space<hbm>>
    %dma_start3A_559 = arith.constant 0 : i32
    %dma_start3A_560 = arith.constant 0 : i32
    %dma_start3A_561 = tpu.memref_slice %arg6[%dma_start3A_550, %dma_start3A_559, %dma_start3A_560] : memref<6x256x64xf32, #tpu.memory_space<vmem>> -> memref<1x256x64xf32, #tpu.memory_space<vmem>>
    %dma_start3A_562 = tpu.memref_squeeze %dma_start3A_561 : memref<1x256x64xf32, #tpu.memory_space<vmem>> -> memref<256x64xf32, #tpu.memory_space<vmem>>
    tpu.enqueue_dma source(%dma_start3A_562 : memref<256x64xf32, #tpu.memory_space<vmem>>) target(%dma_start3A_558 : memref<256x64xf32, #tpu.memory_space<hbm>>) target_semaphore(%arg12 : memref<!tpu.dma_semaphore, #tpu.memory_space<semaphore_mem>>)
    %add3A_563 = arith.constant 11008 : i32
    %add3A_564 = arith.addi %mul3A_2, %add3A_563 : i32
    %dma_wait3A_565 = arith.constant 1 : i32
    %dma_wait3A_566 = arith.constant 0 : i32
    %dma_wait3A_567 = arith.constant 0 : i32
    %dma_wait3A_568 = tpu.memref_slice %arg6[%dma_wait3A_565, %dma_wait3A_566, %dma_wait3A_567] : memref<6x256x64xf32, #tpu.memory_space<vmem>> -> memref<1x256x64xf32, #tpu.memory_space<vmem>>
    %dma_wait3A_569 = tpu.memref_squeeze %dma_wait3A_568 : memref<1x256x64xf32, #tpu.memory_space<vmem>> -> memref<256x64xf32, #tpu.memory_space<vmem>>
    %dma_wait3A_570 = arith.constant 0 : i32
    %dma_wait3A_571 = tpu.memref_slice %arg4[%add3A_564, %dma_wait3A_570] : memref<409600x64xf32, #tpu.memory_space<hbm>> -> memref<256x64xf32, #tpu.memory_space<hbm>>
    %dma_wait3A_572 = arith.constant 0 : i32
    %dma_wait3A_573 = tpu.memref_slice %arg4[%add3A_564, %dma_wait3A_572] : memref<409600x64xf32, #tpu.memory_space<hbm>> -> memref<256x64xf32, #tpu.memory_space<hbm>>
    %dma_wait3A_574 = arith.constant 0 : i32
    %dma_wait3A_575 = arith.constant 0 : i32
    %dma_wait3A_576 = tpu.memref_slice %arg6[%dma_wait3A_565, %dma_wait3A_574, %dma_wait3A_575] : memref<6x256x64xf32, #tpu.memory_space<vmem>> -> memref<1x256x64xf32, #tpu.memory_space<vmem>>
    %dma_wait3A_577 = tpu.memref_squeeze %dma_wait3A_576 : memref<1x256x64xf32, #tpu.memory_space<vmem>> -> memref<256x64xf32, #tpu.memory_space<vmem>>
    tpu.wait_dma2 semaphore(%arg9 : memref<!tpu.dma_semaphore, #tpu.memory_space<semaphore_mem>>) src(%dma_wait3A_577 : memref<256x64xf32, #tpu.memory_space<vmem>>) dst(%dma_wait3A_573 : memref<256x64xf32, #tpu.memory_space<hbm>>)
    %dma_start3A_578 = arith.constant 49 : i32
    %dma_start3A_579 = arith.constant 1 : i32
    %dma_start3A_580 = arith.constant 0 : i32
    %dma_start3A_581 = arith.constant 0 : i32
    %dma_start3A_582 = tpu.memref_slice %arg6[%dma_start3A_579, %dma_start3A_580, %dma_start3A_581] : memref<6x256x64xf32, #tpu.memory_space<vmem>> -> memref<1x256x64xf32, #tpu.memory_space<vmem>>
    %dma_start3A_583 = tpu.memref_squeeze %dma_start3A_582 : memref<1x256x64xf32, #tpu.memory_space<vmem>> -> memref<256x64xf32, #tpu.memory_space<vmem>>
    %dma_start3A_584 = arith.constant 0 : i32
    %dma_start3A_585 = tpu.memref_slice %arg5[%dma_start3A_578, %dma_start3A_584] : memref<50x256xi32, #tpu.memory_space<vmem>> -> memref<1x256xi32, #tpu.memory_space<vmem>>
    %dma_start3A_586 = tpu.memref_squeeze %dma_start3A_585 : memref<1x256xi32, #tpu.memory_space<vmem>> -> memref<256xi32, #tpu.memory_space<vmem>>
    %dma_start3A_587 = arith.constant 0 : i32
    %dma_start3A_588 = arith.constant 0 : i32
    %dma_start3A_589 = tpu.memref_slice %arg3[%dma_start3A_587, %dma_start3A_588] : memref<1000000x64xf32, #tpu.memory_space<hbm>> -> memref<1000000x64xf32, #tpu.memory_space<hbm>>
    tpu.enqueue_indirect_dma source(%dma_start3A_589 : memref<1000000x64xf32, #tpu.memory_space<hbm>>) target(%dma_start3A_583 : memref<256x64xf32, #tpu.memory_space<vmem>>) offsets(%dma_start3A_586 : memref<256xi32, #tpu.memory_space<vmem>>) semaphore(%arg7 : memref<!tpu.dma_semaphore, #tpu.memory_space<semaphore_mem>>)
    %dma_wait3A_590 = arith.constant 47 : i32
    %dma_wait3A_591 = arith.constant 5 : i32
    %dma_wait3A_592 = arith.constant 0 : i32
    %dma_wait3A_593 = arith.constant 0 : i32
    %dma_wait3A_594 = tpu.memref_slice %arg6[%dma_wait3A_591, %dma_wait3A_592, %dma_wait3A_593] : memref<6x256x64xf32, #tpu.memory_space<vmem>> -> memref<1x256x64xf32, #tpu.memory_space<vmem>>
    %dma_wait3A_595 = tpu.memref_squeeze %dma_wait3A_594 : memref<1x256x64xf32, #tpu.memory_space<vmem>> -> memref<256x64xf32, #tpu.memory_space<vmem>>
    %dma_wait3A_596 = arith.constant 0 : i32
    %dma_wait3A_597 = tpu.memref_slice %arg5[%dma_wait3A_590, %dma_wait3A_596] : memref<50x256xi32, #tpu.memory_space<vmem>> -> memref<1x256xi32, #tpu.memory_space<vmem>>
    %dma_wait3A_598 = tpu.memref_squeeze %dma_wait3A_597 : memref<1x256xi32, #tpu.memory_space<vmem>> -> memref<256xi32, #tpu.memory_space<vmem>>
    %dma_wait3A_599 = arith.constant 0 : i32
    %dma_wait3A_600 = arith.constant 0 : i32
    %dma_wait3A_601 = tpu.memref_slice %arg3[%dma_wait3A_599, %dma_wait3A_600] : memref<1000000x64xf32, #tpu.memory_space<hbm>> -> memref<1000000x64xf32, #tpu.memory_space<hbm>>
    tpu.wait_indirect_dma semaphore(%arg7 : memref<!tpu.dma_semaphore, #tpu.memory_space<semaphore_mem>>) src(%dma_wait3A_601 : memref<1000000x64xf32, #tpu.memory_space<hbm>>) dst(%dma_wait3A_595 : memref<256x64xf32, #tpu.memory_space<vmem>>)
    %add3A_602 = arith.constant 12032 : i32
    %add3A_603 = arith.addi %mul3A_2, %add3A_602 : i32
    %dma_start3A_604 = arith.constant 5 : i32
    %dma_start3A_605 = arith.constant 0 : i32
    %dma_start3A_606 = arith.constant 0 : i32
    %dma_start3A_607 = tpu.memref_slice %arg6[%dma_start3A_604, %dma_start3A_605, %dma_start3A_606] : memref<6x256x64xf32, #tpu.memory_space<vmem>> -> memref<1x256x64xf32, #tpu.memory_space<vmem>>
    %dma_start3A_608 = tpu.memref_squeeze %dma_start3A_607 : memref<1x256x64xf32, #tpu.memory_space<vmem>> -> memref<256x64xf32, #tpu.memory_space<vmem>>
    %dma_start3A_609 = arith.constant 0 : i32
    %dma_start3A_610 = tpu.memref_slice %arg4[%add3A_603, %dma_start3A_609] : memref<409600x64xf32, #tpu.memory_space<hbm>> -> memref<256x64xf32, #tpu.memory_space<hbm>>
    %dma_start3A_611 = arith.constant 0 : i32
    %dma_start3A_612 = tpu.memref_slice %arg4[%add3A_603, %dma_start3A_611] : memref<409600x64xf32, #tpu.memory_space<hbm>> -> memref<256x64xf32, #tpu.memory_space<hbm>>
    %dma_start3A_613 = arith.constant 0 : i32
    %dma_start3A_614 = arith.constant 0 : i32
    %dma_start3A_615 = tpu.memref_slice %arg6[%dma_start3A_604, %dma_start3A_613, %dma_start3A_614] : memref<6x256x64xf32, #tpu.memory_space<vmem>> -> memref<1x256x64xf32, #tpu.memory_space<vmem>>
    %dma_start3A_616 = tpu.memref_squeeze %dma_start3A_615 : memref<1x256x64xf32, #tpu.memory_space<vmem>> -> memref<256x64xf32, #tpu.memory_space<vmem>>
    tpu.enqueue_dma source(%dma_start3A_616 : memref<256x64xf32, #tpu.memory_space<vmem>>) target(%dma_start3A_612 : memref<256x64xf32, #tpu.memory_space<hbm>>) target_semaphore(%arg13 : memref<!tpu.dma_semaphore, #tpu.memory_space<semaphore_mem>>)
    %dma_wait3A_617 = arith.constant 48 : i32
    %dma_wait3A_618 = arith.constant 0 : i32
    %dma_wait3A_619 = arith.constant 0 : i32
    %dma_wait3A_620 = arith.constant 0 : i32
    %dma_wait3A_621 = tpu.memref_slice %arg6[%dma_wait3A_618, %dma_wait3A_619, %dma_wait3A_620] : memref<6x256x64xf32, #tpu.memory_space<vmem>> -> memref<1x256x64xf32, #tpu.memory_space<vmem>>
    %dma_wait3A_622 = tpu.memref_squeeze %dma_wait3A_621 : memref<1x256x64xf32, #tpu.memory_space<vmem>> -> memref<256x64xf32, #tpu.memory_space<vmem>>
    %dma_wait3A_623 = arith.constant 0 : i32
    %dma_wait3A_624 = tpu.memref_slice %arg5[%dma_wait3A_617, %dma_wait3A_623] : memref<50x256xi32, #tpu.memory_space<vmem>> -> memref<1x256xi32, #tpu.memory_space<vmem>>
    %dma_wait3A_625 = tpu.memref_squeeze %dma_wait3A_624 : memref<1x256xi32, #tpu.memory_space<vmem>> -> memref<256xi32, #tpu.memory_space<vmem>>
    %dma_wait3A_626 = arith.constant 0 : i32
    %dma_wait3A_627 = arith.constant 0 : i32
    %dma_wait3A_628 = tpu.memref_slice %arg3[%dma_wait3A_626, %dma_wait3A_627] : memref<1000000x64xf32, #tpu.memory_space<hbm>> -> memref<1000000x64xf32, #tpu.memory_space<hbm>>
    tpu.wait_indirect_dma semaphore(%arg7 : memref<!tpu.dma_semaphore, #tpu.memory_space<semaphore_mem>>) src(%dma_wait3A_628 : memref<1000000x64xf32, #tpu.memory_space<hbm>>) dst(%dma_wait3A_622 : memref<256x64xf32, #tpu.memory_space<vmem>>)
    %add3A_629 = arith.constant 12288 : i32
    %add3A_630 = arith.addi %mul3A_2, %add3A_629 : i32
    %dma_start3A_631 = arith.constant 0 : i32
    %dma_start3A_632 = arith.constant 0 : i32
    %dma_start3A_633 = arith.constant 0 : i32
    %dma_start3A_634 = tpu.memref_slice %arg6[%dma_start3A_631, %dma_start3A_632, %dma_start3A_633] : memref<6x256x64xf32, #tpu.memory_space<vmem>> -> memref<1x256x64xf32, #tpu.memory_space<vmem>>
    %dma_start3A_635 = tpu.memref_squeeze %dma_start3A_634 : memref<1x256x64xf32, #tpu.memory_space<vmem>> -> memref<256x64xf32, #tpu.memory_space<vmem>>
    %dma_start3A_636 = arith.constant 0 : i32
    %dma_start3A_637 = tpu.memref_slice %arg4[%add3A_630, %dma_start3A_636] : memref<409600x64xf32, #tpu.memory_space<hbm>> -> memref<256x64xf32, #tpu.memory_space<hbm>>
    %dma_start3A_638 = arith.constant 0 : i32
    %dma_start3A_639 = tpu.memref_slice %arg4[%add3A_630, %dma_start3A_638] : memref<409600x64xf32, #tpu.memory_space<hbm>> -> memref<256x64xf32, #tpu.memory_space<hbm>>
    %dma_start3A_640 = arith.constant 0 : i32
    %dma_start3A_641 = arith.constant 0 : i32
    %dma_start3A_642 = tpu.memref_slice %arg6[%dma_start3A_631, %dma_start3A_640, %dma_start3A_641] : memref<6x256x64xf32, #tpu.memory_space<vmem>> -> memref<1x256x64xf32, #tpu.memory_space<vmem>>
    %dma_start3A_643 = tpu.memref_squeeze %dma_start3A_642 : memref<1x256x64xf32, #tpu.memory_space<vmem>> -> memref<256x64xf32, #tpu.memory_space<vmem>>
    tpu.enqueue_dma source(%dma_start3A_643 : memref<256x64xf32, #tpu.memory_space<vmem>>) target(%dma_start3A_639 : memref<256x64xf32, #tpu.memory_space<hbm>>) target_semaphore(%arg8 : memref<!tpu.dma_semaphore, #tpu.memory_space<semaphore_mem>>)
    %dma_wait3A_644 = arith.constant 49 : i32
    %dma_wait3A_645 = arith.constant 1 : i32
    %dma_wait3A_646 = arith.constant 0 : i32
    %dma_wait3A_647 = arith.constant 0 : i32
    %dma_wait3A_648 = tpu.memref_slice %arg6[%dma_wait3A_645, %dma_wait3A_646, %dma_wait3A_647] : memref<6x256x64xf32, #tpu.memory_space<vmem>> -> memref<1x256x64xf32, #tpu.memory_space<vmem>>
    %dma_wait3A_649 = tpu.memref_squeeze %dma_wait3A_648 : memref<1x256x64xf32, #tpu.memory_space<vmem>> -> memref<256x64xf32, #tpu.memory_space<vmem>>
    %dma_wait3A_650 = arith.constant 0 : i32
    %dma_wait3A_651 = tpu.memref_slice %arg5[%dma_wait3A_644, %dma_wait3A_650] : memref<50x256xi32, #tpu.memory_space<vmem>> -> memref<1x256xi32, #tpu.memory_space<vmem>>
    %dma_wait3A_652 = tpu.memref_squeeze %dma_wait3A_651 : memref<1x256xi32, #tpu.memory_space<vmem>> -> memref<256xi32, #tpu.memory_space<vmem>>
    %dma_wait3A_653 = arith.constant 0 : i32
    %dma_wait3A_654 = arith.constant 0 : i32
    %dma_wait3A_655 = tpu.memref_slice %arg3[%dma_wait3A_653, %dma_wait3A_654] : memref<1000000x64xf32, #tpu.memory_space<hbm>> -> memref<1000000x64xf32, #tpu.memory_space<hbm>>
    tpu.wait_indirect_dma semaphore(%arg7 : memref<!tpu.dma_semaphore, #tpu.memory_space<semaphore_mem>>) src(%dma_wait3A_655 : memref<1000000x64xf32, #tpu.memory_space<hbm>>) dst(%dma_wait3A_649 : memref<256x64xf32, #tpu.memory_space<vmem>>)
    %add3A_656 = arith.constant 12544 : i32
    %add3A_657 = arith.addi %mul3A_2, %add3A_656 : i32
    %dma_start3A_658 = arith.constant 1 : i32
    %dma_start3A_659 = arith.constant 0 : i32
    %dma_start3A_660 = arith.constant 0 : i32
    %dma_start3A_661 = tpu.memref_slice %arg6[%dma_start3A_658, %dma_start3A_659, %dma_start3A_660] : memref<6x256x64xf32, #tpu.memory_space<vmem>> -> memref<1x256x64xf32, #tpu.memory_space<vmem>>
    %dma_start3A_662 = tpu.memref_squeeze %dma_start3A_661 : memref<1x256x64xf32, #tpu.memory_space<vmem>> -> memref<256x64xf32, #tpu.memory_space<vmem>>
    %dma_start3A_663 = arith.constant 0 : i32
    %dma_start3A_664 = tpu.memref_slice %arg4[%add3A_657, %dma_start3A_663] : memref<409600x64xf32, #tpu.memory_space<hbm>> -> memref<256x64xf32, #tpu.memory_space<hbm>>
    %dma_start3A_665 = arith.constant 0 : i32
    %dma_start3A_666 = tpu.memref_slice %arg4[%add3A_657, %dma_start3A_665] : memref<409600x64xf32, #tpu.memory_space<hbm>> -> memref<256x64xf32, #tpu.memory_space<hbm>>
    %dma_start3A_667 = arith.constant 0 : i32
    %dma_start3A_668 = arith.constant 0 : i32
    %dma_start3A_669 = tpu.memref_slice %arg6[%dma_start3A_658, %dma_start3A_667, %dma_start3A_668] : memref<6x256x64xf32, #tpu.memory_space<vmem>> -> memref<1x256x64xf32, #tpu.memory_space<vmem>>
    %dma_start3A_670 = tpu.memref_squeeze %dma_start3A_669 : memref<1x256x64xf32, #tpu.memory_space<vmem>> -> memref<256x64xf32, #tpu.memory_space<vmem>>
    tpu.enqueue_dma source(%dma_start3A_670 : memref<256x64xf32, #tpu.memory_space<vmem>>) target(%dma_start3A_666 : memref<256x64xf32, #tpu.memory_space<hbm>>) target_semaphore(%arg9 : memref<!tpu.dma_semaphore, #tpu.memory_space<semaphore_mem>>)
    %add3A_671 = arith.constant 11264 : i32
    %add3A_672 = arith.addi %mul3A_2, %add3A_671 : i32
    %dma_wait3A_673 = arith.constant 2 : i32
    %dma_wait3A_674 = arith.constant 0 : i32
    %dma_wait3A_675 = arith.constant 0 : i32
    %dma_wait3A_676 = tpu.memref_slice %arg6[%dma_wait3A_673, %dma_wait3A_674, %dma_wait3A_675] : memref<6x256x64xf32, #tpu.memory_space<vmem>> -> memref<1x256x64xf32, #tpu.memory_space<vmem>>
    %dma_wait3A_677 = tpu.memref_squeeze %dma_wait3A_676 : memref<1x256x64xf32, #tpu.memory_space<vmem>> -> memref<256x64xf32, #tpu.memory_space<vmem>>
    %dma_wait3A_678 = arith.constant 0 : i32
    %dma_wait3A_679 = tpu.memref_slice %arg4[%add3A_672, %dma_wait3A_678] : memref<409600x64xf32, #tpu.memory_space<hbm>> -> memref<256x64xf32, #tpu.memory_space<hbm>>
    %dma_wait3A_680 = arith.constant 0 : i32
    %dma_wait3A_681 = tpu.memref_slice %arg4[%add3A_672, %dma_wait3A_680] : memref<409600x64xf32, #tpu.memory_space<hbm>> -> memref<256x64xf32, #tpu.memory_space<hbm>>
    %dma_wait3A_682 = arith.constant 0 : i32
    %dma_wait3A_683 = arith.constant 0 : i32
    %dma_wait3A_684 = tpu.memref_slice %arg6[%dma_wait3A_673, %dma_wait3A_682, %dma_wait3A_683] : memref<6x256x64xf32, #tpu.memory_space<vmem>> -> memref<1x256x64xf32, #tpu.memory_space<vmem>>
    %dma_wait3A_685 = tpu.memref_squeeze %dma_wait3A_684 : memref<1x256x64xf32, #tpu.memory_space<vmem>> -> memref<256x64xf32, #tpu.memory_space<vmem>>
    tpu.wait_dma2 semaphore(%arg10 : memref<!tpu.dma_semaphore, #tpu.memory_space<semaphore_mem>>) src(%dma_wait3A_685 : memref<256x64xf32, #tpu.memory_space<vmem>>) dst(%dma_wait3A_681 : memref<256x64xf32, #tpu.memory_space<hbm>>)
    %add3A_686 = arith.constant 11520 : i32
    %add3A_687 = arith.addi %mul3A_2, %add3A_686 : i32
    %dma_wait3A_688 = arith.constant 3 : i32
    %dma_wait3A_689 = arith.constant 0 : i32
    %dma_wait3A_690 = arith.constant 0 : i32
    %dma_wait3A_691 = tpu.memref_slice %arg6[%dma_wait3A_688, %dma_wait3A_689, %dma_wait3A_690] : memref<6x256x64xf32, #tpu.memory_space<vmem>> -> memref<1x256x64xf32, #tpu.memory_space<vmem>>
    %dma_wait3A_692 = tpu.memref_squeeze %dma_wait3A_691 : memref<1x256x64xf32, #tpu.memory_space<vmem>> -> memref<256x64xf32, #tpu.memory_space<vmem>>
    %dma_wait3A_693 = arith.constant 0 : i32
    %dma_wait3A_694 = tpu.memref_slice %arg4[%add3A_687, %dma_wait3A_693] : memref<409600x64xf32, #tpu.memory_space<hbm>> -> memref<256x64xf32, #tpu.memory_space<hbm>>
    %dma_wait3A_695 = arith.constant 0 : i32
    %dma_wait3A_696 = tpu.memref_slice %arg4[%add3A_687, %dma_wait3A_695] : memref<409600x64xf32, #tpu.memory_space<hbm>> -> memref<256x64xf32, #tpu.memory_space<hbm>>
    %dma_wait3A_697 = arith.constant 0 : i32
    %dma_wait3A_698 = arith.constant 0 : i32
    %dma_wait3A_699 = tpu.memref_slice %arg6[%dma_wait3A_688, %dma_wait3A_697, %dma_wait3A_698] : memref<6x256x64xf32, #tpu.memory_space<vmem>> -> memref<1x256x64xf32, #tpu.memory_space<vmem>>
    %dma_wait3A_700 = tpu.memref_squeeze %dma_wait3A_699 : memref<1x256x64xf32, #tpu.memory_space<vmem>> -> memref<256x64xf32, #tpu.memory_space<vmem>>
    tpu.wait_dma2 semaphore(%arg11 : memref<!tpu.dma_semaphore, #tpu.memory_space<semaphore_mem>>) src(%dma_wait3A_700 : memref<256x64xf32, #tpu.memory_space<vmem>>) dst(%dma_wait3A_696 : memref<256x64xf32, #tpu.memory_space<hbm>>)
    %add3A_701 = arith.constant 11776 : i32
    %add3A_702 = arith.addi %mul3A_2, %add3A_701 : i32
    %dma_wait3A_703 = arith.constant 4 : i32
    %dma_wait3A_704 = arith.constant 0 : i32
    %dma_wait3A_705 = arith.constant 0 : i32
    %dma_wait3A_706 = tpu.memref_slice %arg6[%dma_wait3A_703, %dma_wait3A_704, %dma_wait3A_705] : memref<6x256x64xf32, #tpu.memory_space<vmem>> -> memref<1x256x64xf32, #tpu.memory_space<vmem>>
    %dma_wait3A_707 = tpu.memref_squeeze %dma_wait3A_706 : memref<1x256x64xf32, #tpu.memory_space<vmem>> -> memref<256x64xf32, #tpu.memory_space<vmem>>
    %dma_wait3A_708 = arith.constant 0 : i32
    %dma_wait3A_709 = tpu.memref_slice %arg4[%add3A_702, %dma_wait3A_708] : memref<409600x64xf32, #tpu.memory_space<hbm>> -> memref<256x64xf32, #tpu.memory_space<hbm>>
    %dma_wait3A_710 = arith.constant 0 : i32
    %dma_wait3A_711 = tpu.memref_slice %arg4[%add3A_702, %dma_wait3A_710] : memref<409600x64xf32, #tpu.memory_space<hbm>> -> memref<256x64xf32, #tpu.memory_space<hbm>>
    %dma_wait3A_712 = arith.constant 0 : i32
    %dma_wait3A_713 = arith.constant 0 : i32
    %dma_wait3A_714 = tpu.memref_slice %arg6[%dma_wait3A_703, %dma_wait3A_712, %dma_wait3A_713] : memref<6x256x64xf32, #tpu.memory_space<vmem>> -> memref<1x256x64xf32, #tpu.memory_space<vmem>>
    %dma_wait3A_715 = tpu.memref_squeeze %dma_wait3A_714 : memref<1x256x64xf32, #tpu.memory_space<vmem>> -> memref<256x64xf32, #tpu.memory_space<vmem>>
    tpu.wait_dma2 semaphore(%arg12 : memref<!tpu.dma_semaphore, #tpu.memory_space<semaphore_mem>>) src(%dma_wait3A_715 : memref<256x64xf32, #tpu.memory_space<vmem>>) dst(%dma_wait3A_711 : memref<256x64xf32, #tpu.memory_space<hbm>>)
    %add3A_716 = arith.constant 12032 : i32
    %add3A_717 = arith.addi %mul3A_2, %add3A_716 : i32
    %dma_wait3A_718 = arith.constant 5 : i32
    %dma_wait3A_719 = arith.constant 0 : i32
    %dma_wait3A_720 = arith.constant 0 : i32
    %dma_wait3A_721 = tpu.memref_slice %arg6[%dma_wait3A_718, %dma_wait3A_719, %dma_wait3A_720] : memref<6x256x64xf32, #tpu.memory_space<vmem>> -> memref<1x256x64xf32, #tpu.memory_space<vmem>>
    %dma_wait3A_722 = tpu.memref_squeeze %dma_wait3A_721 : memref<1x256x64xf32, #tpu.memory_space<vmem>> -> memref<256x64xf32, #tpu.memory_space<vmem>>
    %dma_wait3A_723 = arith.constant 0 : i32
    %dma_wait3A_724 = tpu.memref_slice %arg4[%add3A_717, %dma_wait3A_723] : memref<409600x64xf32, #tpu.memory_space<hbm>> -> memref<256x64xf32, #tpu.memory_space<hbm>>
    %dma_wait3A_725 = arith.constant 0 : i32
    %dma_wait3A_726 = tpu.memref_slice %arg4[%add3A_717, %dma_wait3A_725] : memref<409600x64xf32, #tpu.memory_space<hbm>> -> memref<256x64xf32, #tpu.memory_space<hbm>>
    %dma_wait3A_727 = arith.constant 0 : i32
    %dma_wait3A_728 = arith.constant 0 : i32
    %dma_wait3A_729 = tpu.memref_slice %arg6[%dma_wait3A_718, %dma_wait3A_727, %dma_wait3A_728] : memref<6x256x64xf32, #tpu.memory_space<vmem>> -> memref<1x256x64xf32, #tpu.memory_space<vmem>>
    %dma_wait3A_730 = tpu.memref_squeeze %dma_wait3A_729 : memref<1x256x64xf32, #tpu.memory_space<vmem>> -> memref<256x64xf32, #tpu.memory_space<vmem>>
    tpu.wait_dma2 semaphore(%arg13 : memref<!tpu.dma_semaphore, #tpu.memory_space<semaphore_mem>>) src(%dma_wait3A_730 : memref<256x64xf32, #tpu.memory_space<vmem>>) dst(%dma_wait3A_726 : memref<256x64xf32, #tpu.memory_space<hbm>>)
    %add3A_731 = arith.constant 12288 : i32
    %add3A_732 = arith.addi %mul3A_2, %add3A_731 : i32
    %dma_wait3A_733 = arith.constant 0 : i32
    %dma_wait3A_734 = arith.constant 0 : i32
    %dma_wait3A_735 = arith.constant 0 : i32
    %dma_wait3A_736 = tpu.memref_slice %arg6[%dma_wait3A_733, %dma_wait3A_734, %dma_wait3A_735] : memref<6x256x64xf32, #tpu.memory_space<vmem>> -> memref<1x256x64xf32, #tpu.memory_space<vmem>>
    %dma_wait3A_737 = tpu.memref_squeeze %dma_wait3A_736 : memref<1x256x64xf32, #tpu.memory_space<vmem>> -> memref<256x64xf32, #tpu.memory_space<vmem>>
    %dma_wait3A_738 = arith.constant 0 : i32
    %dma_wait3A_739 = tpu.memref_slice %arg4[%add3A_732, %dma_wait3A_738] : memref<409600x64xf32, #tpu.memory_space<hbm>> -> memref<256x64xf32, #tpu.memory_space<hbm>>
    %dma_wait3A_740 = arith.constant 0 : i32
    %dma_wait3A_741 = tpu.memref_slice %arg4[%add3A_732, %dma_wait3A_740] : memref<409600x64xf32, #tpu.memory_space<hbm>> -> memref<256x64xf32, #tpu.memory_space<hbm>>
    %dma_wait3A_742 = arith.constant 0 : i32
    %dma_wait3A_743 = arith.constant 0 : i32
    %dma_wait3A_744 = tpu.memref_slice %arg6[%dma_wait3A_733, %dma_wait3A_742, %dma_wait3A_743] : memref<6x256x64xf32, #tpu.memory_space<vmem>> -> memref<1x256x64xf32, #tpu.memory_space<vmem>>
    %dma_wait3A_745 = tpu.memref_squeeze %dma_wait3A_744 : memref<1x256x64xf32, #tpu.memory_space<vmem>> -> memref<256x64xf32, #tpu.memory_space<vmem>>
    tpu.wait_dma2 semaphore(%arg8 : memref<!tpu.dma_semaphore, #tpu.memory_space<semaphore_mem>>) src(%dma_wait3A_745 : memref<256x64xf32, #tpu.memory_space<vmem>>) dst(%dma_wait3A_741 : memref<256x64xf32, #tpu.memory_space<hbm>>)
    %add3A_746 = arith.constant 12544 : i32
    %add3A_747 = arith.addi %mul3A_2, %add3A_746 : i32
    %dma_wait3A_748 = arith.constant 1 : i32
    %dma_wait3A_749 = arith.constant 0 : i32
    %dma_wait3A_750 = arith.constant 0 : i32
    %dma_wait3A_751 = tpu.memref_slice %arg6[%dma_wait3A_748, %dma_wait3A_749, %dma_wait3A_750] : memref<6x256x64xf32, #tpu.memory_space<vmem>> -> memref<1x256x64xf32, #tpu.memory_space<vmem>>
    %dma_wait3A_752 = tpu.memref_squeeze %dma_wait3A_751 : memref<1x256x64xf32, #tpu.memory_space<vmem>> -> memref<256x64xf32, #tpu.memory_space<vmem>>
    %dma_wait3A_753 = arith.constant 0 : i32
    %dma_wait3A_754 = tpu.memref_slice %arg4[%add3A_747, %dma_wait3A_753] : memref<409600x64xf32, #tpu.memory_space<hbm>> -> memref<256x64xf32, #tpu.memory_space<hbm>>
    %dma_wait3A_755 = arith.constant 0 : i32
    %dma_wait3A_756 = tpu.memref_slice %arg4[%add3A_747, %dma_wait3A_755] : memref<409600x64xf32, #tpu.memory_space<hbm>> -> memref<256x64xf32, #tpu.memory_space<hbm>>
    %dma_wait3A_757 = arith.constant 0 : i32
    %dma_wait3A_758 = arith.constant 0 : i32
    %dma_wait3A_759 = tpu.memref_slice %arg6[%dma_wait3A_748, %dma_wait3A_757, %dma_wait3A_758] : memref<6x256x64xf32, #tpu.memory_space<vmem>> -> memref<1x256x64xf32, #tpu.memory_space<vmem>>
    %dma_wait3A_760 = tpu.memref_squeeze %dma_wait3A_759 : memref<1x256x64xf32, #tpu.memory_space<vmem>> -> memref<256x64xf32, #tpu.memory_space<vmem>>
    tpu.wait_dma2 semaphore(%arg9 : memref<!tpu.dma_semaphore, #tpu.memory_space<semaphore_mem>>) src(%dma_wait3A_760 : memref<256x64xf32, #tpu.memory_space<vmem>>) dst(%dma_wait3A_756 : memref<256x64xf32, #tpu.memory_space<hbm>>)
    return
  }
}

#map = affine_map<(d0, d1) -> (0, 0, 0)>
#map1 = affine_map<(d0, d1) -> (0, 0)>
module attributes {stable_mosaic.version = 14 : i64} {
  func.func @gather_kernel(%arg0: i32, %arg1: i32, %arg2: memref<32x50x256xi32, #tpu.memory_space<hbm>>, %arg3: memref<1000000x64xf32, #tpu.memory_space<hbm>>, %arg4: memref<409600x64xf32, #tpu.memory_space<hbm>>, %arg5: memref<50x256xi32, #tpu.memory_space<vmem>>, %arg6: memref<6x256x64xf32, #tpu.memory_space<vmem>>, %arg7: memref<!tpu.dma_semaphore, #tpu.memory_space<semaphore_mem>>, %arg8: memref<!tpu.dma_semaphore, #tpu.memory_space<semaphore_mem>>, %arg9: memref<!tpu.dma_semaphore, #tpu.memory_space<semaphore_mem>>, %arg10: memref<!tpu.dma_semaphore, #tpu.memory_space<semaphore_mem>>, %arg11: memref<!tpu.dma_semaphore, #tpu.memory_space<semaphore_mem>>, %arg12: memref<!tpu.dma_semaphore, #tpu.memory_space<semaphore_mem>>, %arg13: memref<!tpu.dma_semaphore, #tpu.memory_space<semaphore_mem>>) attributes {dimension_semantics = [#tpu.dimension_semantics<core_parallel>, #tpu.dimension_semantics<subcore_parallel>], iteration_bounds = array<i64: 2, 16>, scalar_prefetch = 0 : i64, scratch_operands = 9 : i64, tpu.core_type = #tpu.core_type<sc_vector_subcore>, window_params = [{transform_indices = #map}, {transform_indices = #map1}, {transform_indices = #map1}]} {
    %mul3A = arith.constant 2 : i32
    %mul3A_0 = arith.muli %arg1, %mul3A : i32
    %add3A = arith.addi %mul3A_0, %arg0 : i32
    %mul3A_1 = arith.constant 12800 : i32
    %mul3A_2 = arith.muli %add3A, %mul3A_1 : i32
    "tpu.region"() ({
      %run_scoped3A = tpu.sem_alloc : memref<!tpu.dma_semaphore, #tpu.memory_space<semaphore_mem>>
      %dma_start3A_761 = arith.constant 0 : i32
      %dma_start3A_762 = arith.constant 0 : i32
      %dma_start3A_763 = tpu.memref_slice %arg2[%add3A, %dma_start3A_761, %dma_start3A_762] : memref<32x50x256xi32, #tpu.memory_space<hbm>> -> memref<1x50x256xi32, #tpu.memory_space<hbm>>
      %dma_start3A_764 = tpu.memref_squeeze %dma_start3A_763 : memref<1x50x256xi32, #tpu.memory_space<hbm>> -> memref<50x256xi32, #tpu.memory_space<hbm>>
      %dma_start3A_765 = arith.constant 0 : i32
      %dma_start3A_766 = arith.constant 0 : i32
      %dma_start3A_767 = tpu.memref_slice %arg2[%add3A, %dma_start3A_765, %dma_start3A_766] : memref<32x50x256xi32, #tpu.memory_space<hbm>> -> memref<1x50x256xi32, #tpu.memory_space<hbm>>
      %dma_start3A_768 = tpu.memref_squeeze %dma_start3A_767 : memref<1x50x256xi32, #tpu.memory_space<hbm>> -> memref<50x256xi32, #tpu.memory_space<hbm>>
      tpu.enqueue_dma source(%dma_start3A_768 : memref<50x256xi32, #tpu.memory_space<hbm>>) target(%arg5 : memref<50x256xi32, #tpu.memory_space<vmem>>) target_semaphore(%run_scoped3A : memref<!tpu.dma_semaphore, #tpu.memory_space<semaphore_mem>>)
      %dma_wait3A_769 = arith.constant 0 : i32
      %dma_wait3A_770 = arith.constant 0 : i32
      %dma_wait3A_771 = tpu.memref_slice %arg2[%add3A, %dma_wait3A_769, %dma_wait3A_770] : memref<32x50x256xi32, #tpu.memory_space<hbm>> -> memref<1x50x256xi32, #tpu.memory_space<hbm>>
      %dma_wait3A_772 = tpu.memref_squeeze %dma_wait3A_771 : memref<1x50x256xi32, #tpu.memory_space<hbm>> -> memref<50x256xi32, #tpu.memory_space<hbm>>
      %dma_wait3A_773 = arith.constant 0 : i32
      %dma_wait3A_774 = arith.constant 0 : i32
      %dma_wait3A_775 = tpu.memref_slice %arg2[%add3A, %dma_wait3A_773, %dma_wait3A_774] : memref<32x50x256xi32, #tpu.memory_space<hbm>> -> memref<1x50x256xi32, #tpu.memory_space<hbm>>
      %dma_wait3A_776 = tpu.memref_squeeze %dma_wait3A_775 : memref<1x50x256xi32, #tpu.memory_space<hbm>> -> memref<50x256xi32, #tpu.memory_space<hbm>>
      tpu.wait_dma2 semaphore(%run_scoped3A : memref<!tpu.dma_semaphore, #tpu.memory_space<semaphore_mem>>) src(%dma_wait3A_776 : memref<50x256xi32, #tpu.memory_space<hbm>>) dst(%arg5 : memref<50x256xi32, #tpu.memory_space<vmem>>)
      tpu.yield
    }) : () -> ()
    %dma_start3A = arith.constant 0 : i32
    %dma_start3A_3 = arith.constant 0 : i32
    %dma_start3A_4 = arith.constant 0 : i32
    %dma_start3A_5 = arith.constant 0 : i32
    %dma_start3A_6 = tpu.memref_slice %arg6[%dma_start3A_3, %dma_start3A_4, %dma_start3A_5] : memref<6x256x64xf32, #tpu.memory_space<vmem>> -> memref<1x256x64xf32, #tpu.memory_space<vmem>>
    %dma_start3A_7 = tpu.memref_squeeze %dma_start3A_6 : memref<1x256x64xf32, #tpu.memory_space<vmem>> -> memref<256x64xf32, #tpu.memory_space<vmem>>
    %dma_start3A_8 = arith.constant 0 : i32
    %dma_start3A_9 = tpu.memref_slice %arg5[%dma_start3A, %dma_start3A_8] : memref<50x256xi32, #tpu.memory_space<vmem>> -> memref<1x256xi32, #tpu.memory_space<vmem>>
    %dma_start3A_10 = tpu.memref_squeeze %dma_start3A_9 : memref<1x256xi32, #tpu.memory_space<vmem>> -> memref<256xi32, #tpu.memory_space<vmem>>
    %dma_start3A_11 = arith.constant 0 : i32
    %dma_start3A_12 = arith.constant 0 : i32
    %dma_start3A_13 = tpu.memref_slice %arg3[%dma_start3A_11, %dma_start3A_12] : memref<1000000x64xf32, #tpu.memory_space<hbm>> -> memref<1000000x64xf32, #tpu.memory_space<hbm>>
    tpu.enqueue_indirect_dma source(%dma_start3A_13 : memref<1000000x64xf32, #tpu.memory_space<hbm>>) target(%dma_start3A_7 : memref<256x64xf32, #tpu.memory_space<vmem>>) offsets(%dma_start3A_10 : memref<256xi32, #tpu.memory_space<vmem>>) semaphore(%arg7 : memref<!tpu.dma_semaphore, #tpu.memory_space<semaphore_mem>>)
    %dma_start3A_14 = arith.constant 1 : i32
    %dma_start3A_15 = arith.constant 1 : i32
    %dma_start3A_16 = arith.constant 0 : i32
    %dma_start3A_17 = arith.constant 0 : i32
    %dma_start3A_18 = tpu.memref_slice %arg6[%dma_start3A_15, %dma_start3A_16, %dma_start3A_17] : memref<6x256x64xf32, #tpu.memory_space<vmem>> -> memref<1x256x64xf32, #tpu.memory_space<vmem>>
    %dma_start3A_19 = tpu.memref_squeeze %dma_start3A_18 : memref<1x256x64xf32, #tpu.memory_space<vmem>> -> memref<256x64xf32, #tpu.memory_space<vmem>>
    %dma_start3A_20 = arith.constant 0 : i32
    %dma_start3A_21 = tpu.memref_slice %arg5[%dma_start3A_14, %dma_start3A_20] : memref<50x256xi32, #tpu.memory_space<vmem>> -> memref<1x256xi32, #tpu.memory_space<vmem>>
    %dma_start3A_22 = tpu.memref_squeeze %dma_start3A_21 : memref<1x256xi32, #tpu.memory_space<vmem>> -> memref<256xi32, #tpu.memory_space<vmem>>
    %dma_start3A_23 = arith.constant 0 : i32
    %dma_start3A_24 = arith.constant 0 : i32
    %dma_start3A_25 = tpu.memref_slice %arg3[%dma_start3A_23, %dma_start3A_24] : memref<1000000x64xf32, #tpu.memory_space<hbm>> -> memref<1000000x64xf32, #tpu.memory_space<hbm>>
    tpu.enqueue_indirect_dma source(%dma_start3A_25 : memref<1000000x64xf32, #tpu.memory_space<hbm>>) target(%dma_start3A_19 : memref<256x64xf32, #tpu.memory_space<vmem>>) offsets(%dma_start3A_22 : memref<256xi32, #tpu.memory_space<vmem>>) semaphore(%arg7 : memref<!tpu.dma_semaphore, #tpu.memory_space<semaphore_mem>>)
    %dma_start3A_26 = arith.constant 2 : i32
    %dma_start3A_27 = arith.constant 2 : i32
    %dma_start3A_28 = arith.constant 0 : i32
    %dma_start3A_29 = arith.constant 0 : i32
    %dma_start3A_30 = tpu.memref_slice %arg6[%dma_start3A_27, %dma_start3A_28, %dma_start3A_29] : memref<6x256x64xf32, #tpu.memory_space<vmem>> -> memref<1x256x64xf32, #tpu.memory_space<vmem>>
    %dma_start3A_31 = tpu.memref_squeeze %dma_start3A_30 : memref<1x256x64xf32, #tpu.memory_space<vmem>> -> memref<256x64xf32, #tpu.memory_space<vmem>>
    %dma_start3A_32 = arith.constant 0 : i32
    %dma_start3A_33 = tpu.memref_slice %arg5[%dma_start3A_26, %dma_start3A_32] : memref<50x256xi32, #tpu.memory_space<vmem>> -> memref<1x256xi32, #tpu.memory_space<vmem>>
    %dma_start3A_34 = tpu.memref_squeeze %dma_start3A_33 : memref<1x256xi32, #tpu.memory_space<vmem>> -> memref<256xi32, #tpu.memory_space<vmem>>
    %dma_start3A_35 = arith.constant 0 : i32
    %dma_start3A_36 = arith.constant 0 : i32
    %dma_start3A_37 = tpu.memref_slice %arg3[%dma_start3A_35, %dma_start3A_36] : memref<1000000x64xf32, #tpu.memory_space<hbm>> -> memref<1000000x64xf32, #tpu.memory_space<hbm>>
    tpu.enqueue_indirect_dma source(%dma_start3A_37 : memref<1000000x64xf32, #tpu.memory_space<hbm>>) target(%dma_start3A_31 : memref<256x64xf32, #tpu.memory_space<vmem>>) offsets(%dma_start3A_34 : memref<256xi32, #tpu.memory_space<vmem>>) semaphore(%arg7 : memref<!tpu.dma_semaphore, #tpu.memory_space<semaphore_mem>>)
    %dma_wait3A = arith.constant 0 : i32
    %dma_wait3A_38 = arith.constant 0 : i32
    %dma_wait3A_39 = arith.constant 0 : i32
    %dma_wait3A_40 = arith.constant 0 : i32
    %dma_wait3A_41 = tpu.memref_slice %arg6[%dma_wait3A_38, %dma_wait3A_39, %dma_wait3A_40] : memref<6x256x64xf32, #tpu.memory_space<vmem>> -> memref<1x256x64xf32, #tpu.memory_space<vmem>>
    %dma_wait3A_42 = tpu.memref_squeeze %dma_wait3A_41 : memref<1x256x64xf32, #tpu.memory_space<vmem>> -> memref<256x64xf32, #tpu.memory_space<vmem>>
    %dma_wait3A_43 = arith.constant 0 : i32
    %dma_wait3A_44 = tpu.memref_slice %arg5[%dma_wait3A, %dma_wait3A_43] : memref<50x256xi32, #tpu.memory_space<vmem>> -> memref<1x256xi32, #tpu.memory_space<vmem>>
    %dma_wait3A_45 = tpu.memref_squeeze %dma_wait3A_44 : memref<1x256xi32, #tpu.memory_space<vmem>> -> memref<256xi32, #tpu.memory_space<vmem>>
    %dma_wait3A_46 = arith.constant 0 : i32
    %dma_wait3A_47 = arith.constant 0 : i32
    %dma_wait3A_48 = tpu.memref_slice %arg3[%dma_wait3A_46, %dma_wait3A_47] : memref<1000000x64xf32, #tpu.memory_space<hbm>> -> memref<1000000x64xf32, #tpu.memory_space<hbm>>
    tpu.wait_indirect_dma semaphore(%arg7 : memref<!tpu.dma_semaphore, #tpu.memory_space<semaphore_mem>>) src(%dma_wait3A_48 : memref<1000000x64xf32, #tpu.memory_space<hbm>>) dst(%dma_wait3A_42 : memref<256x64xf32, #tpu.memory_space<vmem>>)
    %add3A_49 = arith.constant 0 : i32
    %add3A_50 = arith.addi %mul3A_2, %add3A_49 : i32
    %dma_start3A_51 = arith.constant 0 : i32
    %dma_start3A_52 = arith.constant 0 : i32
    %dma_start3A_53 = arith.constant 0 : i32
    %dma_start3A_54 = tpu.memref_slice %arg6[%dma_start3A_51, %dma_start3A_52, %dma_start3A_53] : memref<6x256x64xf32, #tpu.memory_space<vmem>> -> memref<1x256x64xf32, #tpu.memory_space<vmem>>
    %dma_start3A_55 = tpu.memref_squeeze %dma_start3A_54 : memref<1x256x64xf32, #tpu.memory_space<vmem>> -> memref<256x64xf32, #tpu.memory_space<vmem>>
    %dma_start3A_56 = arith.constant 0 : i32
    %dma_start3A_57 = tpu.memref_slice %arg4[%add3A_50, %dma_start3A_56] : memref<409600x64xf32, #tpu.memory_space<hbm>> -> memref<256x64xf32, #tpu.memory_space<hbm>>
    %dma_start3A_58 = arith.constant 0 : i32
    %dma_start3A_59 = tpu.memref_slice %arg4[%add3A_50, %dma_start3A_58] : memref<409600x64xf32, #tpu.memory_space<hbm>> -> memref<256x64xf32, #tpu.memory_space<hbm>>
    %dma_start3A_60 = arith.constant 0 : i32
    %dma_start3A_61 = arith.constant 0 : i32
    %dma_start3A_62 = tpu.memref_slice %arg6[%dma_start3A_51, %dma_start3A_60, %dma_start3A_61] : memref<6x256x64xf32, #tpu.memory_space<vmem>> -> memref<1x256x64xf32, #tpu.memory_space<vmem>>
    %dma_start3A_63 = tpu.memref_squeeze %dma_start3A_62 : memref<1x256x64xf32, #tpu.memory_space<vmem>> -> memref<256x64xf32, #tpu.memory_space<vmem>>
    tpu.enqueue_dma source(%dma_start3A_63 : memref<256x64xf32, #tpu.memory_space<vmem>>) target(%dma_start3A_59 : memref<256x64xf32, #tpu.memory_space<hbm>>) target_semaphore(%arg8 : memref<!tpu.dma_semaphore, #tpu.memory_space<semaphore_mem>>)
    %dma_start3A_64 = arith.constant 3 : i32
    %dma_start3A_65 = arith.constant 3 : i32
    %dma_start3A_66 = arith.constant 0 : i32
    %dma_start3A_67 = arith.constant 0 : i32
    %dma_start3A_68 = tpu.memref_slice %arg6[%dma_start3A_65, %dma_start3A_66, %dma_start3A_67] : memref<6x256x64xf32, #tpu.memory_space<vmem>> -> memref<1x256x64xf32, #tpu.memory_space<vmem>>
    %dma_start3A_69 = tpu.memref_squeeze %dma_start3A_68 : memref<1x256x64xf32, #tpu.memory_space<vmem>> -> memref<256x64xf32, #tpu.memory_space<vmem>>
    %dma_start3A_70 = arith.constant 0 : i32
    %dma_start3A_71 = tpu.memref_slice %arg5[%dma_start3A_64, %dma_start3A_70] : memref<50x256xi32, #tpu.memory_space<vmem>> -> memref<1x256xi32, #tpu.memory_space<vmem>>
    %dma_start3A_72 = tpu.memref_squeeze %dma_start3A_71 : memref<1x256xi32, #tpu.memory_space<vmem>> -> memref<256xi32, #tpu.memory_space<vmem>>
    %dma_start3A_73 = arith.constant 0 : i32
    %dma_start3A_74 = arith.constant 0 : i32
    %dma_start3A_75 = tpu.memref_slice %arg3[%dma_start3A_73, %dma_start3A_74] : memref<1000000x64xf32, #tpu.memory_space<hbm>> -> memref<1000000x64xf32, #tpu.memory_space<hbm>>
    tpu.enqueue_indirect_dma source(%dma_start3A_75 : memref<1000000x64xf32, #tpu.memory_space<hbm>>) target(%dma_start3A_69 : memref<256x64xf32, #tpu.memory_space<vmem>>) offsets(%dma_start3A_72 : memref<256xi32, #tpu.memory_space<vmem>>) semaphore(%arg7 : memref<!tpu.dma_semaphore, #tpu.memory_space<semaphore_mem>>)
    %dma_wait3A_76 = arith.constant 1 : i32
    %dma_wait3A_77 = arith.constant 1 : i32
    %dma_wait3A_78 = arith.constant 0 : i32
    %dma_wait3A_79 = arith.constant 0 : i32
    %dma_wait3A_80 = tpu.memref_slice %arg6[%dma_wait3A_77, %dma_wait3A_78, %dma_wait3A_79] : memref<6x256x64xf32, #tpu.memory_space<vmem>> -> memref<1x256x64xf32, #tpu.memory_space<vmem>>
    %dma_wait3A_81 = tpu.memref_squeeze %dma_wait3A_80 : memref<1x256x64xf32, #tpu.memory_space<vmem>> -> memref<256x64xf32, #tpu.memory_space<vmem>>
    %dma_wait3A_82 = arith.constant 0 : i32
    %dma_wait3A_83 = tpu.memref_slice %arg5[%dma_wait3A_76, %dma_wait3A_82] : memref<50x256xi32, #tpu.memory_space<vmem>> -> memref<1x256xi32, #tpu.memory_space<vmem>>
    %dma_wait3A_84 = tpu.memref_squeeze %dma_wait3A_83 : memref<1x256xi32, #tpu.memory_space<vmem>> -> memref<256xi32, #tpu.memory_space<vmem>>
    %dma_wait3A_85 = arith.constant 0 : i32
    %dma_wait3A_86 = arith.constant 0 : i32
    %dma_wait3A_87 = tpu.memref_slice %arg3[%dma_wait3A_85, %dma_wait3A_86] : memref<1000000x64xf32, #tpu.memory_space<hbm>> -> memref<1000000x64xf32, #tpu.memory_space<hbm>>
    tpu.wait_indirect_dma semaphore(%arg7 : memref<!tpu.dma_semaphore, #tpu.memory_space<semaphore_mem>>) src(%dma_wait3A_87 : memref<1000000x64xf32, #tpu.memory_space<hbm>>) dst(%dma_wait3A_81 : memref<256x64xf32, #tpu.memory_space<vmem>>)
    %add3A_88 = arith.constant 256 : i32
    %add3A_89 = arith.addi %mul3A_2, %add3A_88 : i32
    %dma_start3A_90 = arith.constant 1 : i32
    %dma_start3A_91 = arith.constant 0 : i32
    %dma_start3A_92 = arith.constant 0 : i32
    %dma_start3A_93 = tpu.memref_slice %arg6[%dma_start3A_90, %dma_start3A_91, %dma_start3A_92] : memref<6x256x64xf32, #tpu.memory_space<vmem>> -> memref<1x256x64xf32, #tpu.memory_space<vmem>>
    %dma_start3A_94 = tpu.memref_squeeze %dma_start3A_93 : memref<1x256x64xf32, #tpu.memory_space<vmem>> -> memref<256x64xf32, #tpu.memory_space<vmem>>
    %dma_start3A_95 = arith.constant 0 : i32
    %dma_start3A_96 = tpu.memref_slice %arg4[%add3A_89, %dma_start3A_95] : memref<409600x64xf32, #tpu.memory_space<hbm>> -> memref<256x64xf32, #tpu.memory_space<hbm>>
    %dma_start3A_97 = arith.constant 0 : i32
    %dma_start3A_98 = tpu.memref_slice %arg4[%add3A_89, %dma_start3A_97] : memref<409600x64xf32, #tpu.memory_space<hbm>> -> memref<256x64xf32, #tpu.memory_space<hbm>>
    %dma_start3A_99 = arith.constant 0 : i32
    %dma_start3A_100 = arith.constant 0 : i32
    %dma_start3A_101 = tpu.memref_slice %arg6[%dma_start3A_90, %dma_start3A_99, %dma_start3A_100] : memref<6x256x64xf32, #tpu.memory_space<vmem>> -> memref<1x256x64xf32, #tpu.memory_space<vmem>>
    %dma_start3A_102 = tpu.memref_squeeze %dma_start3A_101 : memref<1x256x64xf32, #tpu.memory_space<vmem>> -> memref<256x64xf32, #tpu.memory_space<vmem>>
    tpu.enqueue_dma source(%dma_start3A_102 : memref<256x64xf32, #tpu.memory_space<vmem>>) target(%dma_start3A_98 : memref<256x64xf32, #tpu.memory_space<hbm>>) target_semaphore(%arg9 : memref<!tpu.dma_semaphore, #tpu.memory_space<semaphore_mem>>)
    %dma_start3A_103 = arith.constant 4 : i32
    %dma_start3A_104 = arith.constant 4 : i32
    %dma_start3A_105 = arith.constant 0 : i32
    %dma_start3A_106 = arith.constant 0 : i32
    %dma_start3A_107 = tpu.memref_slice %arg6[%dma_start3A_104, %dma_start3A_105, %dma_start3A_106] : memref<6x256x64xf32, #tpu.memory_space<vmem>> -> memref<1x256x64xf32, #tpu.memory_space<vmem>>
    %dma_start3A_108 = tpu.memref_squeeze %dma_start3A_107 : memref<1x256x64xf32, #tpu.memory_space<vmem>> -> memref<256x64xf32, #tpu.memory_space<vmem>>
    %dma_start3A_109 = arith.constant 0 : i32
    %dma_start3A_110 = tpu.memref_slice %arg5[%dma_start3A_103, %dma_start3A_109] : memref<50x256xi32, #tpu.memory_space<vmem>> -> memref<1x256xi32, #tpu.memory_space<vmem>>
    %dma_start3A_111 = tpu.memref_squeeze %dma_start3A_110 : memref<1x256xi32, #tpu.memory_space<vmem>> -> memref<256xi32, #tpu.memory_space<vmem>>
    %dma_start3A_112 = arith.constant 0 : i32
    %dma_start3A_113 = arith.constant 0 : i32
    %dma_start3A_114 = tpu.memref_slice %arg3[%dma_start3A_112, %dma_start3A_113] : memref<1000000x64xf32, #tpu.memory_space<hbm>> -> memref<1000000x64xf32, #tpu.memory_space<hbm>>
    tpu.enqueue_indirect_dma source(%dma_start3A_114 : memref<1000000x64xf32, #tpu.memory_space<hbm>>) target(%dma_start3A_108 : memref<256x64xf32, #tpu.memory_space<vmem>>) offsets(%dma_start3A_111 : memref<256xi32, #tpu.memory_space<vmem>>) semaphore(%arg7 : memref<!tpu.dma_semaphore, #tpu.memory_space<semaphore_mem>>)
    %dma_wait3A_115 = arith.constant 2 : i32
    %dma_wait3A_116 = arith.constant 2 : i32
    %dma_wait3A_117 = arith.constant 0 : i32
    %dma_wait3A_118 = arith.constant 0 : i32
    %dma_wait3A_119 = tpu.memref_slice %arg6[%dma_wait3A_116, %dma_wait3A_117, %dma_wait3A_118] : memref<6x256x64xf32, #tpu.memory_space<vmem>> -> memref<1x256x64xf32, #tpu.memory_space<vmem>>
    %dma_wait3A_120 = tpu.memref_squeeze %dma_wait3A_119 : memref<1x256x64xf32, #tpu.memory_space<vmem>> -> memref<256x64xf32, #tpu.memory_space<vmem>>
    %dma_wait3A_121 = arith.constant 0 : i32
    %dma_wait3A_122 = tpu.memref_slice %arg5[%dma_wait3A_115, %dma_wait3A_121] : memref<50x256xi32, #tpu.memory_space<vmem>> -> memref<1x256xi32, #tpu.memory_space<vmem>>
    %dma_wait3A_123 = tpu.memref_squeeze %dma_wait3A_122 : memref<1x256xi32, #tpu.memory_space<vmem>> -> memref<256xi32, #tpu.memory_space<vmem>>
    %dma_wait3A_124 = arith.constant 0 : i32
    %dma_wait3A_125 = arith.constant 0 : i32
    %dma_wait3A_126 = tpu.memref_slice %arg3[%dma_wait3A_124, %dma_wait3A_125] : memref<1000000x64xf32, #tpu.memory_space<hbm>> -> memref<1000000x64xf32, #tpu.memory_space<hbm>>
    tpu.wait_indirect_dma semaphore(%arg7 : memref<!tpu.dma_semaphore, #tpu.memory_space<semaphore_mem>>) src(%dma_wait3A_126 : memref<1000000x64xf32, #tpu.memory_space<hbm>>) dst(%dma_wait3A_120 : memref<256x64xf32, #tpu.memory_space<vmem>>)
    %add3A_127 = arith.constant 512 : i32
    %add3A_128 = arith.addi %mul3A_2, %add3A_127 : i32
    %dma_start3A_129 = arith.constant 2 : i32
    %dma_start3A_130 = arith.constant 0 : i32
    %dma_start3A_131 = arith.constant 0 : i32
    %dma_start3A_132 = tpu.memref_slice %arg6[%dma_start3A_129, %dma_start3A_130, %dma_start3A_131] : memref<6x256x64xf32, #tpu.memory_space<vmem>> -> memref<1x256x64xf32, #tpu.memory_space<vmem>>
    %dma_start3A_133 = tpu.memref_squeeze %dma_start3A_132 : memref<1x256x64xf32, #tpu.memory_space<vmem>> -> memref<256x64xf32, #tpu.memory_space<vmem>>
    %dma_start3A_134 = arith.constant 0 : i32
    %dma_start3A_135 = tpu.memref_slice %arg4[%add3A_128, %dma_start3A_134] : memref<409600x64xf32, #tpu.memory_space<hbm>> -> memref<256x64xf32, #tpu.memory_space<hbm>>
    %dma_start3A_136 = arith.constant 0 : i32
    %dma_start3A_137 = tpu.memref_slice %arg4[%add3A_128, %dma_start3A_136] : memref<409600x64xf32, #tpu.memory_space<hbm>> -> memref<256x64xf32, #tpu.memory_space<hbm>>
    %dma_start3A_138 = arith.constant 0 : i32
    %dma_start3A_139 = arith.constant 0 : i32
    %dma_start3A_140 = tpu.memref_slice %arg6[%dma_start3A_129, %dma_start3A_138, %dma_start3A_139] : memref<6x256x64xf32, #tpu.memory_space<vmem>> -> memref<1x256x64xf32, #tpu.memory_space<vmem>>
    %dma_start3A_141 = tpu.memref_squeeze %dma_start3A_140 : memref<1x256x64xf32, #tpu.memory_space<vmem>> -> memref<256x64xf32, #tpu.memory_space<vmem>>
    tpu.enqueue_dma source(%dma_start3A_141 : memref<256x64xf32, #tpu.memory_space<vmem>>) target(%dma_start3A_137 : memref<256x64xf32, #tpu.memory_space<hbm>>) target_semaphore(%arg10 : memref<!tpu.dma_semaphore, #tpu.memory_space<semaphore_mem>>)
    %dma_start3A_142 = arith.constant 5 : i32
    %dma_start3A_143 = arith.constant 5 : i32
    %dma_start3A_144 = arith.constant 0 : i32
    %dma_start3A_145 = arith.constant 0 : i32
    %dma_start3A_146 = tpu.memref_slice %arg6[%dma_start3A_143, %dma_start3A_144, %dma_start3A_145] : memref<6x256x64xf32, #tpu.memory_space<vmem>> -> memref<1x256x64xf32, #tpu.memory_space<vmem>>
    %dma_start3A_147 = tpu.memref_squeeze %dma_start3A_146 : memref<1x256x64xf32, #tpu.memory_space<vmem>> -> memref<256x64xf32, #tpu.memory_space<vmem>>
    %dma_start3A_148 = arith.constant 0 : i32
    %dma_start3A_149 = tpu.memref_slice %arg5[%dma_start3A_142, %dma_start3A_148] : memref<50x256xi32, #tpu.memory_space<vmem>> -> memref<1x256xi32, #tpu.memory_space<vmem>>
    %dma_start3A_150 = tpu.memref_squeeze %dma_start3A_149 : memref<1x256xi32, #tpu.memory_space<vmem>> -> memref<256xi32, #tpu.memory_space<vmem>>
    %dma_start3A_151 = arith.constant 0 : i32
    %dma_start3A_152 = arith.constant 0 : i32
    %dma_start3A_153 = tpu.memref_slice %arg3[%dma_start3A_151, %dma_start3A_152] : memref<1000000x64xf32, #tpu.memory_space<hbm>> -> memref<1000000x64xf32, #tpu.memory_space<hbm>>
    tpu.enqueue_indirect_dma source(%dma_start3A_153 : memref<1000000x64xf32, #tpu.memory_space<hbm>>) target(%dma_start3A_147 : memref<256x64xf32, #tpu.memory_space<vmem>>) offsets(%dma_start3A_150 : memref<256xi32, #tpu.memory_space<vmem>>) semaphore(%arg7 : memref<!tpu.dma_semaphore, #tpu.memory_space<semaphore_mem>>)
    %dma_wait3A_154 = arith.constant 3 : i32
    %dma_wait3A_155 = arith.constant 3 : i32
    %dma_wait3A_156 = arith.constant 0 : i32
    %dma_wait3A_157 = arith.constant 0 : i32
    %dma_wait3A_158 = tpu.memref_slice %arg6[%dma_wait3A_155, %dma_wait3A_156, %dma_wait3A_157] : memref<6x256x64xf32, #tpu.memory_space<vmem>> -> memref<1x256x64xf32, #tpu.memory_space<vmem>>
    %dma_wait3A_159 = tpu.memref_squeeze %dma_wait3A_158 : memref<1x256x64xf32, #tpu.memory_space<vmem>> -> memref<256x64xf32, #tpu.memory_space<vmem>>
    %dma_wait3A_160 = arith.constant 0 : i32
    %dma_wait3A_161 = tpu.memref_slice %arg5[%dma_wait3A_154, %dma_wait3A_160] : memref<50x256xi32, #tpu.memory_space<vmem>> -> memref<1x256xi32, #tpu.memory_space<vmem>>
    %dma_wait3A_162 = tpu.memref_squeeze %dma_wait3A_161 : memref<1x256xi32, #tpu.memory_space<vmem>> -> memref<256xi32, #tpu.memory_space<vmem>>
    %dma_wait3A_163 = arith.constant 0 : i32
    %dma_wait3A_164 = arith.constant 0 : i32
    %dma_wait3A_165 = tpu.memref_slice %arg3[%dma_wait3A_163, %dma_wait3A_164] : memref<1000000x64xf32, #tpu.memory_space<hbm>> -> memref<1000000x64xf32, #tpu.memory_space<hbm>>
    tpu.wait_indirect_dma semaphore(%arg7 : memref<!tpu.dma_semaphore, #tpu.memory_space<semaphore_mem>>) src(%dma_wait3A_165 : memref<1000000x64xf32, #tpu.memory_space<hbm>>) dst(%dma_wait3A_159 : memref<256x64xf32, #tpu.memory_space<vmem>>)
    %add3A_166 = arith.constant 768 : i32
    %add3A_167 = arith.addi %mul3A_2, %add3A_166 : i32
    %dma_start3A_168 = arith.constant 3 : i32
    %dma_start3A_169 = arith.constant 0 : i32
    %dma_start3A_170 = arith.constant 0 : i32
    %dma_start3A_171 = tpu.memref_slice %arg6[%dma_start3A_168, %dma_start3A_169, %dma_start3A_170] : memref<6x256x64xf32, #tpu.memory_space<vmem>> -> memref<1x256x64xf32, #tpu.memory_space<vmem>>
    %dma_start3A_172 = tpu.memref_squeeze %dma_start3A_171 : memref<1x256x64xf32, #tpu.memory_space<vmem>> -> memref<256x64xf32, #tpu.memory_space<vmem>>
    %dma_start3A_173 = arith.constant 0 : i32
    %dma_start3A_174 = tpu.memref_slice %arg4[%add3A_167, %dma_start3A_173] : memref<409600x64xf32, #tpu.memory_space<hbm>> -> memref<256x64xf32, #tpu.memory_space<hbm>>
    %dma_start3A_175 = arith.constant 0 : i32
    %dma_start3A_176 = tpu.memref_slice %arg4[%add3A_167, %dma_start3A_175] : memref<409600x64xf32, #tpu.memory_space<hbm>> -> memref<256x64xf32, #tpu.memory_space<hbm>>
    %dma_start3A_177 = arith.constant 0 : i32
    %dma_start3A_178 = arith.constant 0 : i32
    %dma_start3A_179 = tpu.memref_slice %arg6[%dma_start3A_168, %dma_start3A_177, %dma_start3A_178] : memref<6x256x64xf32, #tpu.memory_space<vmem>> -> memref<1x256x64xf32, #tpu.memory_space<vmem>>
    %dma_start3A_180 = tpu.memref_squeeze %dma_start3A_179 : memref<1x256x64xf32, #tpu.memory_space<vmem>> -> memref<256x64xf32, #tpu.memory_space<vmem>>
    tpu.enqueue_dma source(%dma_start3A_180 : memref<256x64xf32, #tpu.memory_space<vmem>>) target(%dma_start3A_176 : memref<256x64xf32, #tpu.memory_space<hbm>>) target_semaphore(%arg11 : memref<!tpu.dma_semaphore, #tpu.memory_space<semaphore_mem>>)
    %add3A_181 = arith.constant 0 : i32
    %add3A_182 = arith.addi %mul3A_2, %add3A_181 : i32
    %dma_wait3A_183 = arith.constant 0 : i32
    %dma_wait3A_184 = arith.constant 0 : i32
    %dma_wait3A_185 = arith.constant 0 : i32
    %dma_wait3A_186 = tpu.memref_slice %arg6[%dma_wait3A_183, %dma_wait3A_184, %dma_wait3A_185] : memref<6x256x64xf32, #tpu.memory_space<vmem>> -> memref<1x256x64xf32, #tpu.memory_space<vmem>>
    %dma_wait3A_187 = tpu.memref_squeeze %dma_wait3A_186 : memref<1x256x64xf32, #tpu.memory_space<vmem>> -> memref<256x64xf32, #tpu.memory_space<vmem>>
    %dma_wait3A_188 = arith.constant 0 : i32
    %dma_wait3A_189 = tpu.memref_slice %arg4[%add3A_182, %dma_wait3A_188] : memref<409600x64xf32, #tpu.memory_space<hbm>> -> memref<256x64xf32, #tpu.memory_space<hbm>>
    %dma_wait3A_190 = arith.constant 0 : i32
    %dma_wait3A_191 = tpu.memref_slice %arg4[%add3A_182, %dma_wait3A_190] : memref<409600x64xf32, #tpu.memory_space<hbm>> -> memref<256x64xf32, #tpu.memory_space<hbm>>
    %dma_wait3A_192 = arith.constant 0 : i32
    %dma_wait3A_193 = arith.constant 0 : i32
    %dma_wait3A_194 = tpu.memref_slice %arg6[%dma_wait3A_183, %dma_wait3A_192, %dma_wait3A_193] : memref<6x256x64xf32, #tpu.memory_space<vmem>> -> memref<1x256x64xf32, #tpu.memory_space<vmem>>
    %dma_wait3A_195 = tpu.memref_squeeze %dma_wait3A_194 : memref<1x256x64xf32, #tpu.memory_space<vmem>> -> memref<256x64xf32, #tpu.memory_space<vmem>>
    tpu.wait_dma2 semaphore(%arg8 : memref<!tpu.dma_semaphore, #tpu.memory_space<semaphore_mem>>) src(%dma_wait3A_195 : memref<256x64xf32, #tpu.memory_space<vmem>>) dst(%dma_wait3A_191 : memref<256x64xf32, #tpu.memory_space<hbm>>)
    %dma_start3A_196 = arith.constant 6 : i32
    %dma_start3A_197 = arith.constant 0 : i32
    %dma_start3A_198 = arith.constant 0 : i32
    %dma_start3A_199 = arith.constant 0 : i32
    %dma_start3A_200 = tpu.memref_slice %arg6[%dma_start3A_197, %dma_start3A_198, %dma_start3A_199] : memref<6x256x64xf32, #tpu.memory_space<vmem>> -> memref<1x256x64xf32, #tpu.memory_space<vmem>>
    %dma_start3A_201 = tpu.memref_squeeze %dma_start3A_200 : memref<1x256x64xf32, #tpu.memory_space<vmem>> -> memref<256x64xf32, #tpu.memory_space<vmem>>
    %dma_start3A_202 = arith.constant 0 : i32
    %dma_start3A_203 = tpu.memref_slice %arg5[%dma_start3A_196, %dma_start3A_202] : memref<50x256xi32, #tpu.memory_space<vmem>> -> memref<1x256xi32, #tpu.memory_space<vmem>>
    %dma_start3A_204 = tpu.memref_squeeze %dma_start3A_203 : memref<1x256xi32, #tpu.memory_space<vmem>> -> memref<256xi32, #tpu.memory_space<vmem>>
    %dma_start3A_205 = arith.constant 0 : i32
    %dma_start3A_206 = arith.constant 0 : i32
    %dma_start3A_207 = tpu.memref_slice %arg3[%dma_start3A_205, %dma_start3A_206] : memref<1000000x64xf32, #tpu.memory_space<hbm>> -> memref<1000000x64xf32, #tpu.memory_space<hbm>>
    tpu.enqueue_indirect_dma source(%dma_start3A_207 : memref<1000000x64xf32, #tpu.memory_space<hbm>>) target(%dma_start3A_201 : memref<256x64xf32, #tpu.memory_space<vmem>>) offsets(%dma_start3A_204 : memref<256xi32, #tpu.memory_space<vmem>>) semaphore(%arg7 : memref<!tpu.dma_semaphore, #tpu.memory_space<semaphore_mem>>)
    %dma_wait3A_208 = arith.constant 4 : i32
    %dma_wait3A_209 = arith.constant 4 : i32
    %dma_wait3A_210 = arith.constant 0 : i32
    %dma_wait3A_211 = arith.constant 0 : i32
    %dma_wait3A_212 = tpu.memref_slice %arg6[%dma_wait3A_209, %dma_wait3A_210, %dma_wait3A_211] : memref<6x256x64xf32, #tpu.memory_space<vmem>> -> memref<1x256x64xf32, #tpu.memory_space<vmem>>
    %dma_wait3A_213 = tpu.memref_squeeze %dma_wait3A_212 : memref<1x256x64xf32, #tpu.memory_space<vmem>> -> memref<256x64xf32, #tpu.memory_space<vmem>>
    %dma_wait3A_214 = arith.constant 0 : i32
    %dma_wait3A_215 = tpu.memref_slice %arg5[%dma_wait3A_208, %dma_wait3A_214] : memref<50x256xi32, #tpu.memory_space<vmem>> -> memref<1x256xi32, #tpu.memory_space<vmem>>
    %dma_wait3A_216 = tpu.memref_squeeze %dma_wait3A_215 : memref<1x256xi32, #tpu.memory_space<vmem>> -> memref<256xi32, #tpu.memory_space<vmem>>
    %dma_wait3A_217 = arith.constant 0 : i32
    %dma_wait3A_218 = arith.constant 0 : i32
    %dma_wait3A_219 = tpu.memref_slice %arg3[%dma_wait3A_217, %dma_wait3A_218] : memref<1000000x64xf32, #tpu.memory_space<hbm>> -> memref<1000000x64xf32, #tpu.memory_space<hbm>>
    tpu.wait_indirect_dma semaphore(%arg7 : memref<!tpu.dma_semaphore, #tpu.memory_space<semaphore_mem>>) src(%dma_wait3A_219 : memref<1000000x64xf32, #tpu.memory_space<hbm>>) dst(%dma_wait3A_213 : memref<256x64xf32, #tpu.memory_space<vmem>>)
    %add3A_220 = arith.constant 1024 : i32
    %add3A_221 = arith.addi %mul3A_2, %add3A_220 : i32
    %dma_start3A_222 = arith.constant 4 : i32
    %dma_start3A_223 = arith.constant 0 : i32
    %dma_start3A_224 = arith.constant 0 : i32
    %dma_start3A_225 = tpu.memref_slice %arg6[%dma_start3A_222, %dma_start3A_223, %dma_start3A_224] : memref<6x256x64xf32, #tpu.memory_space<vmem>> -> memref<1x256x64xf32, #tpu.memory_space<vmem>>
    %dma_start3A_226 = tpu.memref_squeeze %dma_start3A_225 : memref<1x256x64xf32, #tpu.memory_space<vmem>> -> memref<256x64xf32, #tpu.memory_space<vmem>>
    %dma_start3A_227 = arith.constant 0 : i32
    %dma_start3A_228 = tpu.memref_slice %arg4[%add3A_221, %dma_start3A_227] : memref<409600x64xf32, #tpu.memory_space<hbm>> -> memref<256x64xf32, #tpu.memory_space<hbm>>
    %dma_start3A_229 = arith.constant 0 : i32
    %dma_start3A_230 = tpu.memref_slice %arg4[%add3A_221, %dma_start3A_229] : memref<409600x64xf32, #tpu.memory_space<hbm>> -> memref<256x64xf32, #tpu.memory_space<hbm>>
    %dma_start3A_231 = arith.constant 0 : i32
    %dma_start3A_232 = arith.constant 0 : i32
    %dma_start3A_233 = tpu.memref_slice %arg6[%dma_start3A_222, %dma_start3A_231, %dma_start3A_232] : memref<6x256x64xf32, #tpu.memory_space<vmem>> -> memref<1x256x64xf32, #tpu.memory_space<vmem>>
    %dma_start3A_234 = tpu.memref_squeeze %dma_start3A_233 : memref<1x256x64xf32, #tpu.memory_space<vmem>> -> memref<256x64xf32, #tpu.memory_space<vmem>>
    tpu.enqueue_dma source(%dma_start3A_234 : memref<256x64xf32, #tpu.memory_space<vmem>>) target(%dma_start3A_230 : memref<256x64xf32, #tpu.memory_space<hbm>>) target_semaphore(%arg12 : memref<!tpu.dma_semaphore, #tpu.memory_space<semaphore_mem>>)
    %add3A_235 = arith.constant 256 : i32
    %add3A_236 = arith.addi %mul3A_2, %add3A_235 : i32
    %dma_wait3A_237 = arith.constant 1 : i32
    %dma_wait3A_238 = arith.constant 0 : i32
    %dma_wait3A_239 = arith.constant 0 : i32
    %dma_wait3A_240 = tpu.memref_slice %arg6[%dma_wait3A_237, %dma_wait3A_238, %dma_wait3A_239] : memref<6x256x64xf32, #tpu.memory_space<vmem>> -> memref<1x256x64xf32, #tpu.memory_space<vmem>>
    %dma_wait3A_241 = tpu.memref_squeeze %dma_wait3A_240 : memref<1x256x64xf32, #tpu.memory_space<vmem>> -> memref<256x64xf32, #tpu.memory_space<vmem>>
    %dma_wait3A_242 = arith.constant 0 : i32
    %dma_wait3A_243 = tpu.memref_slice %arg4[%add3A_236, %dma_wait3A_242] : memref<409600x64xf32, #tpu.memory_space<hbm>> -> memref<256x64xf32, #tpu.memory_space<hbm>>
    %dma_wait3A_244 = arith.constant 0 : i32
    %dma_wait3A_245 = tpu.memref_slice %arg4[%add3A_236, %dma_wait3A_244] : memref<409600x64xf32, #tpu.memory_space<hbm>> -> memref<256x64xf32, #tpu.memory_space<hbm>>
    %dma_wait3A_246 = arith.constant 0 : i32
    %dma_wait3A_247 = arith.constant 0 : i32
    %dma_wait3A_248 = tpu.memref_slice %arg6[%dma_wait3A_237, %dma_wait3A_246, %dma_wait3A_247] : memref<6x256x64xf32, #tpu.memory_space<vmem>> -> memref<1x256x64xf32, #tpu.memory_space<vmem>>
    %dma_wait3A_249 = tpu.memref_squeeze %dma_wait3A_248 : memref<1x256x64xf32, #tpu.memory_space<vmem>> -> memref<256x64xf32, #tpu.memory_space<vmem>>
    tpu.wait_dma2 semaphore(%arg9 : memref<!tpu.dma_semaphore, #tpu.memory_space<semaphore_mem>>) src(%dma_wait3A_249 : memref<256x64xf32, #tpu.memory_space<vmem>>) dst(%dma_wait3A_245 : memref<256x64xf32, #tpu.memory_space<hbm>>)
    %dma_start3A_250 = arith.constant 7 : i32
    %dma_start3A_251 = arith.constant 1 : i32
    %dma_start3A_252 = arith.constant 0 : i32
    %dma_start3A_253 = arith.constant 0 : i32
    %dma_start3A_254 = tpu.memref_slice %arg6[%dma_start3A_251, %dma_start3A_252, %dma_start3A_253] : memref<6x256x64xf32, #tpu.memory_space<vmem>> -> memref<1x256x64xf32, #tpu.memory_space<vmem>>
    %dma_start3A_255 = tpu.memref_squeeze %dma_start3A_254 : memref<1x256x64xf32, #tpu.memory_space<vmem>> -> memref<256x64xf32, #tpu.memory_space<vmem>>
    %dma_start3A_256 = arith.constant 0 : i32
    %dma_start3A_257 = tpu.memref_slice %arg5[%dma_start3A_250, %dma_start3A_256] : memref<50x256xi32, #tpu.memory_space<vmem>> -> memref<1x256xi32, #tpu.memory_space<vmem>>
    %dma_start3A_258 = tpu.memref_squeeze %dma_start3A_257 : memref<1x256xi32, #tpu.memory_space<vmem>> -> memref<256xi32, #tpu.memory_space<vmem>>
    %dma_start3A_259 = arith.constant 0 : i32
    %dma_start3A_260 = arith.constant 0 : i32
    %dma_start3A_261 = tpu.memref_slice %arg3[%dma_start3A_259, %dma_start3A_260] : memref<1000000x64xf32, #tpu.memory_space<hbm>> -> memref<1000000x64xf32, #tpu.memory_space<hbm>>
    tpu.enqueue_indirect_dma source(%dma_start3A_261 : memref<1000000x64xf32, #tpu.memory_space<hbm>>) target(%dma_start3A_255 : memref<256x64xf32, #tpu.memory_space<vmem>>) offsets(%dma_start3A_258 : memref<256xi32, #tpu.memory_space<vmem>>) semaphore(%arg7 : memref<!tpu.dma_semaphore, #tpu.memory_space<semaphore_mem>>)
    %dma_wait3A_262 = arith.constant 5 : i32
    %dma_wait3A_263 = arith.constant 5 : i32
    %dma_wait3A_264 = arith.constant 0 : i32
    %dma_wait3A_265 = arith.constant 0 : i32
    %dma_wait3A_266 = tpu.memref_slice %arg6[%dma_wait3A_263, %dma_wait3A_264, %dma_wait3A_265] : memref<6x256x64xf32, #tpu.memory_space<vmem>> -> memref<1x256x64xf32, #tpu.memory_space<vmem>>
    %dma_wait3A_267 = tpu.memref_squeeze %dma_wait3A_266 : memref<1x256x64xf32, #tpu.memory_space<vmem>> -> memref<256x64xf32, #tpu.memory_space<vmem>>
    %dma_wait3A_268 = arith.constant 0 : i32
    %dma_wait3A_269 = tpu.memref_slice %arg5[%dma_wait3A_262, %dma_wait3A_268] : memref<50x256xi32, #tpu.memory_space<vmem>> -> memref<1x256xi32, #tpu.memory_space<vmem>>
    %dma_wait3A_270 = tpu.memref_squeeze %dma_wait3A_269 : memref<1x256xi32, #tpu.memory_space<vmem>> -> memref<256xi32, #tpu.memory_space<vmem>>
    %dma_wait3A_271 = arith.constant 0 : i32
    %dma_wait3A_272 = arith.constant 0 : i32
    %dma_wait3A_273 = tpu.memref_slice %arg3[%dma_wait3A_271, %dma_wait3A_272] : memref<1000000x64xf32, #tpu.memory_space<hbm>> -> memref<1000000x64xf32, #tpu.memory_space<hbm>>
    tpu.wait_indirect_dma semaphore(%arg7 : memref<!tpu.dma_semaphore, #tpu.memory_space<semaphore_mem>>) src(%dma_wait3A_273 : memref<1000000x64xf32, #tpu.memory_space<hbm>>) dst(%dma_wait3A_267 : memref<256x64xf32, #tpu.memory_space<vmem>>)
    %add3A_274 = arith.constant 1280 : i32
    %add3A_275 = arith.addi %mul3A_2, %add3A_274 : i32
    %dma_start3A_276 = arith.constant 5 : i32
    %dma_start3A_277 = arith.constant 0 : i32
    %dma_start3A_278 = arith.constant 0 : i32
    %dma_start3A_279 = tpu.memref_slice %arg6[%dma_start3A_276, %dma_start3A_277, %dma_start3A_278] : memref<6x256x64xf32, #tpu.memory_space<vmem>> -> memref<1x256x64xf32, #tpu.memory_space<vmem>>
    %dma_start3A_280 = tpu.memref_squeeze %dma_start3A_279 : memref<1x256x64xf32, #tpu.memory_space<vmem>> -> memref<256x64xf32, #tpu.memory_space<vmem>>
    %dma_start3A_281 = arith.constant 0 : i32
    %dma_start3A_282 = tpu.memref_slice %arg4[%add3A_275, %dma_start3A_281] : memref<409600x64xf32, #tpu.memory_space<hbm>> -> memref<256x64xf32, #tpu.memory_space<hbm>>
    %dma_start3A_283 = arith.constant 0 : i32
    %dma_start3A_284 = tpu.memref_slice %arg4[%add3A_275, %dma_start3A_283] : memref<409600x64xf32, #tpu.memory_space<hbm>> -> memref<256x64xf32, #tpu.memory_space<hbm>>
    %dma_start3A_285 = arith.constant 0 : i32
    %dma_start3A_286 = arith.constant 0 : i32
    %dma_start3A_287 = tpu.memref_slice %arg6[%dma_start3A_276, %dma_start3A_285, %dma_start3A_286] : memref<6x256x64xf32, #tpu.memory_space<vmem>> -> memref<1x256x64xf32, #tpu.memory_space<vmem>>
    %dma_start3A_288 = tpu.memref_squeeze %dma_start3A_287 : memref<1x256x64xf32, #tpu.memory_space<vmem>> -> memref<256x64xf32, #tpu.memory_space<vmem>>
    tpu.enqueue_dma source(%dma_start3A_288 : memref<256x64xf32, #tpu.memory_space<vmem>>) target(%dma_start3A_284 : memref<256x64xf32, #tpu.memory_space<hbm>>) target_semaphore(%arg13 : memref<!tpu.dma_semaphore, #tpu.memory_space<semaphore_mem>>)
    %add3A_289 = arith.constant 512 : i32
    %add3A_290 = arith.addi %mul3A_2, %add3A_289 : i32
    %dma_wait3A_291 = arith.constant 2 : i32
    %dma_wait3A_292 = arith.constant 0 : i32
    %dma_wait3A_293 = arith.constant 0 : i32
    %dma_wait3A_294 = tpu.memref_slice %arg6[%dma_wait3A_291, %dma_wait3A_292, %dma_wait3A_293] : memref<6x256x64xf32, #tpu.memory_space<vmem>> -> memref<1x256x64xf32, #tpu.memory_space<vmem>>
    %dma_wait3A_295 = tpu.memref_squeeze %dma_wait3A_294 : memref<1x256x64xf32, #tpu.memory_space<vmem>> -> memref<256x64xf32, #tpu.memory_space<vmem>>
    %dma_wait3A_296 = arith.constant 0 : i32
    %dma_wait3A_297 = tpu.memref_slice %arg4[%add3A_290, %dma_wait3A_296] : memref<409600x64xf32, #tpu.memory_space<hbm>> -> memref<256x64xf32, #tpu.memory_space<hbm>>
    %dma_wait3A_298 = arith.constant 0 : i32
    %dma_wait3A_299 = tpu.memref_slice %arg4[%add3A_290, %dma_wait3A_298] : memref<409600x64xf32, #tpu.memory_space<hbm>> -> memref<256x64xf32, #tpu.memory_space<hbm>>
    %dma_wait3A_300 = arith.constant 0 : i32
    %dma_wait3A_301 = arith.constant 0 : i32
    %dma_wait3A_302 = tpu.memref_slice %arg6[%dma_wait3A_291, %dma_wait3A_300, %dma_wait3A_301] : memref<6x256x64xf32, #tpu.memory_space<vmem>> -> memref<1x256x64xf32, #tpu.memory_space<vmem>>
    %dma_wait3A_303 = tpu.memref_squeeze %dma_wait3A_302 : memref<1x256x64xf32, #tpu.memory_space<vmem>> -> memref<256x64xf32, #tpu.memory_space<vmem>>
    tpu.wait_dma2 semaphore(%arg10 : memref<!tpu.dma_semaphore, #tpu.memory_space<semaphore_mem>>) src(%dma_wait3A_303 : memref<256x64xf32, #tpu.memory_space<vmem>>) dst(%dma_wait3A_299 : memref<256x64xf32, #tpu.memory_space<hbm>>)
    %dma_start3A_304 = arith.constant 8 : i32
    %dma_start3A_305 = arith.constant 2 : i32
    %dma_start3A_306 = arith.constant 0 : i32
    %dma_start3A_307 = arith.constant 0 : i32
    %dma_start3A_308 = tpu.memref_slice %arg6[%dma_start3A_305, %dma_start3A_306, %dma_start3A_307] : memref<6x256x64xf32, #tpu.memory_space<vmem>> -> memref<1x256x64xf32, #tpu.memory_space<vmem>>
    %dma_start3A_309 = tpu.memref_squeeze %dma_start3A_308 : memref<1x256x64xf32, #tpu.memory_space<vmem>> -> memref<256x64xf32, #tpu.memory_space<vmem>>
    %dma_start3A_310 = arith.constant 0 : i32
    %dma_start3A_311 = tpu.memref_slice %arg5[%dma_start3A_304, %dma_start3A_310] : memref<50x256xi32, #tpu.memory_space<vmem>> -> memref<1x256xi32, #tpu.memory_space<vmem>>
    %dma_start3A_312 = tpu.memref_squeeze %dma_start3A_311 : memref<1x256xi32, #tpu.memory_space<vmem>> -> memref<256xi32, #tpu.memory_space<vmem>>
    %dma_start3A_313 = arith.constant 0 : i32
    %dma_start3A_314 = arith.constant 0 : i32
    %dma_start3A_315 = tpu.memref_slice %arg3[%dma_start3A_313, %dma_start3A_314] : memref<1000000x64xf32, #tpu.memory_space<hbm>> -> memref<1000000x64xf32, #tpu.memory_space<hbm>>
    tpu.enqueue_indirect_dma source(%dma_start3A_315 : memref<1000000x64xf32, #tpu.memory_space<hbm>>) target(%dma_start3A_309 : memref<256x64xf32, #tpu.memory_space<vmem>>) offsets(%dma_start3A_312 : memref<256xi32, #tpu.memory_space<vmem>>) semaphore(%arg7 : memref<!tpu.dma_semaphore, #tpu.memory_space<semaphore_mem>>)
    %scan3A = arith.constant 0 : i32
    %scan3A_316 = arith.constant 6 : i32
    %scan3A_317 = arith.addi %scan3A, %scan3A_316 : i32
    %scan3A_318 = arith.constant 1 : i32
    scf.for %scan3A_761 = %scan3A to %scan3A_317 step %scan3A_318  : i32 {
      %mul3A_762 = arith.constant 1 : i32
      %mul3A_763 = arith.muli %scan3A_761, %mul3A_762 : i32
      %add3A_764 = arith.constant 1 : i32
      %add3A_765 = arith.addi %add3A_764, %mul3A_763 : i32
      %mul3A_766 = arith.constant 6 : i32
      %mul3A_767 = arith.muli %add3A_765, %mul3A_766 : i32
      %add3A_768 = arith.constant 0 : i32
      %add3A_769 = arith.addi %mul3A_767, %add3A_768 : i32
      %dma_wait3A_770 = arith.constant 0 : i32
      %dma_wait3A_771 = arith.constant 0 : i32
      %dma_wait3A_772 = arith.constant 0 : i32
      %dma_wait3A_773 = tpu.memref_slice %arg6[%dma_wait3A_770, %dma_wait3A_771, %dma_wait3A_772] : memref<6x256x64xf32, #tpu.memory_space<vmem>> -> memref<1x256x64xf32, #tpu.memory_space<vmem>>
      %dma_wait3A_774 = tpu.memref_squeeze %dma_wait3A_773 : memref<1x256x64xf32, #tpu.memory_space<vmem>> -> memref<256x64xf32, #tpu.memory_space<vmem>>
      %dma_wait3A_775 = arith.constant 0 : i32
      %dma_wait3A_776 = tpu.memref_slice %arg5[%add3A_769, %dma_wait3A_775] : memref<50x256xi32, #tpu.memory_space<vmem>> -> memref<1x256xi32, #tpu.memory_space<vmem>>
      %dma_wait3A_777 = tpu.memref_squeeze %dma_wait3A_776 : memref<1x256xi32, #tpu.memory_space<vmem>> -> memref<256xi32, #tpu.memory_space<vmem>>
      %dma_wait3A_778 = arith.constant 0 : i32
      %dma_wait3A_779 = arith.constant 0 : i32
      %dma_wait3A_780 = tpu.memref_slice %arg3[%dma_wait3A_778, %dma_wait3A_779] : memref<1000000x64xf32, #tpu.memory_space<hbm>> -> memref<1000000x64xf32, #tpu.memory_space<hbm>>
      tpu.wait_indirect_dma semaphore(%arg7 : memref<!tpu.dma_semaphore, #tpu.memory_space<semaphore_mem>>) src(%dma_wait3A_780 : memref<1000000x64xf32, #tpu.memory_space<hbm>>) dst(%dma_wait3A_774 : memref<256x64xf32, #tpu.memory_space<vmem>>)
      %mul3A_781 = arith.constant 256 : i32
      %mul3A_782 = arith.muli %add3A_769, %mul3A_781 : i32
      %add3A_783 = arith.addi %mul3A_2, %mul3A_782 : i32
      %dma_start3A_784 = arith.constant 0 : i32
      %dma_start3A_785 = arith.constant 0 : i32
      %dma_start3A_786 = arith.constant 0 : i32
      %dma_start3A_787 = tpu.memref_slice %arg6[%dma_start3A_784, %dma_start3A_785, %dma_start3A_786] : memref<6x256x64xf32, #tpu.memory_space<vmem>> -> memref<1x256x64xf32, #tpu.memory_space<vmem>>
      %dma_start3A_788 = tpu.memref_squeeze %dma_start3A_787 : memref<1x256x64xf32, #tpu.memory_space<vmem>> -> memref<256x64xf32, #tpu.memory_space<vmem>>
      %dma_start3A_789 = arith.constant 0 : i32
      %dma_start3A_790 = tpu.memref_slice %arg4[%add3A_783, %dma_start3A_789] : memref<409600x64xf32, #tpu.memory_space<hbm>> -> memref<256x64xf32, #tpu.memory_space<hbm>>
      %dma_start3A_791 = arith.constant 0 : i32
      %dma_start3A_792 = tpu.memref_slice %arg4[%add3A_783, %dma_start3A_791] : memref<409600x64xf32, #tpu.memory_space<hbm>> -> memref<256x64xf32, #tpu.memory_space<hbm>>
      %dma_start3A_793 = arith.constant 0 : i32
      %dma_start3A_794 = arith.constant 0 : i32
      %dma_start3A_795 = tpu.memref_slice %arg6[%dma_start3A_784, %dma_start3A_793, %dma_start3A_794] : memref<6x256x64xf32, #tpu.memory_space<vmem>> -> memref<1x256x64xf32, #tpu.memory_space<vmem>>
      %dma_start3A_796 = tpu.memref_squeeze %dma_start3A_795 : memref<1x256x64xf32, #tpu.memory_space<vmem>> -> memref<256x64xf32, #tpu.memory_space<vmem>>
      tpu.enqueue_dma source(%dma_start3A_796 : memref<256x64xf32, #tpu.memory_space<vmem>>) target(%dma_start3A_792 : memref<256x64xf32, #tpu.memory_space<hbm>>) target_semaphore(%arg8 : memref<!tpu.dma_semaphore, #tpu.memory_space<semaphore_mem>>)
      %sub3A = arith.constant 3 : i32
      %sub3A_797 = arith.subi %add3A_769, %sub3A : i32
      %mul3A_798 = arith.constant 256 : i32
      %mul3A_799 = arith.muli %sub3A_797, %mul3A_798 : i32
      %add3A_800 = arith.addi %mul3A_2, %mul3A_799 : i32
      %dma_wait3A_801 = arith.constant 3 : i32
      %dma_wait3A_802 = arith.constant 0 : i32
      %dma_wait3A_803 = arith.constant 0 : i32
      %dma_wait3A_804 = tpu.memref_slice %arg6[%dma_wait3A_801, %dma_wait3A_802, %dma_wait3A_803] : memref<6x256x64xf32, #tpu.memory_space<vmem>> -> memref<1x256x64xf32, #tpu.memory_space<vmem>>
      %dma_wait3A_805 = tpu.memref_squeeze %dma_wait3A_804 : memref<1x256x64xf32, #tpu.memory_space<vmem>> -> memref<256x64xf32, #tpu.memory_space<vmem>>
      %dma_wait3A_806 = arith.constant 0 : i32
      %dma_wait3A_807 = tpu.memref_slice %arg4[%add3A_800, %dma_wait3A_806] : memref<409600x64xf32, #tpu.memory_space<hbm>> -> memref<256x64xf32, #tpu.memory_space<hbm>>
      %dma_wait3A_808 = arith.constant 0 : i32
      %dma_wait3A_809 = tpu.memref_slice %arg4[%add3A_800, %dma_wait3A_808] : memref<409600x64xf32, #tpu.memory_space<hbm>> -> memref<256x64xf32, #tpu.memory_space<hbm>>
      %dma_wait3A_810 = arith.constant 0 : i32
      %dma_wait3A_811 = arith.constant 0 : i32
      %dma_wait3A_812 = tpu.memref_slice %arg6[%dma_wait3A_801, %dma_wait3A_810, %dma_wait3A_811] : memref<6x256x64xf32, #tpu.memory_space<vmem>> -> memref<1x256x64xf32, #tpu.memory_space<vmem>>
      %dma_wait3A_813 = tpu.memref_squeeze %dma_wait3A_812 : memref<1x256x64xf32, #tpu.memory_space<vmem>> -> memref<256x64xf32, #tpu.memory_space<vmem>>
      tpu.wait_dma2 semaphore(%arg11 : memref<!tpu.dma_semaphore, #tpu.memory_space<semaphore_mem>>) src(%dma_wait3A_813 : memref<256x64xf32, #tpu.memory_space<vmem>>) dst(%dma_wait3A_809 : memref<256x64xf32, #tpu.memory_space<hbm>>)
      %add3A_814 = arith.constant 3 : i32
      %add3A_815 = arith.addi %add3A_769, %add3A_814 : i32
      %dma_start3A_816 = arith.constant 3 : i32
      %dma_start3A_817 = arith.constant 0 : i32
      %dma_start3A_818 = arith.constant 0 : i32
      %dma_start3A_819 = tpu.memref_slice %arg6[%dma_start3A_816, %dma_start3A_817, %dma_start3A_818] : memref<6x256x64xf32, #tpu.memory_space<vmem>> -> memref<1x256x64xf32, #tpu.memory_space<vmem>>
      %dma_start3A_820 = tpu.memref_squeeze %dma_start3A_819 : memref<1x256x64xf32, #tpu.memory_space<vmem>> -> memref<256x64xf32, #tpu.memory_space<vmem>>
      %dma_start3A_821 = arith.constant 0 : i32
      %dma_start3A_822 = tpu.memref_slice %arg5[%add3A_815, %dma_start3A_821] : memref<50x256xi32, #tpu.memory_space<vmem>> -> memref<1x256xi32, #tpu.memory_space<vmem>>
      %dma_start3A_823 = tpu.memref_squeeze %dma_start3A_822 : memref<1x256xi32, #tpu.memory_space<vmem>> -> memref<256xi32, #tpu.memory_space<vmem>>
      %dma_start3A_824 = arith.constant 0 : i32
      %dma_start3A_825 = arith.constant 0 : i32
      %dma_start3A_826 = tpu.memref_slice %arg3[%dma_start3A_824, %dma_start3A_825] : memref<1000000x64xf32, #tpu.memory_space<hbm>> -> memref<1000000x64xf32, #tpu.memory_space<hbm>>
      tpu.enqueue_indirect_dma source(%dma_start3A_826 : memref<1000000x64xf32, #tpu.memory_space<hbm>>) target(%dma_start3A_820 : memref<256x64xf32, #tpu.memory_space<vmem>>) offsets(%dma_start3A_823 : memref<256xi32, #tpu.memory_space<vmem>>) semaphore(%arg7 : memref<!tpu.dma_semaphore, #tpu.memory_space<semaphore_mem>>)
      %mul3A_827 = arith.constant 6 : i32
      %mul3A_828 = arith.muli %add3A_765, %mul3A_827 : i32
      %add3A_829 = arith.constant 1 : i32
      %add3A_830 = arith.addi %mul3A_828, %add3A_829 : i32
      %dma_wait3A_831 = arith.constant 1 : i32
      %dma_wait3A_832 = arith.constant 0 : i32
      %dma_wait3A_833 = arith.constant 0 : i32
      %dma_wait3A_834 = tpu.memref_slice %arg6[%dma_wait3A_831, %dma_wait3A_832, %dma_wait3A_833] : memref<6x256x64xf32, #tpu.memory_space<vmem>> -> memref<1x256x64xf32, #tpu.memory_space<vmem>>
      %dma_wait3A_835 = tpu.memref_squeeze %dma_wait3A_834 : memref<1x256x64xf32, #tpu.memory_space<vmem>> -> memref<256x64xf32, #tpu.memory_space<vmem>>
      %dma_wait3A_836 = arith.constant 0 : i32
      %dma_wait3A_837 = tpu.memref_slice %arg5[%add3A_830, %dma_wait3A_836] : memref<50x256xi32, #tpu.memory_space<vmem>> -> memref<1x256xi32, #tpu.memory_space<vmem>>
      %dma_wait3A_838 = tpu.memref_squeeze %dma_wait3A_837 : memref<1x256xi32, #tpu.memory_space<vmem>> -> memref<256xi32, #tpu.memory_space<vmem>>
      %dma_wait3A_839 = arith.constant 0 : i32
      %dma_wait3A_840 = arith.constant 0 : i32
      %dma_wait3A_841 = tpu.memref_slice %arg3[%dma_wait3A_839, %dma_wait3A_840] : memref<1000000x64xf32, #tpu.memory_space<hbm>> -> memref<1000000x64xf32, #tpu.memory_space<hbm>>
      tpu.wait_indirect_dma semaphore(%arg7 : memref<!tpu.dma_semaphore, #tpu.memory_space<semaphore_mem>>) src(%dma_wait3A_841 : memref<1000000x64xf32, #tpu.memory_space<hbm>>) dst(%dma_wait3A_835 : memref<256x64xf32, #tpu.memory_space<vmem>>)
      %mul3A_842 = arith.constant 256 : i32
      %mul3A_843 = arith.muli %add3A_830, %mul3A_842 : i32
      %add3A_844 = arith.addi %mul3A_2, %mul3A_843 : i32
      %dma_start3A_845 = arith.constant 1 : i32
      %dma_start3A_846 = arith.constant 0 : i32
      %dma_start3A_847 = arith.constant 0 : i32
      %dma_start3A_848 = tpu.memref_slice %arg6[%dma_start3A_845, %dma_start3A_846, %dma_start3A_847] : memref<6x256x64xf32, #tpu.memory_space<vmem>> -> memref<1x256x64xf32, #tpu.memory_space<vmem>>
      %dma_start3A_849 = tpu.memref_squeeze %dma_start3A_848 : memref<1x256x64xf32, #tpu.memory_space<vmem>> -> memref<256x64xf32, #tpu.memory_space<vmem>>
      %dma_start3A_850 = arith.constant 0 : i32
      %dma_start3A_851 = tpu.memref_slice %arg4[%add3A_844, %dma_start3A_850] : memref<409600x64xf32, #tpu.memory_space<hbm>> -> memref<256x64xf32, #tpu.memory_space<hbm>>
      %dma_start3A_852 = arith.constant 0 : i32
      %dma_start3A_853 = tpu.memref_slice %arg4[%add3A_844, %dma_start3A_852] : memref<409600x64xf32, #tpu.memory_space<hbm>> -> memref<256x64xf32, #tpu.memory_space<hbm>>
      %dma_start3A_854 = arith.constant 0 : i32
      %dma_start3A_855 = arith.constant 0 : i32
      %dma_start3A_856 = tpu.memref_slice %arg6[%dma_start3A_845, %dma_start3A_854, %dma_start3A_855] : memref<6x256x64xf32, #tpu.memory_space<vmem>> -> memref<1x256x64xf32, #tpu.memory_space<vmem>>
      %dma_start3A_857 = tpu.memref_squeeze %dma_start3A_856 : memref<1x256x64xf32, #tpu.memory_space<vmem>> -> memref<256x64xf32, #tpu.memory_space<vmem>>
      tpu.enqueue_dma source(%dma_start3A_857 : memref<256x64xf32, #tpu.memory_space<vmem>>) target(%dma_start3A_853 : memref<256x64xf32, #tpu.memory_space<hbm>>) target_semaphore(%arg9 : memref<!tpu.dma_semaphore, #tpu.memory_space<semaphore_mem>>)
      %sub3A_858 = arith.constant 3 : i32
      %sub3A_859 = arith.subi %add3A_830, %sub3A_858 : i32
      %mul3A_860 = arith.constant 256 : i32
      %mul3A_861 = arith.muli %sub3A_859, %mul3A_860 : i32
      %add3A_862 = arith.addi %mul3A_2, %mul3A_861 : i32
      %dma_wait3A_863 = arith.constant 4 : i32
      %dma_wait3A_864 = arith.constant 0 : i32
      %dma_wait3A_865 = arith.constant 0 : i32
      %dma_wait3A_866 = tpu.memref_slice %arg6[%dma_wait3A_863, %dma_wait3A_864, %dma_wait3A_865] : memref<6x256x64xf32, #tpu.memory_space<vmem>> -> memref<1x256x64xf32, #tpu.memory_space<vmem>>
      %dma_wait3A_867 = tpu.memref_squeeze %dma_wait3A_866 : memref<1x256x64xf32, #tpu.memory_space<vmem>> -> memref<256x64xf32, #tpu.memory_space<vmem>>
      %dma_wait3A_868 = arith.constant 0 : i32
      %dma_wait3A_869 = tpu.memref_slice %arg4[%add3A_862, %dma_wait3A_868] : memref<409600x64xf32, #tpu.memory_space<hbm>> -> memref<256x64xf32, #tpu.memory_space<hbm>>
      %dma_wait3A_870 = arith.constant 0 : i32
      %dma_wait3A_871 = tpu.memref_slice %arg4[%add3A_862, %dma_wait3A_870] : memref<409600x64xf32, #tpu.memory_space<hbm>> -> memref<256x64xf32, #tpu.memory_space<hbm>>
      %dma_wait3A_872 = arith.constant 0 : i32
      %dma_wait3A_873 = arith.constant 0 : i32
      %dma_wait3A_874 = tpu.memref_slice %arg6[%dma_wait3A_863, %dma_wait3A_872, %dma_wait3A_873] : memref<6x256x64xf32, #tpu.memory_space<vmem>> -> memref<1x256x64xf32, #tpu.memory_space<vmem>>
      %dma_wait3A_875 = tpu.memref_squeeze %dma_wait3A_874 : memref<1x256x64xf32, #tpu.memory_space<vmem>> -> memref<256x64xf32, #tpu.memory_space<vmem>>
      tpu.wait_dma2 semaphore(%arg12 : memref<!tpu.dma_semaphore, #tpu.memory_space<semaphore_mem>>) src(%dma_wait3A_875 : memref<256x64xf32, #tpu.memory_space<vmem>>) dst(%dma_wait3A_871 : memref<256x64xf32, #tpu.memory_space<hbm>>)
      %add3A_876 = arith.constant 3 : i32
      %add3A_877 = arith.addi %add3A_830, %add3A_876 : i32
      %dma_start3A_878 = arith.constant 4 : i32
      %dma_start3A_879 = arith.constant 0 : i32
      %dma_start3A_880 = arith.constant 0 : i32
      %dma_start3A_881 = tpu.memref_slice %arg6[%dma_start3A_878, %dma_start3A_879, %dma_start3A_880] : memref<6x256x64xf32, #tpu.memory_space<vmem>> -> memref<1x256x64xf32, #tpu.memory_space<vmem>>
      %dma_start3A_882 = tpu.memref_squeeze %dma_start3A_881 : memref<1x256x64xf32, #tpu.memory_space<vmem>> -> memref<256x64xf32, #tpu.memory_space<vmem>>
      %dma_start3A_883 = arith.constant 0 : i32
      %dma_start3A_884 = tpu.memref_slice %arg5[%add3A_877, %dma_start3A_883] : memref<50x256xi32, #tpu.memory_space<vmem>> -> memref<1x256xi32, #tpu.memory_space<vmem>>
      %dma_start3A_885 = tpu.memref_squeeze %dma_start3A_884 : memref<1x256xi32, #tpu.memory_space<vmem>> -> memref<256xi32, #tpu.memory_space<vmem>>
      %dma_start3A_886 = arith.constant 0 : i32
      %dma_start3A_887 = arith.constant 0 : i32
      %dma_start3A_888 = tpu.memref_slice %arg3[%dma_start3A_886, %dma_start3A_887] : memref<1000000x64xf32, #tpu.memory_space<hbm>> -> memref<1000000x64xf32, #tpu.memory_space<hbm>>
      tpu.enqueue_indirect_dma source(%dma_start3A_888 : memref<1000000x64xf32, #tpu.memory_space<hbm>>) target(%dma_start3A_882 : memref<256x64xf32, #tpu.memory_space<vmem>>) offsets(%dma_start3A_885 : memref<256xi32, #tpu.memory_space<vmem>>) semaphore(%arg7 : memref<!tpu.dma_semaphore, #tpu.memory_space<semaphore_mem>>)
      %mul3A_889 = arith.constant 6 : i32
      %mul3A_890 = arith.muli %add3A_765, %mul3A_889 : i32
      %add3A_891 = arith.constant 2 : i32
      %add3A_892 = arith.addi %mul3A_890, %add3A_891 : i32
      %dma_wait3A_893 = arith.constant 2 : i32
      %dma_wait3A_894 = arith.constant 0 : i32
      %dma_wait3A_895 = arith.constant 0 : i32
      %dma_wait3A_896 = tpu.memref_slice %arg6[%dma_wait3A_893, %dma_wait3A_894, %dma_wait3A_895] : memref<6x256x64xf32, #tpu.memory_space<vmem>> -> memref<1x256x64xf32, #tpu.memory_space<vmem>>
      %dma_wait3A_897 = tpu.memref_squeeze %dma_wait3A_896 : memref<1x256x64xf32, #tpu.memory_space<vmem>> -> memref<256x64xf32, #tpu.memory_space<vmem>>
      %dma_wait3A_898 = arith.constant 0 : i32
      %dma_wait3A_899 = tpu.memref_slice %arg5[%add3A_892, %dma_wait3A_898] : memref<50x256xi32, #tpu.memory_space<vmem>> -> memref<1x256xi32, #tpu.memory_space<vmem>>
      %dma_wait3A_900 = tpu.memref_squeeze %dma_wait3A_899 : memref<1x256xi32, #tpu.memory_space<vmem>> -> memref<256xi32, #tpu.memory_space<vmem>>
      %dma_wait3A_901 = arith.constant 0 : i32
      %dma_wait3A_902 = arith.constant 0 : i32
      %dma_wait3A_903 = tpu.memref_slice %arg3[%dma_wait3A_901, %dma_wait3A_902] : memref<1000000x64xf32, #tpu.memory_space<hbm>> -> memref<1000000x64xf32, #tpu.memory_space<hbm>>
      tpu.wait_indirect_dma semaphore(%arg7 : memref<!tpu.dma_semaphore, #tpu.memory_space<semaphore_mem>>) src(%dma_wait3A_903 : memref<1000000x64xf32, #tpu.memory_space<hbm>>) dst(%dma_wait3A_897 : memref<256x64xf32, #tpu.memory_space<vmem>>)
      %mul3A_904 = arith.constant 256 : i32
      %mul3A_905 = arith.muli %add3A_892, %mul3A_904 : i32
      %add3A_906 = arith.addi %mul3A_2, %mul3A_905 : i32
      %dma_start3A_907 = arith.constant 2 : i32
      %dma_start3A_908 = arith.constant 0 : i32
      %dma_start3A_909 = arith.constant 0 : i32
      %dma_start3A_910 = tpu.memref_slice %arg6[%dma_start3A_907, %dma_start3A_908, %dma_start3A_909] : memref<6x256x64xf32, #tpu.memory_space<vmem>> -> memref<1x256x64xf32, #tpu.memory_space<vmem>>
      %dma_start3A_911 = tpu.memref_squeeze %dma_start3A_910 : memref<1x256x64xf32, #tpu.memory_space<vmem>> -> memref<256x64xf32, #tpu.memory_space<vmem>>
      %dma_start3A_912 = arith.constant 0 : i32
      %dma_start3A_913 = tpu.memref_slice %arg4[%add3A_906, %dma_start3A_912] : memref<409600x64xf32, #tpu.memory_space<hbm>> -> memref<256x64xf32, #tpu.memory_space<hbm>>
      %dma_start3A_914 = arith.constant 0 : i32
      %dma_start3A_915 = tpu.memref_slice %arg4[%add3A_906, %dma_start3A_914] : memref<409600x64xf32, #tpu.memory_space<hbm>> -> memref<256x64xf32, #tpu.memory_space<hbm>>
      %dma_start3A_916 = arith.constant 0 : i32
      %dma_start3A_917 = arith.constant 0 : i32
      %dma_start3A_918 = tpu.memref_slice %arg6[%dma_start3A_907, %dma_start3A_916, %dma_start3A_917] : memref<6x256x64xf32, #tpu.memory_space<vmem>> -> memref<1x256x64xf32, #tpu.memory_space<vmem>>
      %dma_start3A_919 = tpu.memref_squeeze %dma_start3A_918 : memref<1x256x64xf32, #tpu.memory_space<vmem>> -> memref<256x64xf32, #tpu.memory_space<vmem>>
      tpu.enqueue_dma source(%dma_start3A_919 : memref<256x64xf32, #tpu.memory_space<vmem>>) target(%dma_start3A_915 : memref<256x64xf32, #tpu.memory_space<hbm>>) target_semaphore(%arg10 : memref<!tpu.dma_semaphore, #tpu.memory_space<semaphore_mem>>)
      %sub3A_920 = arith.constant 3 : i32
      %sub3A_921 = arith.subi %add3A_892, %sub3A_920 : i32
      %mul3A_922 = arith.constant 256 : i32
      %mul3A_923 = arith.muli %sub3A_921, %mul3A_922 : i32
      %add3A_924 = arith.addi %mul3A_2, %mul3A_923 : i32
      %dma_wait3A_925 = arith.constant 5 : i32
      %dma_wait3A_926 = arith.constant 0 : i32
      %dma_wait3A_927 = arith.constant 0 : i32
      %dma_wait3A_928 = tpu.memref_slice %arg6[%dma_wait3A_925, %dma_wait3A_926, %dma_wait3A_927] : memref<6x256x64xf32, #tpu.memory_space<vmem>> -> memref<1x256x64xf32, #tpu.memory_space<vmem>>
      %dma_wait3A_929 = tpu.memref_squeeze %dma_wait3A_928 : memref<1x256x64xf32, #tpu.memory_space<vmem>> -> memref<256x64xf32, #tpu.memory_space<vmem>>
      %dma_wait3A_930 = arith.constant 0 : i32
      %dma_wait3A_931 = tpu.memref_slice %arg4[%add3A_924, %dma_wait3A_930] : memref<409600x64xf32, #tpu.memory_space<hbm>> -> memref<256x64xf32, #tpu.memory_space<hbm>>
      %dma_wait3A_932 = arith.constant 0 : i32
      %dma_wait3A_933 = tpu.memref_slice %arg4[%add3A_924, %dma_wait3A_932] : memref<409600x64xf32, #tpu.memory_space<hbm>> -> memref<256x64xf32, #tpu.memory_space<hbm>>
      %dma_wait3A_934 = arith.constant 0 : i32
      %dma_wait3A_935 = arith.constant 0 : i32
      %dma_wait3A_936 = tpu.memref_slice %arg6[%dma_wait3A_925, %dma_wait3A_934, %dma_wait3A_935] : memref<6x256x64xf32, #tpu.memory_space<vmem>> -> memref<1x256x64xf32, #tpu.memory_space<vmem>>
      %dma_wait3A_937 = tpu.memref_squeeze %dma_wait3A_936 : memref<1x256x64xf32, #tpu.memory_space<vmem>> -> memref<256x64xf32, #tpu.memory_space<vmem>>
      tpu.wait_dma2 semaphore(%arg13 : memref<!tpu.dma_semaphore, #tpu.memory_space<semaphore_mem>>) src(%dma_wait3A_937 : memref<256x64xf32, #tpu.memory_space<vmem>>) dst(%dma_wait3A_933 : memref<256x64xf32, #tpu.memory_space<hbm>>)
      %add3A_938 = arith.constant 3 : i32
      %add3A_939 = arith.addi %add3A_892, %add3A_938 : i32
      %dma_start3A_940 = arith.constant 5 : i32
      %dma_start3A_941 = arith.constant 0 : i32
      %dma_start3A_942 = arith.constant 0 : i32
      %dma_start3A_943 = tpu.memref_slice %arg6[%dma_start3A_940, %dma_start3A_941, %dma_start3A_942] : memref<6x256x64xf32, #tpu.memory_space<vmem>> -> memref<1x256x64xf32, #tpu.memory_space<vmem>>
      %dma_start3A_944 = tpu.memref_squeeze %dma_start3A_943 : memref<1x256x64xf32, #tpu.memory_space<vmem>> -> memref<256x64xf32, #tpu.memory_space<vmem>>
      %dma_start3A_945 = arith.constant 0 : i32
      %dma_start3A_946 = tpu.memref_slice %arg5[%add3A_939, %dma_start3A_945] : memref<50x256xi32, #tpu.memory_space<vmem>> -> memref<1x256xi32, #tpu.memory_space<vmem>>
      %dma_start3A_947 = tpu.memref_squeeze %dma_start3A_946 : memref<1x256xi32, #tpu.memory_space<vmem>> -> memref<256xi32, #tpu.memory_space<vmem>>
      %dma_start3A_948 = arith.constant 0 : i32
      %dma_start3A_949 = arith.constant 0 : i32
      %dma_start3A_950 = tpu.memref_slice %arg3[%dma_start3A_948, %dma_start3A_949] : memref<1000000x64xf32, #tpu.memory_space<hbm>> -> memref<1000000x64xf32, #tpu.memory_space<hbm>>
      tpu.enqueue_indirect_dma source(%dma_start3A_950 : memref<1000000x64xf32, #tpu.memory_space<hbm>>) target(%dma_start3A_944 : memref<256x64xf32, #tpu.memory_space<vmem>>) offsets(%dma_start3A_947 : memref<256xi32, #tpu.memory_space<vmem>>) semaphore(%arg7 : memref<!tpu.dma_semaphore, #tpu.memory_space<semaphore_mem>>)
      %mul3A_951 = arith.constant 6 : i32
      %mul3A_952 = arith.muli %add3A_765, %mul3A_951 : i32
      %add3A_953 = arith.constant 3 : i32
      %add3A_954 = arith.addi %mul3A_952, %add3A_953 : i32
      %dma_wait3A_955 = arith.constant 3 : i32
      %dma_wait3A_956 = arith.constant 0 : i32
      %dma_wait3A_957 = arith.constant 0 : i32
      %dma_wait3A_958 = tpu.memref_slice %arg6[%dma_wait3A_955, %dma_wait3A_956, %dma_wait3A_957] : memref<6x256x64xf32, #tpu.memory_space<vmem>> -> memref<1x256x64xf32, #tpu.memory_space<vmem>>
      %dma_wait3A_959 = tpu.memref_squeeze %dma_wait3A_958 : memref<1x256x64xf32, #tpu.memory_space<vmem>> -> memref<256x64xf32, #tpu.memory_space<vmem>>
      %dma_wait3A_960 = arith.constant 0 : i32
      %dma_wait3A_961 = tpu.memref_slice %arg5[%add3A_954, %dma_wait3A_960] : memref<50x256xi32, #tpu.memory_space<vmem>> -> memref<1x256xi32, #tpu.memory_space<vmem>>
      %dma_wait3A_962 = tpu.memref_squeeze %dma_wait3A_961 : memref<1x256xi32, #tpu.memory_space<vmem>> -> memref<256xi32, #tpu.memory_space<vmem>>
      %dma_wait3A_963 = arith.constant 0 : i32
      %dma_wait3A_964 = arith.constant 0 : i32
      %dma_wait3A_965 = tpu.memref_slice %arg3[%dma_wait3A_963, %dma_wait3A_964] : memref<1000000x64xf32, #tpu.memory_space<hbm>> -> memref<1000000x64xf32, #tpu.memory_space<hbm>>
      tpu.wait_indirect_dma semaphore(%arg7 : memref<!tpu.dma_semaphore, #tpu.memory_space<semaphore_mem>>) src(%dma_wait3A_965 : memref<1000000x64xf32, #tpu.memory_space<hbm>>) dst(%dma_wait3A_959 : memref<256x64xf32, #tpu.memory_space<vmem>>)
      %mul3A_966 = arith.constant 256 : i32
      %mul3A_967 = arith.muli %add3A_954, %mul3A_966 : i32
      %add3A_968 = arith.addi %mul3A_2, %mul3A_967 : i32
      %dma_start3A_969 = arith.constant 3 : i32
      %dma_start3A_970 = arith.constant 0 : i32
      %dma_start3A_971 = arith.constant 0 : i32
      %dma_start3A_972 = tpu.memref_slice %arg6[%dma_start3A_969, %dma_start3A_970, %dma_start3A_971] : memref<6x256x64xf32, #tpu.memory_space<vmem>> -> memref<1x256x64xf32, #tpu.memory_space<vmem>>
      %dma_start3A_973 = tpu.memref_squeeze %dma_start3A_972 : memref<1x256x64xf32, #tpu.memory_space<vmem>> -> memref<256x64xf32, #tpu.memory_space<vmem>>
      %dma_start3A_974 = arith.constant 0 : i32
      %dma_start3A_975 = tpu.memref_slice %arg4[%add3A_968, %dma_start3A_974] : memref<409600x64xf32, #tpu.memory_space<hbm>> -> memref<256x64xf32, #tpu.memory_space<hbm>>
      %dma_start3A_976 = arith.constant 0 : i32
      %dma_start3A_977 = tpu.memref_slice %arg4[%add3A_968, %dma_start3A_976] : memref<409600x64xf32, #tpu.memory_space<hbm>> -> memref<256x64xf32, #tpu.memory_space<hbm>>
      %dma_start3A_978 = arith.constant 0 : i32
      %dma_start3A_979 = arith.constant 0 : i32
      %dma_start3A_980 = tpu.memref_slice %arg6[%dma_start3A_969, %dma_start3A_978, %dma_start3A_979] : memref<6x256x64xf32, #tpu.memory_space<vmem>> -> memref<1x256x64xf32, #tpu.memory_space<vmem>>
      %dma_start3A_981 = tpu.memref_squeeze %dma_start3A_980 : memref<1x256x64xf32, #tpu.memory_space<vmem>> -> memref<256x64xf32, #tpu.memory_space<vmem>>
      tpu.enqueue_dma source(%dma_start3A_981 : memref<256x64xf32, #tpu.memory_space<vmem>>) target(%dma_start3A_977 : memref<256x64xf32, #tpu.memory_space<hbm>>) target_semaphore(%arg11 : memref<!tpu.dma_semaphore, #tpu.memory_space<semaphore_mem>>)
      %sub3A_982 = arith.constant 3 : i32
      %sub3A_983 = arith.subi %add3A_954, %sub3A_982 : i32
      %mul3A_984 = arith.constant 256 : i32
      %mul3A_985 = arith.muli %sub3A_983, %mul3A_984 : i32
      %add3A_986 = arith.addi %mul3A_2, %mul3A_985 : i32
      %dma_wait3A_987 = arith.constant 0 : i32
      %dma_wait3A_988 = arith.constant 0 : i32
      %dma_wait3A_989 = arith.constant 0 : i32
      %dma_wait3A_990 = tpu.memref_slice %arg6[%dma_wait3A_987, %dma_wait3A_988, %dma_wait3A_989] : memref<6x256x64xf32, #tpu.memory_space<vmem>> -> memref<1x256x64xf32, #tpu.memory_space<vmem>>
      %dma_wait3A_991 = tpu.memref_squeeze %dma_wait3A_990 : memref<1x256x64xf32, #tpu.memory_space<vmem>> -> memref<256x64xf32, #tpu.memory_space<vmem>>
      %dma_wait3A_992 = arith.constant 0 : i32
      %dma_wait3A_993 = tpu.memref_slice %arg4[%add3A_986, %dma_wait3A_992] : memref<409600x64xf32, #tpu.memory_space<hbm>> -> memref<256x64xf32, #tpu.memory_space<hbm>>
      %dma_wait3A_994 = arith.constant 0 : i32
      %dma_wait3A_995 = tpu.memref_slice %arg4[%add3A_986, %dma_wait3A_994] : memref<409600x64xf32, #tpu.memory_space<hbm>> -> memref<256x64xf32, #tpu.memory_space<hbm>>
      %dma_wait3A_996 = arith.constant 0 : i32
      %dma_wait3A_997 = arith.constant 0 : i32
      %dma_wait3A_998 = tpu.memref_slice %arg6[%dma_wait3A_987, %dma_wait3A_996, %dma_wait3A_997] : memref<6x256x64xf32, #tpu.memory_space<vmem>> -> memref<1x256x64xf32, #tpu.memory_space<vmem>>
      %dma_wait3A_999 = tpu.memref_squeeze %dma_wait3A_998 : memref<1x256x64xf32, #tpu.memory_space<vmem>> -> memref<256x64xf32, #tpu.memory_space<vmem>>
      tpu.wait_dma2 semaphore(%arg8 : memref<!tpu.dma_semaphore, #tpu.memory_space<semaphore_mem>>) src(%dma_wait3A_999 : memref<256x64xf32, #tpu.memory_space<vmem>>) dst(%dma_wait3A_995 : memref<256x64xf32, #tpu.memory_space<hbm>>)
      %add3A_1000 = arith.constant 3 : i32
      %add3A_1001 = arith.addi %add3A_954, %add3A_1000 : i32
      %dma_start3A_1002 = arith.constant 0 : i32
      %dma_start3A_1003 = arith.constant 0 : i32
      %dma_start3A_1004 = arith.constant 0 : i32
      %dma_start3A_1005 = tpu.memref_slice %arg6[%dma_start3A_1002, %dma_start3A_1003, %dma_start3A_1004] : memref<6x256x64xf32, #tpu.memory_space<vmem>> -> memref<1x256x64xf32, #tpu.memory_space<vmem>>
      %dma_start3A_1006 = tpu.memref_squeeze %dma_start3A_1005 : memref<1x256x64xf32, #tpu.memory_space<vmem>> -> memref<256x64xf32, #tpu.memory_space<vmem>>
      %dma_start3A_1007 = arith.constant 0 : i32
      %dma_start3A_1008 = tpu.memref_slice %arg5[%add3A_1001, %dma_start3A_1007] : memref<50x256xi32, #tpu.memory_space<vmem>> -> memref<1x256xi32, #tpu.memory_space<vmem>>
      %dma_start3A_1009 = tpu.memref_squeeze %dma_start3A_1008 : memref<1x256xi32, #tpu.memory_space<vmem>> -> memref<256xi32, #tpu.memory_space<vmem>>
      %dma_start3A_1010 = arith.constant 0 : i32
      %dma_start3A_1011 = arith.constant 0 : i32
      %dma_start3A_1012 = tpu.memref_slice %arg3[%dma_start3A_1010, %dma_start3A_1011] : memref<1000000x64xf32, #tpu.memory_space<hbm>> -> memref<1000000x64xf32, #tpu.memory_space<hbm>>
      tpu.enqueue_indirect_dma source(%dma_start3A_1012 : memref<1000000x64xf32, #tpu.memory_space<hbm>>) target(%dma_start3A_1006 : memref<256x64xf32, #tpu.memory_space<vmem>>) offsets(%dma_start3A_1009 : memref<256xi32, #tpu.memory_space<vmem>>) semaphore(%arg7 : memref<!tpu.dma_semaphore, #tpu.memory_space<semaphore_mem>>)
      %mul3A_1013 = arith.constant 6 : i32
      %mul3A_1014 = arith.muli %add3A_765, %mul3A_1013 : i32
      %add3A_1015 = arith.constant 4 : i32
      %add3A_1016 = arith.addi %mul3A_1014, %add3A_1015 : i32
      %dma_wait3A_1017 = arith.constant 4 : i32
      %dma_wait3A_1018 = arith.constant 0 : i32
      %dma_wait3A_1019 = arith.constant 0 : i32
      %dma_wait3A_1020 = tpu.memref_slice %arg6[%dma_wait3A_1017, %dma_wait3A_1018, %dma_wait3A_1019] : memref<6x256x64xf32, #tpu.memory_space<vmem>> -> memref<1x256x64xf32, #tpu.memory_space<vmem>>
      %dma_wait3A_1021 = tpu.memref_squeeze %dma_wait3A_1020 : memref<1x256x64xf32, #tpu.memory_space<vmem>> -> memref<256x64xf32, #tpu.memory_space<vmem>>
      %dma_wait3A_1022 = arith.constant 0 : i32
      %dma_wait3A_1023 = tpu.memref_slice %arg5[%add3A_1016, %dma_wait3A_1022] : memref<50x256xi32, #tpu.memory_space<vmem>> -> memref<1x256xi32, #tpu.memory_space<vmem>>
      %dma_wait3A_1024 = tpu.memref_squeeze %dma_wait3A_1023 : memref<1x256xi32, #tpu.memory_space<vmem>> -> memref<256xi32, #tpu.memory_space<vmem>>
      %dma_wait3A_1025 = arith.constant 0 : i32
      %dma_wait3A_1026 = arith.constant 0 : i32
      %dma_wait3A_1027 = tpu.memref_slice %arg3[%dma_wait3A_1025, %dma_wait3A_1026] : memref<1000000x64xf32, #tpu.memory_space<hbm>> -> memref<1000000x64xf32, #tpu.memory_space<hbm>>
      tpu.wait_indirect_dma semaphore(%arg7 : memref<!tpu.dma_semaphore, #tpu.memory_space<semaphore_mem>>) src(%dma_wait3A_1027 : memref<1000000x64xf32, #tpu.memory_space<hbm>>) dst(%dma_wait3A_1021 : memref<256x64xf32, #tpu.memory_space<vmem>>)
      %mul3A_1028 = arith.constant 256 : i32
      %mul3A_1029 = arith.muli %add3A_1016, %mul3A_1028 : i32
      %add3A_1030 = arith.addi %mul3A_2, %mul3A_1029 : i32
      %dma_start3A_1031 = arith.constant 4 : i32
      %dma_start3A_1032 = arith.constant 0 : i32
      %dma_start3A_1033 = arith.constant 0 : i32
      %dma_start3A_1034 = tpu.memref_slice %arg6[%dma_start3A_1031, %dma_start3A_1032, %dma_start3A_1033] : memref<6x256x64xf32, #tpu.memory_space<vmem>> -> memref<1x256x64xf32, #tpu.memory_space<vmem>>
      %dma_start3A_1035 = tpu.memref_squeeze %dma_start3A_1034 : memref<1x256x64xf32, #tpu.memory_space<vmem>> -> memref<256x64xf32, #tpu.memory_space<vmem>>
      %dma_start3A_1036 = arith.constant 0 : i32
      %dma_start3A_1037 = tpu.memref_slice %arg4[%add3A_1030, %dma_start3A_1036] : memref<409600x64xf32, #tpu.memory_space<hbm>> -> memref<256x64xf32, #tpu.memory_space<hbm>>
      %dma_start3A_1038 = arith.constant 0 : i32
      %dma_start3A_1039 = tpu.memref_slice %arg4[%add3A_1030, %dma_start3A_1038] : memref<409600x64xf32, #tpu.memory_space<hbm>> -> memref<256x64xf32, #tpu.memory_space<hbm>>
      %dma_start3A_1040 = arith.constant 0 : i32
      %dma_start3A_1041 = arith.constant 0 : i32
      %dma_start3A_1042 = tpu.memref_slice %arg6[%dma_start3A_1031, %dma_start3A_1040, %dma_start3A_1041] : memref<6x256x64xf32, #tpu.memory_space<vmem>> -> memref<1x256x64xf32, #tpu.memory_space<vmem>>
      %dma_start3A_1043 = tpu.memref_squeeze %dma_start3A_1042 : memref<1x256x64xf32, #tpu.memory_space<vmem>> -> memref<256x64xf32, #tpu.memory_space<vmem>>
      tpu.enqueue_dma source(%dma_start3A_1043 : memref<256x64xf32, #tpu.memory_space<vmem>>) target(%dma_start3A_1039 : memref<256x64xf32, #tpu.memory_space<hbm>>) target_semaphore(%arg12 : memref<!tpu.dma_semaphore, #tpu.memory_space<semaphore_mem>>)
      %sub3A_1044 = arith.constant 3 : i32
      %sub3A_1045 = arith.subi %add3A_1016, %sub3A_1044 : i32
      %mul3A_1046 = arith.constant 256 : i32
      %mul3A_1047 = arith.muli %sub3A_1045, %mul3A_1046 : i32
      %add3A_1048 = arith.addi %mul3A_2, %mul3A_1047 : i32
      %dma_wait3A_1049 = arith.constant 1 : i32
      %dma_wait3A_1050 = arith.constant 0 : i32
      %dma_wait3A_1051 = arith.constant 0 : i32
      %dma_wait3A_1052 = tpu.memref_slice %arg6[%dma_wait3A_1049, %dma_wait3A_1050, %dma_wait3A_1051] : memref<6x256x64xf32, #tpu.memory_space<vmem>> -> memref<1x256x64xf32, #tpu.memory_space<vmem>>
      %dma_wait3A_1053 = tpu.memref_squeeze %dma_wait3A_1052 : memref<1x256x64xf32, #tpu.memory_space<vmem>> -> memref<256x64xf32, #tpu.memory_space<vmem>>
      %dma_wait3A_1054 = arith.constant 0 : i32
      %dma_wait3A_1055 = tpu.memref_slice %arg4[%add3A_1048, %dma_wait3A_1054] : memref<409600x64xf32, #tpu.memory_space<hbm>> -> memref<256x64xf32, #tpu.memory_space<hbm>>
      %dma_wait3A_1056 = arith.constant 0 : i32
      %dma_wait3A_1057 = tpu.memref_slice %arg4[%add3A_1048, %dma_wait3A_1056] : memref<409600x64xf32, #tpu.memory_space<hbm>> -> memref<256x64xf32, #tpu.memory_space<hbm>>
      %dma_wait3A_1058 = arith.constant 0 : i32
      %dma_wait3A_1059 = arith.constant 0 : i32
      %dma_wait3A_1060 = tpu.memref_slice %arg6[%dma_wait3A_1049, %dma_wait3A_1058, %dma_wait3A_1059] : memref<6x256x64xf32, #tpu.memory_space<vmem>> -> memref<1x256x64xf32, #tpu.memory_space<vmem>>
      %dma_wait3A_1061 = tpu.memref_squeeze %dma_wait3A_1060 : memref<1x256x64xf32, #tpu.memory_space<vmem>> -> memref<256x64xf32, #tpu.memory_space<vmem>>
      tpu.wait_dma2 semaphore(%arg9 : memref<!tpu.dma_semaphore, #tpu.memory_space<semaphore_mem>>) src(%dma_wait3A_1061 : memref<256x64xf32, #tpu.memory_space<vmem>>) dst(%dma_wait3A_1057 : memref<256x64xf32, #tpu.memory_space<hbm>>)
      %add3A_1062 = arith.constant 3 : i32
      %add3A_1063 = arith.addi %add3A_1016, %add3A_1062 : i32
      %dma_start3A_1064 = arith.constant 1 : i32
      %dma_start3A_1065 = arith.constant 0 : i32
      %dma_start3A_1066 = arith.constant 0 : i32
      %dma_start3A_1067 = tpu.memref_slice %arg6[%dma_start3A_1064, %dma_start3A_1065, %dma_start3A_1066] : memref<6x256x64xf32, #tpu.memory_space<vmem>> -> memref<1x256x64xf32, #tpu.memory_space<vmem>>
      %dma_start3A_1068 = tpu.memref_squeeze %dma_start3A_1067 : memref<1x256x64xf32, #tpu.memory_space<vmem>> -> memref<256x64xf32, #tpu.memory_space<vmem>>
      %dma_start3A_1069 = arith.constant 0 : i32
      %dma_start3A_1070 = tpu.memref_slice %arg5[%add3A_1063, %dma_start3A_1069] : memref<50x256xi32, #tpu.memory_space<vmem>> -> memref<1x256xi32, #tpu.memory_space<vmem>>
      %dma_start3A_1071 = tpu.memref_squeeze %dma_start3A_1070 : memref<1x256xi32, #tpu.memory_space<vmem>> -> memref<256xi32, #tpu.memory_space<vmem>>
      %dma_start3A_1072 = arith.constant 0 : i32
      %dma_start3A_1073 = arith.constant 0 : i32
      %dma_start3A_1074 = tpu.memref_slice %arg3[%dma_start3A_1072, %dma_start3A_1073] : memref<1000000x64xf32, #tpu.memory_space<hbm>> -> memref<1000000x64xf32, #tpu.memory_space<hbm>>
      tpu.enqueue_indirect_dma source(%dma_start3A_1074 : memref<1000000x64xf32, #tpu.memory_space<hbm>>) target(%dma_start3A_1068 : memref<256x64xf32, #tpu.memory_space<vmem>>) offsets(%dma_start3A_1071 : memref<256xi32, #tpu.memory_space<vmem>>) semaphore(%arg7 : memref<!tpu.dma_semaphore, #tpu.memory_space<semaphore_mem>>)
      %mul3A_1075 = arith.constant 6 : i32
      %mul3A_1076 = arith.muli %add3A_765, %mul3A_1075 : i32
      %add3A_1077 = arith.constant 5 : i32
      %add3A_1078 = arith.addi %mul3A_1076, %add3A_1077 : i32
      %dma_wait3A_1079 = arith.constant 5 : i32
      %dma_wait3A_1080 = arith.constant 0 : i32
      %dma_wait3A_1081 = arith.constant 0 : i32
      %dma_wait3A_1082 = tpu.memref_slice %arg6[%dma_wait3A_1079, %dma_wait3A_1080, %dma_wait3A_1081] : memref<6x256x64xf32, #tpu.memory_space<vmem>> -> memref<1x256x64xf32, #tpu.memory_space<vmem>>
      %dma_wait3A_1083 = tpu.memref_squeeze %dma_wait3A_1082 : memref<1x256x64xf32, #tpu.memory_space<vmem>> -> memref<256x64xf32, #tpu.memory_space<vmem>>
      %dma_wait3A_1084 = arith.constant 0 : i32
      %dma_wait3A_1085 = tpu.memref_slice %arg5[%add3A_1078, %dma_wait3A_1084] : memref<50x256xi32, #tpu.memory_space<vmem>> -> memref<1x256xi32, #tpu.memory_space<vmem>>
      %dma_wait3A_1086 = tpu.memref_squeeze %dma_wait3A_1085 : memref<1x256xi32, #tpu.memory_space<vmem>> -> memref<256xi32, #tpu.memory_space<vmem>>
      %dma_wait3A_1087 = arith.constant 0 : i32
      %dma_wait3A_1088 = arith.constant 0 : i32
      %dma_wait3A_1089 = tpu.memref_slice %arg3[%dma_wait3A_1087, %dma_wait3A_1088] : memref<1000000x64xf32, #tpu.memory_space<hbm>> -> memref<1000000x64xf32, #tpu.memory_space<hbm>>
      tpu.wait_indirect_dma semaphore(%arg7 : memref<!tpu.dma_semaphore, #tpu.memory_space<semaphore_mem>>) src(%dma_wait3A_1089 : memref<1000000x64xf32, #tpu.memory_space<hbm>>) dst(%dma_wait3A_1083 : memref<256x64xf32, #tpu.memory_space<vmem>>)
      %mul3A_1090 = arith.constant 256 : i32
      %mul3A_1091 = arith.muli %add3A_1078, %mul3A_1090 : i32
      %add3A_1092 = arith.addi %mul3A_2, %mul3A_1091 : i32
      %dma_start3A_1093 = arith.constant 5 : i32
      %dma_start3A_1094 = arith.constant 0 : i32
      %dma_start3A_1095 = arith.constant 0 : i32
      %dma_start3A_1096 = tpu.memref_slice %arg6[%dma_start3A_1093, %dma_start3A_1094, %dma_start3A_1095] : memref<6x256x64xf32, #tpu.memory_space<vmem>> -> memref<1x256x64xf32, #tpu.memory_space<vmem>>
      %dma_start3A_1097 = tpu.memref_squeeze %dma_start3A_1096 : memref<1x256x64xf32, #tpu.memory_space<vmem>> -> memref<256x64xf32, #tpu.memory_space<vmem>>
      %dma_start3A_1098 = arith.constant 0 : i32
      %dma_start3A_1099 = tpu.memref_slice %arg4[%add3A_1092, %dma_start3A_1098] : memref<409600x64xf32, #tpu.memory_space<hbm>> -> memref<256x64xf32, #tpu.memory_space<hbm>>
      %dma_start3A_1100 = arith.constant 0 : i32
      %dma_start3A_1101 = tpu.memref_slice %arg4[%add3A_1092, %dma_start3A_1100] : memref<409600x64xf32, #tpu.memory_space<hbm>> -> memref<256x64xf32, #tpu.memory_space<hbm>>
      %dma_start3A_1102 = arith.constant 0 : i32
      %dma_start3A_1103 = arith.constant 0 : i32
      %dma_start3A_1104 = tpu.memref_slice %arg6[%dma_start3A_1093, %dma_start3A_1102, %dma_start3A_1103] : memref<6x256x64xf32, #tpu.memory_space<vmem>> -> memref<1x256x64xf32, #tpu.memory_space<vmem>>
      %dma_start3A_1105 = tpu.memref_squeeze %dma_start3A_1104 : memref<1x256x64xf32, #tpu.memory_space<vmem>> -> memref<256x64xf32, #tpu.memory_space<vmem>>
      tpu.enqueue_dma source(%dma_start3A_1105 : memref<256x64xf32, #tpu.memory_space<vmem>>) target(%dma_start3A_1101 : memref<256x64xf32, #tpu.memory_space<hbm>>) target_semaphore(%arg13 : memref<!tpu.dma_semaphore, #tpu.memory_space<semaphore_mem>>)
      %sub3A_1106 = arith.constant 3 : i32
      %sub3A_1107 = arith.subi %add3A_1078, %sub3A_1106 : i32
      %mul3A_1108 = arith.constant 256 : i32
      %mul3A_1109 = arith.muli %sub3A_1107, %mul3A_1108 : i32
      %add3A_1110 = arith.addi %mul3A_2, %mul3A_1109 : i32
      %dma_wait3A_1111 = arith.constant 2 : i32
      %dma_wait3A_1112 = arith.constant 0 : i32
      %dma_wait3A_1113 = arith.constant 0 : i32
      %dma_wait3A_1114 = tpu.memref_slice %arg6[%dma_wait3A_1111, %dma_wait3A_1112, %dma_wait3A_1113] : memref<6x256x64xf32, #tpu.memory_space<vmem>> -> memref<1x256x64xf32, #tpu.memory_space<vmem>>
      %dma_wait3A_1115 = tpu.memref_squeeze %dma_wait3A_1114 : memref<1x256x64xf32, #tpu.memory_space<vmem>> -> memref<256x64xf32, #tpu.memory_space<vmem>>
      %dma_wait3A_1116 = arith.constant 0 : i32
      %dma_wait3A_1117 = tpu.memref_slice %arg4[%add3A_1110, %dma_wait3A_1116] : memref<409600x64xf32, #tpu.memory_space<hbm>> -> memref<256x64xf32, #tpu.memory_space<hbm>>
      %dma_wait3A_1118 = arith.constant 0 : i32
      %dma_wait3A_1119 = tpu.memref_slice %arg4[%add3A_1110, %dma_wait3A_1118] : memref<409600x64xf32, #tpu.memory_space<hbm>> -> memref<256x64xf32, #tpu.memory_space<hbm>>
      %dma_wait3A_1120 = arith.constant 0 : i32
      %dma_wait3A_1121 = arith.constant 0 : i32
      %dma_wait3A_1122 = tpu.memref_slice %arg6[%dma_wait3A_1111, %dma_wait3A_1120, %dma_wait3A_1121] : memref<6x256x64xf32, #tpu.memory_space<vmem>> -> memref<1x256x64xf32, #tpu.memory_space<vmem>>
      %dma_wait3A_1123 = tpu.memref_squeeze %dma_wait3A_1122 : memref<1x256x64xf32, #tpu.memory_space<vmem>> -> memref<256x64xf32, #tpu.memory_space<vmem>>
      tpu.wait_dma2 semaphore(%arg10 : memref<!tpu.dma_semaphore, #tpu.memory_space<semaphore_mem>>) src(%dma_wait3A_1123 : memref<256x64xf32, #tpu.memory_space<vmem>>) dst(%dma_wait3A_1119 : memref<256x64xf32, #tpu.memory_space<hbm>>)
      %add3A_1124 = arith.constant 3 : i32
      %add3A_1125 = arith.addi %add3A_1078, %add3A_1124 : i32
      %dma_start3A_1126 = arith.constant 2 : i32
      %dma_start3A_1127 = arith.constant 0 : i32
      %dma_start3A_1128 = arith.constant 0 : i32
      %dma_start3A_1129 = tpu.memref_slice %arg6[%dma_start3A_1126, %dma_start3A_1127, %dma_start3A_1128] : memref<6x256x64xf32, #tpu.memory_space<vmem>> -> memref<1x256x64xf32, #tpu.memory_space<vmem>>
      %dma_start3A_1130 = tpu.memref_squeeze %dma_start3A_1129 : memref<1x256x64xf32, #tpu.memory_space<vmem>> -> memref<256x64xf32, #tpu.memory_space<vmem>>
      %dma_start3A_1131 = arith.constant 0 : i32
      %dma_start3A_1132 = tpu.memref_slice %arg5[%add3A_1125, %dma_start3A_1131] : memref<50x256xi32, #tpu.memory_space<vmem>> -> memref<1x256xi32, #tpu.memory_space<vmem>>
      %dma_start3A_1133 = tpu.memref_squeeze %dma_start3A_1132 : memref<1x256xi32, #tpu.memory_space<vmem>> -> memref<256xi32, #tpu.memory_space<vmem>>
      %dma_start3A_1134 = arith.constant 0 : i32
      %dma_start3A_1135 = arith.constant 0 : i32
      %dma_start3A_1136 = tpu.memref_slice %arg3[%dma_start3A_1134, %dma_start3A_1135] : memref<1000000x64xf32, #tpu.memory_space<hbm>> -> memref<1000000x64xf32, #tpu.memory_space<hbm>>
      tpu.enqueue_indirect_dma source(%dma_start3A_1136 : memref<1000000x64xf32, #tpu.memory_space<hbm>>) target(%dma_start3A_1130 : memref<256x64xf32, #tpu.memory_space<vmem>>) offsets(%dma_start3A_1133 : memref<256xi32, #tpu.memory_space<vmem>>) semaphore(%arg7 : memref<!tpu.dma_semaphore, #tpu.memory_space<semaphore_mem>>)
    }
    %scan3A_319 = arith.constant 6 : i32
    %dma_wait3A_320 = arith.constant 42 : i32
    %dma_wait3A_321 = arith.constant 0 : i32
    %dma_wait3A_322 = arith.constant 0 : i32
    %dma_wait3A_323 = arith.constant 0 : i32
    %dma_wait3A_324 = tpu.memref_slice %arg6[%dma_wait3A_321, %dma_wait3A_322, %dma_wait3A_323] : memref<6x256x64xf32, #tpu.memory_space<vmem>> -> memref<1x256x64xf32, #tpu.memory_space<vmem>>
    %dma_wait3A_325 = tpu.memref_squeeze %dma_wait3A_324 : memref<1x256x64xf32, #tpu.memory_space<vmem>> -> memref<256x64xf32, #tpu.memory_space<vmem>>
    %dma_wait3A_326 = arith.constant 0 : i32
    %dma_wait3A_327 = tpu.memref_slice %arg5[%dma_wait3A_320, %dma_wait3A_326] : memref<50x256xi32, #tpu.memory_space<vmem>> -> memref<1x256xi32, #tpu.memory_space<vmem>>
    %dma_wait3A_328 = tpu.memref_squeeze %dma_wait3A_327 : memref<1x256xi32, #tpu.memory_space<vmem>> -> memref<256xi32, #tpu.memory_space<vmem>>
    %dma_wait3A_329 = arith.constant 0 : i32
    %dma_wait3A_330 = arith.constant 0 : i32
    %dma_wait3A_331 = tpu.memref_slice %arg3[%dma_wait3A_329, %dma_wait3A_330] : memref<1000000x64xf32, #tpu.memory_space<hbm>> -> memref<1000000x64xf32, #tpu.memory_space<hbm>>
    tpu.wait_indirect_dma semaphore(%arg7 : memref<!tpu.dma_semaphore, #tpu.memory_space<semaphore_mem>>) src(%dma_wait3A_331 : memref<1000000x64xf32, #tpu.memory_space<hbm>>) dst(%dma_wait3A_325 : memref<256x64xf32, #tpu.memory_space<vmem>>)
    %add3A_332 = arith.constant 10752 : i32
    %add3A_333 = arith.addi %mul3A_2, %add3A_332 : i32
    %dma_start3A_334 = arith.constant 0 : i32
    %dma_start3A_335 = arith.constant 0 : i32
    %dma_start3A_336 = arith.constant 0 : i32
    %dma_start3A_337 = tpu.memref_slice %arg6[%dma_start3A_334, %dma_start3A_335, %dma_start3A_336] : memref<6x256x64xf32, #tpu.memory_space<vmem>> -> memref<1x256x64xf32, #tpu.memory_space<vmem>>
    %dma_start3A_338 = tpu.memref_squeeze %dma_start3A_337 : memref<1x256x64xf32, #tpu.memory_space<vmem>> -> memref<256x64xf32, #tpu.memory_space<vmem>>
    %dma_start3A_339 = arith.constant 0 : i32
    %dma_start3A_340 = tpu.memref_slice %arg4[%add3A_333, %dma_start3A_339] : memref<409600x64xf32, #tpu.memory_space<hbm>> -> memref<256x64xf32, #tpu.memory_space<hbm>>
    %dma_start3A_341 = arith.constant 0 : i32
    %dma_start3A_342 = tpu.memref_slice %arg4[%add3A_333, %dma_start3A_341] : memref<409600x64xf32, #tpu.memory_space<hbm>> -> memref<256x64xf32, #tpu.memory_space<hbm>>
    %dma_start3A_343 = arith.constant 0 : i32
    %dma_start3A_344 = arith.constant 0 : i32
    %dma_start3A_345 = tpu.memref_slice %arg6[%dma_start3A_334, %dma_start3A_343, %dma_start3A_344] : memref<6x256x64xf32, #tpu.memory_space<vmem>> -> memref<1x256x64xf32, #tpu.memory_space<vmem>>
    %dma_start3A_346 = tpu.memref_squeeze %dma_start3A_345 : memref<1x256x64xf32, #tpu.memory_space<vmem>> -> memref<256x64xf32, #tpu.memory_space<vmem>>
    tpu.enqueue_dma source(%dma_start3A_346 : memref<256x64xf32, #tpu.memory_space<vmem>>) target(%dma_start3A_342 : memref<256x64xf32, #tpu.memory_space<hbm>>) target_semaphore(%arg8 : memref<!tpu.dma_semaphore, #tpu.memory_space<semaphore_mem>>)
    %add3A_347 = arith.constant 9984 : i32
    %add3A_348 = arith.addi %mul3A_2, %add3A_347 : i32
    %dma_wait3A_349 = arith.constant 3 : i32
    %dma_wait3A_350 = arith.constant 0 : i32
    %dma_wait3A_351 = arith.constant 0 : i32
    %dma_wait3A_352 = tpu.memref_slice %arg6[%dma_wait3A_349, %dma_wait3A_350, %dma_wait3A_351] : memref<6x256x64xf32, #tpu.memory_space<vmem>> -> memref<1x256x64xf32, #tpu.memory_space<vmem>>
    %dma_wait3A_353 = tpu.memref_squeeze %dma_wait3A_352 : memref<1x256x64xf32, #tpu.memory_space<vmem>> -> memref<256x64xf32, #tpu.memory_space<vmem>>
    %dma_wait3A_354 = arith.constant 0 : i32
    %dma_wait3A_355 = tpu.memref_slice %arg4[%add3A_348, %dma_wait3A_354] : memref<409600x64xf32, #tpu.memory_space<hbm>> -> memref<256x64xf32, #tpu.memory_space<hbm>>
    %dma_wait3A_356 = arith.constant 0 : i32
    %dma_wait3A_357 = tpu.memref_slice %arg4[%add3A_348, %dma_wait3A_356] : memref<409600x64xf32, #tpu.memory_space<hbm>> -> memref<256x64xf32, #tpu.memory_space<hbm>>
    %dma_wait3A_358 = arith.constant 0 : i32
    %dma_wait3A_359 = arith.constant 0 : i32
    %dma_wait3A_360 = tpu.memref_slice %arg6[%dma_wait3A_349, %dma_wait3A_358, %dma_wait3A_359] : memref<6x256x64xf32, #tpu.memory_space<vmem>> -> memref<1x256x64xf32, #tpu.memory_space<vmem>>
    %dma_wait3A_361 = tpu.memref_squeeze %dma_wait3A_360 : memref<1x256x64xf32, #tpu.memory_space<vmem>> -> memref<256x64xf32, #tpu.memory_space<vmem>>
    tpu.wait_dma2 semaphore(%arg11 : memref<!tpu.dma_semaphore, #tpu.memory_space<semaphore_mem>>) src(%dma_wait3A_361 : memref<256x64xf32, #tpu.memory_space<vmem>>) dst(%dma_wait3A_357 : memref<256x64xf32, #tpu.memory_space<hbm>>)
    %dma_start3A_362 = arith.constant 45 : i32
    %dma_start3A_363 = arith.constant 3 : i32
    %dma_start3A_364 = arith.constant 0 : i32
    %dma_start3A_365 = arith.constant 0 : i32
    %dma_start3A_366 = tpu.memref_slice %arg6[%dma_start3A_363, %dma_start3A_364, %dma_start3A_365] : memref<6x256x64xf32, #tpu.memory_space<vmem>> -> memref<1x256x64xf32, #tpu.memory_space<vmem>>
    %dma_start3A_367 = tpu.memref_squeeze %dma_start3A_366 : memref<1x256x64xf32, #tpu.memory_space<vmem>> -> memref<256x64xf32, #tpu.memory_space<vmem>>
    %dma_start3A_368 = arith.constant 0 : i32
    %dma_start3A_369 = tpu.memref_slice %arg5[%dma_start3A_362, %dma_start3A_368] : memref<50x256xi32, #tpu.memory_space<vmem>> -> memref<1x256xi32, #tpu.memory_space<vmem>>
    %dma_start3A_370 = tpu.memref_squeeze %dma_start3A_369 : memref<1x256xi32, #tpu.memory_space<vmem>> -> memref<256xi32, #tpu.memory_space<vmem>>
    %dma_start3A_371 = arith.constant 0 : i32
    %dma_start3A_372 = arith.constant 0 : i32
    %dma_start3A_373 = tpu.memref_slice %arg3[%dma_start3A_371, %dma_start3A_372] : memref<1000000x64xf32, #tpu.memory_space<hbm>> -> memref<1000000x64xf32, #tpu.memory_space<hbm>>
    tpu.enqueue_indirect_dma source(%dma_start3A_373 : memref<1000000x64xf32, #tpu.memory_space<hbm>>) target(%dma_start3A_367 : memref<256x64xf32, #tpu.memory_space<vmem>>) offsets(%dma_start3A_370 : memref<256xi32, #tpu.memory_space<vmem>>) semaphore(%arg7 : memref<!tpu.dma_semaphore, #tpu.memory_space<semaphore_mem>>)
    %dma_wait3A_374 = arith.constant 43 : i32
    %dma_wait3A_375 = arith.constant 1 : i32
    %dma_wait3A_376 = arith.constant 0 : i32
    %dma_wait3A_377 = arith.constant 0 : i32
    %dma_wait3A_378 = tpu.memref_slice %arg6[%dma_wait3A_375, %dma_wait3A_376, %dma_wait3A_377] : memref<6x256x64xf32, #tpu.memory_space<vmem>> -> memref<1x256x64xf32, #tpu.memory_space<vmem>>
    %dma_wait3A_379 = tpu.memref_squeeze %dma_wait3A_378 : memref<1x256x64xf32, #tpu.memory_space<vmem>> -> memref<256x64xf32, #tpu.memory_space<vmem>>
    %dma_wait3A_380 = arith.constant 0 : i32
    %dma_wait3A_381 = tpu.memref_slice %arg5[%dma_wait3A_374, %dma_wait3A_380] : memref<50x256xi32, #tpu.memory_space<vmem>> -> memref<1x256xi32, #tpu.memory_space<vmem>>
    %dma_wait3A_382 = tpu.memref_squeeze %dma_wait3A_381 : memref<1x256xi32, #tpu.memory_space<vmem>> -> memref<256xi32, #tpu.memory_space<vmem>>
    %dma_wait3A_383 = arith.constant 0 : i32
    %dma_wait3A_384 = arith.constant 0 : i32
    %dma_wait3A_385 = tpu.memref_slice %arg3[%dma_wait3A_383, %dma_wait3A_384] : memref<1000000x64xf32, #tpu.memory_space<hbm>> -> memref<1000000x64xf32, #tpu.memory_space<hbm>>
    tpu.wait_indirect_dma semaphore(%arg7 : memref<!tpu.dma_semaphore, #tpu.memory_space<semaphore_mem>>) src(%dma_wait3A_385 : memref<1000000x64xf32, #tpu.memory_space<hbm>>) dst(%dma_wait3A_379 : memref<256x64xf32, #tpu.memory_space<vmem>>)
    %add3A_386 = arith.constant 11008 : i32
    %add3A_387 = arith.addi %mul3A_2, %add3A_386 : i32
    %dma_start3A_388 = arith.constant 1 : i32
    %dma_start3A_389 = arith.constant 0 : i32
    %dma_start3A_390 = arith.constant 0 : i32
    %dma_start3A_391 = tpu.memref_slice %arg6[%dma_start3A_388, %dma_start3A_389, %dma_start3A_390] : memref<6x256x64xf32, #tpu.memory_space<vmem>> -> memref<1x256x64xf32, #tpu.memory_space<vmem>>
    %dma_start3A_392 = tpu.memref_squeeze %dma_start3A_391 : memref<1x256x64xf32, #tpu.memory_space<vmem>> -> memref<256x64xf32, #tpu.memory_space<vmem>>
    %dma_start3A_393 = arith.constant 0 : i32
    %dma_start3A_394 = tpu.memref_slice %arg4[%add3A_387, %dma_start3A_393] : memref<409600x64xf32, #tpu.memory_space<hbm>> -> memref<256x64xf32, #tpu.memory_space<hbm>>
    %dma_start3A_395 = arith.constant 0 : i32
    %dma_start3A_396 = tpu.memref_slice %arg4[%add3A_387, %dma_start3A_395] : memref<409600x64xf32, #tpu.memory_space<hbm>> -> memref<256x64xf32, #tpu.memory_space<hbm>>
    %dma_start3A_397 = arith.constant 0 : i32
    %dma_start3A_398 = arith.constant 0 : i32
    %dma_start3A_399 = tpu.memref_slice %arg6[%dma_start3A_388, %dma_start3A_397, %dma_start3A_398] : memref<6x256x64xf32, #tpu.memory_space<vmem>> -> memref<1x256x64xf32, #tpu.memory_space<vmem>>
    %dma_start3A_400 = tpu.memref_squeeze %dma_start3A_399 : memref<1x256x64xf32, #tpu.memory_space<vmem>> -> memref<256x64xf32, #tpu.memory_space<vmem>>
    tpu.enqueue_dma source(%dma_start3A_400 : memref<256x64xf32, #tpu.memory_space<vmem>>) target(%dma_start3A_396 : memref<256x64xf32, #tpu.memory_space<hbm>>) target_semaphore(%arg9 : memref<!tpu.dma_semaphore, #tpu.memory_space<semaphore_mem>>)
    %add3A_401 = arith.constant 10240 : i32
    %add3A_402 = arith.addi %mul3A_2, %add3A_401 : i32
    %dma_wait3A_403 = arith.constant 4 : i32
    %dma_wait3A_404 = arith.constant 0 : i32
    %dma_wait3A_405 = arith.constant 0 : i32
    %dma_wait3A_406 = tpu.memref_slice %arg6[%dma_wait3A_403, %dma_wait3A_404, %dma_wait3A_405] : memref<6x256x64xf32, #tpu.memory_space<vmem>> -> memref<1x256x64xf32, #tpu.memory_space<vmem>>
    %dma_wait3A_407 = tpu.memref_squeeze %dma_wait3A_406 : memref<1x256x64xf32, #tpu.memory_space<vmem>> -> memref<256x64xf32, #tpu.memory_space<vmem>>
    %dma_wait3A_408 = arith.constant 0 : i32
    %dma_wait3A_409 = tpu.memref_slice %arg4[%add3A_402, %dma_wait3A_408] : memref<409600x64xf32, #tpu.memory_space<hbm>> -> memref<256x64xf32, #tpu.memory_space<hbm>>
    %dma_wait3A_410 = arith.constant 0 : i32
    %dma_wait3A_411 = tpu.memref_slice %arg4[%add3A_402, %dma_wait3A_410] : memref<409600x64xf32, #tpu.memory_space<hbm>> -> memref<256x64xf32, #tpu.memory_space<hbm>>
    %dma_wait3A_412 = arith.constant 0 : i32
    %dma_wait3A_413 = arith.constant 0 : i32
    %dma_wait3A_414 = tpu.memref_slice %arg6[%dma_wait3A_403, %dma_wait3A_412, %dma_wait3A_413] : memref<6x256x64xf32, #tpu.memory_space<vmem>> -> memref<1x256x64xf32, #tpu.memory_space<vmem>>
    %dma_wait3A_415 = tpu.memref_squeeze %dma_wait3A_414 : memref<1x256x64xf32, #tpu.memory_space<vmem>> -> memref<256x64xf32, #tpu.memory_space<vmem>>
    tpu.wait_dma2 semaphore(%arg12 : memref<!tpu.dma_semaphore, #tpu.memory_space<semaphore_mem>>) src(%dma_wait3A_415 : memref<256x64xf32, #tpu.memory_space<vmem>>) dst(%dma_wait3A_411 : memref<256x64xf32, #tpu.memory_space<hbm>>)
    %dma_start3A_416 = arith.constant 46 : i32
    %dma_start3A_417 = arith.constant 4 : i32
    %dma_start3A_418 = arith.constant 0 : i32
    %dma_start3A_419 = arith.constant 0 : i32
    %dma_start3A_420 = tpu.memref_slice %arg6[%dma_start3A_417, %dma_start3A_418, %dma_start3A_419] : memref<6x256x64xf32, #tpu.memory_space<vmem>> -> memref<1x256x64xf32, #tpu.memory_space<vmem>>
    %dma_start3A_421 = tpu.memref_squeeze %dma_start3A_420 : memref<1x256x64xf32, #tpu.memory_space<vmem>> -> memref<256x64xf32, #tpu.memory_space<vmem>>
    %dma_start3A_422 = arith.constant 0 : i32
    %dma_start3A_423 = tpu.memref_slice %arg5[%dma_start3A_416, %dma_start3A_422] : memref<50x256xi32, #tpu.memory_space<vmem>> -> memref<1x256xi32, #tpu.memory_space<vmem>>
    %dma_start3A_424 = tpu.memref_squeeze %dma_start3A_423 : memref<1x256xi32, #tpu.memory_space<vmem>> -> memref<256xi32, #tpu.memory_space<vmem>>
    %dma_start3A_425 = arith.constant 0 : i32
    %dma_start3A_426 = arith.constant 0 : i32
    %dma_start3A_427 = tpu.memref_slice %arg3[%dma_start3A_425, %dma_start3A_426] : memref<1000000x64xf32, #tpu.memory_space<hbm>> -> memref<1000000x64xf32, #tpu.memory_space<hbm>>
    tpu.enqueue_indirect_dma source(%dma_start3A_427 : memref<1000000x64xf32, #tpu.memory_space<hbm>>) target(%dma_start3A_421 : memref<256x64xf32, #tpu.memory_space<vmem>>) offsets(%dma_start3A_424 : memref<256xi32, #tpu.memory_space<vmem>>) semaphore(%arg7 : memref<!tpu.dma_semaphore, #tpu.memory_space<semaphore_mem>>)
    %dma_wait3A_428 = arith.constant 44 : i32
    %dma_wait3A_429 = arith.constant 2 : i32
    %dma_wait3A_430 = arith.constant 0 : i32
    %dma_wait3A_431 = arith.constant 0 : i32
    %dma_wait3A_432 = tpu.memref_slice %arg6[%dma_wait3A_429, %dma_wait3A_430, %dma_wait3A_431] : memref<6x256x64xf32, #tpu.memory_space<vmem>> -> memref<1x256x64xf32, #tpu.memory_space<vmem>>
    %dma_wait3A_433 = tpu.memref_squeeze %dma_wait3A_432 : memref<1x256x64xf32, #tpu.memory_space<vmem>> -> memref<256x64xf32, #tpu.memory_space<vmem>>
    %dma_wait3A_434 = arith.constant 0 : i32
    %dma_wait3A_435 = tpu.memref_slice %arg5[%dma_wait3A_428, %dma_wait3A_434] : memref<50x256xi32, #tpu.memory_space<vmem>> -> memref<1x256xi32, #tpu.memory_space<vmem>>
    %dma_wait3A_436 = tpu.memref_squeeze %dma_wait3A_435 : memref<1x256xi32, #tpu.memory_space<vmem>> -> memref<256xi32, #tpu.memory_space<vmem>>
    %dma_wait3A_437 = arith.constant 0 : i32
    %dma_wait3A_438 = arith.constant 0 : i32
    %dma_wait3A_439 = tpu.memref_slice %arg3[%dma_wait3A_437, %dma_wait3A_438] : memref<1000000x64xf32, #tpu.memory_space<hbm>> -> memref<1000000x64xf32, #tpu.memory_space<hbm>>
    tpu.wait_indirect_dma semaphore(%arg7 : memref<!tpu.dma_semaphore, #tpu.memory_space<semaphore_mem>>) src(%dma_wait3A_439 : memref<1000000x64xf32, #tpu.memory_space<hbm>>) dst(%dma_wait3A_433 : memref<256x64xf32, #tpu.memory_space<vmem>>)
    %add3A_440 = arith.constant 11264 : i32
    %add3A_441 = arith.addi %mul3A_2, %add3A_440 : i32
    %dma_start3A_442 = arith.constant 2 : i32
    %dma_start3A_443 = arith.constant 0 : i32
    %dma_start3A_444 = arith.constant 0 : i32
    %dma_start3A_445 = tpu.memref_slice %arg6[%dma_start3A_442, %dma_start3A_443, %dma_start3A_444] : memref<6x256x64xf32, #tpu.memory_space<vmem>> -> memref<1x256x64xf32, #tpu.memory_space<vmem>>
    %dma_start3A_446 = tpu.memref_squeeze %dma_start3A_445 : memref<1x256x64xf32, #tpu.memory_space<vmem>> -> memref<256x64xf32, #tpu.memory_space<vmem>>
    %dma_start3A_447 = arith.constant 0 : i32
    %dma_start3A_448 = tpu.memref_slice %arg4[%add3A_441, %dma_start3A_447] : memref<409600x64xf32, #tpu.memory_space<hbm>> -> memref<256x64xf32, #tpu.memory_space<hbm>>
    %dma_start3A_449 = arith.constant 0 : i32
    %dma_start3A_450 = tpu.memref_slice %arg4[%add3A_441, %dma_start3A_449] : memref<409600x64xf32, #tpu.memory_space<hbm>> -> memref<256x64xf32, #tpu.memory_space<hbm>>
    %dma_start3A_451 = arith.constant 0 : i32
    %dma_start3A_452 = arith.constant 0 : i32
    %dma_start3A_453 = tpu.memref_slice %arg6[%dma_start3A_442, %dma_start3A_451, %dma_start3A_452] : memref<6x256x64xf32, #tpu.memory_space<vmem>> -> memref<1x256x64xf32, #tpu.memory_space<vmem>>
    %dma_start3A_454 = tpu.memref_squeeze %dma_start3A_453 : memref<1x256x64xf32, #tpu.memory_space<vmem>> -> memref<256x64xf32, #tpu.memory_space<vmem>>
    tpu.enqueue_dma source(%dma_start3A_454 : memref<256x64xf32, #tpu.memory_space<vmem>>) target(%dma_start3A_450 : memref<256x64xf32, #tpu.memory_space<hbm>>) target_semaphore(%arg10 : memref<!tpu.dma_semaphore, #tpu.memory_space<semaphore_mem>>)
    %add3A_455 = arith.constant 10496 : i32
    %add3A_456 = arith.addi %mul3A_2, %add3A_455 : i32
    %dma_wait3A_457 = arith.constant 5 : i32
    %dma_wait3A_458 = arith.constant 0 : i32
    %dma_wait3A_459 = arith.constant 0 : i32
    %dma_wait3A_460 = tpu.memref_slice %arg6[%dma_wait3A_457, %dma_wait3A_458, %dma_wait3A_459] : memref<6x256x64xf32, #tpu.memory_space<vmem>> -> memref<1x256x64xf32, #tpu.memory_space<vmem>>
    %dma_wait3A_461 = tpu.memref_squeeze %dma_wait3A_460 : memref<1x256x64xf32, #tpu.memory_space<vmem>> -> memref<256x64xf32, #tpu.memory_space<vmem>>
    %dma_wait3A_462 = arith.constant 0 : i32
    %dma_wait3A_463 = tpu.memref_slice %arg4[%add3A_456, %dma_wait3A_462] : memref<409600x64xf32, #tpu.memory_space<hbm>> -> memref<256x64xf32, #tpu.memory_space<hbm>>
    %dma_wait3A_464 = arith.constant 0 : i32
    %dma_wait3A_465 = tpu.memref_slice %arg4[%add3A_456, %dma_wait3A_464] : memref<409600x64xf32, #tpu.memory_space<hbm>> -> memref<256x64xf32, #tpu.memory_space<hbm>>
    %dma_wait3A_466 = arith.constant 0 : i32
    %dma_wait3A_467 = arith.constant 0 : i32
    %dma_wait3A_468 = tpu.memref_slice %arg6[%dma_wait3A_457, %dma_wait3A_466, %dma_wait3A_467] : memref<6x256x64xf32, #tpu.memory_space<vmem>> -> memref<1x256x64xf32, #tpu.memory_space<vmem>>
    %dma_wait3A_469 = tpu.memref_squeeze %dma_wait3A_468 : memref<1x256x64xf32, #tpu.memory_space<vmem>> -> memref<256x64xf32, #tpu.memory_space<vmem>>
    tpu.wait_dma2 semaphore(%arg13 : memref<!tpu.dma_semaphore, #tpu.memory_space<semaphore_mem>>) src(%dma_wait3A_469 : memref<256x64xf32, #tpu.memory_space<vmem>>) dst(%dma_wait3A_465 : memref<256x64xf32, #tpu.memory_space<hbm>>)
    %dma_start3A_470 = arith.constant 47 : i32
    %dma_start3A_471 = arith.constant 5 : i32
    %dma_start3A_472 = arith.constant 0 : i32
    %dma_start3A_473 = arith.constant 0 : i32
    %dma_start3A_474 = tpu.memref_slice %arg6[%dma_start3A_471, %dma_start3A_472, %dma_start3A_473] : memref<6x256x64xf32, #tpu.memory_space<vmem>> -> memref<1x256x64xf32, #tpu.memory_space<vmem>>
    %dma_start3A_475 = tpu.memref_squeeze %dma_start3A_474 : memref<1x256x64xf32, #tpu.memory_space<vmem>> -> memref<256x64xf32, #tpu.memory_space<vmem>>
    %dma_start3A_476 = arith.constant 0 : i32
    %dma_start3A_477 = tpu.memref_slice %arg5[%dma_start3A_470, %dma_start3A_476] : memref<50x256xi32, #tpu.memory_space<vmem>> -> memref<1x256xi32, #tpu.memory_space<vmem>>
    %dma_start3A_478 = tpu.memref_squeeze %dma_start3A_477 : memref<1x256xi32, #tpu.memory_space<vmem>> -> memref<256xi32, #tpu.memory_space<vmem>>
    %dma_start3A_479 = arith.constant 0 : i32
    %dma_start3A_480 = arith.constant 0 : i32
    %dma_start3A_481 = tpu.memref_slice %arg3[%dma_start3A_479, %dma_start3A_480] : memref<1000000x64xf32, #tpu.memory_space<hbm>> -> memref<1000000x64xf32, #tpu.memory_space<hbm>>
    tpu.enqueue_indirect_dma source(%dma_start3A_481 : memref<1000000x64xf32, #tpu.memory_space<hbm>>) target(%dma_start3A_475 : memref<256x64xf32, #tpu.memory_space<vmem>>) offsets(%dma_start3A_478 : memref<256xi32, #tpu.memory_space<vmem>>) semaphore(%arg7 : memref<!tpu.dma_semaphore, #tpu.memory_space<semaphore_mem>>)
    %dma_wait3A_482 = arith.constant 45 : i32
    %dma_wait3A_483 = arith.constant 3 : i32
    %dma_wait3A_484 = arith.constant 0 : i32
    %dma_wait3A_485 = arith.constant 0 : i32
    %dma_wait3A_486 = tpu.memref_slice %arg6[%dma_wait3A_483, %dma_wait3A_484, %dma_wait3A_485] : memref<6x256x64xf32, #tpu.memory_space<vmem>> -> memref<1x256x64xf32, #tpu.memory_space<vmem>>
    %dma_wait3A_487 = tpu.memref_squeeze %dma_wait3A_486 : memref<1x256x64xf32, #tpu.memory_space<vmem>> -> memref<256x64xf32, #tpu.memory_space<vmem>>
    %dma_wait3A_488 = arith.constant 0 : i32
    %dma_wait3A_489 = tpu.memref_slice %arg5[%dma_wait3A_482, %dma_wait3A_488] : memref<50x256xi32, #tpu.memory_space<vmem>> -> memref<1x256xi32, #tpu.memory_space<vmem>>
    %dma_wait3A_490 = tpu.memref_squeeze %dma_wait3A_489 : memref<1x256xi32, #tpu.memory_space<vmem>> -> memref<256xi32, #tpu.memory_space<vmem>>
    %dma_wait3A_491 = arith.constant 0 : i32
    %dma_wait3A_492 = arith.constant 0 : i32
    %dma_wait3A_493 = tpu.memref_slice %arg3[%dma_wait3A_491, %dma_wait3A_492] : memref<1000000x64xf32, #tpu.memory_space<hbm>> -> memref<1000000x64xf32, #tpu.memory_space<hbm>>
    tpu.wait_indirect_dma semaphore(%arg7 : memref<!tpu.dma_semaphore, #tpu.memory_space<semaphore_mem>>) src(%dma_wait3A_493 : memref<1000000x64xf32, #tpu.memory_space<hbm>>) dst(%dma_wait3A_487 : memref<256x64xf32, #tpu.memory_space<vmem>>)
    %add3A_494 = arith.constant 11520 : i32
    %add3A_495 = arith.addi %mul3A_2, %add3A_494 : i32
    %dma_start3A_496 = arith.constant 3 : i32
    %dma_start3A_497 = arith.constant 0 : i32
    %dma_start3A_498 = arith.constant 0 : i32
    %dma_start3A_499 = tpu.memref_slice %arg6[%dma_start3A_496, %dma_start3A_497, %dma_start3A_498] : memref<6x256x64xf32, #tpu.memory_space<vmem>> -> memref<1x256x64xf32, #tpu.memory_space<vmem>>
    %dma_start3A_500 = tpu.memref_squeeze %dma_start3A_499 : memref<1x256x64xf32, #tpu.memory_space<vmem>> -> memref<256x64xf32, #tpu.memory_space<vmem>>
    %dma_start3A_501 = arith.constant 0 : i32
    %dma_start3A_502 = tpu.memref_slice %arg4[%add3A_495, %dma_start3A_501] : memref<409600x64xf32, #tpu.memory_space<hbm>> -> memref<256x64xf32, #tpu.memory_space<hbm>>
    %dma_start3A_503 = arith.constant 0 : i32
    %dma_start3A_504 = tpu.memref_slice %arg4[%add3A_495, %dma_start3A_503] : memref<409600x64xf32, #tpu.memory_space<hbm>> -> memref<256x64xf32, #tpu.memory_space<hbm>>
    %dma_start3A_505 = arith.constant 0 : i32
    %dma_start3A_506 = arith.constant 0 : i32
    %dma_start3A_507 = tpu.memref_slice %arg6[%dma_start3A_496, %dma_start3A_505, %dma_start3A_506] : memref<6x256x64xf32, #tpu.memory_space<vmem>> -> memref<1x256x64xf32, #tpu.memory_space<vmem>>
    %dma_start3A_508 = tpu.memref_squeeze %dma_start3A_507 : memref<1x256x64xf32, #tpu.memory_space<vmem>> -> memref<256x64xf32, #tpu.memory_space<vmem>>
    tpu.enqueue_dma source(%dma_start3A_508 : memref<256x64xf32, #tpu.memory_space<vmem>>) target(%dma_start3A_504 : memref<256x64xf32, #tpu.memory_space<hbm>>) target_semaphore(%arg11 : memref<!tpu.dma_semaphore, #tpu.memory_space<semaphore_mem>>)
    %add3A_509 = arith.constant 10752 : i32
    %add3A_510 = arith.addi %mul3A_2, %add3A_509 : i32
    %dma_wait3A_511 = arith.constant 0 : i32
    %dma_wait3A_512 = arith.constant 0 : i32
    %dma_wait3A_513 = arith.constant 0 : i32
    %dma_wait3A_514 = tpu.memref_slice %arg6[%dma_wait3A_511, %dma_wait3A_512, %dma_wait3A_513] : memref<6x256x64xf32, #tpu.memory_space<vmem>> -> memref<1x256x64xf32, #tpu.memory_space<vmem>>
    %dma_wait3A_515 = tpu.memref_squeeze %dma_wait3A_514 : memref<1x256x64xf32, #tpu.memory_space<vmem>> -> memref<256x64xf32, #tpu.memory_space<vmem>>
    %dma_wait3A_516 = arith.constant 0 : i32
    %dma_wait3A_517 = tpu.memref_slice %arg4[%add3A_510, %dma_wait3A_516] : memref<409600x64xf32, #tpu.memory_space<hbm>> -> memref<256x64xf32, #tpu.memory_space<hbm>>
    %dma_wait3A_518 = arith.constant 0 : i32
    %dma_wait3A_519 = tpu.memref_slice %arg4[%add3A_510, %dma_wait3A_518] : memref<409600x64xf32, #tpu.memory_space<hbm>> -> memref<256x64xf32, #tpu.memory_space<hbm>>
    %dma_wait3A_520 = arith.constant 0 : i32
    %dma_wait3A_521 = arith.constant 0 : i32
    %dma_wait3A_522 = tpu.memref_slice %arg6[%dma_wait3A_511, %dma_wait3A_520, %dma_wait3A_521] : memref<6x256x64xf32, #tpu.memory_space<vmem>> -> memref<1x256x64xf32, #tpu.memory_space<vmem>>
    %dma_wait3A_523 = tpu.memref_squeeze %dma_wait3A_522 : memref<1x256x64xf32, #tpu.memory_space<vmem>> -> memref<256x64xf32, #tpu.memory_space<vmem>>
    tpu.wait_dma2 semaphore(%arg8 : memref<!tpu.dma_semaphore, #tpu.memory_space<semaphore_mem>>) src(%dma_wait3A_523 : memref<256x64xf32, #tpu.memory_space<vmem>>) dst(%dma_wait3A_519 : memref<256x64xf32, #tpu.memory_space<hbm>>)
    %dma_start3A_524 = arith.constant 48 : i32
    %dma_start3A_525 = arith.constant 0 : i32
    %dma_start3A_526 = arith.constant 0 : i32
    %dma_start3A_527 = arith.constant 0 : i32
    %dma_start3A_528 = tpu.memref_slice %arg6[%dma_start3A_525, %dma_start3A_526, %dma_start3A_527] : memref<6x256x64xf32, #tpu.memory_space<vmem>> -> memref<1x256x64xf32, #tpu.memory_space<vmem>>
    %dma_start3A_529 = tpu.memref_squeeze %dma_start3A_528 : memref<1x256x64xf32, #tpu.memory_space<vmem>> -> memref<256x64xf32, #tpu.memory_space<vmem>>
    %dma_start3A_530 = arith.constant 0 : i32
    %dma_start3A_531 = tpu.memref_slice %arg5[%dma_start3A_524, %dma_start3A_530] : memref<50x256xi32, #tpu.memory_space<vmem>> -> memref<1x256xi32, #tpu.memory_space<vmem>>
    %dma_start3A_532 = tpu.memref_squeeze %dma_start3A_531 : memref<1x256xi32, #tpu.memory_space<vmem>> -> memref<256xi32, #tpu.memory_space<vmem>>
    %dma_start3A_533 = arith.constant 0 : i32
    %dma_start3A_534 = arith.constant 0 : i32
    %dma_start3A_535 = tpu.memref_slice %arg3[%dma_start3A_533, %dma_start3A_534] : memref<1000000x64xf32, #tpu.memory_space<hbm>> -> memref<1000000x64xf32, #tpu.memory_space<hbm>>
    tpu.enqueue_indirect_dma source(%dma_start3A_535 : memref<1000000x64xf32, #tpu.memory_space<hbm>>) target(%dma_start3A_529 : memref<256x64xf32, #tpu.memory_space<vmem>>) offsets(%dma_start3A_532 : memref<256xi32, #tpu.memory_space<vmem>>) semaphore(%arg7 : memref<!tpu.dma_semaphore, #tpu.memory_space<semaphore_mem>>)
    %dma_wait3A_536 = arith.constant 46 : i32
    %dma_wait3A_537 = arith.constant 4 : i32
    %dma_wait3A_538 = arith.constant 0 : i32
    %dma_wait3A_539 = arith.constant 0 : i32
    %dma_wait3A_540 = tpu.memref_slice %arg6[%dma_wait3A_537, %dma_wait3A_538, %dma_wait3A_539] : memref<6x256x64xf32, #tpu.memory_space<vmem>> -> memref<1x256x64xf32, #tpu.memory_space<vmem>>
    %dma_wait3A_541 = tpu.memref_squeeze %dma_wait3A_540 : memref<1x256x64xf32, #tpu.memory_space<vmem>> -> memref<256x64xf32, #tpu.memory_space<vmem>>
    %dma_wait3A_542 = arith.constant 0 : i32
    %dma_wait3A_543 = tpu.memref_slice %arg5[%dma_wait3A_536, %dma_wait3A_542] : memref<50x256xi32, #tpu.memory_space<vmem>> -> memref<1x256xi32, #tpu.memory_space<vmem>>
    %dma_wait3A_544 = tpu.memref_squeeze %dma_wait3A_543 : memref<1x256xi32, #tpu.memory_space<vmem>> -> memref<256xi32, #tpu.memory_space<vmem>>
    %dma_wait3A_545 = arith.constant 0 : i32
    %dma_wait3A_546 = arith.constant 0 : i32
    %dma_wait3A_547 = tpu.memref_slice %arg3[%dma_wait3A_545, %dma_wait3A_546] : memref<1000000x64xf32, #tpu.memory_space<hbm>> -> memref<1000000x64xf32, #tpu.memory_space<hbm>>
    tpu.wait_indirect_dma semaphore(%arg7 : memref<!tpu.dma_semaphore, #tpu.memory_space<semaphore_mem>>) src(%dma_wait3A_547 : memref<1000000x64xf32, #tpu.memory_space<hbm>>) dst(%dma_wait3A_541 : memref<256x64xf32, #tpu.memory_space<vmem>>)
    %add3A_548 = arith.constant 11776 : i32
    %add3A_549 = arith.addi %mul3A_2, %add3A_548 : i32
    %dma_start3A_550 = arith.constant 4 : i32
    %dma_start3A_551 = arith.constant 0 : i32
    %dma_start3A_552 = arith.constant 0 : i32
    %dma_start3A_553 = tpu.memref_slice %arg6[%dma_start3A_550, %dma_start3A_551, %dma_start3A_552] : memref<6x256x64xf32, #tpu.memory_space<vmem>> -> memref<1x256x64xf32, #tpu.memory_space<vmem>>
    %dma_start3A_554 = tpu.memref_squeeze %dma_start3A_553 : memref<1x256x64xf32, #tpu.memory_space<vmem>> -> memref<256x64xf32, #tpu.memory_space<vmem>>
    %dma_start3A_555 = arith.constant 0 : i32
    %dma_start3A_556 = tpu.memref_slice %arg4[%add3A_549, %dma_start3A_555] : memref<409600x64xf32, #tpu.memory_space<hbm>> -> memref<256x64xf32, #tpu.memory_space<hbm>>
    %dma_start3A_557 = arith.constant 0 : i32
    %dma_start3A_558 = tpu.memref_slice %arg4[%add3A_549, %dma_start3A_557] : memref<409600x64xf32, #tpu.memory_space<hbm>> -> memref<256x64xf32, #tpu.memory_space<hbm>>
    %dma_start3A_559 = arith.constant 0 : i32
    %dma_start3A_560 = arith.constant 0 : i32
    %dma_start3A_561 = tpu.memref_slice %arg6[%dma_start3A_550, %dma_start3A_559, %dma_start3A_560] : memref<6x256x64xf32, #tpu.memory_space<vmem>> -> memref<1x256x64xf32, #tpu.memory_space<vmem>>
    %dma_start3A_562 = tpu.memref_squeeze %dma_start3A_561 : memref<1x256x64xf32, #tpu.memory_space<vmem>> -> memref<256x64xf32, #tpu.memory_space<vmem>>
    tpu.enqueue_dma source(%dma_start3A_562 : memref<256x64xf32, #tpu.memory_space<vmem>>) target(%dma_start3A_558 : memref<256x64xf32, #tpu.memory_space<hbm>>) target_semaphore(%arg12 : memref<!tpu.dma_semaphore, #tpu.memory_space<semaphore_mem>>)
    %add3A_563 = arith.constant 11008 : i32
    %add3A_564 = arith.addi %mul3A_2, %add3A_563 : i32
    %dma_wait3A_565 = arith.constant 1 : i32
    %dma_wait3A_566 = arith.constant 0 : i32
    %dma_wait3A_567 = arith.constant 0 : i32
    %dma_wait3A_568 = tpu.memref_slice %arg6[%dma_wait3A_565, %dma_wait3A_566, %dma_wait3A_567] : memref<6x256x64xf32, #tpu.memory_space<vmem>> -> memref<1x256x64xf32, #tpu.memory_space<vmem>>
    %dma_wait3A_569 = tpu.memref_squeeze %dma_wait3A_568 : memref<1x256x64xf32, #tpu.memory_space<vmem>> -> memref<256x64xf32, #tpu.memory_space<vmem>>
    %dma_wait3A_570 = arith.constant 0 : i32
    %dma_wait3A_571 = tpu.memref_slice %arg4[%add3A_564, %dma_wait3A_570] : memref<409600x64xf32, #tpu.memory_space<hbm>> -> memref<256x64xf32, #tpu.memory_space<hbm>>
    %dma_wait3A_572 = arith.constant 0 : i32
    %dma_wait3A_573 = tpu.memref_slice %arg4[%add3A_564, %dma_wait3A_572] : memref<409600x64xf32, #tpu.memory_space<hbm>> -> memref<256x64xf32, #tpu.memory_space<hbm>>
    %dma_wait3A_574 = arith.constant 0 : i32
    %dma_wait3A_575 = arith.constant 0 : i32
    %dma_wait3A_576 = tpu.memref_slice %arg6[%dma_wait3A_565, %dma_wait3A_574, %dma_wait3A_575] : memref<6x256x64xf32, #tpu.memory_space<vmem>> -> memref<1x256x64xf32, #tpu.memory_space<vmem>>
    %dma_wait3A_577 = tpu.memref_squeeze %dma_wait3A_576 : memref<1x256x64xf32, #tpu.memory_space<vmem>> -> memref<256x64xf32, #tpu.memory_space<vmem>>
    tpu.wait_dma2 semaphore(%arg9 : memref<!tpu.dma_semaphore, #tpu.memory_space<semaphore_mem>>) src(%dma_wait3A_577 : memref<256x64xf32, #tpu.memory_space<vmem>>) dst(%dma_wait3A_573 : memref<256x64xf32, #tpu.memory_space<hbm>>)
    %dma_start3A_578 = arith.constant 49 : i32
    %dma_start3A_579 = arith.constant 1 : i32
    %dma_start3A_580 = arith.constant 0 : i32
    %dma_start3A_581 = arith.constant 0 : i32
    %dma_start3A_582 = tpu.memref_slice %arg6[%dma_start3A_579, %dma_start3A_580, %dma_start3A_581] : memref<6x256x64xf32, #tpu.memory_space<vmem>> -> memref<1x256x64xf32, #tpu.memory_space<vmem>>
    %dma_start3A_583 = tpu.memref_squeeze %dma_start3A_582 : memref<1x256x64xf32, #tpu.memory_space<vmem>> -> memref<256x64xf32, #tpu.memory_space<vmem>>
    %dma_start3A_584 = arith.constant 0 : i32
    %dma_start3A_585 = tpu.memref_slice %arg5[%dma_start3A_578, %dma_start3A_584] : memref<50x256xi32, #tpu.memory_space<vmem>> -> memref<1x256xi32, #tpu.memory_space<vmem>>
    %dma_start3A_586 = tpu.memref_squeeze %dma_start3A_585 : memref<1x256xi32, #tpu.memory_space<vmem>> -> memref<256xi32, #tpu.memory_space<vmem>>
    %dma_start3A_587 = arith.constant 0 : i32
    %dma_start3A_588 = arith.constant 0 : i32
    %dma_start3A_589 = tpu.memref_slice %arg3[%dma_start3A_587, %dma_start3A_588] : memref<1000000x64xf32, #tpu.memory_space<hbm>> -> memref<1000000x64xf32, #tpu.memory_space<hbm>>
    tpu.enqueue_indirect_dma source(%dma_start3A_589 : memref<1000000x64xf32, #tpu.memory_space<hbm>>) target(%dma_start3A_583 : memref<256x64xf32, #tpu.memory_space<vmem>>) offsets(%dma_start3A_586 : memref<256xi32, #tpu.memory_space<vmem>>) semaphore(%arg7 : memref<!tpu.dma_semaphore, #tpu.memory_space<semaphore_mem>>)
    %dma_wait3A_590 = arith.constant 47 : i32
    %dma_wait3A_591 = arith.constant 5 : i32
    %dma_wait3A_592 = arith.constant 0 : i32
    %dma_wait3A_593 = arith.constant 0 : i32
    %dma_wait3A_594 = tpu.memref_slice %arg6[%dma_wait3A_591, %dma_wait3A_592, %dma_wait3A_593] : memref<6x256x64xf32, #tpu.memory_space<vmem>> -> memref<1x256x64xf32, #tpu.memory_space<vmem>>
    %dma_wait3A_595 = tpu.memref_squeeze %dma_wait3A_594 : memref<1x256x64xf32, #tpu.memory_space<vmem>> -> memref<256x64xf32, #tpu.memory_space<vmem>>
    %dma_wait3A_596 = arith.constant 0 : i32
    %dma_wait3A_597 = tpu.memref_slice %arg5[%dma_wait3A_590, %dma_wait3A_596] : memref<50x256xi32, #tpu.memory_space<vmem>> -> memref<1x256xi32, #tpu.memory_space<vmem>>
    %dma_wait3A_598 = tpu.memref_squeeze %dma_wait3A_597 : memref<1x256xi32, #tpu.memory_space<vmem>> -> memref<256xi32, #tpu.memory_space<vmem>>
    %dma_wait3A_599 = arith.constant 0 : i32
    %dma_wait3A_600 = arith.constant 0 : i32
    %dma_wait3A_601 = tpu.memref_slice %arg3[%dma_wait3A_599, %dma_wait3A_600] : memref<1000000x64xf32, #tpu.memory_space<hbm>> -> memref<1000000x64xf32, #tpu.memory_space<hbm>>
    tpu.wait_indirect_dma semaphore(%arg7 : memref<!tpu.dma_semaphore, #tpu.memory_space<semaphore_mem>>) src(%dma_wait3A_601 : memref<1000000x64xf32, #tpu.memory_space<hbm>>) dst(%dma_wait3A_595 : memref<256x64xf32, #tpu.memory_space<vmem>>)
    %add3A_602 = arith.constant 12032 : i32
    %add3A_603 = arith.addi %mul3A_2, %add3A_602 : i32
    %dma_start3A_604 = arith.constant 5 : i32
    %dma_start3A_605 = arith.constant 0 : i32
    %dma_start3A_606 = arith.constant 0 : i32
    %dma_start3A_607 = tpu.memref_slice %arg6[%dma_start3A_604, %dma_start3A_605, %dma_start3A_606] : memref<6x256x64xf32, #tpu.memory_space<vmem>> -> memref<1x256x64xf32, #tpu.memory_space<vmem>>
    %dma_start3A_608 = tpu.memref_squeeze %dma_start3A_607 : memref<1x256x64xf32, #tpu.memory_space<vmem>> -> memref<256x64xf32, #tpu.memory_space<vmem>>
    %dma_start3A_609 = arith.constant 0 : i32
    %dma_start3A_610 = tpu.memref_slice %arg4[%add3A_603, %dma_start3A_609] : memref<409600x64xf32, #tpu.memory_space<hbm>> -> memref<256x64xf32, #tpu.memory_space<hbm>>
    %dma_start3A_611 = arith.constant 0 : i32
    %dma_start3A_612 = tpu.memref_slice %arg4[%add3A_603, %dma_start3A_611] : memref<409600x64xf32, #tpu.memory_space<hbm>> -> memref<256x64xf32, #tpu.memory_space<hbm>>
    %dma_start3A_613 = arith.constant 0 : i32
    %dma_start3A_614 = arith.constant 0 : i32
    %dma_start3A_615 = tpu.memref_slice %arg6[%dma_start3A_604, %dma_start3A_613, %dma_start3A_614] : memref<6x256x64xf32, #tpu.memory_space<vmem>> -> memref<1x256x64xf32, #tpu.memory_space<vmem>>
    %dma_start3A_616 = tpu.memref_squeeze %dma_start3A_615 : memref<1x256x64xf32, #tpu.memory_space<vmem>> -> memref<256x64xf32, #tpu.memory_space<vmem>>
    tpu.enqueue_dma source(%dma_start3A_616 : memref<256x64xf32, #tpu.memory_space<vmem>>) target(%dma_start3A_612 : memref<256x64xf32, #tpu.memory_space<hbm>>) target_semaphore(%arg13 : memref<!tpu.dma_semaphore, #tpu.memory_space<semaphore_mem>>)
    %dma_wait3A_617 = arith.constant 48 : i32
    %dma_wait3A_618 = arith.constant 0 : i32
    %dma_wait3A_619 = arith.constant 0 : i32
    %dma_wait3A_620 = arith.constant 0 : i32
    %dma_wait3A_621 = tpu.memref_slice %arg6[%dma_wait3A_618, %dma_wait3A_619, %dma_wait3A_620] : memref<6x256x64xf32, #tpu.memory_space<vmem>> -> memref<1x256x64xf32, #tpu.memory_space<vmem>>
    %dma_wait3A_622 = tpu.memref_squeeze %dma_wait3A_621 : memref<1x256x64xf32, #tpu.memory_space<vmem>> -> memref<256x64xf32, #tpu.memory_space<vmem>>
    %dma_wait3A_623 = arith.constant 0 : i32
    %dma_wait3A_624 = tpu.memref_slice %arg5[%dma_wait3A_617, %dma_wait3A_623] : memref<50x256xi32, #tpu.memory_space<vmem>> -> memref<1x256xi32, #tpu.memory_space<vmem>>
    %dma_wait3A_625 = tpu.memref_squeeze %dma_wait3A_624 : memref<1x256xi32, #tpu.memory_space<vmem>> -> memref<256xi32, #tpu.memory_space<vmem>>
    %dma_wait3A_626 = arith.constant 0 : i32
    %dma_wait3A_627 = arith.constant 0 : i32
    %dma_wait3A_628 = tpu.memref_slice %arg3[%dma_wait3A_626, %dma_wait3A_627] : memref<1000000x64xf32, #tpu.memory_space<hbm>> -> memref<1000000x64xf32, #tpu.memory_space<hbm>>
    tpu.wait_indirect_dma semaphore(%arg7 : memref<!tpu.dma_semaphore, #tpu.memory_space<semaphore_mem>>) src(%dma_wait3A_628 : memref<1000000x64xf32, #tpu.memory_space<hbm>>) dst(%dma_wait3A_622 : memref<256x64xf32, #tpu.memory_space<vmem>>)
    %add3A_629 = arith.constant 12288 : i32
    %add3A_630 = arith.addi %mul3A_2, %add3A_629 : i32
    %dma_start3A_631 = arith.constant 0 : i32
    %dma_start3A_632 = arith.constant 0 : i32
    %dma_start3A_633 = arith.constant 0 : i32
    %dma_start3A_634 = tpu.memref_slice %arg6[%dma_start3A_631, %dma_start3A_632, %dma_start3A_633] : memref<6x256x64xf32, #tpu.memory_space<vmem>> -> memref<1x256x64xf32, #tpu.memory_space<vmem>>
    %dma_start3A_635 = tpu.memref_squeeze %dma_start3A_634 : memref<1x256x64xf32, #tpu.memory_space<vmem>> -> memref<256x64xf32, #tpu.memory_space<vmem>>
    %dma_start3A_636 = arith.constant 0 : i32
    %dma_start3A_637 = tpu.memref_slice %arg4[%add3A_630, %dma_start3A_636] : memref<409600x64xf32, #tpu.memory_space<hbm>> -> memref<256x64xf32, #tpu.memory_space<hbm>>
    %dma_start3A_638 = arith.constant 0 : i32
    %dma_start3A_639 = tpu.memref_slice %arg4[%add3A_630, %dma_start3A_638] : memref<409600x64xf32, #tpu.memory_space<hbm>> -> memref<256x64xf32, #tpu.memory_space<hbm>>
    %dma_start3A_640 = arith.constant 0 : i32
    %dma_start3A_641 = arith.constant 0 : i32
    %dma_start3A_642 = tpu.memref_slice %arg6[%dma_start3A_631, %dma_start3A_640, %dma_start3A_641] : memref<6x256x64xf32, #tpu.memory_space<vmem>> -> memref<1x256x64xf32, #tpu.memory_space<vmem>>
    %dma_start3A_643 = tpu.memref_squeeze %dma_start3A_642 : memref<1x256x64xf32, #tpu.memory_space<vmem>> -> memref<256x64xf32, #tpu.memory_space<vmem>>
    tpu.enqueue_dma source(%dma_start3A_643 : memref<256x64xf32, #tpu.memory_space<vmem>>) target(%dma_start3A_639 : memref<256x64xf32, #tpu.memory_space<hbm>>) target_semaphore(%arg8 : memref<!tpu.dma_semaphore, #tpu.memory_space<semaphore_mem>>)
    %dma_wait3A_644 = arith.constant 49 : i32
    %dma_wait3A_645 = arith.constant 1 : i32
    %dma_wait3A_646 = arith.constant 0 : i32
    %dma_wait3A_647 = arith.constant 0 : i32
    %dma_wait3A_648 = tpu.memref_slice %arg6[%dma_wait3A_645, %dma_wait3A_646, %dma_wait3A_647] : memref<6x256x64xf32, #tpu.memory_space<vmem>> -> memref<1x256x64xf32, #tpu.memory_space<vmem>>
    %dma_wait3A_649 = tpu.memref_squeeze %dma_wait3A_648 : memref<1x256x64xf32, #tpu.memory_space<vmem>> -> memref<256x64xf32, #tpu.memory_space<vmem>>
    %dma_wait3A_650 = arith.constant 0 : i32
    %dma_wait3A_651 = tpu.memref_slice %arg5[%dma_wait3A_644, %dma_wait3A_650] : memref<50x256xi32, #tpu.memory_space<vmem>> -> memref<1x256xi32, #tpu.memory_space<vmem>>
    %dma_wait3A_652 = tpu.memref_squeeze %dma_wait3A_651 : memref<1x256xi32, #tpu.memory_space<vmem>> -> memref<256xi32, #tpu.memory_space<vmem>>
    %dma_wait3A_653 = arith.constant 0 : i32
    %dma_wait3A_654 = arith.constant 0 : i32
    %dma_wait3A_655 = tpu.memref_slice %arg3[%dma_wait3A_653, %dma_wait3A_654] : memref<1000000x64xf32, #tpu.memory_space<hbm>> -> memref<1000000x64xf32, #tpu.memory_space<hbm>>
    tpu.wait_indirect_dma semaphore(%arg7 : memref<!tpu.dma_semaphore, #tpu.memory_space<semaphore_mem>>) src(%dma_wait3A_655 : memref<1000000x64xf32, #tpu.memory_space<hbm>>) dst(%dma_wait3A_649 : memref<256x64xf32, #tpu.memory_space<vmem>>)
    %add3A_656 = arith.constant 12544 : i32
    %add3A_657 = arith.addi %mul3A_2, %add3A_656 : i32
    %dma_start3A_658 = arith.constant 1 : i32
    %dma_start3A_659 = arith.constant 0 : i32
    %dma_start3A_660 = arith.constant 0 : i32
    %dma_start3A_661 = tpu.memref_slice %arg6[%dma_start3A_658, %dma_start3A_659, %dma_start3A_660] : memref<6x256x64xf32, #tpu.memory_space<vmem>> -> memref<1x256x64xf32, #tpu.memory_space<vmem>>
    %dma_start3A_662 = tpu.memref_squeeze %dma_start3A_661 : memref<1x256x64xf32, #tpu.memory_space<vmem>> -> memref<256x64xf32, #tpu.memory_space<vmem>>
    %dma_start3A_663 = arith.constant 0 : i32
    %dma_start3A_664 = tpu.memref_slice %arg4[%add3A_657, %dma_start3A_663] : memref<409600x64xf32, #tpu.memory_space<hbm>> -> memref<256x64xf32, #tpu.memory_space<hbm>>
    %dma_start3A_665 = arith.constant 0 : i32
    %dma_start3A_666 = tpu.memref_slice %arg4[%add3A_657, %dma_start3A_665] : memref<409600x64xf32, #tpu.memory_space<hbm>> -> memref<256x64xf32, #tpu.memory_space<hbm>>
    %dma_start3A_667 = arith.constant 0 : i32
    %dma_start3A_668 = arith.constant 0 : i32
    %dma_start3A_669 = tpu.memref_slice %arg6[%dma_start3A_658, %dma_start3A_667, %dma_start3A_668] : memref<6x256x64xf32, #tpu.memory_space<vmem>> -> memref<1x256x64xf32, #tpu.memory_space<vmem>>
    %dma_start3A_670 = tpu.memref_squeeze %dma_start3A_669 : memref<1x256x64xf32, #tpu.memory_space<vmem>> -> memref<256x64xf32, #tpu.memory_space<vmem>>
    tpu.enqueue_dma source(%dma_start3A_670 : memref<256x64xf32, #tpu.memory_space<vmem>>) target(%dma_start3A_666 : memref<256x64xf32, #tpu.memory_space<hbm>>) target_semaphore(%arg9 : memref<!tpu.dma_semaphore, #tpu.memory_space<semaphore_mem>>)
    %add3A_671 = arith.constant 11264 : i32
    %add3A_672 = arith.addi %mul3A_2, %add3A_671 : i32
    %dma_wait3A_673 = arith.constant 2 : i32
    %dma_wait3A_674 = arith.constant 0 : i32
    %dma_wait3A_675 = arith.constant 0 : i32
    %dma_wait3A_676 = tpu.memref_slice %arg6[%dma_wait3A_673, %dma_wait3A_674, %dma_wait3A_675] : memref<6x256x64xf32, #tpu.memory_space<vmem>> -> memref<1x256x64xf32, #tpu.memory_space<vmem>>
    %dma_wait3A_677 = tpu.memref_squeeze %dma_wait3A_676 : memref<1x256x64xf32, #tpu.memory_space<vmem>> -> memref<256x64xf32, #tpu.memory_space<vmem>>
    %dma_wait3A_678 = arith.constant 0 : i32
    %dma_wait3A_679 = tpu.memref_slice %arg4[%add3A_672, %dma_wait3A_678] : memref<409600x64xf32, #tpu.memory_space<hbm>> -> memref<256x64xf32, #tpu.memory_space<hbm>>
    %dma_wait3A_680 = arith.constant 0 : i32
    %dma_wait3A_681 = tpu.memref_slice %arg4[%add3A_672, %dma_wait3A_680] : memref<409600x64xf32, #tpu.memory_space<hbm>> -> memref<256x64xf32, #tpu.memory_space<hbm>>
    %dma_wait3A_682 = arith.constant 0 : i32
    %dma_wait3A_683 = arith.constant 0 : i32
    %dma_wait3A_684 = tpu.memref_slice %arg6[%dma_wait3A_673, %dma_wait3A_682, %dma_wait3A_683] : memref<6x256x64xf32, #tpu.memory_space<vmem>> -> memref<1x256x64xf32, #tpu.memory_space<vmem>>
    %dma_wait3A_685 = tpu.memref_squeeze %dma_wait3A_684 : memref<1x256x64xf32, #tpu.memory_space<vmem>> -> memref<256x64xf32, #tpu.memory_space<vmem>>
    tpu.wait_dma2 semaphore(%arg10 : memref<!tpu.dma_semaphore, #tpu.memory_space<semaphore_mem>>) src(%dma_wait3A_685 : memref<256x64xf32, #tpu.memory_space<vmem>>) dst(%dma_wait3A_681 : memref<256x64xf32, #tpu.memory_space<hbm>>)
    %add3A_686 = arith.constant 11520 : i32
    %add3A_687 = arith.addi %mul3A_2, %add3A_686 : i32
    %dma_wait3A_688 = arith.constant 3 : i32
    %dma_wait3A_689 = arith.constant 0 : i32
    %dma_wait3A_690 = arith.constant 0 : i32
    %dma_wait3A_691 = tpu.memref_slice %arg6[%dma_wait3A_688, %dma_wait3A_689, %dma_wait3A_690] : memref<6x256x64xf32, #tpu.memory_space<vmem>> -> memref<1x256x64xf32, #tpu.memory_space<vmem>>
    %dma_wait3A_692 = tpu.memref_squeeze %dma_wait3A_691 : memref<1x256x64xf32, #tpu.memory_space<vmem>> -> memref<256x64xf32, #tpu.memory_space<vmem>>
    %dma_wait3A_693 = arith.constant 0 : i32
    %dma_wait3A_694 = tpu.memref_slice %arg4[%add3A_687, %dma_wait3A_693] : memref<409600x64xf32, #tpu.memory_space<hbm>> -> memref<256x64xf32, #tpu.memory_space<hbm>>
    %dma_wait3A_695 = arith.constant 0 : i32
    %dma_wait3A_696 = tpu.memref_slice %arg4[%add3A_687, %dma_wait3A_695] : memref<409600x64xf32, #tpu.memory_space<hbm>> -> memref<256x64xf32, #tpu.memory_space<hbm>>
    %dma_wait3A_697 = arith.constant 0 : i32
    %dma_wait3A_698 = arith.constant 0 : i32
    %dma_wait3A_699 = tpu.memref_slice %arg6[%dma_wait3A_688, %dma_wait3A_697, %dma_wait3A_698] : memref<6x256x64xf32, #tpu.memory_space<vmem>> -> memref<1x256x64xf32, #tpu.memory_space<vmem>>
    %dma_wait3A_700 = tpu.memref_squeeze %dma_wait3A_699 : memref<1x256x64xf32, #tpu.memory_space<vmem>> -> memref<256x64xf32, #tpu.memory_space<vmem>>
    tpu.wait_dma2 semaphore(%arg11 : memref<!tpu.dma_semaphore, #tpu.memory_space<semaphore_mem>>) src(%dma_wait3A_700 : memref<256x64xf32, #tpu.memory_space<vmem>>) dst(%dma_wait3A_696 : memref<256x64xf32, #tpu.memory_space<hbm>>)
    %add3A_701 = arith.constant 11776 : i32
    %add3A_702 = arith.addi %mul3A_2, %add3A_701 : i32
    %dma_wait3A_703 = arith.constant 4 : i32
    %dma_wait3A_704 = arith.constant 0 : i32
    %dma_wait3A_705 = arith.constant 0 : i32
    %dma_wait3A_706 = tpu.memref_slice %arg6[%dma_wait3A_703, %dma_wait3A_704, %dma_wait3A_705] : memref<6x256x64xf32, #tpu.memory_space<vmem>> -> memref<1x256x64xf32, #tpu.memory_space<vmem>>
    %dma_wait3A_707 = tpu.memref_squeeze %dma_wait3A_706 : memref<1x256x64xf32, #tpu.memory_space<vmem>> -> memref<256x64xf32, #tpu.memory_space<vmem>>
    %dma_wait3A_708 = arith.constant 0 : i32
    %dma_wait3A_709 = tpu.memref_slice %arg4[%add3A_702, %dma_wait3A_708] : memref<409600x64xf32, #tpu.memory_space<hbm>> -> memref<256x64xf32, #tpu.memory_space<hbm>>
    %dma_wait3A_710 = arith.constant 0 : i32
    %dma_wait3A_711 = tpu.memref_slice %arg4[%add3A_702, %dma_wait3A_710] : memref<409600x64xf32, #tpu.memory_space<hbm>> -> memref<256x64xf32, #tpu.memory_space<hbm>>
    %dma_wait3A_712 = arith.constant 0 : i32
    %dma_wait3A_713 = arith.constant 0 : i32
    %dma_wait3A_714 = tpu.memref_slice %arg6[%dma_wait3A_703, %dma_wait3A_712, %dma_wait3A_713] : memref<6x256x64xf32, #tpu.memory_space<vmem>> -> memref<1x256x64xf32, #tpu.memory_space<vmem>>
    %dma_wait3A_715 = tpu.memref_squeeze %dma_wait3A_714 : memref<1x256x64xf32, #tpu.memory_space<vmem>> -> memref<256x64xf32, #tpu.memory_space<vmem>>
    tpu.wait_dma2 semaphore(%arg12 : memref<!tpu.dma_semaphore, #tpu.memory_space<semaphore_mem>>) src(%dma_wait3A_715 : memref<256x64xf32, #tpu.memory_space<vmem>>) dst(%dma_wait3A_711 : memref<256x64xf32, #tpu.memory_space<hbm>>)
    %add3A_716 = arith.constant 12032 : i32
    %add3A_717 = arith.addi %mul3A_2, %add3A_716 : i32
    %dma_wait3A_718 = arith.constant 5 : i32
    %dma_wait3A_719 = arith.constant 0 : i32
    %dma_wait3A_720 = arith.constant 0 : i32
    %dma_wait3A_721 = tpu.memref_slice %arg6[%dma_wait3A_718, %dma_wait3A_719, %dma_wait3A_720] : memref<6x256x64xf32, #tpu.memory_space<vmem>> -> memref<1x256x64xf32, #tpu.memory_space<vmem>>
    %dma_wait3A_722 = tpu.memref_squeeze %dma_wait3A_721 : memref<1x256x64xf32, #tpu.memory_space<vmem>> -> memref<256x64xf32, #tpu.memory_space<vmem>>
    %dma_wait3A_723 = arith.constant 0 : i32
    %dma_wait3A_724 = tpu.memref_slice %arg4[%add3A_717, %dma_wait3A_723] : memref<409600x64xf32, #tpu.memory_space<hbm>> -> memref<256x64xf32, #tpu.memory_space<hbm>>
    %dma_wait3A_725 = arith.constant 0 : i32
    %dma_wait3A_726 = tpu.memref_slice %arg4[%add3A_717, %dma_wait3A_725] : memref<409600x64xf32, #tpu.memory_space<hbm>> -> memref<256x64xf32, #tpu.memory_space<hbm>>
    %dma_wait3A_727 = arith.constant 0 : i32
    %dma_wait3A_728 = arith.constant 0 : i32
    %dma_wait3A_729 = tpu.memref_slice %arg6[%dma_wait3A_718, %dma_wait3A_727, %dma_wait3A_728] : memref<6x256x64xf32, #tpu.memory_space<vmem>> -> memref<1x256x64xf32, #tpu.memory_space<vmem>>
    %dma_wait3A_730 = tpu.memref_squeeze %dma_wait3A_729 : memref<1x256x64xf32, #tpu.memory_space<vmem>> -> memref<256x64xf32, #tpu.memory_space<vmem>>
    tpu.wait_dma2 semaphore(%arg13 : memref<!tpu.dma_semaphore, #tpu.memory_space<semaphore_mem>>) src(%dma_wait3A_730 : memref<256x64xf32, #tpu.memory_space<vmem>>) dst(%dma_wait3A_726 : memref<256x64xf32, #tpu.memory_space<hbm>>)
    %add3A_731 = arith.constant 12288 : i32
    %add3A_732 = arith.addi %mul3A_2, %add3A_731 : i32
    %dma_wait3A_733 = arith.constant 0 : i32
    %dma_wait3A_734 = arith.constant 0 : i32
    %dma_wait3A_735 = arith.constant 0 : i32
    %dma_wait3A_736 = tpu.memref_slice %arg6[%dma_wait3A_733, %dma_wait3A_734, %dma_wait3A_735] : memref<6x256x64xf32, #tpu.memory_space<vmem>> -> memref<1x256x64xf32, #tpu.memory_space<vmem>>
    %dma_wait3A_737 = tpu.memref_squeeze %dma_wait3A_736 : memref<1x256x64xf32, #tpu.memory_space<vmem>> -> memref<256x64xf32, #tpu.memory_space<vmem>>
    %dma_wait3A_738 = arith.constant 0 : i32
    %dma_wait3A_739 = tpu.memref_slice %arg4[%add3A_732, %dma_wait3A_738] : memref<409600x64xf32, #tpu.memory_space<hbm>> -> memref<256x64xf32, #tpu.memory_space<hbm>>
    %dma_wait3A_740 = arith.constant 0 : i32
    %dma_wait3A_741 = tpu.memref_slice %arg4[%add3A_732, %dma_wait3A_740] : memref<409600x64xf32, #tpu.memory_space<hbm>> -> memref<256x64xf32, #tpu.memory_space<hbm>>
    %dma_wait3A_742 = arith.constant 0 : i32
    %dma_wait3A_743 = arith.constant 0 : i32
    %dma_wait3A_744 = tpu.memref_slice %arg6[%dma_wait3A_733, %dma_wait3A_742, %dma_wait3A_743] : memref<6x256x64xf32, #tpu.memory_space<vmem>> -> memref<1x256x64xf32, #tpu.memory_space<vmem>>
    %dma_wait3A_745 = tpu.memref_squeeze %dma_wait3A_744 : memref<1x256x64xf32, #tpu.memory_space<vmem>> -> memref<256x64xf32, #tpu.memory_space<vmem>>
    tpu.wait_dma2 semaphore(%arg8 : memref<!tpu.dma_semaphore, #tpu.memory_space<semaphore_mem>>) src(%dma_wait3A_745 : memref<256x64xf32, #tpu.memory_space<vmem>>) dst(%dma_wait3A_741 : memref<256x64xf32, #tpu.memory_space<hbm>>)
    %add3A_746 = arith.constant 12544 : i32
    %add3A_747 = arith.addi %mul3A_2, %add3A_746 : i32
    %dma_wait3A_748 = arith.constant 1 : i32
    %dma_wait3A_749 = arith.constant 0 : i32
    %dma_wait3A_750 = arith.constant 0 : i32
    %dma_wait3A_751 = tpu.memref_slice %arg6[%dma_wait3A_748, %dma_wait3A_749, %dma_wait3A_750] : memref<6x256x64xf32, #tpu.memory_space<vmem>> -> memref<1x256x64xf32, #tpu.memory_space<vmem>>
    %dma_wait3A_752 = tpu.memref_squeeze %dma_wait3A_751 : memref<1x256x64xf32, #tpu.memory_space<vmem>> -> memref<256x64xf32, #tpu.memory_space<vmem>>
    %dma_wait3A_753 = arith.constant 0 : i32
    %dma_wait3A_754 = tpu.memref_slice %arg4[%add3A_747, %dma_wait3A_753] : memref<409600x64xf32, #tpu.memory_space<hbm>> -> memref<256x64xf32, #tpu.memory_space<hbm>>
    %dma_wait3A_755 = arith.constant 0 : i32
    %dma_wait3A_756 = tpu.memref_slice %arg4[%add3A_747, %dma_wait3A_755] : memref<409600x64xf32, #tpu.memory_space<hbm>> -> memref<256x64xf32, #tpu.memory_space<hbm>>
    %dma_wait3A_757 = arith.constant 0 : i32
    %dma_wait3A_758 = arith.constant 0 : i32
    %dma_wait3A_759 = tpu.memref_slice %arg6[%dma_wait3A_748, %dma_wait3A_757, %dma_wait3A_758] : memref<6x256x64xf32, #tpu.memory_space<vmem>> -> memref<1x256x64xf32, #tpu.memory_space<vmem>>
    %dma_wait3A_760 = tpu.memref_squeeze %dma_wait3A_759 : memref<1x256x64xf32, #tpu.memory_space<vmem>> -> memref<256x64xf32, #tpu.memory_space<vmem>>
    tpu.wait_dma2 semaphore(%arg9 : memref<!tpu.dma_semaphore, #tpu.memory_space<semaphore_mem>>) src(%dma_wait3A_760 : memref<256x64xf32, #tpu.memory_space<vmem>>) dst(%dma_wait3A_756 : memref<256x64xf32, #tpu.memory_space<hbm>>)
    return
  }
}

</mosaic_0001>

<sc_bundles>
// kernel: kernel.4.cloned.1.call-start
scs
__scs_entry_jumppad:
0x0: {  	(pc) =	sbr.rel $0x88, $3  }
0x1: {  	(tag) =	ssettag $0x0;
	lr =	simm.s32 $0x1  }
0x2: {  	[smem:$0x3F9F] =	sst lr;
	_ =	strace $0xD0000000  }
0x3: {  	_ = 	snop  }
0x4: {  	_ = 	snop  }
0x5: {  	_ = 	snop  }
0x6: {  	_ = 	snop  }
0x7: {  	_ = 	snop  }
__scs_overlays_trampoline_lowered:
0x8: {  	[smem:$0x3FAE] =	sst s0  }
0x9: {  	[smem:$0x3FAF] =	sst s1  }
0xa: {  	[smem:$0x3FB0] =	sst s2  }
0xb: {  	[smem:$0x3FB1] =	sst s3  }
0xc: {  	[smem:$0x3FB2] =	sst s4  }
0xd: {  	[smem:$0x3FB3] =	sst s5  }
0xe: {  	[smem:$0x3FB4] =	sst s6  }
0xf: {  	[smem:$0x3FB5] =	sst s7  }
0x10: {  	[smem:$0x3FB6] =	sst s8  }
0x11: {  	[smem:$0x3FB7] =	sst s9;
	s0 =	simm.s32 @!p0 $0x0  }
0x12: {  	s1 =	sld [smem:$0x3F9D];
	s0 =	simm.s32 @p0 $0x1  }
0x13: {  	[smem:$0x3FB8] =	sst s0;
	s0 =	simm.s32 @!p1 $0x0  }
0x14: {  	s2 =	sld [smem:$0x3F9C];
	s0 =	simm.s32 @p1 $0x1  }
0x15: {  	[smem:$0x3FB9] =	sst s0;
	s0 =	simm.s32 @!p2 $0x0  }
0x16: {  	s3 =	sld [smem:$0x3FDB];
	s0 =	simm.s32 @p2 $0x1  }
0x17: {  	s4 =	simm.s32 $0x1BF5;
	[smem:$0x3FBB] =	sst s0  }
0x18: {  	s0 =	sld [smem:$0x3F9E];
	_ =	swait.ge [sflag:s4], $0x0  }
0x19: {  	s7 =	sld [smem:$0x3F9F]  }
0x1a: {  	s8 =	sadd.s32 $0xFFFFE003, lr  }
0x1b: {  	s9 =	sadd.s32 $0xFFFFFEF7, lr;
	s5 =	simm.s32 $0xFFFFFFFF;
	p2 =	slt.u32 s8, $0xFFFFF086  }
0x1c: {  	p1 =	slt.u32 s9, $0xF7A;
	s5 =	simm.s32 @!p2 $0x0  }
0x1d: {  	s5 =	simm.s32 @p1 $0x1;
	p0 =	seq.s32 s7, s2  }
0x1e: {  	s7 =	smul.u32 @!p0 $0xF7A, s2;
	p2 =	seq.s32 @!p0 s5, $0x0  }
0x1f: {  	s9 =	smul.u32 $0xF7A, s1;
	s8 =	simm.s32 @!p0 $0x1BF5;
	p2 =	por !p2, p0  }
0x20: {  	[sflag:s8] =	ssyncset.s32 @!p0 $0xFFFFF086;
	s6 =	sadd.s32 @!p0 s3, s7;
	s7 =	simm.s32 @!p0 $0x108  }
0x21: {  	s3 =	sadd.s32 s3, s9;
	s6 =	sadd.s32 @!p0 $0x88, s6;
	s7 =	simm.s32 @p2 $0x1082  }
0x22: {  	[simem:s7], [sflag:s8] =	dma.local @!p0 [hbm:s6], $0xF7A  }
0x23: {  	s9 =	sor.u32 $0xD0000000, s2;
	s6 =	simm.s32 $0x108;
	_ =	swait.ge @!p0 [sflag:s8], $0x0  }
0x24: {  	s3 =	sadd.s32 $0x88, s3;
	s6 =	simm.s32 @!p1 $0x1082;
	[sflag:s4] =	ssyncset.s32 $0xFFFFF086  }
0x25: {  	[simem:s6], [sflag:s4] =	dma.local [hbm:s3], $0xF7A  }
0x26: {  	[smem:$0x3F9F] =	sst s1;
	(tag) =	ssettag s2;
	_ =	strace s9  }
0x27: {  	s1 =	sld [smem:$0x3FAF]  }
0x28: {  	s2 =	sld [smem:$0x3FB0]  }
0x29: {  	s4 =	sld [smem:$0x3FB2]  }
0x2a: {  	p0 =	seq.s32 s5, $0x0;
	s5 =	sld [smem:$0x3FB3]  }
0x2b: {  	s6 =	sld [smem:$0x3FB4]  }
0x2c: {  	s7 =	sld [smem:$0x3FB5]  }
0x2d: {  	s3 =	simm.s32 $0x108;
	s8 =	sld [smem:$0x3FB6]  }
0x2e: {  	s3 =	simm.s32 @!p0 $0x1082;
	s9 =	sld [smem:$0x3FB7]  }
0x2f: {  	lr =	sadd.s32 s0, s3;
	s0 =	sld [smem:$0x3FAE]  }
0x30: {  	s3 =	sld [smem:$0x3FB1]  }
0x31: {  	[smem:$0x3FBA] =	sst s10  }
0x32: {  	s10 =	sld [smem:$0x3FB8];
	_ =	sdelay $0x3  }
0x33: {  	p0 =	seq.s32 s10, $0x1;
	s10 =	sld [smem:$0x3FBA];
	_ =	sdelay $0x3  }
0x34: {  	[smem:$0x3FBA] =	sst s10  }
0x35: {  	s10 =	sld [smem:$0x3FB9];
	_ =	sdelay $0x3  }
0x36: {  	p1 =	seq.s32 s10, $0x1;
	s10 =	sld [smem:$0x3FBA];
	_ =	sdelay $0x3  }
0x37: {  	[smem:$0x3FBA] =	sst s10  }
0x38: {  	s10 =	sld [smem:$0x3FBB]  }
0x39: {  	_ = 	snop;
	(pc) =	sbr.ind lr, $3  }
0x3a: {  	_ = 	snop  }
0x3b: {  	_ = 	snop  }
0x3c: {  	p2 =	seq.s32 s10, $0x1;
	s10 =	sld [smem:$0x3FBA]  }
0x3d: {  	_ =	shalt  }
0x3e: {  	_ =	shalt  }
0x3f: {  	_ =	shalt  }
0x40: {  	_ =	shalt  }
0x41: {  	_ =	shalt  }
0x42: {  	_ =	shalt  }
0x43: {  	_ =	shalt  }
0x44: {  	_ =	shalt  }
0x45: {  	_ =	shalt  }
0x46: {  	_ =	shalt  }
0x47: {  	_ =	shalt  }
0x48: {  	_ =	shalt  }
0x49: {  	_ =	shalt  }
0x4a: {  	_ =	shalt  }
0x4b: {  	_ =	shalt  }
0x4c: {  	_ =	shalt  }
0x4d: {  	_ =	shalt  }
0x4e: {  	_ =	shalt  }
0x4f: {  	_ =	shalt  }
0x50: {  	_ =	shalt  }
0x51: {  	_ =	shalt  }
0x52: {  	_ =	shalt  }
0x53: {  	_ =	shalt  }
0x54: {  	_ =	shalt  }
0x55: {  	_ =	shalt  }
0x56: {  	_ =	shalt  }
0x57: {  	_ =	shalt  }
0x58: {  	_ =	shalt  }
0x59: {  	_ =	shalt  }
0x5a: {  	_ =	shalt  }
0x5b: {  	_ =	shalt  }
0x5c: {  	_ =	shalt  }
0x5d: {  	_ =	shalt  }
0x5e: {  	_ =	shalt  }
0x5f: {  	_ =	shalt  }
0x60: {  	_ =	shalt  }
0x61: {  	_ =	shalt  }
0x62: {  	_ =	shalt  }
0x63: {  	_ =	shalt  }
0x64: {  	_ =	shalt  }
0x65: {  	_ =	shalt  }
0x66: {  	_ =	shalt  }
0x67: {  	_ =	shalt  }
0x68: {  	_ =	shalt  }
0x69: {  	_ =	shalt  }
0x6a: {  	_ =	shalt  }
0x6b: {  	_ =	shalt  }
0x6c: {  	_ =	shalt  }
0x6d: {  	_ =	shalt  }
0x6e: {  	_ =	shalt  }
0x6f: {  	_ =	shalt  }
0x70: {  	_ =	shalt  }
0x71: {  	_ =	shalt  }
0x72: {  	_ =	shalt  }
0x73: {  	_ =	shalt  }
0x74: {  	_ =	shalt  }
0x75: {  	_ =	shalt  }
0x76: {  	_ =	shalt  }
0x77: {  	_ =	shalt  }
0x78: {  	_ =	shalt  }
0x79: {  	_ =	shalt  }
0x7a: {  	_ =	shalt  }
0x7b: {  	_ =	shalt  }
0x7c: {  	_ =	shalt  }
0x7d: {  	_ =	shalt  }
0x7e: {  	_ =	shalt  }
0x7f: {  	_ =	shalt  }
0x80: {  	_ =	shalt  }
0x81: {  	_ =	shalt  }
0x82: {  	_ =	shalt  }
0x83: {  	_ =	shalt  }
0x84: {  	_ =	shalt  }
0x85: {  	_ =	shalt  }
0x86: {  	_ =	shalt  }
0x87: {  	_ =	shalt  }
.Lfunc_end0:
.L_simem_size_0:
called_computation.1_lowered:
.L_overlay_start_0:
0x88: {  	s2 =	sld [smem:$0x3FD9]  }
0x89: {  	s3 =	sld [smem:$0x3FFE];
	_ =	sdelay $0x1  }
0x8a: {  	s1 =	srdreg.scid  }
0x8b: {  	s0 =	sand.u32 $0x1, s1  }
0x8c: {  	s17 =	sshll.u32 s0, $0xA;
	s2 =	sadd.s32 s3, s2  }
0x8d: {  	s2 =	sadd.s32 s2, s17  }
0x8e: {  	[smem:$0x3FC6] =	sst s2  }
0x8f: {  	_ = 	snop  }
0x90: {  	(tm) =	ssettm $0x1  }
0x91: {  	s18 =	sld [smem:$0x3FFB];
	_ =	sdelay $0x3  }
0x92: {  	_ =	strace s18  }
0x93: {  	s2 =	sld [smem:$0x3FFC];
	_ =	sdelay $0x3  }
0x94: {  	_ =	strace s2  }
0x95: {  	s2 =	sld [smem:$0x3FFD];
	_ =	sdelay $0x3  }
0x96: {  	_ =	strace s2  }
0x97: {  	_ =	strace $0x8FFFFFFF  }
0x98: {  	s19 =	sld [smem:$0x3FDB];
	_ =	sdelay $0x1  }
0x99: {  	s20 =	simm.s32 $_scs_section_size  }
0x9a: {  	s4 =	simm.s32 $_size__tile_overlayer_lowered;
	s5 =	simm.s32 $_tile_overlayer_lowered  }
0x9b: {  	s6 =	simm.s32 $0x1BFF;
	s21 =	sshll.u32 s5, $0x1;
	s3 =	sadd.s32 s20, s19  }
0x9c: {  	s22 =	simm.s32 $0x0;
	s4 =	sshll.u32 s4, $0x1;
	s5 =	sadd.s32 s21, s3  }
0x9d: {  	[timem:s22], [sflag:s6] =	dma.local [hbm:s5], s4  }
0x9e: {  	_ =	swait.ge [sflag:s6], s4  }
0x9f: {  	s4 =	ssub.s32 $0x0, s4;
	[sflag:s6] =	ssyncset.done $0x0  }
0xa0: {  	[sflag:s6] =	ssyncadd.s32 s4;
	_ =	sdelay $0x1  }
0xa1: {  	s23 =	simm.s32 $0x1B8B  }
0xa2: {  	_ =	swait.ge [sflag:s23], $0x1  }
0xa3: {  	[sflag:s23] =	ssyncset.done $0x0  }
0xa4: {  	[sflag:s23] =	ssyncadd.s32 $0xFFFFFFFF  }
0xa5: {  	s4 =	sld [smem:$0x0]  }
0xa6: {  	s5 =	sand.u32 $0xFFFFFFFE, s1  }
0xa7: {  	p0 =	sne.s32 s1, s5  }
0xa8: {  	s5 =	sshll.u32 @p0 s5, $0xE  }
0xa9: {  	s5 =	sadd.s32 @p0 $0x11B8D, s5;
	s6 =	sshll.u32 @p0 s4, $0x11  }
0xaa: {  	s5 =	sor.u32 @p0 s6, s5  }
0xab: {  	[sflag:s5] =	ssyncadd.remote.s32 @p0 $0x1;
	_ =	sdelay $0x1  }
0xac: {  	s5 =	simm.s32 @p0 $0x1B8D  }
0xad: {  	_ =	swait.eq @p0 [sflag:s5], $0x1  }
0xae: {  	[sflag:s5] =	ssyncadd.s32 @p0 $0xFFFFFFFF  }
0xaf: {  	s6 =	sshll.u32 @!p0 s1, $0xE  }
0xb0: {  	s6 =	sor.u32 @!p0 $0x4000, s6;
	s5 =	simm.s32 @!p0 $0x1B8D  }
0xb1: {  	s4 =	sshll.u32 @!p0 s4, $0x11;
	s6 =	sadd.s32 @!p0 $0x11B8D, s6;
	_ =	swait.eq @!p0 [sflag:s5], $0x1  }
0xb2: {  	s4 =	sor.u32 @!p0 s4, s6;
	[sflag:s5] =	ssyncadd.s32 @!p0 $0xFFFFFFFF  }
0xb3: {  	s25 =	simm.s32 $0x1B8E;
	s24 =	sld [smem:$0x3FFE];
	[sflag:s4] =	ssyncadd.remote.s32 @!p0 $0x1  }
0xb4: {  	s26 =	simm.s32 $execute0_lowered;
	[smem:$0x3FD2] =	sst s25  }
0xb5: {  	s5 =	sshll.u32 s26, $0x1;
	_ =	strace $0x80000049;
	[dreg:$0x1] =	wrdreg $0xFFFFFFFF  }
0xb6: {  	s28 =	simm.s32 $_size_execute0_lowered;
	s3 =	sadd.s32 s3, s5;
	[dreg:$0x0] =	wrdreg $0x0  }
0xb7: {  	s5 =	sshll.u32 s28, $0x1;
	[dreg:$0x2] =	wrdreg s3  }
0xb8: {  	[dreg:$0x3] =	wrdreg s5  }
0xb9: {  	[dreg:$0x4] =	wrdreg $0xC0  }
0xba: {  	_ =	task [dreg:s22], $0x5FFFF  }
0xbb: {  	[dreg:$0x1] =	wrdreg $0xFFFFFFFF  }
0xbc: {  	[dreg:$0x0] =	wrdreg $0x60  }
0xbd: {  	[dreg:$0x2] =	wrdreg s24  }
0xbe: {  	[dreg:$0x3] =	wrdreg $0x9  }
0xbf: {  	_ =	task.clear_ibuf [dreg:s22], $0x4FFFF;
	_ =	strace $0x90000049  }
0xc0: {  	s29 =	simm.s32 $0x9;
	_ =	strace $0x8000004B  }
0xc1: {  	_ =	swait.ge [sflag:s29], $0x1  }
0xc2: {  	[sflag:s29] =	ssyncadd.s32 $0xFFFFFFFF  }
0xc3: {  	_ =	strace $0x9000004B  }
0xc4: {  	_ =	sfence  }
0xc5: {  	s30 =	sld [smem:$0x0];
	_ =	sdelay $0x2  }
0xc6: {  	s31 =	sshll.u32 s1, $0xD;
	s1 =	sshrl.u32 s1, $0x2  }
0xc7: {  	s4 =	sand.u32 $0x4000, s31;
	s1 =	sadd.s32 s1, s30  }
0xc8: {  	s0 =	sor.u32 s4, s0;
	s1 =	sshll.u32 s1, $0x11  }
0xc9: {  	s0 =	sor.u32 s1, s0  }
0xca: {  	s0 =	sadd.s32 $0x8F2B, s0  }
0xcb: {  	[sflag:s0] =	ssyncadd.remote.s32 $0x1  }
0xcc: {  	_ =	sfence.sel $0xFFFF  }
0xcd: {  	[dreg:$0x0] =	wrdreg $0xFFFFFFFF;
	(pc) =	sbr.abs _section_cstart, $3  }
0xce: {  	[dreg:$0x1] =	wrdreg $0xFFFFFFFF  }
0xcf: {  	_ =	task.clear_ibuf [dreg:s22], $0x2FFFF;
	_ =	strace $0x9FFFFFFF  }
0xd0: {  	(tm) =	ssettm $0x7FFFFFFF  }
0xd1: {  	_ =	shalt  }
tec
execute0_lowered:
.L_overlay_start_1:
0x0: {  	(tag) =	ssettag $0x1  }
0x1: {  	s0 =	srdreg.scid;
	s9 =	stileid.u32  }
0x2: {  	s1 =	rddreg [dreg:$0x0];
	s2 =	simm.s32 $0x0;
	s28 =	simm.s32 $0x100  }
0x3: {  	s0 =	sand.u32 $0x1, s0;
	s3 =	sshll.u32 s9, $0x1;
	s12 =	smul.u32 $0x6400, s9  }
0x4: {  	s3 =	sor.u32 s0, s3;
	s5 =	ssub.s32 $0x2, s0;
	s0 =	smul.u32 $0x3200, s0  }
0x5: {  	s29 =	simm.s32 $0x3200;
	[smem:$0x7FF] =	sst s2;
	s4 =	smul.u32 $0x3200, s3  }
0x6: {  	s30 =	simm.s32 $0x7200;
	_ =	strace $0x8000004A;
	s6 =	smul.u32 $0x19000, s3  }
0x7: {  	s7 =	sshrl.u32 s5, $0x1;
	s8 =	smul.u32 $0xC8000, s3;
	s3 =	sadd.s32 $0xF43400, s1  }
0x8: {  	s5 =	ssub.s32 s5, s7;
	s0 =	sadd.s32 s0, s12;
	s4 =	sshrl.u32 s4, $0x3  }
0x9: {  	s11 =	sshrl.u32 s8, $0x3;
	s25 =	smax.u32 s5, $0x1;
	s4 =	sadd.s32 s4, s1  }
0xa: {  	s1 =	sadd.s32 $0x32D800, s1;
	[dreg:$0x11] =	wrdreg s25;
	s4 =	sadd.s32 $0x321000, s4  }
0xb: {  	s0 =	sshll.u32 s0, $0x3;
	s6 =	sadd.s32 s1, s6;
	[dreg:$0x2] =	wrdreg s4  }
0xc: {  	s0 =	sadd.s32 s1, s0;
	[dreg:$0x3] =	wrdreg s6;
	s6 =	sadd.s32 $0x800, s6  }
0xd: {  	s4 =	sadd.s32 s1, s11;
	s26 =	sadd.s32 $0x4000, s0;
	[dreg:$0x4] =	wrdreg s6  }
0xe: {  	s31 =	simm.s32 $0xF200;
	s13 =	sadd.s32 $0x1000, s4;
	[dreg:$0x12] =	wrdreg s26  }
0xf: {  	s10 =	simm.s32 $0x5;
	s14 =	sadd.s32 $0x1800, s4;
	[dreg:$0x5] =	wrdreg s13  }
0x10: {  	s9 =	simm.s32 $0x4;
	s15 =	sadd.s32 $0x2000, s4;
	[dreg:$0x6] =	wrdreg s14  }
0x11: {  	s7 =	simm.s32 $0x2;
	s16 =	sadd.s32 $0x2800, s4;
	[dreg:$0x7] =	wrdreg s15  }
0x12: {  	s12 =	simm.s32 $0x7;
	s17 =	sadd.s32 $0x15000, s4;
	[dreg:$0x8] =	wrdreg s16  }
0x13: {  	s8 =	simm.s32 $0x3;
	s18 =	sadd.s32 $0x15800, s4;
	[dreg:$0x9] =	wrdreg s17  }
0x14: {  	s5 =	simm.s32 $0x0;
	s19 =	sadd.s32 $0x16000, s4;
	[dreg:$0xa] =	wrdreg s18  }
0x15: {  	s25 =	sadd.s32 $0x3000, s0;
	s20 =	sadd.s32 $0x16800, s4;
	[dreg:$0xb] =	wrdreg s19  }
0x16: {  	s1 =	simm.s32 $0xB200;
	s21 =	sadd.s32 $0x17000, s4;
	[dreg:$0xc] =	wrdreg s20  }
0x17: {  	s11 =	simm.s32 $0x6;
	s22 =	sadd.s32 $0x17800, s4;
	[dreg:$0xd] =	wrdreg s21  }
0x18: {  	s23 =	sadd.s32 $0x18000, s4;
	s24 =	sadd.s32 $0x18800, s4;
	[dreg:$0xe] =	wrdreg s22  }
0x19: {  	s4 =	simm.s32 $0x13200;
	s6 =	simm.s32 $0x17200;
	[dreg:$0xf] =	wrdreg s23  }
0x1a: {  	[dreg:$0x10] =	wrdreg s24;
	s21 =	sadd.s32 $0x3800, s0;
	s22 =	sadd.s32 $0x5800, s0  }
0x1b: {  	s23 =	sadd.s32 $0x5000, s0;
	s24 =	sadd.s32 $0x4800, s0;
	s0 =	simm.s32 $0x1  }
.LBB2_1:
0x1c: {  	s13 =	rddreg [dreg:$0x2];
	s18 =	simm.s32 $0x8  }
0x1d: {  	[tilespmem:s2], [sflag:$0x8] =	stream.linear.gather [hbm4b:s13+s2], $0x3200, $0x38;
	[tilespmem:$0x1B200] =	vst v63  }
0x1e: {  	_ =	swait.ge [sflag:s18], $0x3200  }
0x1f: {  	[sflag:s18] =	ssyncset.done $0x0  }
0x20: {  	[sflag:s18] =	ssyncadd.s32 $0xFFFFCE00  }
0x21: {  	[tilespmem:s29], [sflag:$0x1] =	stream.indirect.gather [hbm4b:s3+s28], $0x40, s2, s28, $0xb8;
	[tilespmem:$0x1B200] =	vst v63  }
0x22: {  	_ = 	snop  }
0x23: {  	[tilespmem:s30], [sflag:$0x1] =	stream.indirect.gather [hbm4b:s3+s28], $0x40, s28, s28, $0xb8;
	[tilespmem:$0x1B200] =	vst v63  }
0x24: {  	s19 =	simm.s32 $0x200  }
0x25: {  	[tilespmem:s1], [sflag:$0x1] =	stream.indirect.gather [hbm4b:s3+s28], $0x40, s19, s28, $0xb8;
	[tilespmem:$0x1B200] =	vst v63  }
0x26: {  	_ =	swait.ge [sflag:s0], $0x4000  }
0x27: {  	[sflag:s0] =	ssyncset.done $0x0  }
0x28: {  	s20 =	rddreg [dreg:$0x3];
	[sflag:s0] =	ssyncadd.s32 $0xFFFFC000  }
0x29: {  	[hbm4b:s20+s2] =	stream.linear.scatter [tilespmem:s29], [sflag:$0x2], $0x4000, $0x38;
	[tilespmem:$0x1B200] =	vst v63  }
0x2a: {  	s26 =	simm.s32 $0x300  }
0x2b: {  	[tilespmem:s31], [sflag:$0x1] =	stream.indirect.gather [hbm4b:s3+s28], $0x40, s26, s28, $0xb8;
	[tilespmem:$0x1B200] =	vst v63  }
0x2c: {  	_ =	swait.ge [sflag:s0], $0x4000  }
0x2d: {  	[sflag:s0] =	ssyncset.done $0x0  }
0x2e: {  	s14 =	rddreg [dreg:$0x4];
	[sflag:s0] =	ssyncadd.s32 $0xFFFFC000  }
0x2f: {  	[hbm4b:s14+s2] =	stream.linear.scatter [tilespmem:s30], [sflag:$0x3], $0x4000, $0x38;
	[tilespmem:$0x1B200] =	vst v63  }
0x30: {  	s15 =	simm.s32 $0x400  }
0x31: {  	[tilespmem:s4], [sflag:$0x1] =	stream.indirect.gather [hbm4b:s3+s28], $0x40, s15, s28, $0xb8;
	[tilespmem:$0x1B200] =	vst v63  }
0x32: {  	_ =	swait.ge [sflag:s0], $0x4000  }
0x33: {  	[sflag:s0] =	ssyncset.done $0x0  }
0x34: {  	s16 =	rddreg [dreg:$0x5];
	[sflag:s0] =	ssyncadd.s32 $0xFFFFC000  }
0x35: {  	[hbm4b:s16+s2] =	stream.linear.scatter [tilespmem:s1], [sflag:$0x4], $0x4000, $0x38;
	[tilespmem:$0x1B200] =	vst v63  }
0x36: {  	s17 =	simm.s32 $0x500  }
0x37: {  	[tilespmem:s6], [sflag:$0x1] =	stream.indirect.gather [hbm4b:s3+s28], $0x40, s17, s28, $0xb8;
	[tilespmem:$0x1B200] =	vst v63  }
0x38: {  	_ =	swait.ge [sflag:s0], $0x4000  }
0x39: {  	[sflag:s0] =	ssyncset.done $0x0  }
0x3a: {  	s18 =	rddreg [dreg:$0x6];
	[sflag:s0] =	ssyncadd.s32 $0xFFFFC000  }
0x3b: {  	[hbm4b:s18+s2] =	stream.linear.scatter [tilespmem:s31], [sflag:$0x5], $0x4000, $0x38;
	[tilespmem:$0x1B200] =	vst v63  }
0x3c: {  	_ =	swait.ge [sflag:s7], $0x4000  }
0x3d: {  	[sflag:s7] =	ssyncset.done $0x0  }
0x3e: {  	s19 =	simm.s32 $0x600;
	[sflag:s7] =	ssyncadd.s32 $0xFFFFC000  }
0x3f: {  	[tilespmem:s29], [sflag:$0x1] =	stream.indirect.gather [hbm4b:s3+s28], $0x40, s19, s28, $0xb8;
	[tilespmem:$0x1B200] =	vst v63  }
0x40: {  	_ =	swait.ge [sflag:s0], $0x4000  }
0x41: {  	[sflag:s0] =	ssyncset.done $0x0  }
0x42: {  	s20 =	rddreg [dreg:$0x7];
	[sflag:s0] =	ssyncadd.s32 $0xFFFFC000  }
0x43: {  	[hbm4b:s20+s2] =	stream.linear.scatter [tilespmem:s4], [sflag:$0x6], $0x4000, $0x38;
	[tilespmem:$0x1B200] =	vst v63  }
0x44: {  	_ =	swait.ge [sflag:s8], $0x4000  }
0x45: {  	[sflag:s8] =	ssyncset.done $0x0  }
0x46: {  	s26 =	simm.s32 $0x700;
	[sflag:s8] =	ssyncadd.s32 $0xFFFFC000  }
0x47: {  	[tilespmem:s30], [sflag:$0x1] =	stream.indirect.gather [hbm4b:s3+s28], $0x40, s26, s28, $0xb8;
	[tilespmem:$0x1B200] =	vst v63  }
0x48: {  	_ =	swait.ge [sflag:s0], $0x4000  }
0x49: {  	[sflag:s0] =	ssyncset.done $0x0  }
0x4a: {  	s14 =	rddreg [dreg:$0x8];
	[sflag:s0] =	ssyncadd.s32 $0xFFFFC000  }
0x4b: {  	[hbm4b:s14+s2] =	stream.linear.scatter [tilespmem:s6], [sflag:$0x7], $0x4000, $0x38;
	[tilespmem:$0x1B200] =	vst v63  }
0x4c: {  	_ =	swait.ge [sflag:s9], $0x4000  }
0x4d: {  	[sflag:s9] =	ssyncset.done $0x0  }
0x4e: {  	s15 =	simm.s32 $0x800;
	[sflag:s9] =	ssyncadd.s32 $0xFFFFC000  }
0x4f: {  	[tilespmem:s1], [sflag:$0x1] =	stream.indirect.gather [hbm4b:s3+s28], $0x40, s15, s28, $0xb8;
	[tilespmem:$0x1B200] =	vst v63  }
0x50: {  	_ =	swait.ge [sflag:s0], $0x4000  }
0x51: {  	[sflag:s0] =	ssyncset.done $0x0  }
0x52: {  	[sflag:s0] =	ssyncadd.s32 $0xFFFFC000  }
0x53: {  	[hbm4b:s25+s2] =	stream.linear.scatter [tilespmem:s29], [sflag:$0x2], $0x4000, $0x38;
	[tilespmem:$0x1B200] =	vst v63  }
0x54: {  	_ =	swait.ge [sflag:s10], $0x4000  }
0x55: {  	[sflag:s10] =	ssyncset.done $0x0  }
0x56: {  	s16 =	simm.s32 $0x900;
	[sflag:s10] =	ssyncadd.s32 $0xFFFFC000  }
0x57: {  	[tilespmem:s31], [sflag:$0x1] =	stream.indirect.gather [hbm4b:s3+s28], $0x40, s16, s28, $0xb8;
	[tilespmem:$0x1B200] =	vst v63  }
0x58: {  	_ =	swait.ge [sflag:s0], $0x4000  }
0x59: {  	[sflag:s0] =	ssyncset.done $0x0  }
0x5a: {  	[sflag:s0] =	ssyncadd.s32 $0xFFFFC000  }
0x5b: {  	[hbm4b:s21+s2] =	stream.linear.scatter [tilespmem:s30], [sflag:$0x3], $0x4000, $0x38;
	[tilespmem:$0x1B200] =	vst v63  }
0x5c: {  	_ =	swait.ge [sflag:s11], $0x4000  }
0x5d: {  	[sflag:s11] =	ssyncset.done $0x0  }
0x5e: {  	s17 =	simm.s32 $0xA00;
	[sflag:s11] =	ssyncadd.s32 $0xFFFFC000  }
0x5f: {  	[tilespmem:s4], [sflag:$0x1] =	stream.indirect.gather [hbm4b:s3+s28], $0x40, s17, s28, $0xb8;
	[tilespmem:$0x1B200] =	vst v63  }
0x60: {  	_ =	swait.ge [sflag:s0], $0x4000  }
0x61: {  	[sflag:s0] =	ssyncset.done $0x0  }
0x62: {  	s19 =	rddreg [dreg:$0x12];
	[sflag:s0] =	ssyncadd.s32 $0xFFFFC000  }
0x63: {  	[hbm4b:s19+s2] =	stream.linear.scatter [tilespmem:s1], [sflag:$0x4], $0x4000, $0x38;
	[tilespmem:$0x1B200] =	vst v63  }
0x64: {  	_ =	swait.ge [sflag:s12], $0x4000  }
0x65: {  	[sflag:s12] =	ssyncset.done $0x0  }
0x66: {  	s18 =	simm.s32 $0xB00;
	[sflag:s12] =	ssyncadd.s32 $0xFFFFC000  }
0x67: {  	[tilespmem:s6], [sflag:$0x1] =	stream.indirect.gather [hbm4b:s3+s28], $0x40, s18, s28, $0xb8;
	[tilespmem:$0x1B200] =	vst v63  }
0x68: {  	_ =	swait.ge [sflag:s0], $0x4000  }
0x69: {  	[sflag:s0] =	ssyncset.done $0x0  }
0x6a: {  	[sflag:s0] =	ssyncadd.s32 $0xFFFFC000  }
0x6b: {  	[hbm4b:s24+s2] =	stream.linear.scatter [tilespmem:s31], [sflag:$0x5], $0x4000, $0x38;
	[tilespmem:$0x1B200] =	vst v63  }
0x6c: {  	_ =	swait.ge [sflag:s7], $0x4000  }
0x6d: {  	[sflag:s7] =	ssyncset.done $0x0  }
0x6e: {  	s20 =	simm.s32 $0xC00;
	[sflag:s7] =	ssyncadd.s32 $0xFFFFC000  }
0x6f: {  	[tilespmem:s29], [sflag:$0x1] =	stream.indirect.gather [hbm4b:s3+s28], $0x40, s20, s28, $0xb8;
	[tilespmem:$0x1B200] =	vst v63  }
0x70: {  	_ =	swait.ge [sflag:s0], $0x4000  }
0x71: {  	[sflag:s0] =	ssyncset.done $0x0  }
0x72: {  	[sflag:s0] =	ssyncadd.s32 $0xFFFFC000  }
0x73: {  	[hbm4b:s23+s2] =	stream.linear.scatter [tilespmem:s4], [sflag:$0x6], $0x4000, $0x38;
	[tilespmem:$0x1B200] =	vst v63  }
0x74: {  	_ =	swait.ge [sflag:s8], $0x4000  }
0x75: {  	[sflag:s8] =	ssyncset.done $0x0  }
0x76: {  	s26 =	simm.s32 $0xD00;
	[sflag:s8] =	ssyncadd.s32 $0xFFFFC000  }
0x77: {  	[tilespmem:s30], [sflag:$0x1] =	stream.indirect.gather [hbm4b:s3+s28], $0x40, s26, s28, $0xb8;
	[tilespmem:$0x1B200] =	vst v63  }
0x78: {  	_ =	swait.ge [sflag:s0], $0x4000  }
0x79: {  	[sflag:s0] =	ssyncset.done $0x0  }
0x7a: {  	s13 =	simm.s32 $0x1800;
	s14 =	sadd.s32 $0x3000, s25;
	[sflag:s0] =	ssyncadd.s32 $0xFFFFC000  }
0x7b: {  	[hbm4b:s22+s2] =	stream.linear.scatter [tilespmem:s6], [sflag:$0x7], $0x4000, $0x38;
	[tilespmem:$0x1B200] =	vst v63  }
0x7c: {  	s15 =	sadd.s32 $0x3000, s23;
	s16 =	sadd.s32 $0x3000, s24;
	_ =	swait.ge [sflag:s9], $0x4000  }
0x7d: {  	s17 =	sadd.s32 $0x3000, s21;
	s19 =	sadd.s32 $0x3000, s19;
	[sflag:s9] =	ssyncset.done $0x0  }
0x7e: {  	s18 =	sadd.s32 $0x3000, s22;
	s26 =	simm.s32 $0xE00;
	[sflag:s9] =	ssyncadd.s32 $0xFFFFC000  }
.LBB2_2:
0x7f: {  	[tilespmem:s1], [sflag:$0x1] =	stream.indirect.gather [hbm4b:s3+s28], $0x40, s26, s28, $0xb8;
	[tilespmem:$0x1B200] =	vst v63  }
0x80: {  	s26 =	smov.u32 s13  }
0x81: {  	p0 =	sne.s32 s13, $0x7800;
	s13 =	sadd.s32 $0x1800, s13;
	_ =	swait.ge [sflag:s0], $0x4000  }
0x82: {  	[sflag:s0] =	ssyncset.done $0x0  }
0x83: {  	[sflag:s0] =	ssyncadd.s32 $0xFFFFC000  }
0x84: {  	[hbm4b:s14+s2] =	stream.linear.scatter [tilespmem:s29], [sflag:$0x2], $0x4000, $0x38;
	[tilespmem:$0x1B200] =	vst v63  }
0x85: {  	_ =	swait.ge [sflag:s10], $0x4000  }
0x86: {  	s26 =	sshra.s32 s26, $0x2;
	[sflag:s10] =	ssyncset.done $0x0  }
0x87: {  	s20 =	sadd.s32 $0x900, s26;
	[sflag:s10] =	ssyncadd.s32 $0xFFFFC000  }
0x88: {  	[tilespmem:s31], [sflag:$0x1] =	stream.indirect.gather [hbm4b:s3+s28], $0x40, s20, s28, $0xb8;
	[tilespmem:$0x1B200] =	vst v63  }
0x89: {  	_ =	swait.ge [sflag:s0], $0x4000  }
0x8a: {  	[sflag:s0] =	ssyncset.done $0x0  }
0x8b: {  	[sflag:s0] =	ssyncadd.s32 $0xFFFFC000  }
0x8c: {  	[hbm4b:s17+s2] =	stream.linear.scatter [tilespmem:s30], [sflag:$0x3], $0x4000, $0x38;
	[tilespmem:$0x1B200] =	vst v63  }
0x8d: {  	_ =	swait.ge [sflag:s11], $0x4000  }
0x8e: {  	[sflag:s11] =	ssyncset.done $0x0  }
0x8f: {  	s20 =	sadd.s32 $0xA00, s26;
	[sflag:s11] =	ssyncadd.s32 $0xFFFFC000  }
0x90: {  	[tilespmem:s4], [sflag:$0x1] =	stream.indirect.gather [hbm4b:s3+s28], $0x40, s20, s28, $0xb8;
	[tilespmem:$0x1B200] =	vst v63  }
0x91: {  	_ =	swait.ge [sflag:s0], $0x4000  }
0x92: {  	[sflag:s0] =	ssyncset.done $0x0  }
0x93: {  	[sflag:s0] =	ssyncadd.s32 $0xFFFFC000  }
0x94: {  	[hbm4b:s19+s2] =	stream.linear.scatter [tilespmem:s1], [sflag:$0x4], $0x4000, $0x38;
	[tilespmem:$0x1B200] =	vst v63  }
0x95: {  	_ =	swait.ge [sflag:s12], $0x4000  }
0x96: {  	[sflag:s12] =	ssyncset.done $0x0  }
0x97: {  	s20 =	sadd.s32 $0xB00, s26;
	[sflag:s12] =	ssyncadd.s32 $0xFFFFC000  }
0x98: {  	[tilespmem:s6], [sflag:$0x1] =	stream.indirect.gather [hbm4b:s3+s28], $0x40, s20, s28, $0xb8;
	[tilespmem:$0x1B200] =	vst v63  }
0x99: {  	_ =	swait.ge [sflag:s0], $0x4000  }
0x9a: {  	[sflag:s0] =	ssyncset.done $0x0  }
0x9b: {  	[sflag:s0] =	ssyncadd.s32 $0xFFFFC000  }
0x9c: {  	[hbm4b:s16+s2] =	stream.linear.scatter [tilespmem:s31], [sflag:$0x5], $0x4000, $0x38;
	[tilespmem:$0x1B200] =	vst v63  }
0x9d: {  	_ =	swait.ge [sflag:s7], $0x4000  }
0x9e: {  	[sflag:s7] =	ssyncset.done $0x0  }
0x9f: {  	s20 =	sadd.s32 $0xC00, s26;
	[sflag:s7] =	ssyncadd.s32 $0xFFFFC000  }
0xa0: {  	[tilespmem:s29], [sflag:$0x1] =	stream.indirect.gather [hbm4b:s3+s28], $0x40, s20, s28, $0xb8;
	[tilespmem:$0x1B200] =	vst v63  }
0xa1: {  	_ =	swait.ge [sflag:s0], $0x4000  }
0xa2: {  	[sflag:s0] =	ssyncset.done $0x0  }
0xa3: {  	[sflag:s0] =	ssyncadd.s32 $0xFFFFC000  }
0xa4: {  	[hbm4b:s15+s2] =	stream.linear.scatter [tilespmem:s4], [sflag:$0x6], $0x4000, $0x38;
	[tilespmem:$0x1B200] =	vst v63  }
0xa5: {  	_ =	swait.ge [sflag:s8], $0x4000  }
0xa6: {  	[sflag:s8] =	ssyncset.done $0x0  }
0xa7: {  	s20 =	sadd.s32 $0xD00, s26;
	[sflag:s8] =	ssyncadd.s32 $0xFFFFC000  }
0xa8: {  	[tilespmem:s30], [sflag:$0x1] =	stream.indirect.gather [hbm4b:s3+s28], $0x40, s20, s28, $0xb8;
	[tilespmem:$0x1B200] =	vst v63  }
0xa9: {  	_ =	swait.ge [sflag:s0], $0x4000  }
0xaa: {  	[sflag:s0] =	ssyncset.done $0x0  }
.Ltmp0:
0xab: {  	s14 =	sadd.s32 $0x3000, s14;
	[sflag:s0] =	ssyncadd.s32 $0xFFFFC000;
	(pc) =	sbr.rel @p0 .LBB2_2-.Ltmp0, $4  }
0xac: {  	[hbm4b:s18+s2] =	stream.linear.scatter [tilespmem:s6], [sflag:$0x7], $0x4000, $0x38;
	[tilespmem:$0x1B200] =	vst v63  }
0xad: {  	s16 =	sadd.s32 $0x3000, s16;
	s15 =	sadd.s32 $0x3000, s15;
	_ =	swait.ge [sflag:s9], $0x4000  }
0xae: {  	s17 =	sadd.s32 $0x3000, s17;
	s18 =	sadd.s32 $0x3000, s18;
	[sflag:s9] =	ssyncset.done $0x0  }
0xaf: {  	s19 =	sadd.s32 $0x3000, s19;
	s26 =	sadd.s32 $0xE00, s26;
	[sflag:s9] =	ssyncadd.s32 $0xFFFFC000  }
0xb0: {  	[tilespmem:s1], [sflag:$0x1] =	stream.indirect.gather [hbm4b:s3+s28], $0x40, s26, s28, $0xb8;
	[tilespmem:$0x1B200] =	vst v63  }
0xb1: {  	_ =	swait.ge [sflag:s0], $0x4000  }
0xb2: {  	[sflag:s0] =	ssyncset.done $0x0  }
0xb3: {  	s13 =	rddreg [dreg:$0x9];
	[sflag:s0] =	ssyncadd.s32 $0xFFFFC000  }
0xb4: {  	[hbm4b:s13+s2] =	stream.linear.scatter [tilespmem:s29], [sflag:$0x2], $0x4000, $0x38;
	[tilespmem:$0x1B200] =	vst v63  }
0xb5: {  	_ =	swait.ge [sflag:s10], $0x4000  }
0xb6: {  	[sflag:s10] =	ssyncset.done $0x0  }
0xb7: {  	s17 =	simm.s32 $0x2D00;
	[sflag:s10] =	ssyncadd.s32 $0xFFFFC000  }
0xb8: {  	[tilespmem:s31], [sflag:$0x1] =	stream.indirect.gather [hbm4b:s3+s28], $0x40, s17, s28, $0xb8;
	[tilespmem:$0x1B200] =	vst v63  }
0xb9: {  	_ =	swait.ge [sflag:s0], $0x4000  }
0xba: {  	[sflag:s0] =	ssyncset.done $0x0  }
0xbb: {  	s18 =	rddreg [dreg:$0xa];
	[sflag:s0] =	ssyncadd.s32 $0xFFFFC000  }
0xbc: {  	[hbm4b:s18+s2] =	stream.linear.scatter [tilespmem:s30], [sflag:$0x3], $0x4000, $0x38;
	[tilespmem:$0x1B200] =	vst v63  }
0xbd: {  	_ =	swait.ge [sflag:s11], $0x4000  }
0xbe: {  	[sflag:s11] =	ssyncset.done $0x0  }
0xbf: {  	s19 =	simm.s32 $0x2E00;
	[sflag:s11] =	ssyncadd.s32 $0xFFFFC000  }
0xc0: {  	[tilespmem:s4], [sflag:$0x1] =	stream.indirect.gather [hbm4b:s3+s28], $0x40, s19, s28, $0xb8;
	[tilespmem:$0x1B200] =	vst v63  }
0xc1: {  	_ =	swait.ge [sflag:s0], $0x4000  }
0xc2: {  	[sflag:s0] =	ssyncset.done $0x0  }
0xc3: {  	s20 =	rddreg [dreg:$0xb];
	[sflag:s0] =	ssyncadd.s32 $0xFFFFC000  }
0xc4: {  	[hbm4b:s20+s2] =	stream.linear.scatter [tilespmem:s1], [sflag:$0x4], $0x4000, $0x38;
	[tilespmem:$0x1B200] =	vst v63  }
0xc5: {  	_ =	swait.ge [sflag:s12], $0x4000  }
0xc6: {  	[sflag:s12] =	ssyncset.done $0x0  }
0xc7: {  	s26 =	simm.s32 $0x2F00;
	[sflag:s12] =	ssyncadd.s32 $0xFFFFC000  }
0xc8: {  	[tilespmem:s6], [sflag:$0x1] =	stream.indirect.gather [hbm4b:s3+s28], $0x40, s26, s28, $0xb8;
	[tilespmem:$0x1B200] =	vst v63  }
0xc9: {  	_ =	swait.ge [sflag:s0], $0x4000  }
0xca: {  	[sflag:s0] =	ssyncset.done $0x0  }
0xcb: {  	s14 =	rddreg [dreg:$0xc];
	[sflag:s0] =	ssyncadd.s32 $0xFFFFC000  }
0xcc: {  	[hbm4b:s14+s2] =	stream.linear.scatter [tilespmem:s31], [sflag:$0x5], $0x4000, $0x38;
	[tilespmem:$0x1B200] =	vst v63  }
0xcd: {  	_ =	swait.ge [sflag:s7], $0x4000  }
0xce: {  	[sflag:s7] =	ssyncset.done $0x0  }
0xcf: {  	s15 =	simm.s32 $0x3000;
	[sflag:s7] =	ssyncadd.s32 $0xFFFFC000  }
0xd0: {  	[tilespmem:s29], [sflag:$0x1] =	stream.indirect.gather [hbm4b:s3+s28], $0x40, s15, s28, $0xb8;
	[tilespmem:$0x1B200] =	vst v63  }
0xd1: {  	_ =	swait.ge [sflag:s0], $0x4000  }
0xd2: {  	[sflag:s0] =	ssyncset.done $0x0  }
0xd3: {  	s16 =	rddreg [dreg:$0xd];
	[sflag:s0] =	ssyncadd.s32 $0xFFFFC000  }
0xd4: {  	[hbm4b:s16+s2] =	stream.linear.scatter [tilespmem:s4], [sflag:$0x6], $0x4000, $0x38;
	[tilespmem:$0x1B200] =	vst v63  }
0xd5: {  	_ =	swait.ge [sflag:s8], $0x4000  }
0xd6: {  	[sflag:s8] =	ssyncset.done $0x0  }
0xd7: {  	s17 =	simm.s32 $0x3100;
	[sflag:s8] =	ssyncadd.s32 $0xFFFFC000  }
0xd8: {  	[tilespmem:s30], [sflag:$0x1] =	stream.indirect.gather [hbm4b:s3+s28], $0x40, s17, s28, $0xb8;
	[tilespmem:$0x1B200] =	vst v63  }
0xd9: {  	_ =	swait.ge [sflag:s0], $0x4000  }
0xda: {  	[sflag:s0] =	ssyncset.done $0x0  }
0xdb: {  	s18 =	rddreg [dreg:$0xe];
	[sflag:s0] =	ssyncadd.s32 $0xFFFFC000  }
0xdc: {  	[hbm4b:s18+s2] =	stream.linear.scatter [tilespmem:s6], [sflag:$0x7], $0x4000, $0x38;
	[tilespmem:$0x1B200] =	vst v63  }
0xdd: {  	_ =	swait.ge [sflag:s0], $0x4000  }
0xde: {  	[sflag:s0] =	ssyncset.done $0x0  }
0xdf: {  	s19 =	rddreg [dreg:$0xf];
	[sflag:s0] =	ssyncadd.s32 $0xFFFFC000  }
0xe0: {  	[hbm4b:s19+s2] =	stream.linear.scatter [tilespmem:s29], [sflag:$0x2], $0x4000, $0x38;
	[tilespmem:$0x1B200] =	vst v63  }
0xe1: {  	_ =	swait.ge [sflag:s0], $0x4000  }
0xe2: {  	[sflag:s0] =	ssyncset.done $0x0  }
0xe3: {  	s20 =	rddreg [dreg:$0x10];
	[sflag:s0] =	ssyncadd.s32 $0xFFFFC000  }
0xe4: {  	[hbm4b:s20+s2] =	stream.linear.scatter [tilespmem:s30], [sflag:$0x3], $0x4000, $0x38;
	[tilespmem:$0x1B200] =	vst v63  }
0xe5: {  	_ =	swait.ge [sflag:s9], $0x4000  }
0xe6: {  	[sflag:s9] =	ssyncset.done $0x0  }
0xe7: {  	[sflag:s9] =	ssyncadd.s32 $0xFFFFC000  }
0xe8: {  	_ =	swait.ge [sflag:s10], $0x4000  }
0xe9: {  	[sflag:s10] =	ssyncset.done $0x0  }
0xea: {  	[sflag:s10] =	ssyncadd.s32 $0xFFFFC000  }
0xeb: {  	_ =	swait.ge [sflag:s11], $0x4000  }
0xec: {  	[sflag:s11] =	ssyncset.done $0x0  }
0xed: {  	[sflag:s11] =	ssyncadd.s32 $0xFFFFC000  }
0xee: {  	_ =	swait.ge [sflag:s12], $0x4000  }
0xef: {  	[sflag:s12] =	ssyncset.done $0x0  }
0xf0: {  	[sflag:s12] =	ssyncadd.s32 $0xFFFFC000  }
0xf1: {  	_ =	swait.ge [sflag:s7], $0x4000  }
0xf2: {  	[sflag:s7] =	ssyncset.done $0x0  }
0xf3: {  	[sflag:s7] =	ssyncadd.s32 $0xFFFFC000  }
0xf4: {  	_ =	swait.ge [sflag:s8], $0x4000  }
0xf5: {  	s5 =	sadd.s32 $0x1, s5;
	s26 =	rddreg [dreg:$0x11]  }
0xf6: {  	p0 =	sne.s32 s5, s26  }
.Ltmp1:
0xf7: {  	_ = 	snop;
	(pc) =	sbr.rel @p0 .LBB2_1-.Ltmp1, $3  }
0xf8: {  	_ =	sdelay $0x1  }
0xf9: {  	[sflag:s8] =	ssyncset.done $0x0  }
0xfa: {  	[sflag:s8] =	ssyncadd.s32 $0xFFFFC000  }
0xfb: {  	_ =	sfence.sel $0x180000  }
0xfc: {  	[bflag:$0x0] =	sbarrier.arrive $0xFFFF  }
0xfd: {  	_ =	strace $0x9000004A  }
0xfe: {  	s0 =	stileid.u32;
	[bflag:$0x2] =	sbarrier.arrive $0xFFFF  }
0xff: {  	p0 =	sne.s32 s0, $0x0;
	s0 =	rddreg [dreg:$0x1]  }
0x100: {  	s0 =	sadd.s32 @!p0 $0x100000, s0  }
0x101: {  	[sflag:s0] =	ssyncadd.tile.s32 @!p0 $0x1;
	_ =	shalt  }
.Lfunc_end2:
_tile_overlayer_lowered:
.L_overlay_start_2:
0x102: {  	(tag) =	ssettag $0x2  }
0x103: {  	s0 =	rddreg [dreg:$0x0];
	s2 =	stileid.u32  }
0x104: {  	s1 =	rddreg [dreg:$0x1];
	p0 =	sne.s32 s2, $0x0  }
0x105: {  	s3 =	rddreg [dreg:$0x2];
	[bflag:$0x3] =	sbarrier.arrive $0xFFFF;
	s2 =	simm.s32 @!p0 $0x1C08  }
0x106: {  	[timem:s3], [sflag:s2] =	dma.local @!p0 [hbm:s0], s1  }
0x107: {  	s0 =	simm.s32 @!p0 $0x8  }
0x108: {  	_ =	swait.ge @!p0 [sflag:s0], s1  }
0x109: {  	s1 =	ssub.s32 @!p0 $0x0, s1;
	[sflag:s0] =	ssyncset.done @!p0 $0x0  }
0x10a: {  	[sflag:s0] =	ssyncadd.s32 @!p0 s1  }
0x10b: {  	[bflag:$0x3] =	sbarrier.arrive $0xFFFF  }
0x10c: {  	_ =	shalt  }

// kernel: kernel.7.cloned.1.call-start
scs
__scs_entry_jumppad:
0x0: {  	(pc) =	sbr.rel $0x88, $3  }
0x1: {  	(tag) =	ssettag $0x0;
	lr =	simm.s32 $0x1  }
0x2: {  	[smem:$0x3F9F] =	sst lr;
	_ =	strace $0xD0000000  }
0x3: {  	_ = 	snop  }
0x4: {  	_ = 	snop  }
0x5: {  	_ = 	snop  }
0x6: {  	_ = 	snop  }
0x7: {  	_ = 	snop  }
__scs_overlays_trampoline_lowered:
0x8: {  	[smem:$0x3FAE] =	sst s0  }
0x9: {  	[smem:$0x3FAF] =	sst s1  }
0xa: {  	[smem:$0x3FB0] =	sst s2  }
0xb: {  	[smem:$0x3FB1] =	sst s3  }
0xc: {  	[smem:$0x3FB2] =	sst s4  }
0xd: {  	[smem:$0x3FB3] =	sst s5  }
0xe: {  	[smem:$0x3FB4] =	sst s6  }
0xf: {  	[smem:$0x3FB5] =	sst s7  }
0x10: {  	[smem:$0x3FB6] =	sst s8  }
0x11: {  	[smem:$0x3FB7] =	sst s9;
	s0 =	simm.s32 @!p0 $0x0  }
0x12: {  	s1 =	sld [smem:$0x3F9D];
	s0 =	simm.s32 @p0 $0x1  }
0x13: {  	[smem:$0x3FB8] =	sst s0;
	s0 =	simm.s32 @!p1 $0x0  }
0x14: {  	s2 =	sld [smem:$0x3F9C];
	s0 =	simm.s32 @p1 $0x1  }
0x15: {  	[smem:$0x3FB9] =	sst s0;
	s0 =	simm.s32 @!p2 $0x0  }
0x16: {  	s3 =	sld [smem:$0x3FDB];
	s0 =	simm.s32 @p2 $0x1  }
0x17: {  	s4 =	simm.s32 $0x1BF5;
	[smem:$0x3FBB] =	sst s0  }
0x18: {  	s0 =	sld [smem:$0x3F9E];
	_ =	swait.ge [sflag:s4], $0x0  }
0x19: {  	s7 =	sld [smem:$0x3F9F]  }
0x1a: {  	s8 =	sadd.s32 $0xFFFFE003, lr  }
0x1b: {  	s9 =	sadd.s32 $0xFFFFFEF7, lr;
	s5 =	simm.s32 $0xFFFFFFFF;
	p2 =	slt.u32 s8, $0xFFFFF086  }
0x1c: {  	p1 =	slt.u32 s9, $0xF7A;
	s5 =	simm.s32 @!p2 $0x0  }
0x1d: {  	s5 =	simm.s32 @p1 $0x1;
	p0 =	seq.s32 s7, s2  }
0x1e: {  	s7 =	smul.u32 @!p0 $0xF7A, s2;
	p2 =	seq.s32 @!p0 s5, $0x0  }
0x1f: {  	s9 =	smul.u32 $0xF7A, s1;
	s8 =	simm.s32 @!p0 $0x1BF5;
	p2 =	por !p2, p0  }
0x20: {  	[sflag:s8] =	ssyncset.s32 @!p0 $0xFFFFF086;
	s6 =	sadd.s32 @!p0 s3, s7;
	s7 =	simm.s32 @!p0 $0x108  }
0x21: {  	s3 =	sadd.s32 s3, s9;
	s6 =	sadd.s32 @!p0 $0x88, s6;
	s7 =	simm.s32 @p2 $0x1082  }
0x22: {  	[simem:s7], [sflag:s8] =	dma.local @!p0 [hbm:s6], $0xF7A  }
0x23: {  	s9 =	sor.u32 $0xD0000000, s2;
	s6 =	simm.s32 $0x108;
	_ =	swait.ge @!p0 [sflag:s8], $0x0  }
0x24: {  	s3 =	sadd.s32 $0x88, s3;
	s6 =	simm.s32 @!p1 $0x1082;
	[sflag:s4] =	ssyncset.s32 $0xFFFFF086  }
0x25: {  	[simem:s6], [sflag:s4] =	dma.local [hbm:s3], $0xF7A  }
0x26: {  	[smem:$0x3F9F] =	sst s1;
	(tag) =	ssettag s2;
	_ =	strace s9  }
0x27: {  	s1 =	sld [smem:$0x3FAF]  }
0x28: {  	s2 =	sld [smem:$0x3FB0]  }
0x29: {  	s4 =	sld [smem:$0x3FB2]  }
0x2a: {  	p0 =	seq.s32 s5, $0x0;
	s5 =	sld [smem:$0x3FB3]  }
0x2b: {  	s6 =	sld [smem:$0x3FB4]  }
0x2c: {  	s7 =	sld [smem:$0x3FB5]  }
0x2d: {  	s3 =	simm.s32 $0x108;
	s8 =	sld [smem:$0x3FB6]  }
0x2e: {  	s3 =	simm.s32 @!p0 $0x1082;
	s9 =	sld [smem:$0x3FB7]  }
0x2f: {  	lr =	sadd.s32 s0, s3;
	s0 =	sld [smem:$0x3FAE]  }
0x30: {  	s3 =	sld [smem:$0x3FB1]  }
0x31: {  	[smem:$0x3FBA] =	sst s10  }
0x32: {  	s10 =	sld [smem:$0x3FB8];
	_ =	sdelay $0x3  }
0x33: {  	p0 =	seq.s32 s10, $0x1;
	s10 =	sld [smem:$0x3FBA];
	_ =	sdelay $0x3  }
0x34: {  	[smem:$0x3FBA] =	sst s10  }
0x35: {  	s10 =	sld [smem:$0x3FB9];
	_ =	sdelay $0x3  }
0x36: {  	p1 =	seq.s32 s10, $0x1;
	s10 =	sld [smem:$0x3FBA];
	_ =	sdelay $0x3  }
0x37: {  	[smem:$0x3FBA] =	sst s10  }
0x38: {  	s10 =	sld [smem:$0x3FBB]  }
0x39: {  	_ = 	snop;
	(pc) =	sbr.ind lr, $3  }
0x3a: {  	_ = 	snop  }
0x3b: {  	_ = 	snop  }
0x3c: {  	p2 =	seq.s32 s10, $0x1;
	s10 =	sld [smem:$0x3FBA]  }
0x3d: {  	_ =	shalt  }
0x3e: {  	_ =	shalt  }
0x3f: {  	_ =	shalt  }
0x40: {  	_ =	shalt  }
0x41: {  	_ =	shalt  }
0x42: {  	_ =	shalt  }
0x43: {  	_ =	shalt  }
0x44: {  	_ =	shalt  }
0x45: {  	_ =	shalt  }
0x46: {  	_ =	shalt  }
0x47: {  	_ =	shalt  }
0x48: {  	_ =	shalt  }
0x49: {  	_ =	shalt  }
0x4a: {  	_ =	shalt  }
0x4b: {  	_ =	shalt  }
0x4c: {  	_ =	shalt  }
0x4d: {  	_ =	shalt  }
0x4e: {  	_ =	shalt  }
0x4f: {  	_ =	shalt  }
0x50: {  	_ =	shalt  }
0x51: {  	_ =	shalt  }
0x52: {  	_ =	shalt  }
0x53: {  	_ =	shalt  }
0x54: {  	_ =	shalt  }
0x55: {  	_ =	shalt  }
0x56: {  	_ =	shalt  }
0x57: {  	_ =	shalt  }
0x58: {  	_ =	shalt  }
0x59: {  	_ =	shalt  }
0x5a: {  	_ =	shalt  }
0x5b: {  	_ =	shalt  }
0x5c: {  	_ =	shalt  }
0x5d: {  	_ =	shalt  }
0x5e: {  	_ =	shalt  }
0x5f: {  	_ =	shalt  }
0x60: {  	_ =	shalt  }
0x61: {  	_ =	shalt  }
0x62: {  	_ =	shalt  }
0x63: {  	_ =	shalt  }
0x64: {  	_ =	shalt  }
0x65: {  	_ =	shalt  }
0x66: {  	_ =	shalt  }
0x67: {  	_ =	shalt  }
0x68: {  	_ =	shalt  }
0x69: {  	_ =	shalt  }
0x6a: {  	_ =	shalt  }
0x6b: {  	_ =	shalt  }
0x6c: {  	_ =	shalt  }
0x6d: {  	_ =	shalt  }
0x6e: {  	_ =	shalt  }
0x6f: {  	_ =	shalt  }
0x70: {  	_ =	shalt  }
0x71: {  	_ =	shalt  }
0x72: {  	_ =	shalt  }
0x73: {  	_ =	shalt  }
0x74: {  	_ =	shalt  }
0x75: {  	_ =	shalt  }
0x76: {  	_ =	shalt  }
0x77: {  	_ =	shalt  }
0x78: {  	_ =	shalt  }
0x79: {  	_ =	shalt  }
0x7a: {  	_ =	shalt  }
0x7b: {  	_ =	shalt  }
0x7c: {  	_ =	shalt  }
0x7d: {  	_ =	shalt  }
0x7e: {  	_ =	shalt  }
0x7f: {  	_ =	shalt  }
0x80: {  	_ =	shalt  }
0x81: {  	_ =	shalt  }
0x82: {  	_ =	shalt  }
0x83: {  	_ =	shalt  }
0x84: {  	_ =	shalt  }
0x85: {  	_ =	shalt  }
0x86: {  	_ =	shalt  }
0x87: {  	_ =	shalt  }
.Lfunc_end0:
.L_simem_size_0:
called_computation.2_lowered:
.L_overlay_start_0:
0x88: {  	s2 =	sld [smem:$0x3FD9]  }
0x89: {  	s3 =	sld [smem:$0x3FFE];
	_ =	sdelay $0x1  }
0x8a: {  	s1 =	srdreg.scid  }
0x8b: {  	s0 =	sand.u32 $0x1, s1  }
0x8c: {  	s17 =	sshll.u32 s0, $0xA;
	s2 =	sadd.s32 s3, s2  }
0x8d: {  	s2 =	sadd.s32 s2, s17  }
0x8e: {  	[smem:$0x3FC6] =	sst s2  }
0x8f: {  	_ = 	snop  }
0x90: {  	s2 =	sld [smem:$0x3FD0];
	(tm) =	ssettm $0x1  }
0x91: {  	s18 =	sld [smem:$0x3FFB];
	_ =	sdelay $0x3  }
0x92: {  	_ =	strace s18  }
0x93: {  	s3 =	sld [smem:$0x3FFC];
	_ =	sdelay $0x3  }
0x94: {  	_ =	strace s3  }
0x95: {  	s3 =	sld [smem:$0x3FFD];
	_ =	sdelay $0x3  }
0x96: {  	_ =	strace s3  }
0x97: {  	_ =	strace $0x8FFFFFFF  }
0x98: {  	s19 =	sld [smem:$0x3FDB];
	_ =	sdelay $0x1  }
0x99: {  	s4 =	simm.s32 $_scs_section_size  }
0x9a: {  	s5 =	simm.s32 $_size__tile_overlayer_lowered;
	s6 =	simm.s32 $_tile_overlayer_lowered  }
0x9b: {  	s22 =	simm.s32 $0x1BFF;
	s21 =	sshll.u32 s6, $0x1;
	s3 =	sadd.s32 s4, s19  }
0x9c: {  	s7 =	simm.s32 $0x0;
	s20 =	sshll.u32 s5, $0x1;
	s5 =	sadd.s32 s21, s3  }
0x9d: {  	[timem:s7], [sflag:s22] =	dma.local [hbm:s5], s20  }
0x9e: {  	_ =	swait.ge [sflag:s22], s20  }
0x9f: {  	s4 =	ssub.s32 $0x0, s20;
	[sflag:s22] =	ssyncset.done $0x0  }
0xa0: {  	[sflag:s22] =	ssyncadd.s32 s4;
	_ =	sdelay $0x1  }
0xa1: {  	s23 =	simm.s32 $0x1B8B  }
0xa2: {  	_ =	swait.ge [sflag:s23], $0x1  }
0xa3: {  	[sflag:s23] =	ssyncset.done $0x0  }
0xa4: {  	s25 =	simm.s32 $0x1B8E;
	s24 =	sld [smem:$0x3FFE];
	[sflag:s23] =	ssyncadd.s32 $0xFFFFFFFF  }
0xa5: {  	s26 =	simm.s32 $execute0_lowered;
	[smem:$0x3FD2] =	sst s25  }
0xa6: {  	s5 =	sshll.u32 s26, $0x1;
	_ =	strace $0x80000046;
	[dreg:$0x1] =	wrdreg $0xFFFFFFFF  }
0xa7: {  	s28 =	simm.s32 $_size_execute0_lowered;
	s3 =	sadd.s32 s3, s5;
	[dreg:$0x0] =	wrdreg $0x0  }
0xa8: {  	s5 =	sshll.u32 s28, $0x1;
	[dreg:$0x2] =	wrdreg s3  }
0xa9: {  	[dreg:$0x3] =	wrdreg s5  }
0xaa: {  	[dreg:$0x4] =	wrdreg $0xC0  }
0xab: {  	_ =	task [dreg:s7], $0x5FFFF  }
0xac: {  	[dreg:$0x1] =	wrdreg $0xFFFFFFFF  }
0xad: {  	[dreg:$0x0] =	wrdreg $0x60  }
0xae: {  	[dreg:$0x2] =	wrdreg s2  }
0xaf: {  	[dreg:$0x3] =	wrdreg s24  }
0xb0: {  	[dreg:$0x4] =	wrdreg $0xA  }
0xb1: {  	_ =	task.clear_ibuf [dreg:s7], $0x5FFFF;
	_ =	strace $0x90000046  }
0xb2: {  	s29 =	simm.s32 $0xA;
	_ =	strace $0x80000048  }
0xb3: {  	_ =	swait.ge [sflag:s29], $0x1  }
0xb4: {  	[sflag:s29] =	ssyncadd.s32 $0xFFFFFFFF  }
0xb5: {  	_ =	strace $0x90000048  }
0xb6: {  	_ =	sfence  }
0xb7: {  	s30 =	sld [smem:$0x0];
	_ =	sdelay $0x2  }
0xb8: {  	s31 =	sshll.u32 s1, $0xD;
	s1 =	sshrl.u32 s1, $0x2  }
0xb9: {  	s3 =	sand.u32 $0x4000, s31;
	s1 =	sadd.s32 s1, s30  }
0xba: {  	s0 =	sor.u32 s3, s0;
	s1 =	sshll.u32 s1, $0x11  }
0xbb: {  	s0 =	sor.u32 s1, s0  }
0xbc: {  	s0 =	sadd.s32 $0x8F2B, s0  }
0xbd: {  	[sflag:s0] =	ssyncadd.remote.s32 $0x1  }
0xbe: {  	_ =	sfence.sel $0xFFFF  }
0xbf: {  	[dreg:$0x0] =	wrdreg $0xFFFFFFFF;
	(pc) =	sbr.abs _section_cstart, $3  }
0xc0: {  	[dreg:$0x1] =	wrdreg $0xFFFFFFFF  }
0xc1: {  	_ =	task.clear_ibuf [dreg:s7], $0x2FFFF;
	_ =	strace $0x9FFFFFFF  }
0xc2: {  	(tm) =	ssettm $0x7FFFFFFF  }
0xc3: {  	_ =	shalt  }
tec
execute0_lowered:
.L_overlay_start_1:
0x0: {  	(tag) =	ssettag $0x1  }
0x1: {  	s0 =	rddreg [dreg:$0x0];
	s1 =	srdreg.scid  }
0x2: {  	s10 =	stileid.u32;
	s2 =	simm.s32 $0x0;
	s1 =	sand.u32 $0x1, s1  }
0x3: {  	s3 =	sshll.u32 s10, $0x1;
	[smem:$0x7FF] =	sst s2;
	s13 =	smul.u32 $0x6400, s10  }
0x4: {  	s5 =	sor.u32 s1, s3;
	s7 =	ssub.s32 $0x2, s1;
	s1 =	smul.u32 $0x3200, s1  }
0x5: {  	s4 =	rddreg [dreg:$0x1];
	_ =	strace $0x80000047;
	s6 =	smul.u32 $0x3200, s5  }
0x6: {  	s3 =	sadd.s32 $0xF43400, s4;
	s8 =	smul.u32 $0x19000, s5;
	s9 =	sshrl.u32 s7, $0x1  }
0x7: {  	s4 =	sadd.s32 $0x1000, s4;
	s5 =	smul.u32 $0xC8000, s5;
	s7 =	ssub.s32 s7, s9  }
0x8: {  	s1 =	sadd.s32 s1, s13;
	s6 =	sshrl.u32 s6, $0x3;
	s9 =	sadd.s32 s4, s8  }
0x9: {  	s11 =	sshrl.u32 s5, $0x3;
	s25 =	smax.u32 s7, $0x1;
	[dreg:$0x4] =	wrdreg s9  }
0xa: {  	s1 =	sshll.u32 s1, $0x3;
	s0 =	sadd.s32 s0, s6;
	[dreg:$0x12] =	wrdreg s25  }
0xb: {  	s12 =	sadd.s32 $0x800, s9;
	s1 =	sadd.s32 s4, s1;
	[dreg:$0x3] =	wrdreg s0  }
0xc: {  	[dreg:$0x5] =	wrdreg s12;
	s0 =	sadd.s32 s4, s11;
	s26 =	sadd.s32 $0x4000, s1  }
0xd: {  	s28 =	simm.s32 $0x100;
	s14 =	sadd.s32 $0x1000, s0;
	[dreg:$0x13] =	wrdreg s26  }
0xe: {  	s29 =	simm.s32 $0x3200;
	s15 =	sadd.s32 $0x1800, s0;
	[dreg:$0x6] =	wrdreg s14  }
0xf: {  	s30 =	simm.s32 $0x7200;
	s16 =	sadd.s32 $0x2000, s0;
	[dreg:$0x7] =	wrdreg s15  }
0x10: {  	s31 =	simm.s32 $0xF200;
	s17 =	sadd.s32 $0x2800, s0;
	[dreg:$0x8] =	wrdreg s16  }
0x11: {  	s10 =	simm.s32 $0x5;
	s18 =	sadd.s32 $0x15000, s0;
	[dreg:$0x9] =	wrdreg s17  }
0x12: {  	s7 =	simm.s32 $0x2;
	s19 =	sadd.s32 $0x15800, s0;
	[dreg:$0xa] =	wrdreg s18  }
0x13: {  	s8 =	simm.s32 $0x3;
	s20 =	sadd.s32 $0x16000, s0;
	[dreg:$0xb] =	wrdreg s19  }
0x14: {  	s5 =	simm.s32 $0x0;
	s21 =	sadd.s32 $0x16800, s0;
	[dreg:$0xc] =	wrdreg s20  }
0x15: {  	s6 =	simm.s32 $0x17200;
	s22 =	sadd.s32 $0x17000, s0;
	[dreg:$0xd] =	wrdreg s21  }
0x16: {  	s9 =	simm.s32 $0x4;
	s23 =	sadd.s32 $0x17800, s0;
	[dreg:$0xe] =	wrdreg s22  }
0x17: {  	s25 =	sadd.s32 $0x3000, s1;
	s24 =	sadd.s32 $0x18000, s0;
	[dreg:$0xf] =	wrdreg s23  }
0x18: {  	s4 =	simm.s32 $0x13200;
	s0 =	sadd.s32 $0x18800, s0;
	[dreg:$0x10] =	wrdreg s24  }
0x19: {  	s11 =	simm.s32 $0x6;
	s12 =	simm.s32 $0x7;
	[dreg:$0x11] =	wrdreg s0  }
0x1a: {  	s21 =	sadd.s32 $0x3800, s1;
	s22 =	sadd.s32 $0x5800, s1;
	s23 =	sadd.s32 $0x5000, s1  }
0x1b: {  	s24 =	sadd.s32 $0x4800, s1;
	s1 =	simm.s32 $0xB200;
	s0 =	simm.s32 $0x1  }
.LBB2_1:
0x1c: {  	s13 =	rddreg [dreg:$0x3];
	s18 =	simm.s32 $0x8  }
0x1d: {  	[tilespmem:s2], [sflag:$0x8] =	stream.linear.gather [hbm4b:s13+s2], $0x3200, $0x38;
	[tilespmem:$0x1B200] =	vst v63  }
0x1e: {  	_ =	swait.ge [sflag:s18], $0x3200  }
0x1f: {  	[sflag:s18] =	ssyncset.done $0x0  }
0x20: {  	[sflag:s18] =	ssyncadd.s32 $0xFFFFCE00  }
0x21: {  	[tilespmem:s29], [sflag:$0x1] =	stream.indirect.gather [hbm4b:s3+s28], $0x40, s2, s28, $0xb8;
	[tilespmem:$0x1B200] =	vst v63  }
0x22: {  	_ = 	snop  }
0x23: {  	[tilespmem:s30], [sflag:$0x1] =	stream.indirect.gather [hbm4b:s3+s28], $0x40, s28, s28, $0xb8;
	[tilespmem:$0x1B200] =	vst v63  }
0x24: {  	s19 =	simm.s32 $0x200  }
0x25: {  	[tilespmem:s1], [sflag:$0x1] =	stream.indirect.gather [hbm4b:s3+s28], $0x40, s19, s28, $0xb8;
	[tilespmem:$0x1B200] =	vst v63  }
0x26: {  	_ =	swait.ge [sflag:s0], $0x4000  }
0x27: {  	[sflag:s0] =	ssyncset.done $0x0  }
0x28: {  	s20 =	rddreg [dreg:$0x4];
	[sflag:s0] =	ssyncadd.s32 $0xFFFFC000  }
0x29: {  	[hbm4b:s20+s2] =	stream.linear.scatter [tilespmem:s29], [sflag:$0x2], $0x4000, $0x38;
	[tilespmem:$0x1B200] =	vst v63  }
0x2a: {  	s26 =	simm.s32 $0x300  }
0x2b: {  	[tilespmem:s31], [sflag:$0x1] =	stream.indirect.gather [hbm4b:s3+s28], $0x40, s26, s28, $0xb8;
	[tilespmem:$0x1B200] =	vst v63  }
0x2c: {  	_ =	swait.ge [sflag:s0], $0x4000  }
0x2d: {  	[sflag:s0] =	ssyncset.done $0x0  }
0x2e: {  	s14 =	rddreg [dreg:$0x5];
	[sflag:s0] =	ssyncadd.s32 $0xFFFFC000  }
0x2f: {  	[hbm4b:s14+s2] =	stream.linear.scatter [tilespmem:s30], [sflag:$0x3], $0x4000, $0x38;
	[tilespmem:$0x1B200] =	vst v63  }
0x30: {  	s15 =	simm.s32 $0x400  }
0x31: {  	[tilespmem:s4], [sflag:$0x1] =	stream.indirect.gather [hbm4b:s3+s28], $0x40, s15, s28, $0xb8;
	[tilespmem:$0x1B200] =	vst v63  }
0x32: {  	_ =	swait.ge [sflag:s0], $0x4000  }
0x33: {  	[sflag:s0] =	ssyncset.done $0x0  }
0x34: {  	s16 =	rddreg [dreg:$0x6];
	[sflag:s0] =	ssyncadd.s32 $0xFFFFC000  }
0x35: {  	[hbm4b:s16+s2] =	stream.linear.scatter [tilespmem:s1], [sflag:$0x4], $0x4000, $0x38;
	[tilespmem:$0x1B200] =	vst v63  }
0x36: {  	s17 =	simm.s32 $0x500  }
0x37: {  	[tilespmem:s6], [sflag:$0x1] =	stream.indirect.gather [hbm4b:s3+s28], $0x40, s17, s28, $0xb8;
	[tilespmem:$0x1B200] =	vst v63  }
0x38: {  	_ =	swait.ge [sflag:s0], $0x4000  }
0x39: {  	[sflag:s0] =	ssyncset.done $0x0  }
0x3a: {  	s18 =	rddreg [dreg:$0x7];
	[sflag:s0] =	ssyncadd.s32 $0xFFFFC000  }
0x3b: {  	[hbm4b:s18+s2] =	stream.linear.scatter [tilespmem:s31], [sflag:$0x5], $0x4000, $0x38;
	[tilespmem:$0x1B200] =	vst v63  }
0x3c: {  	_ =	swait.ge [sflag:s7], $0x4000  }
0x3d: {  	[sflag:s7] =	ssyncset.done $0x0  }
0x3e: {  	s19 =	simm.s32 $0x600;
	[sflag:s7] =	ssyncadd.s32 $0xFFFFC000  }
0x3f: {  	[tilespmem:s29], [sflag:$0x1] =	stream.indirect.gather [hbm4b:s3+s28], $0x40, s19, s28, $0xb8;
	[tilespmem:$0x1B200] =	vst v63  }
0x40: {  	_ =	swait.ge [sflag:s0], $0x4000  }
0x41: {  	[sflag:s0] =	ssyncset.done $0x0  }
0x42: {  	s20 =	rddreg [dreg:$0x8];
	[sflag:s0] =	ssyncadd.s32 $0xFFFFC000  }
0x43: {  	[hbm4b:s20+s2] =	stream.linear.scatter [tilespmem:s4], [sflag:$0x6], $0x4000, $0x38;
	[tilespmem:$0x1B200] =	vst v63  }
0x44: {  	_ =	swait.ge [sflag:s8], $0x4000  }
0x45: {  	[sflag:s8] =	ssyncset.done $0x0  }
0x46: {  	s26 =	simm.s32 $0x700;
	[sflag:s8] =	ssyncadd.s32 $0xFFFFC000  }
0x47: {  	[tilespmem:s30], [sflag:$0x1] =	stream.indirect.gather [hbm4b:s3+s28], $0x40, s26, s28, $0xb8;
	[tilespmem:$0x1B200] =	vst v63  }
0x48: {  	_ =	swait.ge [sflag:s0], $0x4000  }
0x49: {  	[sflag:s0] =	ssyncset.done $0x0  }
0x4a: {  	s14 =	rddreg [dreg:$0x9];
	[sflag:s0] =	ssyncadd.s32 $0xFFFFC000  }
0x4b: {  	[hbm4b:s14+s2] =	stream.linear.scatter [tilespmem:s6], [sflag:$0x7], $0x4000, $0x38;
	[tilespmem:$0x1B200] =	vst v63  }
0x4c: {  	_ =	swait.ge [sflag:s9], $0x4000  }
0x4d: {  	[sflag:s9] =	ssyncset.done $0x0  }
0x4e: {  	s15 =	simm.s32 $0x800;
	[sflag:s9] =	ssyncadd.s32 $0xFFFFC000  }
0x4f: {  	[tilespmem:s1], [sflag:$0x1] =	stream.indirect.gather [hbm4b:s3+s28], $0x40, s15, s28, $0xb8;
	[tilespmem:$0x1B200] =	vst v63  }
0x50: {  	_ =	swait.ge [sflag:s0], $0x4000  }
0x51: {  	[sflag:s0] =	ssyncset.done $0x0  }
0x52: {  	[sflag:s0] =	ssyncadd.s32 $0xFFFFC000  }
0x53: {  	[hbm4b:s25+s2] =	stream.linear.scatter [tilespmem:s29], [sflag:$0x2], $0x4000, $0x38;
	[tilespmem:$0x1B200] =	vst v63  }
0x54: {  	_ =	swait.ge [sflag:s10], $0x4000  }
0x55: {  	[sflag:s10] =	ssyncset.done $0x0  }
0x56: {  	s16 =	simm.s32 $0x900;
	[sflag:s10] =	ssyncadd.s32 $0xFFFFC000  }
0x57: {  	[tilespmem:s31], [sflag:$0x1] =	stream.indirect.gather [hbm4b:s3+s28], $0x40, s16, s28, $0xb8;
	[tilespmem:$0x1B200] =	vst v63  }
0x58: {  	_ =	swait.ge [sflag:s0], $0x4000  }
0x59: {  	[sflag:s0] =	ssyncset.done $0x0  }
0x5a: {  	[sflag:s0] =	ssyncadd.s32 $0xFFFFC000  }
0x5b: {  	[hbm4b:s21+s2] =	stream.linear.scatter [tilespmem:s30], [sflag:$0x3], $0x4000, $0x38;
	[tilespmem:$0x1B200] =	vst v63  }
0x5c: {  	_ =	swait.ge [sflag:s11], $0x4000  }
0x5d: {  	[sflag:s11] =	ssyncset.done $0x0  }
0x5e: {  	s17 =	simm.s32 $0xA00;
	[sflag:s11] =	ssyncadd.s32 $0xFFFFC000  }
0x5f: {  	[tilespmem:s4], [sflag:$0x1] =	stream.indirect.gather [hbm4b:s3+s28], $0x40, s17, s28, $0xb8;
	[tilespmem:$0x1B200] =	vst v63  }
0x60: {  	_ =	swait.ge [sflag:s0], $0x4000  }
0x61: {  	[sflag:s0] =	ssyncset.done $0x0  }
0x62: {  	s19 =	rddreg [dreg:$0x13];
	[sflag:s0] =	ssyncadd.s32 $0xFFFFC000  }
0x63: {  	[hbm4b:s19+s2] =	stream.linear.scatter [tilespmem:s1], [sflag:$0x4], $0x4000, $0x38;
	[tilespmem:$0x1B200] =	vst v63  }
0x64: {  	_ =	swait.ge [sflag:s12], $0x4000  }
0x65: {  	[sflag:s12] =	ssyncset.done $0x0  }
0x66: {  	s18 =	simm.s32 $0xB00;
	[sflag:s12] =	ssyncadd.s32 $0xFFFFC000  }
0x67: {  	[tilespmem:s6], [sflag:$0x1] =	stream.indirect.gather [hbm4b:s3+s28], $0x40, s18, s28, $0xb8;
	[tilespmem:$0x1B200] =	vst v63  }
0x68: {  	_ =	swait.ge [sflag:s0], $0x4000  }
0x69: {  	[sflag:s0] =	ssyncset.done $0x0  }
0x6a: {  	[sflag:s0] =	ssyncadd.s32 $0xFFFFC000  }
0x6b: {  	[hbm4b:s24+s2] =	stream.linear.scatter [tilespmem:s31], [sflag:$0x5], $0x4000, $0x38;
	[tilespmem:$0x1B200] =	vst v63  }
0x6c: {  	_ =	swait.ge [sflag:s7], $0x4000  }
0x6d: {  	[sflag:s7] =	ssyncset.done $0x0  }
0x6e: {  	s20 =	simm.s32 $0xC00;
	[sflag:s7] =	ssyncadd.s32 $0xFFFFC000  }
0x6f: {  	[tilespmem:s29], [sflag:$0x1] =	stream.indirect.gather [hbm4b:s3+s28], $0x40, s20, s28, $0xb8;
	[tilespmem:$0x1B200] =	vst v63  }
0x70: {  	_ =	swait.ge [sflag:s0], $0x4000  }
0x71: {  	[sflag:s0] =	ssyncset.done $0x0  }
0x72: {  	[sflag:s0] =	ssyncadd.s32 $0xFFFFC000  }
0x73: {  	[hbm4b:s23+s2] =	stream.linear.scatter [tilespmem:s4], [sflag:$0x6], $0x4000, $0x38;
	[tilespmem:$0x1B200] =	vst v63  }
0x74: {  	_ =	swait.ge [sflag:s8], $0x4000  }
0x75: {  	[sflag:s8] =	ssyncset.done $0x0  }
0x76: {  	s26 =	simm.s32 $0xD00;
	[sflag:s8] =	ssyncadd.s32 $0xFFFFC000  }
0x77: {  	[tilespmem:s30], [sflag:$0x1] =	stream.indirect.gather [hbm4b:s3+s28], $0x40, s26, s28, $0xb8;
	[tilespmem:$0x1B200] =	vst v63  }
0x78: {  	_ =	swait.ge [sflag:s0], $0x4000  }
0x79: {  	[sflag:s0] =	ssyncset.done $0x0  }
0x7a: {  	s13 =	simm.s32 $0x1800;
	s14 =	sadd.s32 $0x3000, s25;
	[sflag:s0] =	ssyncadd.s32 $0xFFFFC000  }
0x7b: {  	[hbm4b:s22+s2] =	stream.linear.scatter [tilespmem:s6], [sflag:$0x7], $0x4000, $0x38;
	[tilespmem:$0x1B200] =	vst v63  }
0x7c: {  	s15 =	sadd.s32 $0x3000, s23;
	s16 =	sadd.s32 $0x3000, s24;
	_ =	swait.ge [sflag:s9], $0x4000  }
0x7d: {  	s17 =	sadd.s32 $0x3000, s21;
	s19 =	sadd.s32 $0x3000, s19;
	[sflag:s9] =	ssyncset.done $0x0  }
0x7e: {  	s18 =	sadd.s32 $0x3000, s22;
	s26 =	simm.s32 $0xE00;
	[sflag:s9] =	ssyncadd.s32 $0xFFFFC000  }
.LBB2_2:
0x7f: {  	[tilespmem:s1], [sflag:$0x1] =	stream.indirect.gather [hbm4b:s3+s28], $0x40, s26, s28, $0xb8;
	[tilespmem:$0x1B200] =	vst v63  }
0x80: {  	s26 =	smov.u32 s13  }
0x81: {  	p0 =	sne.s32 s13, $0x7800;
	s13 =	sadd.s32 $0x1800, s13;
	_ =	swait.ge [sflag:s0], $0x4000  }
0x82: {  	[sflag:s0] =	ssyncset.done $0x0  }
0x83: {  	[sflag:s0] =	ssyncadd.s32 $0xFFFFC000  }
0x84: {  	[hbm4b:s14+s2] =	stream.linear.scatter [tilespmem:s29], [sflag:$0x2], $0x4000, $0x38;
	[tilespmem:$0x1B200] =	vst v63  }
0x85: {  	_ =	swait.ge [sflag:s10], $0x4000  }
0x86: {  	s26 =	sshra.s32 s26, $0x2;
	[sflag:s10] =	ssyncset.done $0x0  }
0x87: {  	s20 =	sadd.s32 $0x900, s26;
	[sflag:s10] =	ssyncadd.s32 $0xFFFFC000  }
0x88: {  	[tilespmem:s31], [sflag:$0x1] =	stream.indirect.gather [hbm4b:s3+s28], $0x40, s20, s28, $0xb8;
	[tilespmem:$0x1B200] =	vst v63  }
0x89: {  	_ =	swait.ge [sflag:s0], $0x4000  }
0x8a: {  	[sflag:s0] =	ssyncset.done $0x0  }
0x8b: {  	[sflag:s0] =	ssyncadd.s32 $0xFFFFC000  }
0x8c: {  	[hbm4b:s17+s2] =	stream.linear.scatter [tilespmem:s30], [sflag:$0x3], $0x4000, $0x38;
	[tilespmem:$0x1B200] =	vst v63  }
0x8d: {  	_ =	swait.ge [sflag:s11], $0x4000  }
0x8e: {  	[sflag:s11] =	ssyncset.done $0x0  }
0x8f: {  	s20 =	sadd.s32 $0xA00, s26;
	[sflag:s11] =	ssyncadd.s32 $0xFFFFC000  }
0x90: {  	[tilespmem:s4], [sflag:$0x1] =	stream.indirect.gather [hbm4b:s3+s28], $0x40, s20, s28, $0xb8;
	[tilespmem:$0x1B200] =	vst v63  }
0x91: {  	_ =	swait.ge [sflag:s0], $0x4000  }
0x92: {  	[sflag:s0] =	ssyncset.done $0x0  }
0x93: {  	[sflag:s0] =	ssyncadd.s32 $0xFFFFC000  }
0x94: {  	[hbm4b:s19+s2] =	stream.linear.scatter [tilespmem:s1], [sflag:$0x4], $0x4000, $0x38;
	[tilespmem:$0x1B200] =	vst v63  }
0x95: {  	_ =	swait.ge [sflag:s12], $0x4000  }
0x96: {  	[sflag:s12] =	ssyncset.done $0x0  }
0x97: {  	s20 =	sadd.s32 $0xB00, s26;
	[sflag:s12] =	ssyncadd.s32 $0xFFFFC000  }
0x98: {  	[tilespmem:s6], [sflag:$0x1] =	stream.indirect.gather [hbm4b:s3+s28], $0x40, s20, s28, $0xb8;
	[tilespmem:$0x1B200] =	vst v63  }
0x99: {  	_ =	swait.ge [sflag:s0], $0x4000  }
0x9a: {  	[sflag:s0] =	ssyncset.done $0x0  }
0x9b: {  	[sflag:s0] =	ssyncadd.s32 $0xFFFFC000  }
0x9c: {  	[hbm4b:s16+s2] =	stream.linear.scatter [tilespmem:s31], [sflag:$0x5], $0x4000, $0x38;
	[tilespmem:$0x1B200] =	vst v63  }
0x9d: {  	_ =	swait.ge [sflag:s7], $0x4000  }
0x9e: {  	[sflag:s7] =	ssyncset.done $0x0  }
0x9f: {  	s20 =	sadd.s32 $0xC00, s26;
	[sflag:s7] =	ssyncadd.s32 $0xFFFFC000  }
0xa0: {  	[tilespmem:s29], [sflag:$0x1] =	stream.indirect.gather [hbm4b:s3+s28], $0x40, s20, s28, $0xb8;
	[tilespmem:$0x1B200] =	vst v63  }
0xa1: {  	_ =	swait.ge [sflag:s0], $0x4000  }
0xa2: {  	[sflag:s0] =	ssyncset.done $0x0  }
0xa3: {  	[sflag:s0] =	ssyncadd.s32 $0xFFFFC000  }
0xa4: {  	[hbm4b:s15+s2] =	stream.linear.scatter [tilespmem:s4], [sflag:$0x6], $0x4000, $0x38;
	[tilespmem:$0x1B200] =	vst v63  }
0xa5: {  	_ =	swait.ge [sflag:s8], $0x4000  }
0xa6: {  	[sflag:s8] =	ssyncset.done $0x0  }
0xa7: {  	s20 =	sadd.s32 $0xD00, s26;
	[sflag:s8] =	ssyncadd.s32 $0xFFFFC000  }
0xa8: {  	[tilespmem:s30], [sflag:$0x1] =	stream.indirect.gather [hbm4b:s3+s28], $0x40, s20, s28, $0xb8;
	[tilespmem:$0x1B200] =	vst v63  }
0xa9: {  	_ =	swait.ge [sflag:s0], $0x4000  }
0xaa: {  	[sflag:s0] =	ssyncset.done $0x0  }
.Ltmp0:
0xab: {  	s14 =	sadd.s32 $0x3000, s14;
	[sflag:s0] =	ssyncadd.s32 $0xFFFFC000;
	(pc) =	sbr.rel @p0 .LBB2_2-.Ltmp0, $4  }
0xac: {  	[hbm4b:s18+s2] =	stream.linear.scatter [tilespmem:s6], [sflag:$0x7], $0x4000, $0x38;
	[tilespmem:$0x1B200] =	vst v63  }
0xad: {  	s16 =	sadd.s32 $0x3000, s16;
	s15 =	sadd.s32 $0x3000, s15;
	_ =	swait.ge [sflag:s9], $0x4000  }
0xae: {  	s17 =	sadd.s32 $0x3000, s17;
	s18 =	sadd.s32 $0x3000, s18;
	[sflag:s9] =	ssyncset.done $0x0  }
0xaf: {  	s19 =	sadd.s32 $0x3000, s19;
	s26 =	sadd.s32 $0xE00, s26;
	[sflag:s9] =	ssyncadd.s32 $0xFFFFC000  }
0xb0: {  	[tilespmem:s1], [sflag:$0x1] =	stream.indirect.gather [hbm4b:s3+s28], $0x40, s26, s28, $0xb8;
	[tilespmem:$0x1B200] =	vst v63  }
0xb1: {  	_ =	swait.ge [sflag:s0], $0x4000  }
0xb2: {  	[sflag:s0] =	ssyncset.done $0x0  }
0xb3: {  	s13 =	rddreg [dreg:$0xa];
	[sflag:s0] =	ssyncadd.s32 $0xFFFFC000  }
0xb4: {  	[hbm4b:s13+s2] =	stream.linear.scatter [tilespmem:s29], [sflag:$0x2], $0x4000, $0x38;
	[tilespmem:$0x1B200] =	vst v63  }
0xb5: {  	_ =	swait.ge [sflag:s10], $0x4000  }
0xb6: {  	[sflag:s10] =	ssyncset.done $0x0  }
0xb7: {  	s17 =	simm.s32 $0x2D00;
	[sflag:s10] =	ssyncadd.s32 $0xFFFFC000  }
0xb8: {  	[tilespmem:s31], [sflag:$0x1] =	stream.indirect.gather [hbm4b:s3+s28], $0x40, s17, s28, $0xb8;
	[tilespmem:$0x1B200] =	vst v63  }
0xb9: {  	_ =	swait.ge [sflag:s0], $0x4000  }
0xba: {  	[sflag:s0] =	ssyncset.done $0x0  }
0xbb: {  	s18 =	rddreg [dreg:$0xb];
	[sflag:s0] =	ssyncadd.s32 $0xFFFFC000  }
0xbc: {  	[hbm4b:s18+s2] =	stream.linear.scatter [tilespmem:s30], [sflag:$0x3], $0x4000, $0x38;
	[tilespmem:$0x1B200] =	vst v63  }
0xbd: {  	_ =	swait.ge [sflag:s11], $0x4000  }
0xbe: {  	[sflag:s11] =	ssyncset.done $0x0  }
0xbf: {  	s19 =	simm.s32 $0x2E00;
	[sflag:s11] =	ssyncadd.s32 $0xFFFFC000  }
0xc0: {  	[tilespmem:s4], [sflag:$0x1] =	stream.indirect.gather [hbm4b:s3+s28], $0x40, s19, s28, $0xb8;
	[tilespmem:$0x1B200] =	vst v63  }
0xc1: {  	_ =	swait.ge [sflag:s0], $0x4000  }
0xc2: {  	[sflag:s0] =	ssyncset.done $0x0  }
0xc3: {  	s20 =	rddreg [dreg:$0xc];
	[sflag:s0] =	ssyncadd.s32 $0xFFFFC000  }
0xc4: {  	[hbm4b:s20+s2] =	stream.linear.scatter [tilespmem:s1], [sflag:$0x4], $0x4000, $0x38;
	[tilespmem:$0x1B200] =	vst v63  }
0xc5: {  	_ =	swait.ge [sflag:s12], $0x4000  }
0xc6: {  	[sflag:s12] =	ssyncset.done $0x0  }
0xc7: {  	s26 =	simm.s32 $0x2F00;
	[sflag:s12] =	ssyncadd.s32 $0xFFFFC000  }
0xc8: {  	[tilespmem:s6], [sflag:$0x1] =	stream.indirect.gather [hbm4b:s3+s28], $0x40, s26, s28, $0xb8;
	[tilespmem:$0x1B200] =	vst v63  }
0xc9: {  	_ =	swait.ge [sflag:s0], $0x4000  }
0xca: {  	[sflag:s0] =	ssyncset.done $0x0  }
0xcb: {  	s14 =	rddreg [dreg:$0xd];
	[sflag:s0] =	ssyncadd.s32 $0xFFFFC000  }
0xcc: {  	[hbm4b:s14+s2] =	stream.linear.scatter [tilespmem:s31], [sflag:$0x5], $0x4000, $0x38;
	[tilespmem:$0x1B200] =	vst v63  }
0xcd: {  	_ =	swait.ge [sflag:s7], $0x4000  }
0xce: {  	[sflag:s7] =	ssyncset.done $0x0  }
0xcf: {  	s15 =	simm.s32 $0x3000;
	[sflag:s7] =	ssyncadd.s32 $0xFFFFC000  }
0xd0: {  	[tilespmem:s29], [sflag:$0x1] =	stream.indirect.gather [hbm4b:s3+s28], $0x40, s15, s28, $0xb8;
	[tilespmem:$0x1B200] =	vst v63  }
0xd1: {  	_ =	swait.ge [sflag:s0], $0x4000  }
0xd2: {  	[sflag:s0] =	ssyncset.done $0x0  }
0xd3: {  	s16 =	rddreg [dreg:$0xe];
	[sflag:s0] =	ssyncadd.s32 $0xFFFFC000  }
0xd4: {  	[hbm4b:s16+s2] =	stream.linear.scatter [tilespmem:s4], [sflag:$0x6], $0x4000, $0x38;
	[tilespmem:$0x1B200] =	vst v63  }
0xd5: {  	_ =	swait.ge [sflag:s8], $0x4000  }
0xd6: {  	[sflag:s8] =	ssyncset.done $0x0  }
0xd7: {  	s17 =	simm.s32 $0x3100;
	[sflag:s8] =	ssyncadd.s32 $0xFFFFC000  }
0xd8: {  	[tilespmem:s30], [sflag:$0x1] =	stream.indirect.gather [hbm4b:s3+s28], $0x40, s17, s28, $0xb8;
	[tilespmem:$0x1B200] =	vst v63  }
0xd9: {  	_ =	swait.ge [sflag:s0], $0x4000  }
0xda: {  	[sflag:s0] =	ssyncset.done $0x0  }
0xdb: {  	s18 =	rddreg [dreg:$0xf];
	[sflag:s0] =	ssyncadd.s32 $0xFFFFC000  }
0xdc: {  	[hbm4b:s18+s2] =	stream.linear.scatter [tilespmem:s6], [sflag:$0x7], $0x4000, $0x38;
	[tilespmem:$0x1B200] =	vst v63  }
0xdd: {  	_ =	swait.ge [sflag:s0], $0x4000  }
0xde: {  	[sflag:s0] =	ssyncset.done $0x0  }
0xdf: {  	s19 =	rddreg [dreg:$0x10];
	[sflag:s0] =	ssyncadd.s32 $0xFFFFC000  }
0xe0: {  	[hbm4b:s19+s2] =	stream.linear.scatter [tilespmem:s29], [sflag:$0x2], $0x4000, $0x38;
	[tilespmem:$0x1B200] =	vst v63  }
0xe1: {  	_ =	swait.ge [sflag:s0], $0x4000  }
0xe2: {  	[sflag:s0] =	ssyncset.done $0x0  }
0xe3: {  	s20 =	rddreg [dreg:$0x11];
	[sflag:s0] =	ssyncadd.s32 $0xFFFFC000  }
0xe4: {  	[hbm4b:s20+s2] =	stream.linear.scatter [tilespmem:s30], [sflag:$0x3], $0x4000, $0x38;
	[tilespmem:$0x1B200] =	vst v63  }
0xe5: {  	_ =	swait.ge [sflag:s9], $0x4000  }
0xe6: {  	[sflag:s9] =	ssyncset.done $0x0  }
0xe7: {  	[sflag:s9] =	ssyncadd.s32 $0xFFFFC000  }
0xe8: {  	_ =	swait.ge [sflag:s10], $0x4000  }
0xe9: {  	[sflag:s10] =	ssyncset.done $0x0  }
0xea: {  	[sflag:s10] =	ssyncadd.s32 $0xFFFFC000  }
0xeb: {  	_ =	swait.ge [sflag:s11], $0x4000  }
0xec: {  	[sflag:s11] =	ssyncset.done $0x0  }
0xed: {  	[sflag:s11] =	ssyncadd.s32 $0xFFFFC000  }
0xee: {  	_ =	swait.ge [sflag:s12], $0x4000  }
0xef: {  	[sflag:s12] =	ssyncset.done $0x0  }
0xf0: {  	[sflag:s12] =	ssyncadd.s32 $0xFFFFC000  }
0xf1: {  	_ =	swait.ge [sflag:s7], $0x4000  }
0xf2: {  	[sflag:s7] =	ssyncset.done $0x0  }
0xf3: {  	[sflag:s7] =	ssyncadd.s32 $0xFFFFC000  }
0xf4: {  	_ =	swait.ge [sflag:s8], $0x4000  }
0xf5: {  	s5 =	sadd.s32 $0x1, s5;
	s26 =	rddreg [dreg:$0x12]  }
0xf6: {  	p0 =	sne.s32 s5, s26  }
.Ltmp1:
0xf7: {  	_ = 	snop;
	(pc) =	sbr.rel @p0 .LBB2_1-.Ltmp1, $3  }
0xf8: {  	_ =	sdelay $0x1  }
0xf9: {  	[sflag:s8] =	ssyncset.done $0x0  }
0xfa: {  	[sflag:s8] =	ssyncadd.s32 $0xFFFFC000  }
0xfb: {  	_ =	sfence.sel $0x180000  }
0xfc: {  	[bflag:$0x0] =	sbarrier.arrive $0xFFFF  }
0xfd: {  	_ =	strace $0x90000047  }
0xfe: {  	s0 =	stileid.u32;
	[bflag:$0x2] =	sbarrier.arrive $0xFFFF  }
0xff: {  	p0 =	sne.s32 s0, $0x0;
	s0 =	rddreg [dreg:$0x2]  }
0x100: {  	s0 =	sadd.s32 @!p0 $0x100000, s0  }
0x101: {  	[sflag:s0] =	ssyncadd.tile.s32 @!p0 $0x1;
	_ =	shalt  }
.Lfunc_end2:
_tile_overlayer_lowered:
.L_overlay_start_2:
0x102: {  	(tag) =	ssettag $0x2  }
0x103: {  	s0 =	rddreg [dreg:$0x0];
	s2 =	stileid.u32  }
0x104: {  	s1 =	rddreg [dreg:$0x1];
	p0 =	sne.s32 s2, $0x0  }
0x105: {  	s3 =	rddreg [dreg:$0x2];
	[bflag:$0x3] =	sbarrier.arrive $0xFFFF;
	s2 =	simm.s32 @!p0 $0x1C08  }
0x106: {  	[timem:s3], [sflag:s2] =	dma.local @!p0 [hbm:s0], s1  }
0x107: {  	s0 =	simm.s32 @!p0 $0x8  }
0x108: {  	_ =	swait.ge @!p0 [sflag:s0], s1  }
0x109: {  	s1 =	ssub.s32 @!p0 $0x0, s1;
	[sflag:s0] =	ssyncset.done @!p0 $0x0  }
0x10a: {  	[sflag:s0] =	ssyncadd.s32 @!p0 s1  }
0x10b: {  	[bflag:$0x3] =	sbarrier.arrive $0xFFFF  }
0x10c: {  	_ =	shalt  }

// kernel: sparse-core-data-format-call.cloned.1.call-start
scs
called_computation_lowered:
.L_overlay_start_0:
0x0: {  	s2 =	sld [smem:$0x3FD9]  }
0x1: {  	s3 =	sld [smem:$0x3FFE];
	_ =	sdelay $0x1  }
0x2: {  	s1 =	srdreg.scid  }
0x3: {  	s0 =	sand.u32 $0x1, s1  }
0x4: {  	s18 =	sshll.u32 s0, $0xA;
	s2 =	sadd.s32 s3, s2  }
0x5: {  	s2 =	sadd.s32 s2, s18  }
0x6: {  	[smem:$0x3FC6] =	sst s2  }
0x7: {  	_ = 	snop  }
0x8: {  	s2 =	sld [smem:$0x3FD0];
	(tm) =	ssettm $0x1  }
0x9: {  	s19 =	sld [smem:$0x3FFB];
	_ =	sdelay $0x3  }
0xa: {  	_ =	strace s19  }
0xb: {  	s3 =	sld [smem:$0x3FFC];
	_ =	sdelay $0x3  }
0xc: {  	_ =	strace s3  }
0xd: {  	s3 =	sld [smem:$0x3FFD];
	_ =	sdelay $0x3  }
0xe: {  	_ =	strace s3  }
0xf: {  	_ =	strace $0x8FFFFFFF  }
0x10: {  	s20 =	sld [smem:$0x3FDB];
	_ =	sdelay $0x1  }
0x11: {  	s4 =	simm.s32 $_scs_section_size  }
0x12: {  	s5 =	simm.s32 $_size__tile_overlayer_lowered;
	s6 =	simm.s32 $_tile_overlayer_lowered  }
0x13: {  	s23 =	simm.s32 $0x1BFF;
	s22 =	sshll.u32 s6, $0x1;
	s3 =	sadd.s32 s4, s20  }
0x14: {  	s7 =	simm.s32 $0x0;
	s21 =	sshll.u32 s5, $0x1;
	s5 =	sadd.s32 s22, s3  }
0x15: {  	[timem:s7], [sflag:s23] =	dma.local [hbm:s5], s21  }
0x16: {  	_ =	swait.ge [sflag:s23], s21  }
0x17: {  	s4 =	ssub.s32 $0x0, s21;
	[sflag:s23] =	ssyncset.done $0x0  }
0x18: {  	[sflag:s23] =	ssyncadd.s32 s4;
	_ =	sdelay $0x1  }
0x19: {  	s24 =	simm.s32 $0x1B8B  }
0x1a: {  	_ =	swait.ge [sflag:s24], $0x1  }
0x1b: {  	[sflag:s24] =	ssyncset.done $0x0  }
0x1c: {  	s26 =	simm.s32 $0x1B8E;
	s25 =	sld [smem:$0x3FFE];
	[sflag:s24] =	ssyncadd.s32 $0xFFFFFFFF  }
0x1d: {  	s27 =	simm.s32 $execute0_lowered;
	[smem:$0x3FD2] =	sst s26  }
0x1e: {  	s5 =	sshll.u32 s27, $0x1;
	_ =	strace $0x8000004C;
	[dreg:$0x1] =	wrdreg $0xFFFFFFFF  }
0x1f: {  	s28 =	simm.s32 $_size_execute0_lowered;
	s3 =	sadd.s32 s3, s5;
	[dreg:$0x0] =	wrdreg $0x0  }
0x20: {  	s5 =	sshll.u32 s28, $0x1;
	[dreg:$0x2] =	wrdreg s3  }
0x21: {  	[dreg:$0x3] =	wrdreg s5  }
0x22: {  	[dreg:$0x4] =	wrdreg $0xC0  }
0x23: {  	_ =	task [dreg:s7], $0x5FFFF  }
0x24: {  	[dreg:$0x1] =	wrdreg $0xFFFFFFFF  }
0x25: {  	[dreg:$0x0] =	wrdreg $0x60  }
0x26: {  	[dreg:$0x2] =	wrdreg s25  }
0x27: {  	[dreg:$0x3] =	wrdreg s2  }
0x28: {  	[dreg:$0x4] =	wrdreg $0x9  }
0x29: {  	_ =	task.clear_ibuf [dreg:s7], $0x5FFFF;
	_ =	strace $0x9000004C  }
0x2a: {  	s29 =	simm.s32 $0x9;
	_ =	strace $0x8000004E  }
0x2b: {  	_ =	swait.ge [sflag:s29], $0x1  }
0x2c: {  	[sflag:s29] =	ssyncadd.s32 $0xFFFFFFFF  }
0x2d: {  	_ =	strace $0x9000004E  }
0x2e: {  	_ =	sfence  }
0x2f: {  	s30 =	sld [smem:$0x0];
	_ =	sdelay $0x2  }
0x30: {  	s31 =	sshll.u32 s1, $0xD;
	s1 =	sshrl.u32 s1, $0x2  }
0x31: {  	s3 =	sand.u32 $0x4000, s31;
	s1 =	sadd.s32 s1, s30  }
0x32: {  	s0 =	sor.u32 s3, s0;
	s1 =	sshll.u32 s1, $0x11  }
0x33: {  	s0 =	sor.u32 s1, s0  }
0x34: {  	s0 =	sadd.s32 $0x8F2B, s0  }
0x35: {  	[sflag:s0] =	ssyncadd.remote.s32 $0x1  }
0x36: {  	_ =	sfence.sel $0xFFFF  }
0x37: {  	[dreg:$0x0] =	wrdreg $0xFFFFFFFF;
	(pc) =	sbr.abs _section_cstart, $3  }
0x38: {  	[dreg:$0x1] =	wrdreg $0xFFFFFFFF  }
0x39: {  	_ =	task.clear_ibuf [dreg:s7], $0x2FFFF;
	_ =	strace $0x9FFFFFFF  }
0x3a: {  	(tm) =	ssettm $0x7FFFFFFF  }
0x3b: {  	_ =	shalt  }
tec
execute0_lowered:
.L_overlay_start_1:
0x0: {  	(tag) =	ssettag $0x1  }
0x1: {  	s0 =	srdreg.scid  }
0x2: {  	s1 =	sshll.u32 s0, $0x4  }
0x3: {  	s0 =	stileid.u32;
	s1 =	sand.u32 $0x10, s1  }
0x4: {  	s1 =	sor.u32 s0, s1  }
0x5: {  	s6 =	rddreg [dreg:$0x0];
	s4 =	simm.s32 $0x1;
	s2 =	sshll.u32 s1, $0x7  }
0x6: {  	s7 =	simm.s32 $0x2;
	s12 =	simm.s32 $0x0;
	s1 =	ssub.s32 $0x4000, s2  }
0x7: {  	s8 =	simm.s32 $0x20000;
	s13 =	simm.s32 $0x0;
	s3 =	sand.u32 $0xF80, s1  }
0x8: {  	s9 =	simm.s32 $0x0;
	s5 =	sshrl.u32 s1, $0xC;
	p0 =	sne.s32 s3, $0x0  }
.Ltmp0:
0x9: {  	s1 =	rddreg [dreg:$0x2];
	s4 =	simm.s32 @!p0 $0x0;
	(pc) =	sbr.rel .LBB1_1-.Ltmp0, $4  }
0xa: {  	s11 =	simm.s32 $0x0;
	s3 =	rddreg [dreg:$0x1];
	s5 =	sadd.s32 s4, s5  }
0xb: {  	_ =	strace $0x8000004D;
	s4 =	simm.s32 $0x1;
	s5 =	smul.u32 $0x32, s5  }
0xc: {  	s6 =	sadd.s32 $0x190D800, s6;
	s10 =	smov.u32 s2;
	[sflag:s4] =	ssyncpa.u1 $0x0  }
0xd: {  	p0 =	por $0x0, $0x0;
	[sflag:s7] =	ssyncpa.u1 $0x0;
	s7 =	sor.u32 $0x1, s5  }
.LBB1_4:
0xe: {  	s16 =	sshll.u32 s13, $0x3;
	s17 =	sand.u32 $0x78, s13  }
0xf: {  	s30 =	sand.u32 $0x1F800, s13;
	s12 =	sshll.u32 s12, $0x11;
	s16 =	sand.u32 $0x3C00, s16  }
0x10: {  	[tilespmem:s15+$0x810 ss:$0x81] =	vst.msk $0xffff, v2;
	s31 =	sand.u32 $0x7, s13;
	s16 =	sor.u32 s17, s16;
	s17 =	sadd.s32 s3, s30  }
0x11: {  	[tilespmem:s15+$0x1020 ss:$0x81] =	vst.msk $0xffff, v0;
	s13 =	sshll.u32 s31, $0x12;
	s12 =	sadd.s32 s12, s17;
	s16 =	sshrl.u32 s16, $0x3  }
0x12: {  	[tilespmem:s15+$0x0 ss:$0x81] =	vst.msk $0xffff, v1;
	s13 =	sor.u32 $0x400, s13;
	s12 =	sadd.s32 s16, s12  }
0x13: {  	[hbm4b:s12+s13] =	stream.strided.scatter [tilespmem:s14], [sflag:$0x2], $0x2000, s8, s13, $0x20;
	[tilespmem:$0x8080] =	vst v63  }
.LBB1_5:
0x14: {  	s14 =	sadd.s32 $0x1, s9  }
0x15: {  	s12 =	sadd.s32 $0x1000, s10;
	s16 =	smov.u32 s10;
	p2 =	sgt.s32 s14, $0x31  }
0x16: {  	s16 =	smov.u32 @p2 s12  }
0x17: {  	s14 =	simm.s32 @p2 $0x0;
	p2 =	sgt.s32 s16, $0x3FFF  }
0x18: {  	s16 =	smov.u32 @p2 s2;
	p2 =	sne.s32 s11, s7  }
.Ltmp1:
0x19: {  	p1 =	slt.u32 s11, $0x2;
	(pc) =	sbr.rel @!p2 .LBB1_6-.Ltmp1, $4  }
0x1a: {  	s15 =	simm.s32 @!p1 $0x2  }
0x1b: {  	s13 =	smov.u32 s10;
	p0 =	por !p0, !p0;
	_ =	swait.ge @!p1 [sflag:s15], $0x2000  }
0x1c: {  	s12 =	smov.u32 s9;
	[sflag:s15] =	ssyncset.done @!p1 $0x0;
	s9 =	smov.u32 s14  }
0x1d: {  	s11 =	sadd.s32 $0x1, s11;
	[sflag:s15] =	ssyncadd.s32 @!p1 $0xFFFFE000;
	s10 =	smov.u32 s16  }
.LBB1_1:
0x1e: {  	p1 =	sge.u32 s11, s5  }
0x1f: {  	s14 =	sand.u32 @!p1 $0x1FFFFFF, s9  }
0x20: {  	s15 =	smulhi.u32 @!p1 $0x4924925, s14;
	_ =	sdelay $0x1  }
0x21: {  	s15 =	smul.u32 @!p1 $0x38, s15  }
0x22: {  	s16 =	sxor.u32 @!p1 $0xFFFFFFFF, s11;
	s17 =	smul.u32 @!p1 $0x380, s10  }
0x23: {  	s31 =	sadd.s32 $0xFFFFFFFF, s11;
	s16 =	sshll.u32 @!p1 s16, $0xD;
	s14 =	ssub.s32 @!p1 s14, s15  }
0x24: {  	s15 =	sand.u32 @!p1 $0x2000, s16;
	s16 =	sadd.s32 @!p1 s6, s17;
	s14 =	sshll.u32 @!p1 s14, $0x4  }
0x25: {  	s17 =	simm.s32 @!p1 $0x1C00;
	s14 =	sadd.s32 @!p1 s14, s16;
	s16 =	simm.s32 @!p1 $0x40  }
0x26: {  	[tilespmem:s15], [sflag:$0x1] =	stream.strided.gather @!p1 [hbm4b:s14+s16], $0x2000, s17, s16, $0x38;
	[tilespmem:$0x8080] =	vst v63  }
0x27: {  	p1 =	sge.u32 s31, s5  }
.Ltmp2:
0x28: {  	_ = 	snop;
	(pc) =	sbr.rel @p1 .LBB1_5-.Ltmp2, $1  }
0x29: {  	_ =	sdelay $0x3  }
0x2a: {  	s14 =	simm.s32 $0x1  }
0x2b: {  	_ =	swait.ge [sflag:s4], $0x2000;
	s14 =	simm.s32 @!p0 $0x0  }
0x2c: {  	[sflag:s4] =	ssyncset.done $0x0;
	s15 =	sshll.u32 s14, $0xD  }
0x2d: {  	[sflag:s4] =	ssyncadd.s32 $0xFFFFE000;
	s18 =	sor.u32 $0x20, s15  }
0x2e: {  	s14 =	smul.u32 $0x8100, s14;
	v3 =	vld [tilespmem:s18+$0x10]  }
0x2f: {  	s30 =	sand.u32 $0x1, s11;
	v2 =	vld [tilespmem:s18+$0xFFFFFFF0]  }
0x30: {  	s15 =	smul.u32 $0x8100, s30;
	s14 =	sshrl.u32 s14, $0x2;
	v0 =	vld [tilespmem:s18+$0x0]  }
0x31: {  	v1 =	vld [tilespmem:s18+$0xFFFFFFE0];
	s16 =	sor.u32 $0x4000, s14  }
0x32: {  	s31 =	sshrl.u32 s15, $0x2;
	s15 =	sadd.s32 $0x0, s16  }
0x33: {  	s17 =	simm.s32 $0x4;
	s18 =	sadd.s32 $0x40, s18;
	s14 =	sor.u32 $0x4000, s31;
	[tilespmem:s15+$0x1830 ss:$0x81] =	vst.msk $0xffff, v3  }
.LBB1_3:
0x34: {  	v3 =	vld [tilespmem:s18+$0x10];
	p1 =	sne.s32 s17, $0x1FC;
	[tilespmem:s15+$0x810 ss:$0x81] =	vst.msk $0xffff, v2;
	s19 =	smov.u32 s17;
	s17 =	sadd.s32 $0x4, s17  }
.Ltmp3:
0x35: {  	v2 =	vld [tilespmem:s18+$0xFFFFFFF0];
	[tilespmem:s15+$0x1020 ss:$0x81] =	vst.msk $0xffff, v0;
	(pc) =	sbr.rel @p1 .LBB1_3-.Ltmp3, $4  }
0x36: {  	v0 =	vld [tilespmem:s18+$0x0];
	[tilespmem:s15+$0x0 ss:$0x81] =	vst.msk $0xffff, v1  }
0x37: {  	s15 =	sshra.s32 s19, $0x2;
	v1 =	vld [tilespmem:s18+$0xFFFFFFE0]  }
0x38: {  	s15 =	sadd.s32 s15, s16  }
0x39: {  	s18 =	sadd.s32 $0x40, s18;
	[tilespmem:s15+$0x1830 ss:$0x81] =	vst.msk $0xffff, v3  }
.Ltmp4:
0x3a: {  	_ = 	snop;
	(pc) =	sbr.rel .LBB1_4-.Ltmp4, $1  }
0x3b: {  	_ =	sdelay $0x3  }
.LBB1_6:
0x3c: {  	_ =	sfence.sel $0x180000  }
0x3d: {  	s2 =	simm.s32 $0x1;
	[bflag:$0x0] =	sbarrier.arrive $0xFFFF  }
0x3e: {  	s31 =	simm.s32 $0x2;
	[sflag:s2] =	ssyncpa.u1 $0x1  }
0x3f: {  	[sflag:s31] =	ssyncpa.u1 $0x1  }
0x40: {  	p0 =	sne.s32 s0, $0x0;
	_ =	strace $0x9000004D  }
0x41: {  	s0 =	sadd.s32 @!p0 $0x100000, s1;
	[bflag:$0x2] =	sbarrier.arrive $0xFFFF  }
0x42: {  	[sflag:s0] =	ssyncadd.tile.s32 @!p0 $0x1;
	_ =	shalt  }
.Lfunc_end1:
_tile_overlayer_lowered:
.L_overlay_start_2:
0x43: {  	(tag) =	ssettag $0x2  }
0x44: {  	s0 =	rddreg [dreg:$0x0];
	s2 =	stileid.u32  }
0x45: {  	s1 =	rddreg [dreg:$0x1];
	p0 =	sne.s32 s2, $0x0  }
0x46: {  	s3 =	rddreg [dreg:$0x2];
	[bflag:$0x3] =	sbarrier.arrive $0xFFFF;
	s2 =	simm.s32 @!p0 $0x1C01  }
0x47: {  	[timem:s3], [sflag:s2] =	dma.local @!p0 [hbm:s0], s1  }
0x48: {  	s0 =	simm.s32 @!p0 $0x1  }
0x49: {  	_ =	swait.ge @!p0 [sflag:s0], s1  }
0x4a: {  	s1 =	ssub.s32 @!p0 $0x0, s1;
	[sflag:s0] =	ssyncset.done @!p0 $0x0  }
0x4b: {  	[sflag:s0] =	ssyncadd.s32 @!p0 s1  }
0x4c: {  	[bflag:$0x3] =	sbarrier.arrive $0xFFFF  }
0x4d: {  	_ =	shalt  }

</sc_bundles>
